<compile_context>
chip_gen: v7x
topology: tpu7x:2x2x1
jax: 0.10.2.dev20260603
libtpu: 0.0.44.dev20260713+nightly
codegen_flags: <defaults>
</compile_context>

<pallas_src>
import functools

import jax
import jax.numpy as jnp
from jax import lax
from jax.experimental import pallas as pl
from jax.experimental.pallas import tpu as pltpu
from jax.experimental.pallas import tpu_sc as plsc

N = 10000
E = 320000
P = 50000
D_IN = 128
D_HID = 256
D_OUT = 128

NC = 2
NS = 16
NW = NC * NS
L = 16

R = 10240
JUNK = N
TPW = R // NS

AGG_CH = 64
AGG_NCH = 160
AGG_PWP = AGG_NCH * AGG_CH

SCO_CH = 64
SCO_NCH = 52
SCO_PWP = SCO_NCH * SCO_CH
SCO_IR = SCO_NCH // 2

DEG_ROWS = 80

_mesh = plsc.VectorSubcoreMesh(
    core_axis_name="c", subcore_axis_name="s", num_cores=NC, num_subcores=NS)


@functools.partial(
    pl.kernel,
    out_type=jax.ShapeDtypeStruct((NC, 4, R), jnp.float32),
    mesh=_mesh,
    scratch_types=[
        pltpu.VMEM_SHARED((R,), jnp.float32),
        pltpu.VMEM_SHARED((R,), jnp.float32),
        pltpu.VMEM_SHARED((R,), jnp.float32),
        pltpu.VMEM_SHARED((R,), jnp.float32),
        pltpu.VMEM((DEG_ROWS, 128), jnp.int32),
        pltpu.VMEM((DEG_ROWS, 128), jnp.int32),
        pltpu.VMEM((DEG_ROWS, 128), jnp.float32),
        pltpu.SemaphoreType.DMA,
    ],
)
def _deg_kernel(i0_hbm, i1_hbm, i2_hbm, i3_hbm, ones_hbm, zeros_hbm, out_hbm,
                d0, d1, d2, d3, idxa_v, idxb_v, ones_v, semh):
    c = lax.axis_index("c")
    s = lax.axis_index("s")
    wid = s * NC + c
    degs = (d0, d1, d2, d3)
    ins = (i0_hbm, i1_hbm, i2_hbm, i3_hbm)
    for d in degs:
        pltpu.sync_copy(zeros_hbm.at[pl.ds(s * TPW, TPW)],
                        d.at[pl.ds(s * TPW, TPW)])
    plsc.subcore_barrier()
    pltpu.sync_copy(ones_hbm, ones_v)
    pltpu.sync_copy(ins[0].at[wid], idxa_v)
    idxs = (idxa_v, idxb_v)
    for k, d in enumerate(degs):
        buf = idxs[k % 2]

        def body(j, _, d=d, buf=buf):
            pltpu.async_copy(ones_v.at[j], d.at[buf.at[j]], semh, add=True)
            return 0

        lax.fori_loop(0, DEG_ROWS, body, 0)
        if k < 3:
            pltpu.sync_copy(ins[k + 1].at[wid], idxs[(k + 1) % 2])

    def drain(j, _):
        pltpu.make_async_copy(ones_v.at[0], d0.at[idxa_v.at[0]], semh).wait()
        return 0

    lax.fori_loop(0, 4 * DEG_ROWS, drain, 0)
    plsc.subcore_barrier()
    for k, d in enumerate(degs):
        pltpu.sync_copy(d.at[pl.ds(s * TPW, TPW)],
                        out_hbm.at[c, k, pl.ds(s * TPW, TPW)])


@functools.partial(
    pl.kernel,
    out_type=jax.ShapeDtypeStruct((NC, R, 128), jnp.float32),
    mesh=_mesh,
    scratch_types=[
        pltpu.VMEM_SHARED((R, 128), jnp.float32),
        pltpu.VMEM((8, AGG_CH), jnp.int32),
        pltpu.VMEM((8, AGG_CH), jnp.int32),
        pltpu.VMEM((AGG_CH, 128), jnp.float32),
        pltpu.VMEM((AGG_CH, 128), jnp.float32),
        pltpu.VMEM((AGG_CH, 128), jnp.float32),
        pltpu.VMEM((AGG_CH, 128), jnp.float32),
        pltpu.SemaphoreType.DMA,
        pltpu.SemaphoreType.DMA,
        pltpu.SemaphoreType.DMA,
        pltpu.SemaphoreType.DMA,
        pltpu.SemaphoreType.DMA,
        pltpu.SemaphoreType.DMA,
    ],
)
def _agg_kernel(tab_hbm, src_hbm, dst_hbm, zrows_hbm, out_hbm,
                agg_sp, sidx_v, didx_v, r0_v, r1_v, r2_v, r3_v,
                sg0, sg1, sg2, sg3, semd, sems):
    c = lax.axis_index("c")
    s = lax.axis_index("s")
    wid = s * NC + c
    pltpu.sync_copy(zrows_hbm, agg_sp.at[pl.ds(s * TPW, TPW)])
    plsc.subcore_barrier()

    rows = (r0_v, r1_v, r2_v, r3_v)
    gsems = (sg0, sg1, sg2, sg3)

    n_iter = AGG_NCH // 4
    pltpu.async_copy(src_hbm.at[wid, pl.ds(0, 4)],
                     sidx_v.at[pl.ds(0, 4)], semd)
    pltpu.async_copy(dst_hbm.at[wid, pl.ds(0, 4)],
                     didx_v.at[pl.ds(0, 4)], semd)

    def ring(g, _):
        p4 = (g % 2) * 4
        pltpu.make_async_copy(src_hbm.at[wid, pl.ds(0, 4)],
                              sidx_v.at[pl.ds(0, 4)], semd).wait()
        pltpu.make_async_copy(dst_hbm.at[wid, pl.ds(0, 4)],
                              didx_v.at[pl.ds(0, 4)], semd).wait()
        gc = []
        for b in range(4):
            @pl.when(g > 0)
            def _(b=b):
                pltpu.make_async_copy(
                    rows[b], agg_sp.at[didx_v.at[0]], sems).wait()

            gc.append(pltpu.async_copy(
                tab_hbm.at[sidx_v.at[p4 + b]], rows[b], gsems[b]))
        gn = lax.min(g + 1, n_iter - 1)
        pn = ((g + 1) % 2) * 4
        pltpu.async_copy(src_hbm.at[wid, pl.ds(gn * 4, 4)],
                         sidx_v.at[pl.ds(pn, 4)], semd)
        pltpu.async_copy(dst_hbm.at[wid, pl.ds(gn * 4, 4)],
                         didx_v.at[pl.ds(pn, 4)], semd)
        for b in range(4):
            gc[b].wait()
            pltpu.async_copy(rows[b], agg_sp.at[didx_v.at[p4 + b]],
                             sems, add=True)
        return 0

    lax.fori_loop(0, n_iter, ring, 0)
    pltpu.make_async_copy(src_hbm.at[wid, pl.ds(0, 4)],
                          sidx_v.at[pl.ds(0, 4)], semd).wait()
    pltpu.make_async_copy(dst_hbm.at[wid, pl.ds(0, 4)],
                          didx_v.at[pl.ds(0, 4)], semd).wait()
    for b in range(4):
        pltpu.make_async_copy(rows[b], agg_sp.at[didx_v.at[0]], sems).wait()
    plsc.subcore_barrier()
    pltpu.sync_copy(agg_sp.at[pl.ds(s * TPW, TPW)],
                    out_hbm.at[c, pl.ds(s * TPW, TPW)])


@functools.partial(
    pl.kernel,
    out_type=jax.ShapeDtypeStruct((NW, SCO_PWP * L), jnp.float32),
    mesh=_mesh,
    scratch_types=[
        pltpu.VMEM_SHARED((R, 128), jnp.float32),
        pltpu.VMEM((SCO_IR, 128), jnp.int32),
        pltpu.VMEM((SCO_IR, 128), jnp.int32),
        pltpu.VMEM((SCO_CH, 128), jnp.float32),
        pltpu.VMEM((SCO_CH, 128), jnp.float32),
        pltpu.VMEM((SCO_CH, 128), jnp.float32),
        pltpu.VMEM((SCO_CH, 128), jnp.float32),
        pltpu.VMEM((SCO_CH * L,), jnp.float32),
        pltpu.VMEM((SCO_CH * L,), jnp.float32),
        pltpu.SemaphoreType.DMA,
        pltpu.SemaphoreType.DMA,
        pltpu.SemaphoreType.DMA,
        pltpu.SemaphoreType.DMA,
        pltpu.SemaphoreType.DMA,
    ],
)
def _score_kernel(h2_hbm, u_hbm, v_hbm, out_hbm,
                  tab_sp, uidx_v, vidx_v, hu0_v, hv0_v, hu1_v, hv1_v,
                  part0_v, part1_v, su0, sv0, su1, sv1, swb):
    c = lax.axis_index("c")
    s = lax.axis_index("s")
    wid = s * NC + c
    pltpu.sync_copy(h2_hbm.at[pl.ds(s * TPW, TPW)],
                    tab_sp.at[pl.ds(s * TPW, TPW)])
    pltpu.sync_copy(u_hbm.at[wid], uidx_v)
    pltpu.sync_copy(v_hbm.at[wid], vidx_v)
    plsc.subcore_barrier()

    PB = SCO_CH * L

    def compute(hu_v, hv_v, part_v):
        def edge8(t, _):
            for q in range(8):
                e = t * 8 + q
                acc = hu_v[e, pl.ds(0, L)] * hv_v[e, pl.ds(0, L)]
                for k in range(1, 128 // L):
                    acc = acc + (hu_v[e, pl.ds(k * L, L)]
                                 * hv_v[e, pl.ds(k * L, L)])
                part_v[pl.ds(e * L, L)] = acc
            return 0

        lax.fori_loop(0, SCO_CH // 8, edge8, 0)

    def pair(g, _):
        cu0 = pltpu.async_copy(
            tab_sp.at[uidx_v.at[g, pl.ds(0, SCO_CH)]], hu0_v, su0)
        cv0 = pltpu.async_copy(
            tab_sp.at[vidx_v.at[g, pl.ds(0, SCO_CH)]], hv0_v, sv0)
        cu1 = pltpu.async_copy(
            tab_sp.at[uidx_v.at[g, pl.ds(SCO_CH, SCO_CH)]], hu1_v, su1)
        cv1 = pltpu.async_copy(
            tab_sp.at[vidx_v.at[g, pl.ds(SCO_CH, SCO_CH)]], hv1_v, sv1)
        cu0.wait()
        cv0.wait()

        @pl.when(g > 0)
        def _():
            pltpu.make_async_copy(
                part0_v, out_hbm.at[wid, pl.ds(0, PB)], swb).wait()

        compute(hu0_v, hv0_v, part0_v)
        pltpu.async_copy(part0_v, out_hbm.at[wid, pl.ds(g * 2 * PB, PB)], swb)
        cu1.wait()
        cv1.wait()

        @pl.when(g > 0)
        def _():
            pltpu.make_async_copy(
                part1_v, out_hbm.at[wid, pl.ds(0, PB)], swb).wait()

        compute(hu1_v, hv1_v, part1_v)
        pltpu.async_copy(part1_v,
                         out_hbm.at[wid, pl.ds((g * 2 + 1) * PB, PB)], swb)
        return 0

    lax.fori_loop(0, SCO_IR, pair, 0)
    pltpu.make_async_copy(part0_v, out_hbm.at[wid, pl.ds(0, PB)], swb).wait()
    pltpu.make_async_copy(part1_v, out_hbm.at[wid, pl.ds(0, PB)], swb).wait()


def _norm(deg):
    return jnp.where(deg > 0, lax.rsqrt(jnp.maximum(deg, 1e-12)), 0.0)


def _xs_body(x_ref, degp_ref, o_ref):
    deg = degp_ref[0, 0, :] + degp_ref[1, 0, :]
    o_ref[...] = x_ref[...] * _norm(deg)[:, None]


def _tc_xs(x_pad, degp):
    return pl.pallas_call(
        _xs_body,
        out_shape=jax.ShapeDtypeStruct((R, 128), jnp.float32),
    )(x_pad, degp)


_MMB = 1280


def _mm_body(aggp_ref, degp_ref, W1_ref, b1_ref, W2_ref, o_ref):
    p = aggp_ref[0] + aggp_ref[1]
    nd1 = _norm(degp_ref[0, 1, :] + degp_ref[1, 1, :])
    ns2 = _norm(degp_ref[0, 2, :] + degp_ref[1, 2, :])
    h1 = jnp.dot(p * nd1[:, None], W1_ref[...],
                 preferred_element_type=jnp.float32) + b1_ref[...]
    h1 = jnp.maximum(h1, 0.0)
    o_ref[...] = jnp.dot(h1 * ns2[:, None], W2_ref[...],
                         preferred_element_type=jnp.float32)


def _tc_mm(aggp, degp, W1, b1, W2):
    grid = R // _MMB
    return pl.pallas_call(
        _mm_body,
        grid=(grid,),
        in_specs=[
            pl.BlockSpec((NC, _MMB, 128), lambda r: (0, r, 0)),
            pl.BlockSpec((NC, 4, _MMB), lambda r: (0, 0, r)),
            pl.BlockSpec((D_IN, D_HID), lambda r: (0, 0)),
            pl.BlockSpec((1, D_HID), lambda r: (0, 0)),
            pl.BlockSpec((D_HID, D_OUT), lambda r: (0, 0)),
        ],
        out_specs=pl.BlockSpec((_MMB, 128), lambda r: (r, 0)),
        out_shape=jax.ShapeDtypeStruct((R, 128), jnp.float32),
    )(aggp, degp, W1, b1.reshape(1, D_HID), W2)


def _h2_body(aggp_ref, degp_ref, b2_ref, o_ref):
    p = aggp_ref[0] + aggp_ref[1]
    nd2 = _norm(degp_ref[0, 3, :] + degp_ref[1, 3, :])
    o_ref[...] = jnp.maximum(p * nd2[:, None] + b2_ref[...], 0.0)


def _tc_h2(aggp, degp, b2):
    grid = R // _MMB
    return pl.pallas_call(
        _h2_body,
        grid=(grid,),
        in_specs=[
            pl.BlockSpec((NC, _MMB, 128), lambda r: (0, r, 0)),
            pl.BlockSpec((NC, 4, _MMB), lambda r: (0, 0, r)),
            pl.BlockSpec((1, D_OUT), lambda r: (0, 0)),
        ],
        out_specs=pl.BlockSpec((_MMB, 128), lambda r: (r, 0)),
        out_shape=jax.ShapeDtypeStruct((R, 128), jnp.float32),
    )(aggp, degp, b2.reshape(1, D_OUT))


def _red_body(part_ref, o_ref):
    o_ref[...] = jnp.sum(part_ref[...], axis=1, keepdims=True)


def _tc_reduce(part_flat):
    rows = NW * SCO_PWP
    grid = 16
    br = rows // grid
    return pl.pallas_call(
        _red_body,
        grid=(grid,),
        in_specs=[pl.BlockSpec((br, L), lambda r: (r, 0))],
        out_specs=pl.BlockSpec((br, 1), lambda r: (r, 0)),
        out_shape=jax.ShapeDtypeStruct((rows, 1), jnp.float32),
    )(part_flat)


def _pad_edge_idx(idx):
    a = idx.reshape(NW, E // NW)
    pad = jnp.full((NW, AGG_PWP - E // NW), JUNK, jnp.int32)
    return jnp.concatenate([a, pad], axis=1)


def _pad_sco_idx(idx):
    a = idx.reshape(NW, (2 * P) // NW)
    pad = jnp.zeros((NW, SCO_PWP - (2 * P) // NW), jnp.int32)
    return jnp.concatenate([a, pad], axis=1).reshape(NW, SCO_IR, 128)


def kernel(x, block1_edge_index, block2_edge_index, pos_edge_index,
           neg_edge_index, W1, b1, W2, b2):
    ones = jnp.ones((DEG_ROWS, 128), jnp.float32)
    zeros1 = jnp.zeros((R,), jnp.float32)
    zrows = jnp.zeros((TPW, 128), jnp.float32)

    src1 = _pad_edge_idx(block1_edge_index[0])
    dst1 = _pad_edge_idx(block1_edge_index[1])
    src2 = _pad_edge_idx(block2_edge_index[0])
    dst2 = _pad_edge_idx(block2_edge_index[1])

    d_shape = (NW, DEG_ROWS, 128)
    degp = _deg_kernel(src1.reshape(d_shape), dst1.reshape(d_shape),
                       src2.reshape(d_shape), dst2.reshape(d_shape),
                       ones, zeros1)

    x_pad = jnp.concatenate(
        [x, jnp.zeros((R - N, D_IN), jnp.float32)], axis=0)
    xs = _tc_xs(x_pad, degp)

    a_shape = (NW, AGG_NCH, AGG_CH)
    agg1 = _agg_kernel(xs, src1.reshape(a_shape), dst1.reshape(a_shape),
                       zrows)
    y = _tc_mm(agg1, degp, W1, b1, W2)
    agg2 = _agg_kernel(y, src2.reshape(a_shape), dst2.reshape(a_shape),
                       zrows)
    h2 = _tc_h2(agg2, degp, b2)

    u = _pad_sco_idx(jnp.concatenate([pos_edge_index[0], neg_edge_index[0]]))
    v = _pad_sco_idx(jnp.concatenate([pos_edge_index[1], neg_edge_index[1]]))
    part = _score_kernel(h2, u, v)

    sums = _tc_reduce(part.reshape(NW * SCO_PWP, L))
    s = sums.reshape(NW, SCO_PWP)[:, : (2 * P) // NW].reshape(2 * P, 1)
    return (s[:P], s[P:])

# --- scband reference (transcript-rebuilt; emitter-appended) ---
"""Pipeline reference for scband-model-16896401342480 (READ-ONLY COPY).

The authoritative reference and input builder live on the scoring server;
editing this copy changes nothing except your own understanding.
"""

import jax, jax.numpy as jnp
import numpy as np

N_NODES = 10000
N_EDGES = 320000
N_POS = 50000
N_NEG = 50000
D_IN = 128
D_HID = 256
D_OUT = 128


def gcn_layer(x, src, dst, W, b, n_nodes):
    # DGL GraphConv with norm='both': D_src^{-1/2} A D_dst^{-1/2} X W + b
    deg_out = jnp.zeros((n_nodes,), jnp.float32).at[src].add(1.0)
    deg_in = jnp.zeros((n_nodes,), jnp.float32).at[dst].add(1.0)
    norm_src = jnp.where(deg_out > 0, jax.lax.rsqrt(jnp.maximum(deg_out, 1e-12)), 0.0)
    norm_dst = jnp.where(deg_in > 0, jax.lax.rsqrt(jnp.maximum(deg_in, 1e-12)), 0.0)
    h = x * norm_src[:, None]
    m = jnp.take(h, src, axis=0)
    agg = jnp.zeros((n_nodes, x.shape[1]), x.dtype).at[dst].add(m)
    agg = agg * norm_dst[:, None]
    return agg @ W + b


def u_dot_v(h, edge_index):
    # ScorePredictor: per-edge dot product of src and dst features -> [E, 1]
    hu = jnp.take(h, edge_index[0], axis=0)
    hv = jnp.take(h, edge_index[1], axis=0)
    return jnp.sum(hu * hv, axis=-1, keepdims=True)


def setup_inputs(seed: int = 0) -> dict:
    key = jax.random.key(seed)
    ks = jax.random.split(key, 9)
    x = jax.random.normal(ks[0], (N_NODES, D_IN), jnp.float32)
    block1_edge_index = jax.random.randint(ks[1], (2, N_EDGES), 0, N_NODES, dtype=jnp.int32)
    block2_edge_index = jax.random.randint(ks[2], (2, N_EDGES), 0, N_NODES, dtype=jnp.int32)
    pos_edge_index = jax.random.randint(ks[3], (2, N_POS), 0, N_NODES, dtype=jnp.int32)
    neg_edge_index = jax.random.randint(ks[4], (2, N_NEG), 0, N_NODES, dtype=jnp.int32)
    W1 = jax.random.normal(ks[5], (D_IN, D_HID), jnp.float32) * (1.0 / np.sqrt(D_IN))
    b1 = jnp.zeros((D_HID,), jnp.float32)
    W2 = jax.random.normal(ks[6], (D_HID, D_OUT), jnp.float32) * (1.0 / np.sqrt(D_HID))
    b2 = jnp.zeros((D_OUT,), jnp.float32)
    return {
        "x": x,
        "block1_edge_index": block1_edge_index,
        "block2_edge_index": block2_edge_index,
        "pos_edge_index": pos_edge_index,
        "neg_edge_index": neg_edge_index,
        "W1": W1, "b1": b1, "W2": W2, "b2": b2,
    }


def reference(x, block1_edge_index, block2_edge_index, pos_edge_index, neg_edge_index, W1, b1, W2, b2):
    # StochasticTwoLayerGCN: two GraphConv layers with ReLU
    h = jax.nn.relu(gcn_layer(x, block1_edge_index[0], block1_edge_index[1], W1, b1, N_NODES))
    h = jax.nn.relu(gcn_layer(h, block2_edge_index[0], block2_edge_index[1], W2, b2, N_NODES))
    # ScorePredictor on positive and negative graphs
    pos_score = u_dot_v(h, pos_edge_index)
    neg_score = u_dot_v(h, neg_edge_index)
    return (pos_score, neg_score)

if __name__ == "__main__":
    import jax
    _d = setup_inputs()
    print(jax.jit(kernel)(*tuple(_d.values())))

</pallas_src>

<mosaic_0001>
#map = affine_map<(d0, d1) -> (0, 0)>
#map1 = affine_map<(d0, d1) -> (0, 0, 0)>
module attributes {stable_mosaic.version = 14 : i64} {
  func.func @_agg_kernel(%arg0: i32, %arg1: i32, %arg2: memref<10240x128xf32, #tpu.memory_space<hbm>>, %arg3: memref<32x160x64xi32, #tpu.memory_space<hbm>>, %arg4: memref<32x160x64xi32, #tpu.memory_space<hbm>>, %arg5: memref<640x128xf32, #tpu.memory_space<hbm>>, %arg6: memref<2x10240x128xf32, #tpu.memory_space<hbm>>, %arg7: memref<10240x128xf32, #tpu.memory_space<vmem_shared>>, %arg8: memref<8x64xi32, #tpu.memory_space<vmem>>, %arg9: memref<8x64xi32, #tpu.memory_space<vmem>>, %arg10: memref<64x128xf32, #tpu.memory_space<vmem>>, %arg11: memref<64x128xf32, #tpu.memory_space<vmem>>, %arg12: memref<64x128xf32, #tpu.memory_space<vmem>>, %arg13: memref<64x128xf32, #tpu.memory_space<vmem>>, %arg14: memref<!tpu.dma_semaphore, #tpu.memory_space<semaphore_mem>>, %arg15: memref<!tpu.dma_semaphore, #tpu.memory_space<semaphore_mem>>, %arg16: memref<!tpu.dma_semaphore, #tpu.memory_space<semaphore_mem>>, %arg17: memref<!tpu.dma_semaphore, #tpu.memory_space<semaphore_mem>>, %arg18: memref<!tpu.dma_semaphore, #tpu.memory_space<semaphore_mem>>, %arg19: memref<!tpu.dma_semaphore, #tpu.memory_space<semaphore_mem>>) attributes {dimension_semantics = [#tpu.dimension_semantics<core_parallel>, #tpu.dimension_semantics<subcore_parallel>], iteration_bounds = array<i64: 2, 16>, scalar_prefetch = 0 : i64, scratch_operands = 13 : i64, tpu.core_type = #tpu.core_type<sc_vector_subcore>, window_params = [{transform_indices = #map}, {transform_indices = #map1}, {transform_indices = #map1}, {transform_indices = #map}, {transform_indices = #map1}]} {
    %mul3A = arith.constant 2 : i32
    %mul3A_0 = arith.muli %arg1, %mul3A : i32
    %add3A = arith.addi %mul3A_0, %arg0 : i32
    %mul3A_1 = arith.constant 640 : i32
    %mul3A_2 = arith.muli %arg1, %mul3A_1 : i32
    "tpu.region"() ({
      %run_scoped3A = tpu.sem_alloc : memref<!tpu.dma_semaphore, #tpu.memory_space<semaphore_mem>>
      %dma_start3A_96 = arith.constant 0 : i32
      %dma_start3A_97 = tpu.memref_slice %arg7[%mul3A_2, %dma_start3A_96] : memref<10240x128xf32, #tpu.memory_space<vmem_shared>> -> memref<640x128xf32, #tpu.memory_space<vmem_shared>>
      tpu.enqueue_dma source(%arg5 : memref<640x128xf32, #tpu.memory_space<hbm>>) target(%dma_start3A_97 : memref<640x128xf32, #tpu.memory_space<vmem_shared>>) target_semaphore(%run_scoped3A : memref<!tpu.dma_semaphore, #tpu.memory_space<semaphore_mem>>)
      %dma_wait3A_98 = arith.constant 0 : i32
      %dma_wait3A_99 = tpu.memref_slice %arg7[%mul3A_2, %dma_wait3A_98] : memref<10240x128xf32, #tpu.memory_space<vmem_shared>> -> memref<640x128xf32, #tpu.memory_space<vmem_shared>>
      tpu.wait_dma2 semaphore(%run_scoped3A : memref<!tpu.dma_semaphore, #tpu.memory_space<semaphore_mem>>) src(%arg5 : memref<640x128xf32, #tpu.memory_space<hbm>>) dst(%dma_wait3A_99 : memref<640x128xf32, #tpu.memory_space<vmem_shared>>)
      tpu.yield
    }) : () -> ()
    %barrier3A = arith.constant 0 : index
    tpu.barrier barrier_id(%barrier3A)
    %dma_start3A = arith.constant 0 : i32
    %dma_start3A_3 = arith.constant 0 : i32
    %dma_start3A_4 = tpu.memref_slice %arg8[%dma_start3A, %dma_start3A_3] : memref<8x64xi32, #tpu.memory_space<vmem>> -> memref<4x64xi32, #tpu.memory_space<vmem>>
    %dma_start3A_5 = arith.constant 0 : i32
    %dma_start3A_6 = arith.constant 0 : i32
    %dma_start3A_7 = tpu.memref_slice %arg3[%add3A, %dma_start3A_5, %dma_start3A_6] : memref<32x160x64xi32, #tpu.memory_space<hbm>> -> memref<1x4x64xi32, #tpu.memory_space<hbm>>
    %dma_start3A_8 = tpu.memref_squeeze %dma_start3A_7 : memref<1x4x64xi32, #tpu.memory_space<hbm>> -> memref<4x64xi32, #tpu.memory_space<hbm>>
    %dma_start3A_9 = arith.constant 0 : i32
    %dma_start3A_10 = arith.constant 0 : i32
    %dma_start3A_11 = tpu.memref_slice %arg8[%dma_start3A_9, %dma_start3A_10] : memref<8x64xi32, #tpu.memory_space<vmem>> -> memref<4x64xi32, #tpu.memory_space<vmem>>
    %dma_start3A_12 = arith.constant 0 : i32
    %dma_start3A_13 = arith.constant 0 : i32
    %dma_start3A_14 = tpu.memref_slice %arg3[%add3A, %dma_start3A_12, %dma_start3A_13] : memref<32x160x64xi32, #tpu.memory_space<hbm>> -> memref<1x4x64xi32, #tpu.memory_space<hbm>>
    %dma_start3A_15 = tpu.memref_squeeze %dma_start3A_14 : memref<1x4x64xi32, #tpu.memory_space<hbm>> -> memref<4x64xi32, #tpu.memory_space<hbm>>
    tpu.enqueue_dma source(%dma_start3A_15 : memref<4x64xi32, #tpu.memory_space<hbm>>) target(%dma_start3A_11 : memref<4x64xi32, #tpu.memory_space<vmem>>) target_semaphore(%arg18 : memref<!tpu.dma_semaphore, #tpu.memory_space<semaphore_mem>>)
    %dma_start3A_16 = arith.constant 0 : i32
    %dma_start3A_17 = arith.constant 0 : i32
    %dma_start3A_18 = tpu.memref_slice %arg9[%dma_start3A_16, %dma_start3A_17] : memref<8x64xi32, #tpu.memory_space<vmem>> -> memref<4x64xi32, #tpu.memory_space<vmem>>
    %dma_start3A_19 = arith.constant 0 : i32
    %dma_start3A_20 = arith.constant 0 : i32
    %dma_start3A_21 = tpu.memref_slice %arg4[%add3A, %dma_start3A_19, %dma_start3A_20] : memref<32x160x64xi32, #tpu.memory_space<hbm>> -> memref<1x4x64xi32, #tpu.memory_space<hbm>>
    %dma_start3A_22 = tpu.memref_squeeze %dma_start3A_21 : memref<1x4x64xi32, #tpu.memory_space<hbm>> -> memref<4x64xi32, #tpu.memory_space<hbm>>
    %dma_start3A_23 = arith.constant 0 : i32
    %dma_start3A_24 = arith.constant 0 : i32
    %dma_start3A_25 = tpu.memref_slice %arg9[%dma_start3A_23, %dma_start3A_24] : memref<8x64xi32, #tpu.memory_space<vmem>> -> memref<4x64xi32, #tpu.memory_space<vmem>>
    %dma_start3A_26 = arith.constant 0 : i32
    %dma_start3A_27 = arith.constant 0 : i32
    %dma_start3A_28 = tpu.memref_slice %arg4[%add3A, %dma_start3A_26, %dma_start3A_27] : memref<32x160x64xi32, #tpu.memory_space<hbm>> -> memref<1x4x64xi32, #tpu.memory_space<hbm>>
    %dma_start3A_29 = tpu.memref_squeeze %dma_start3A_28 : memref<1x4x64xi32, #tpu.memory_space<hbm>> -> memref<4x64xi32, #tpu.memory_space<hbm>>
    tpu.enqueue_dma source(%dma_start3A_29 : memref<4x64xi32, #tpu.memory_space<hbm>>) target(%dma_start3A_25 : memref<4x64xi32, #tpu.memory_space<vmem>>) target_semaphore(%arg18 : memref<!tpu.dma_semaphore, #tpu.memory_space<semaphore_mem>>)
    %scan3A = arith.constant 0 : i32
    %scan3A_30 = arith.constant 0 : i32
    %scan3A_31 = arith.constant 40 : i32
    %scan3A_32 = arith.addi %scan3A_30, %scan3A_31 : i32
    %scan3A_33 = arith.constant 1 : i32
    %scan3A_34 = scf.for %scan3A_96 = %scan3A_30 to %scan3A_32 step %scan3A_33 iter_args(%scan3A_97 = %scan3A) -> (i32)  : i32 {
      %jit3A = arith.constant 2 : i32
      %eq3A = arith.constant 0 : i32
      %eq3A_98 = arith.cmpi eq, %jit3A, %eq3A : i32
      %jit3A_99 = arith.constant 1 : i32
      %select_n3A = arith.select %eq3A_98, %jit3A_99, %jit3A : i32
      %rem3A = arith.remsi %scan3A_96, %select_n3A : i32
      %ne3A = arith.constant 0 : i32
      %ne3A_100 = arith.cmpi ne, %rem3A, %ne3A : i32
      %lt3A = arith.constant 0 : i32
      %lt3A_101 = arith.cmpi slt, %rem3A, %lt3A : i32
      %lt3A_102 = arith.constant 0 : i32
      %lt3A_103 = arith.cmpi slt, %select_n3A, %lt3A_102 : i32
      %ne3A_104 = arith.xori %lt3A_101, %lt3A_103 : i1
      %and3A = arith.andi %ne3A_104, %ne3A_100 : i1
      %add3A_105 = arith.addi %rem3A, %select_n3A : i32
      %select_n3A_106 = arith.select %and3A, %add3A_105, %rem3A : i32
      %mul3A_107 = arith.constant 4 : i32
      %mul3A_108 = arith.muli %select_n3A_106, %mul3A_107 : i32
      %dma_wait3A_109 = arith.constant 0 : i32
      %dma_wait3A_110 = arith.constant 0 : i32
      %dma_wait3A_111 = tpu.memref_slice %arg8[%dma_wait3A_109, %dma_wait3A_110] : memref<8x64xi32, #tpu.memory_space<vmem>> -> memref<4x64xi32, #tpu.memory_space<vmem>>
      %dma_wait3A_112 = arith.constant 0 : i32
      %dma_wait3A_113 = arith.constant 0 : i32
      %dma_wait3A_114 = tpu.memref_slice %arg3[%add3A, %dma_wait3A_112, %dma_wait3A_113] : memref<32x160x64xi32, #tpu.memory_space<hbm>> -> memref<1x4x64xi32, #tpu.memory_space<hbm>>
      %dma_wait3A_115 = tpu.memref_squeeze %dma_wait3A_114 : memref<1x4x64xi32, #tpu.memory_space<hbm>> -> memref<4x64xi32, #tpu.memory_space<hbm>>
      %dma_wait3A_116 = arith.constant 0 : i32
      %dma_wait3A_117 = arith.constant 0 : i32
      %dma_wait3A_118 = tpu.memref_slice %arg8[%dma_wait3A_116, %dma_wait3A_117] : memref<8x64xi32, #tpu.memory_space<vmem>> -> memref<4x64xi32, #tpu.memory_space<vmem>>
      %dma_wait3A_119 = arith.constant 0 : i32
      %dma_wait3A_120 = arith.constant 0 : i32
      %dma_wait3A_121 = tpu.memref_slice %arg3[%add3A, %dma_wait3A_119, %dma_wait3A_120] : memref<32x160x64xi32, #tpu.memory_space<hbm>> -> memref<1x4x64xi32, #tpu.memory_space<hbm>>
      %dma_wait3A_122 = tpu.memref_squeeze %dma_wait3A_121 : memref<1x4x64xi32, #tpu.memory_space<hbm>> -> memref<4x64xi32, #tpu.memory_space<hbm>>
      tpu.wait_dma2 semaphore(%arg18 : memref<!tpu.dma_semaphore, #tpu.memory_space<semaphore_mem>>) src(%dma_wait3A_122 : memref<4x64xi32, #tpu.memory_space<hbm>>) dst(%dma_wait3A_118 : memref<4x64xi32, #tpu.memory_space<vmem>>)
      %dma_wait3A_123 = arith.constant 0 : i32
      %dma_wait3A_124 = arith.constant 0 : i32
      %dma_wait3A_125 = tpu.memref_slice %arg9[%dma_wait3A_123, %dma_wait3A_124] : memref<8x64xi32, #tpu.memory_space<vmem>> -> memref<4x64xi32, #tpu.memory_space<vmem>>
      %dma_wait3A_126 = arith.constant 0 : i32
      %dma_wait3A_127 = arith.constant 0 : i32
      %dma_wait3A_128 = tpu.memref_slice %arg4[%add3A, %dma_wait3A_126, %dma_wait3A_127] : memref<32x160x64xi32, #tpu.memory_space<hbm>> -> memref<1x4x64xi32, #tpu.memory_space<hbm>>
      %dma_wait3A_129 = tpu.memref_squeeze %dma_wait3A_128 : memref<1x4x64xi32, #tpu.memory_space<hbm>> -> memref<4x64xi32, #tpu.memory_space<hbm>>
      %dma_wait3A_130 = arith.constant 0 : i32
      %dma_wait3A_131 = arith.constant 0 : i32
      %dma_wait3A_132 = tpu.memref_slice %arg9[%dma_wait3A_130, %dma_wait3A_131] : memref<8x64xi32, #tpu.memory_space<vmem>> -> memref<4x64xi32, #tpu.memory_space<vmem>>
      %dma_wait3A_133 = arith.constant 0 : i32
      %dma_wait3A_134 = arith.constant 0 : i32
      %dma_wait3A_135 = tpu.memref_slice %arg4[%add3A, %dma_wait3A_133, %dma_wait3A_134] : memref<32x160x64xi32, #tpu.memory_space<hbm>> -> memref<1x4x64xi32, #tpu.memory_space<hbm>>
      %dma_wait3A_136 = tpu.memref_squeeze %dma_wait3A_135 : memref<1x4x64xi32, #tpu.memory_space<hbm>> -> memref<4x64xi32, #tpu.memory_space<hbm>>
      tpu.wait_dma2 semaphore(%arg18 : memref<!tpu.dma_semaphore, #tpu.memory_space<semaphore_mem>>) src(%dma_wait3A_136 : memref<4x64xi32, #tpu.memory_space<hbm>>) dst(%dma_wait3A_132 : memref<4x64xi32, #tpu.memory_space<vmem>>)
      %gt3A = arith.constant 0 : i32
      %gt3A_137 = arith.cmpi sgt, %scan3A_96, %gt3A : i32
      %convert_element_type3A = arith.extui %gt3A_137 : i1 to i32
      %cond3A = arith.constant 0 : i32
      %cond3A_138 = arith.cmpi ne, %convert_element_type3A, %cond3A : i32
      scf.if %cond3A_138 {
        %dma_wait3A_290 = arith.constant 0 : i32
        %dma_wait3A_291 = arith.constant 0 : i32
        %dma_wait3A_292 = tpu.memref_slice %arg9[%dma_wait3A_290, %dma_wait3A_291] : memref<8x64xi32, #tpu.memory_space<vmem>> -> memref<1x64xi32, #tpu.memory_space<vmem>>
        %dma_wait3A_293 = tpu.memref_squeeze %dma_wait3A_292 : memref<1x64xi32, #tpu.memory_space<vmem>> -> memref<64xi32, #tpu.memory_space<vmem>>
        %dma_wait3A_294 = arith.constant 0 : i32
        %dma_wait3A_295 = arith.constant 0 : i32
        %dma_wait3A_296 = tpu.memref_slice %arg7[%dma_wait3A_294, %dma_wait3A_295] : memref<10240x128xf32, #tpu.memory_space<vmem_shared>> -> memref<10240x128xf32, #tpu.memory_space<vmem_shared>>
        tpu.wait_indirect_dma semaphore(%arg19 : memref<!tpu.dma_semaphore, #tpu.memory_space<semaphore_mem>>) src(%arg10 : memref<64x128xf32, #tpu.memory_space<vmem>>) dst(%dma_wait3A_296 : memref<10240x128xf32, #tpu.memory_space<vmem_shared>>)
      } else {
      }
      %add3A_139 = arith.constant 0 : i32
      %add3A_140 = arith.addi %mul3A_108, %add3A_139 : i32
      %dma_start3A_141 = arith.constant 0 : i32
      %dma_start3A_142 = tpu.memref_slice %arg8[%add3A_140, %dma_start3A_141] : memref<8x64xi32, #tpu.memory_space<vmem>> -> memref<1x64xi32, #tpu.memory_space<vmem>>
      %dma_start3A_143 = tpu.memref_squeeze %dma_start3A_142 : memref<1x64xi32, #tpu.memory_space<vmem>> -> memref<64xi32, #tpu.memory_space<vmem>>
      %dma_start3A_144 = arith.constant 0 : i32
      %dma_start3A_145 = arith.constant 0 : i32
      %dma_start3A_146 = tpu.memref_slice %arg2[%dma_start3A_144, %dma_start3A_145] : memref<10240x128xf32, #tpu.memory_space<hbm>> -> memref<10240x128xf32, #tpu.memory_space<hbm>>
      tpu.enqueue_indirect_dma source(%dma_start3A_146 : memref<10240x128xf32, #tpu.memory_space<hbm>>) target(%arg10 : memref<64x128xf32, #tpu.memory_space<vmem>>) offsets(%dma_start3A_143 : memref<64xi32, #tpu.memory_space<vmem>>) semaphore(%arg14 : memref<!tpu.dma_semaphore, #tpu.memory_space<semaphore_mem>>)
      %gt3A_147 = arith.constant 0 : i32
      %gt3A_148 = arith.cmpi sgt, %scan3A_96, %gt3A_147 : i32
      %convert_element_type3A_149 = arith.extui %gt3A_148 : i1 to i32
      %cond3A_150 = arith.constant 0 : i32
      %cond3A_151 = arith.cmpi ne, %convert_element_type3A_149, %cond3A_150 : i32
      scf.if %cond3A_151 {
        %dma_wait3A_290 = arith.constant 0 : i32
        %dma_wait3A_291 = arith.constant 0 : i32
        %dma_wait3A_292 = tpu.memref_slice %arg9[%dma_wait3A_290, %dma_wait3A_291] : memref<8x64xi32, #tpu.memory_space<vmem>> -> memref<1x64xi32, #tpu.memory_space<vmem>>
        %dma_wait3A_293 = tpu.memref_squeeze %dma_wait3A_292 : memref<1x64xi32, #tpu.memory_space<vmem>> -> memref<64xi32, #tpu.memory_space<vmem>>
        %dma_wait3A_294 = arith.constant 0 : i32
        %dma_wait3A_295 = arith.constant 0 : i32
        %dma_wait3A_296 = tpu.memref_slice %arg7[%dma_wait3A_294, %dma_wait3A_295] : memref<10240x128xf32, #tpu.memory_space<vmem_shared>> -> memref<10240x128xf32, #tpu.memory_space<vmem_shared>>
        tpu.wait_indirect_dma semaphore(%arg19 : memref<!tpu.dma_semaphore, #tpu.memory_space<semaphore_mem>>) src(%arg11 : memref<64x128xf32, #tpu.memory_space<vmem>>) dst(%dma_wait3A_296 : memref<10240x128xf32, #tpu.memory_space<vmem_shared>>)
      } else {
      }
      %add3A_152 = arith.constant 1 : i32
      %add3A_153 = arith.addi %mul3A_108, %add3A_152 : i32
      %dma_start3A_154 = arith.constant 0 : i32
      %dma_start3A_155 = tpu.memref_slice %arg8[%add3A_153, %dma_start3A_154] : memref<8x64xi32, #tpu.memory_space<vmem>> -> memref<1x64xi32, #tpu.memory_space<vmem>>
      %dma_start3A_156 = tpu.memref_squeeze %dma_start3A_155 : memref<1x64xi32, #tpu.memory_space<vmem>> -> memref<64xi32, #tpu.memory_space<vmem>>
      %dma_start3A_157 = arith.constant 0 : i32
      %dma_start3A_158 = arith.constant 0 : i32
      %dma_start3A_159 = tpu.memref_slice %arg2[%dma_start3A_157, %dma_start3A_158] : memref<10240x128xf32, #tpu.memory_space<hbm>> -> memref<10240x128xf32, #tpu.memory_space<hbm>>
      tpu.enqueue_indirect_dma source(%dma_start3A_159 : memref<10240x128xf32, #tpu.memory_space<hbm>>) target(%arg11 : memref<64x128xf32, #tpu.memory_space<vmem>>) offsets(%dma_start3A_156 : memref<64xi32, #tpu.memory_space<vmem>>) semaphore(%arg15 : memref<!tpu.dma_semaphore, #tpu.memory_space<semaphore_mem>>)
      %gt3A_160 = arith.constant 0 : i32
      %gt3A_161 = arith.cmpi sgt, %scan3A_96, %gt3A_160 : i32
      %convert_element_type3A_162 = arith.extui %gt3A_161 : i1 to i32
      %cond3A_163 = arith.constant 0 : i32
      %cond3A_164 = arith.cmpi ne, %convert_element_type3A_162, %cond3A_163 : i32
      scf.if %cond3A_164 {
        %dma_wait3A_290 = arith.constant 0 : i32
        %dma_wait3A_291 = arith.constant 0 : i32
        %dma_wait3A_292 = tpu.memref_slice %arg9[%dma_wait3A_290, %dma_wait3A_291] : memref<8x64xi32, #tpu.memory_space<vmem>> -> memref<1x64xi32, #tpu.memory_space<vmem>>
        %dma_wait3A_293 = tpu.memref_squeeze %dma_wait3A_292 : memref<1x64xi32, #tpu.memory_space<vmem>> -> memref<64xi32, #tpu.memory_space<vmem>>
        %dma_wait3A_294 = arith.constant 0 : i32
        %dma_wait3A_295 = arith.constant 0 : i32
        %dma_wait3A_296 = tpu.memref_slice %arg7[%dma_wait3A_294, %dma_wait3A_295] : memref<10240x128xf32, #tpu.memory_space<vmem_shared>> -> memref<10240x128xf32, #tpu.memory_space<vmem_shared>>
        tpu.wait_indirect_dma semaphore(%arg19 : memref<!tpu.dma_semaphore, #tpu.memory_space<semaphore_mem>>) src(%arg12 : memref<64x128xf32, #tpu.memory_space<vmem>>) dst(%dma_wait3A_296 : memref<10240x128xf32, #tpu.memory_space<vmem_shared>>)
      } else {
      }
      %add3A_165 = arith.constant 2 : i32
      %add3A_166 = arith.addi %mul3A_108, %add3A_165 : i32
      %dma_start3A_167 = arith.constant 0 : i32
      %dma_start3A_168 = tpu.memref_slice %arg8[%add3A_166, %dma_start3A_167] : memref<8x64xi32, #tpu.memory_space<vmem>> -> memref<1x64xi32, #tpu.memory_space<vmem>>
      %dma_start3A_169 = tpu.memref_squeeze %dma_start3A_168 : memref<1x64xi32, #tpu.memory_space<vmem>> -> memref<64xi32, #tpu.memory_space<vmem>>
      %dma_start3A_170 = arith.constant 0 : i32
      %dma_start3A_171 = arith.constant 0 : i32
      %dma_start3A_172 = tpu.memref_slice %arg2[%dma_start3A_170, %dma_start3A_171] : memref<10240x128xf32, #tpu.memory_space<hbm>> -> memref<10240x128xf32, #tpu.memory_space<hbm>>
      tpu.enqueue_indirect_dma source(%dma_start3A_172 : memref<10240x128xf32, #tpu.memory_space<hbm>>) target(%arg12 : memref<64x128xf32, #tpu.memory_space<vmem>>) offsets(%dma_start3A_169 : memref<64xi32, #tpu.memory_space<vmem>>) semaphore(%arg16 : memref<!tpu.dma_semaphore, #tpu.memory_space<semaphore_mem>>)
      %gt3A_173 = arith.constant 0 : i32
      %gt3A_174 = arith.cmpi sgt, %scan3A_96, %gt3A_173 : i32
      %convert_element_type3A_175 = arith.extui %gt3A_174 : i1 to i32
      %cond3A_176 = arith.constant 0 : i32
      %cond3A_177 = arith.cmpi ne, %convert_element_type3A_175, %cond3A_176 : i32
      scf.if %cond3A_177 {
        %dma_wait3A_290 = arith.constant 0 : i32
        %dma_wait3A_291 = arith.constant 0 : i32
        %dma_wait3A_292 = tpu.memref_slice %arg9[%dma_wait3A_290, %dma_wait3A_291] : memref<8x64xi32, #tpu.memory_space<vmem>> -> memref<1x64xi32, #tpu.memory_space<vmem>>
        %dma_wait3A_293 = tpu.memref_squeeze %dma_wait3A_292 : memref<1x64xi32, #tpu.memory_space<vmem>> -> memref<64xi32, #tpu.memory_space<vmem>>
        %dma_wait3A_294 = arith.constant 0 : i32
        %dma_wait3A_295 = arith.constant 0 : i32
        %dma_wait3A_296 = tpu.memref_slice %arg7[%dma_wait3A_294, %dma_wait3A_295] : memref<10240x128xf32, #tpu.memory_space<vmem_shared>> -> memref<10240x128xf32, #tpu.memory_space<vmem_shared>>
        tpu.wait_indirect_dma semaphore(%arg19 : memref<!tpu.dma_semaphore, #tpu.memory_space<semaphore_mem>>) src(%arg13 : memref<64x128xf32, #tpu.memory_space<vmem>>) dst(%dma_wait3A_296 : memref<10240x128xf32, #tpu.memory_space<vmem_shared>>)
      } else {
      }
      %add3A_178 = arith.constant 3 : i32
      %add3A_179 = arith.addi %mul3A_108, %add3A_178 : i32
      %dma_start3A_180 = arith.constant 0 : i32
      %dma_start3A_181 = tpu.memref_slice %arg8[%add3A_179, %dma_start3A_180] : memref<8x64xi32, #tpu.memory_space<vmem>> -> memref<1x64xi32, #tpu.memory_space<vmem>>
      %dma_start3A_182 = tpu.memref_squeeze %dma_start3A_181 : memref<1x64xi32, #tpu.memory_space<vmem>> -> memref<64xi32, #tpu.memory_space<vmem>>
      %dma_start3A_183 = arith.constant 0 : i32
      %dma_start3A_184 = arith.constant 0 : i32
      %dma_start3A_185 = tpu.memref_slice %arg2[%dma_start3A_183, %dma_start3A_184] : memref<10240x128xf32, #tpu.memory_space<hbm>> -> memref<10240x128xf32, #tpu.memory_space<hbm>>
      tpu.enqueue_indirect_dma source(%dma_start3A_185 : memref<10240x128xf32, #tpu.memory_space<hbm>>) target(%arg13 : memref<64x128xf32, #tpu.memory_space<vmem>>) offsets(%dma_start3A_182 : memref<64xi32, #tpu.memory_space<vmem>>) semaphore(%arg17 : memref<!tpu.dma_semaphore, #tpu.memory_space<semaphore_mem>>)
      %add3A_186 = arith.constant 1 : i32
      %add3A_187 = arith.addi %scan3A_96, %add3A_186 : i32
      %min3A = arith.constant 39 : i32
      %min3A_188 = arith.minsi %add3A_187, %min3A : i32
      %add3A_189 = arith.constant 1 : i32
      %add3A_190 = arith.addi %scan3A_96, %add3A_189 : i32
      %jit3A_191 = arith.constant 2 : i32
      %eq3A_192 = arith.constant 0 : i32
      %eq3A_193 = arith.cmpi eq, %jit3A_191, %eq3A_192 : i32
      %jit3A_194 = arith.constant 1 : i32
      %select_n3A_195 = arith.select %eq3A_193, %jit3A_194, %jit3A_191 : i32
      %rem3A_196 = arith.remsi %add3A_190, %select_n3A_195 : i32
      %ne3A_197 = arith.constant 0 : i32
      %ne3A_198 = arith.cmpi ne, %rem3A_196, %ne3A_197 : i32
      %lt3A_199 = arith.constant 0 : i32
      %lt3A_200 = arith.cmpi slt, %rem3A_196, %lt3A_199 : i32
      %lt3A_201 = arith.constant 0 : i32
      %lt3A_202 = arith.cmpi slt, %select_n3A_195, %lt3A_201 : i32
      %ne3A_203 = arith.xori %lt3A_200, %lt3A_202 : i1
      %and3A_204 = arith.andi %ne3A_203, %ne3A_198 : i1
      %add3A_205 = arith.addi %rem3A_196, %select_n3A_195 : i32
      %select_n3A_206 = arith.select %and3A_204, %add3A_205, %rem3A_196 : i32
      %mul3A_207 = arith.constant 4 : i32
      %mul3A_208 = arith.muli %select_n3A_206, %mul3A_207 : i32
      %mul3A_209 = arith.constant 4 : i32
      %mul3A_210 = arith.muli %min3A_188, %mul3A_209 : i32
      %dma_start3A_211 = arith.constant 0 : i32
      %dma_start3A_212 = tpu.memref_slice %arg8[%mul3A_208, %dma_start3A_211] : memref<8x64xi32, #tpu.memory_space<vmem>> -> memref<4x64xi32, #tpu.memory_space<vmem>>
      %dma_start3A_213 = arith.constant 0 : i32
      %dma_start3A_214 = tpu.memref_slice %arg3[%add3A, %mul3A_210, %dma_start3A_213] : memref<32x160x64xi32, #tpu.memory_space<hbm>> -> memref<1x4x64xi32, #tpu.memory_space<hbm>>
      %dma_start3A_215 = tpu.memref_squeeze %dma_start3A_214 : memref<1x4x64xi32, #tpu.memory_space<hbm>> -> memref<4x64xi32, #tpu.memory_space<hbm>>
      %dma_start3A_216 = arith.constant 0 : i32
      %dma_start3A_217 = tpu.memref_slice %arg8[%mul3A_208, %dma_start3A_216] : memref<8x64xi32, #tpu.memory_space<vmem>> -> memref<4x64xi32, #tpu.memory_space<vmem>>
      %dma_start3A_218 = arith.constant 0 : i32
      %dma_start3A_219 = tpu.memref_slice %arg3[%add3A, %mul3A_210, %dma_start3A_218] : memref<32x160x64xi32, #tpu.memory_space<hbm>> -> memref<1x4x64xi32, #tpu.memory_space<hbm>>
      %dma_start3A_220 = tpu.memref_squeeze %dma_start3A_219 : memref<1x4x64xi32, #tpu.memory_space<hbm>> -> memref<4x64xi32, #tpu.memory_space<hbm>>
      tpu.enqueue_dma source(%dma_start3A_220 : memref<4x64xi32, #tpu.memory_space<hbm>>) target(%dma_start3A_217 : memref<4x64xi32, #tpu.memory_space<vmem>>) target_semaphore(%arg18 : memref<!tpu.dma_semaphore, #tpu.memory_space<semaphore_mem>>)
      %mul3A_221 = arith.constant 4 : i32
      %mul3A_222 = arith.muli %min3A_188, %mul3A_221 : i32
      %dma_start3A_223 = arith.constant 0 : i32
      %dma_start3A_224 = tpu.memref_slice %arg9[%mul3A_208, %dma_start3A_223] : memref<8x64xi32, #tpu.memory_space<vmem>> -> memref<4x64xi32, #tpu.memory_space<vmem>>
      %dma_start3A_225 = arith.constant 0 : i32
      %dma_start3A_226 = tpu.memref_slice %arg4[%add3A, %mul3A_222, %dma_start3A_225] : memref<32x160x64xi32, #tpu.memory_space<hbm>> -> memref<1x4x64xi32, #tpu.memory_space<hbm>>
      %dma_start3A_227 = tpu.memref_squeeze %dma_start3A_226 : memref<1x4x64xi32, #tpu.memory_space<hbm>> -> memref<4x64xi32, #tpu.memory_space<hbm>>
      %dma_start3A_228 = arith.constant 0 : i32
      %dma_start3A_229 = tpu.memref_slice %arg9[%mul3A_208, %dma_start3A_228] : memref<8x64xi32, #tpu.memory_space<vmem>> -> memref<4x64xi32, #tpu.memory_space<vmem>>
      %dma_start3A_230 = arith.constant 0 : i32
      %dma_start3A_231 = tpu.memref_slice %arg4[%add3A, %mul3A_222, %dma_start3A_230] : memref<32x160x64xi32, #tpu.memory_space<hbm>> -> memref<1x4x64xi32, #tpu.memory_space<hbm>>
      %dma_start3A_232 = tpu.memref_squeeze %dma_start3A_231 : memref<1x4x64xi32, #tpu.memory_space<hbm>> -> memref<4x64xi32, #tpu.memory_space<hbm>>
      tpu.enqueue_dma source(%dma_start3A_232 : memref<4x64xi32, #tpu.memory_space<hbm>>) target(%dma_start3A_229 : memref<4x64xi32, #tpu.memory_space<vmem>>) target_semaphore(%arg18 : memref<!tpu.dma_semaphore, #tpu.memory_space<semaphore_mem>>)
      %dma_wait3A_233 = arith.constant 0 : i32
      %dma_wait3A_234 = tpu.memref_slice %arg8[%add3A_140, %dma_wait3A_233] : memref<8x64xi32, #tpu.memory_space<vmem>> -> memref<1x64xi32, #tpu.memory_space<vmem>>
      %dma_wait3A_235 = tpu.memref_squeeze %dma_wait3A_234 : memref<1x64xi32, #tpu.memory_space<vmem>> -> memref<64xi32, #tpu.memory_space<vmem>>
      %dma_wait3A_236 = arith.constant 0 : i32
      %dma_wait3A_237 = arith.constant 0 : i32
      %dma_wait3A_238 = tpu.memref_slice %arg2[%dma_wait3A_236, %dma_wait3A_237] : memref<10240x128xf32, #tpu.memory_space<hbm>> -> memref<10240x128xf32, #tpu.memory_space<hbm>>
      tpu.wait_indirect_dma semaphore(%arg14 : memref<!tpu.dma_semaphore, #tpu.memory_space<semaphore_mem>>) src(%dma_wait3A_238 : memref<10240x128xf32, #tpu.memory_space<hbm>>) dst(%arg10 : memref<64x128xf32, #tpu.memory_space<vmem>>)
      %add3A_239 = arith.constant 0 : i32
      %add3A_240 = arith.addi %mul3A_108, %add3A_239 : i32
      %dma_start3A_241 = arith.constant 0 : i32
      %dma_start3A_242 = tpu.memref_slice %arg9[%add3A_240, %dma_start3A_241] : memref<8x64xi32, #tpu.memory_space<vmem>> -> memref<1x64xi32, #tpu.memory_space<vmem>>
      %dma_start3A_243 = tpu.memref_squeeze %dma_start3A_242 : memref<1x64xi32, #tpu.memory_space<vmem>> -> memref<64xi32, #tpu.memory_space<vmem>>
      %dma_start3A_244 = arith.constant 0 : i32
      %dma_start3A_245 = arith.constant 0 : i32
      %dma_start3A_246 = tpu.memref_slice %arg7[%dma_start3A_244, %dma_start3A_245] : memref<10240x128xf32, #tpu.memory_space<vmem_shared>> -> memref<10240x128xf32, #tpu.memory_space<vmem_shared>>
      tpu.enqueue_indirect_dma source(%arg10 : memref<64x128xf32, #tpu.memory_space<vmem>>) target(%dma_start3A_246 : memref<10240x128xf32, #tpu.memory_space<vmem_shared>>) offsets(%dma_start3A_243 : memref<64xi32, #tpu.memory_space<vmem>>) semaphore(%arg19 : memref<!tpu.dma_semaphore, #tpu.memory_space<semaphore_mem>>) {add = true}
      %dma_wait3A_247 = arith.constant 0 : i32
      %dma_wait3A_248 = tpu.memref_slice %arg8[%add3A_153, %dma_wait3A_247] : memref<8x64xi32, #tpu.memory_space<vmem>> -> memref<1x64xi32, #tpu.memory_space<vmem>>
      %dma_wait3A_249 = tpu.memref_squeeze %dma_wait3A_248 : memref<1x64xi32, #tpu.memory_space<vmem>> -> memref<64xi32, #tpu.memory_space<vmem>>
      %dma_wait3A_250 = arith.constant 0 : i32
      %dma_wait3A_251 = arith.constant 0 : i32
      %dma_wait3A_252 = tpu.memref_slice %arg2[%dma_wait3A_250, %dma_wait3A_251] : memref<10240x128xf32, #tpu.memory_space<hbm>> -> memref<10240x128xf32, #tpu.memory_space<hbm>>
      tpu.wait_indirect_dma semaphore(%arg15 : memref<!tpu.dma_semaphore, #tpu.memory_space<semaphore_mem>>) src(%dma_wait3A_252 : memref<10240x128xf32, #tpu.memory_space<hbm>>) dst(%arg11 : memref<64x128xf32, #tpu.memory_space<vmem>>)
      %add3A_253 = arith.constant 1 : i32
      %add3A_254 = arith.addi %mul3A_108, %add3A_253 : i32
      %dma_start3A_255 = arith.constant 0 : i32
      %dma_start3A_256 = tpu.memref_slice %arg9[%add3A_254, %dma_start3A_255] : memref<8x64xi32, #tpu.memory_space<vmem>> -> memref<1x64xi32, #tpu.memory_space<vmem>>
      %dma_start3A_257 = tpu.memref_squeeze %dma_start3A_256 : memref<1x64xi32, #tpu.memory_space<vmem>> -> memref<64xi32, #tpu.memory_space<vmem>>
      %dma_start3A_258 = arith.constant 0 : i32
      %dma_start3A_259 = arith.constant 0 : i32
      %dma_start3A_260 = tpu.memref_slice %arg7[%dma_start3A_258, %dma_start3A_259] : memref<10240x128xf32, #tpu.memory_space<vmem_shared>> -> memref<10240x128xf32, #tpu.memory_space<vmem_shared>>
      tpu.enqueue_indirect_dma source(%arg11 : memref<64x128xf32, #tpu.memory_space<vmem>>) target(%dma_start3A_260 : memref<10240x128xf32, #tpu.memory_space<vmem_shared>>) offsets(%dma_start3A_257 : memref<64xi32, #tpu.memory_space<vmem>>) semaphore(%arg19 : memref<!tpu.dma_semaphore, #tpu.memory_space<semaphore_mem>>) {add = true}
      %dma_wait3A_261 = arith.constant 0 : i32
      %dma_wait3A_262 = tpu.memref_slice %arg8[%add3A_166, %dma_wait3A_261] : memref<8x64xi32, #tpu.memory_space<vmem>> -> memref<1x64xi32, #tpu.memory_space<vmem>>
      %dma_wait3A_263 = tpu.memref_squeeze %dma_wait3A_262 : memref<1x64xi32, #tpu.memory_space<vmem>> -> memref<64xi32, #tpu.memory_space<vmem>>
      %dma_wait3A_264 = arith.constant 0 : i32
      %dma_wait3A_265 = arith.constant 0 : i32
      %dma_wait3A_266 = tpu.memref_slice %arg2[%dma_wait3A_264, %dma_wait3A_265] : memref<10240x128xf32, #tpu.memory_space<hbm>> -> memref<10240x128xf32, #tpu.memory_space<hbm>>
      tpu.wait_indirect_dma semaphore(%arg16 : memref<!tpu.dma_semaphore, #tpu.memory_space<semaphore_mem>>) src(%dma_wait3A_266 : memref<10240x128xf32, #tpu.memory_space<hbm>>) dst(%arg12 : memref<64x128xf32, #tpu.memory_space<vmem>>)
      %add3A_267 = arith.constant 2 : i32
      %add3A_268 = arith.addi %mul3A_108, %add3A_267 : i32
      %dma_start3A_269 = arith.constant 0 : i32
      %dma_start3A_270 = tpu.memref_slice %arg9[%add3A_268, %dma_start3A_269] : memref<8x64xi32, #tpu.memory_space<vmem>> -> memref<1x64xi32, #tpu.memory_space<vmem>>
      %dma_start3A_271 = tpu.memref_squeeze %dma_start3A_270 : memref<1x64xi32, #tpu.memory_space<vmem>> -> memref<64xi32, #tpu.memory_space<vmem>>
      %dma_start3A_272 = arith.constant 0 : i32
      %dma_start3A_273 = arith.constant 0 : i32
      %dma_start3A_274 = tpu.memref_slice %arg7[%dma_start3A_272, %dma_start3A_273] : memref<10240x128xf32, #tpu.memory_space<vmem_shared>> -> memref<10240x128xf32, #tpu.memory_space<vmem_shared>>
      tpu.enqueue_indirect_dma source(%arg12 : memref<64x128xf32, #tpu.memory_space<vmem>>) target(%dma_start3A_274 : memref<10240x128xf32, #tpu.memory_space<vmem_shared>>) offsets(%dma_start3A_271 : memref<64xi32, #tpu.memory_space<vmem>>) semaphore(%arg19 : memref<!tpu.dma_semaphore, #tpu.memory_space<semaphore_mem>>) {add = true}
      %dma_wait3A_275 = arith.constant 0 : i32
      %dma_wait3A_276 = tpu.memref_slice %arg8[%add3A_179, %dma_wait3A_275] : memref<8x64xi32, #tpu.memory_space<vmem>> -> memref<1x64xi32, #tpu.memory_space<vmem>>
      %dma_wait3A_277 = tpu.memref_squeeze %dma_wait3A_276 : memref<1x64xi32, #tpu.memory_space<vmem>> -> memref<64xi32, #tpu.memory_space<vmem>>
      %dma_wait3A_278 = arith.constant 0 : i32
      %dma_wait3A_279 = arith.constant 0 : i32
      %dma_wait3A_280 = tpu.memref_slice %arg2[%dma_wait3A_278, %dma_wait3A_279] : memref<10240x128xf32, #tpu.memory_space<hbm>> -> memref<10240x128xf32, #tpu.memory_space<hbm>>
      tpu.wait_indirect_dma semaphore(%arg17 : memref<!tpu.dma_semaphore, #tpu.memory_space<semaphore_mem>>) src(%dma_wait3A_280 : memref<10240x128xf32, #tpu.memory_space<hbm>>) dst(%arg13 : memref<64x128xf32, #tpu.memory_space<vmem>>)
      %add3A_281 = arith.constant 3 : i32
      %add3A_282 = arith.addi %mul3A_108, %add3A_281 : i32
      %dma_start3A_283 = arith.constant 0 : i32
      %dma_start3A_284 = tpu.memref_slice %arg9[%add3A_282, %dma_start3A_283] : memref<8x64xi32, #tpu.memory_space<vmem>> -> memref<1x64xi32, #tpu.memory_space<vmem>>
      %dma_start3A_285 = tpu.memref_squeeze %dma_start3A_284 : memref<1x64xi32, #tpu.memory_space<vmem>> -> memref<64xi32, #tpu.memory_space<vmem>>
      %dma_start3A_286 = arith.constant 0 : i32
      %dma_start3A_287 = arith.constant 0 : i32
      %dma_start3A_288 = tpu.memref_slice %arg7[%dma_start3A_286, %dma_start3A_287] : memref<10240x128xf32, #tpu.memory_space<vmem_shared>> -> memref<10240x128xf32, #tpu.memory_space<vmem_shared>>
      tpu.enqueue_indirect_dma source(%arg13 : memref<64x128xf32, #tpu.memory_space<vmem>>) target(%dma_start3A_288 : memref<10240x128xf32, #tpu.memory_space<vmem_shared>>) offsets(%dma_start3A_285 : memref<64xi32, #tpu.memory_space<vmem>>) semaphore(%arg19 : memref<!tpu.dma_semaphore, #tpu.memory_space<semaphore_mem>>) {add = true}
      %scan3A_289 = arith.constant 0 : i32
      scf.yield %scan3A_289 : i32
    }
    %scan3A_35 = arith.constant 40 : i32
    %dma_wait3A = arith.constant 0 : i32
    %dma_wait3A_36 = arith.constant 0 : i32
    %dma_wait3A_37 = tpu.memref_slice %arg8[%dma_wait3A, %dma_wait3A_36] : memref<8x64xi32, #tpu.memory_space<vmem>> -> memref<4x64xi32, #tpu.memory_space<vmem>>
    %dma_wait3A_38 = arith.constant 0 : i32
    %dma_wait3A_39 = arith.constant 0 : i32
    %dma_wait3A_40 = tpu.memref_slice %arg3[%add3A, %dma_wait3A_38, %dma_wait3A_39] : memref<32x160x64xi32, #tpu.memory_space<hbm>> -> memref<1x4x64xi32, #tpu.memory_space<hbm>>
    %dma_wait3A_41 = tpu.memref_squeeze %dma_wait3A_40 : memref<1x4x64xi32, #tpu.memory_space<hbm>> -> memref<4x64xi32, #tpu.memory_space<hbm>>
    %dma_wait3A_42 = arith.constant 0 : i32
    %dma_wait3A_43 = arith.constant 0 : i32
    %dma_wait3A_44 = tpu.memref_slice %arg8[%dma_wait3A_42, %dma_wait3A_43] : memref<8x64xi32, #tpu.memory_space<vmem>> -> memref<4x64xi32, #tpu.memory_space<vmem>>
    %dma_wait3A_45 = arith.constant 0 : i32
    %dma_wait3A_46 = arith.constant 0 : i32
    %dma_wait3A_47 = tpu.memref_slice %arg3[%add3A, %dma_wait3A_45, %dma_wait3A_46] : memref<32x160x64xi32, #tpu.memory_space<hbm>> -> memref<1x4x64xi32, #tpu.memory_space<hbm>>
    %dma_wait3A_48 = tpu.memref_squeeze %dma_wait3A_47 : memref<1x4x64xi32, #tpu.memory_space<hbm>> -> memref<4x64xi32, #tpu.memory_space<hbm>>
    tpu.wait_dma2 semaphore(%arg18 : memref<!tpu.dma_semaphore, #tpu.memory_space<semaphore_mem>>) src(%dma_wait3A_48 : memref<4x64xi32, #tpu.memory_space<hbm>>) dst(%dma_wait3A_44 : memref<4x64xi32, #tpu.memory_space<vmem>>)
    %dma_wait3A_49 = arith.constant 0 : i32
    %dma_wait3A_50 = arith.constant 0 : i32
    %dma_wait3A_51 = tpu.memref_slice %arg9[%dma_wait3A_49, %dma_wait3A_50] : memref<8x64xi32, #tpu.memory_space<vmem>> -> memref<4x64xi32, #tpu.memory_space<vmem>>
    %dma_wait3A_52 = arith.constant 0 : i32
    %dma_wait3A_53 = arith.constant 0 : i32
    %dma_wait3A_54 = tpu.memref_slice %arg4[%add3A, %dma_wait3A_52, %dma_wait3A_53] : memref<32x160x64xi32, #tpu.memory_space<hbm>> -> memref<1x4x64xi32, #tpu.memory_space<hbm>>
    %dma_wait3A_55 = tpu.memref_squeeze %dma_wait3A_54 : memref<1x4x64xi32, #tpu.memory_space<hbm>> -> memref<4x64xi32, #tpu.memory_space<hbm>>
    %dma_wait3A_56 = arith.constant 0 : i32
    %dma_wait3A_57 = arith.constant 0 : i32
    %dma_wait3A_58 = tpu.memref_slice %arg9[%dma_wait3A_56, %dma_wait3A_57] : memref<8x64xi32, #tpu.memory_space<vmem>> -> memref<4x64xi32, #tpu.memory_space<vmem>>
    %dma_wait3A_59 = arith.constant 0 : i32
    %dma_wait3A_60 = arith.constant 0 : i32
    %dma_wait3A_61 = tpu.memref_slice %arg4[%add3A, %dma_wait3A_59, %dma_wait3A_60] : memref<32x160x64xi32, #tpu.memory_space<hbm>> -> memref<1x4x64xi32, #tpu.memory_space<hbm>>
    %dma_wait3A_62 = tpu.memref_squeeze %dma_wait3A_61 : memref<1x4x64xi32, #tpu.memory_space<hbm>> -> memref<4x64xi32, #tpu.memory_space<hbm>>
    tpu.wait_dma2 semaphore(%arg18 : memref<!tpu.dma_semaphore, #tpu.memory_space<semaphore_mem>>) src(%dma_wait3A_62 : memref<4x64xi32, #tpu.memory_space<hbm>>) dst(%dma_wait3A_58 : memref<4x64xi32, #tpu.memory_space<vmem>>)
    %dma_wait3A_63 = arith.constant 0 : i32
    %dma_wait3A_64 = arith.constant 0 : i32
    %dma_wait3A_65 = tpu.memref_slice %arg9[%dma_wait3A_63, %dma_wait3A_64] : memref<8x64xi32, #tpu.memory_space<vmem>> -> memref<1x64xi32, #tpu.memory_space<vmem>>
    %dma_wait3A_66 = tpu.memref_squeeze %dma_wait3A_65 : memref<1x64xi32, #tpu.memory_space<vmem>> -> memref<64xi32, #tpu.memory_space<vmem>>
    %dma_wait3A_67 = arith.constant 0 : i32
    %dma_wait3A_68 = arith.constant 0 : i32
    %dma_wait3A_69 = tpu.memref_slice %arg7[%dma_wait3A_67, %dma_wait3A_68] : memref<10240x128xf32, #tpu.memory_space<vmem_shared>> -> memref<10240x128xf32, #tpu.memory_space<vmem_shared>>
    tpu.wait_indirect_dma semaphore(%arg19 : memref<!tpu.dma_semaphore, #tpu.memory_space<semaphore_mem>>) src(%arg10 : memref<64x128xf32, #tpu.memory_space<vmem>>) dst(%dma_wait3A_69 : memref<10240x128xf32, #tpu.memory_space<vmem_shared>>)
    %dma_wait3A_70 = arith.constant 0 : i32
    %dma_wait3A_71 = arith.constant 0 : i32
    %dma_wait3A_72 = tpu.memref_slice %arg9[%dma_wait3A_70, %dma_wait3A_71] : memref<8x64xi32, #tpu.memory_space<vmem>> -> memref<1x64xi32, #tpu.memory_space<vmem>>
    %dma_wait3A_73 = tpu.memref_squeeze %dma_wait3A_72 : memref<1x64xi32, #tpu.memory_space<vmem>> -> memref<64xi32, #tpu.memory_space<vmem>>
    %dma_wait3A_74 = arith.constant 0 : i32
    %dma_wait3A_75 = arith.constant 0 : i32
    %dma_wait3A_76 = tpu.memref_slice %arg7[%dma_wait3A_74, %dma_wait3A_75] : memref<10240x128xf32, #tpu.memory_space<vmem_shared>> -> memref<10240x128xf32, #tpu.memory_space<vmem_shared>>
    tpu.wait_indirect_dma semaphore(%arg19 : memref<!tpu.dma_semaphore, #tpu.memory_space<semaphore_mem>>) src(%arg11 : memref<64x128xf32, #tpu.memory_space<vmem>>) dst(%dma_wait3A_76 : memref<10240x128xf32, #tpu.memory_space<vmem_shared>>)
    %dma_wait3A_77 = arith.constant 0 : i32
    %dma_wait3A_78 = arith.constant 0 : i32
    %dma_wait3A_79 = tpu.memref_slice %arg9[%dma_wait3A_77, %dma_wait3A_78] : memref<8x64xi32, #tpu.memory_space<vmem>> -> memref<1x64xi32, #tpu.memory_space<vmem>>
    %dma_wait3A_80 = tpu.memref_squeeze %dma_wait3A_79 : memref<1x64xi32, #tpu.memory_space<vmem>> -> memref<64xi32, #tpu.memory_space<vmem>>
    %dma_wait3A_81 = arith.constant 0 : i32
    %dma_wait3A_82 = arith.constant 0 : i32
    %dma_wait3A_83 = tpu.memref_slice %arg7[%dma_wait3A_81, %dma_wait3A_82] : memref<10240x128xf32, #tpu.memory_space<vmem_shared>> -> memref<10240x128xf32, #tpu.memory_space<vmem_shared>>
    tpu.wait_indirect_dma semaphore(%arg19 : memref<!tpu.dma_semaphore, #tpu.memory_space<semaphore_mem>>) src(%arg12 : memref<64x128xf32, #tpu.memory_space<vmem>>) dst(%dma_wait3A_83 : memref<10240x128xf32, #tpu.memory_space<vmem_shared>>)
    %dma_wait3A_84 = arith.constant 0 : i32
    %dma_wait3A_85 = arith.constant 0 : i32
    %dma_wait3A_86 = tpu.memref_slice %arg9[%dma_wait3A_84, %dma_wait3A_85] : memref<8x64xi32, #tpu.memory_space<vmem>> -> memref<1x64xi32, #tpu.memory_space<vmem>>
    %dma_wait3A_87 = tpu.memref_squeeze %dma_wait3A_86 : memref<1x64xi32, #tpu.memory_space<vmem>> -> memref<64xi32, #tpu.memory_space<vmem>>
    %dma_wait3A_88 = arith.constant 0 : i32
    %dma_wait3A_89 = arith.constant 0 : i32
    %dma_wait3A_90 = tpu.memref_slice %arg7[%dma_wait3A_88, %dma_wait3A_89] : memref<10240x128xf32, #tpu.memory_space<vmem_shared>> -> memref<10240x128xf32, #tpu.memory_space<vmem_shared>>
    tpu.wait_indirect_dma semaphore(%arg19 : memref<!tpu.dma_semaphore, #tpu.memory_space<semaphore_mem>>) src(%arg13 : memref<64x128xf32, #tpu.memory_space<vmem>>) dst(%dma_wait3A_90 : memref<10240x128xf32, #tpu.memory_space<vmem_shared>>)
    %barrier3A_91 = arith.constant 0 : index
    tpu.barrier barrier_id(%barrier3A_91)
    %mul3A_92 = arith.constant 640 : i32
    %mul3A_93 = arith.muli %arg1, %mul3A_92 : i32
    %mul3A_94 = arith.constant 640 : i32
    %mul3A_95 = arith.muli %arg1, %mul3A_94 : i32
    "tpu.region"() ({
      %run_scoped3A = tpu.sem_alloc : memref<!tpu.dma_semaphore, #tpu.memory_space<semaphore_mem>>
      %dma_start3A_96 = arith.constant 0 : i32
      %dma_start3A_97 = tpu.memref_slice %arg6[%arg0, %mul3A_95, %dma_start3A_96] : memref<2x10240x128xf32, #tpu.memory_space<hbm>> -> memref<1x640x128xf32, #tpu.memory_space<hbm>>
      %dma_start3A_98 = tpu.memref_squeeze %dma_start3A_97 : memref<1x640x128xf32, #tpu.memory_space<hbm>> -> memref<640x128xf32, #tpu.memory_space<hbm>>
      %dma_start3A_99 = arith.constant 0 : i32
      %dma_start3A_100 = tpu.memref_slice %arg7[%mul3A_93, %dma_start3A_99] : memref<10240x128xf32, #tpu.memory_space<vmem_shared>> -> memref<640x128xf32, #tpu.memory_space<vmem_shared>>
      tpu.enqueue_dma source(%dma_start3A_100 : memref<640x128xf32, #tpu.memory_space<vmem_shared>>) target(%dma_start3A_98 : memref<640x128xf32, #tpu.memory_space<hbm>>) target_semaphore(%run_scoped3A : memref<!tpu.dma_semaphore, #tpu.memory_space<semaphore_mem>>)
      %dma_wait3A_101 = arith.constant 0 : i32
      %dma_wait3A_102 = tpu.memref_slice %arg6[%arg0, %mul3A_95, %dma_wait3A_101] : memref<2x10240x128xf32, #tpu.memory_space<hbm>> -> memref<1x640x128xf32, #tpu.memory_space<hbm>>
      %dma_wait3A_103 = tpu.memref_squeeze %dma_wait3A_102 : memref<1x640x128xf32, #tpu.memory_space<hbm>> -> memref<640x128xf32, #tpu.memory_space<hbm>>
      %dma_wait3A_104 = arith.constant 0 : i32
      %dma_wait3A_105 = tpu.memref_slice %arg7[%mul3A_93, %dma_wait3A_104] : memref<10240x128xf32, #tpu.memory_space<vmem_shared>> -> memref<640x128xf32, #tpu.memory_space<vmem_shared>>
      tpu.wait_dma2 semaphore(%run_scoped3A : memref<!tpu.dma_semaphore, #tpu.memory_space<semaphore_mem>>) src(%dma_wait3A_105 : memref<640x128xf32, #tpu.memory_space<vmem_shared>>) dst(%dma_wait3A_103 : memref<640x128xf32, #tpu.memory_space<hbm>>)
      tpu.yield
    }) : () -> ()
    return
  }
}

#map = affine_map<(d0, d1) -> (0, 0, 0)>
#map1 = affine_map<(d0, d1) -> (0, 0)>
#map2 = affine_map<(d0, d1) -> (0)>
module attributes {stable_mosaic.version = 14 : i64} {
  func.func @_deg_kernel(%arg0: i32, %arg1: i32, %arg2: memref<32x80x128xi32, #tpu.memory_space<hbm>>, %arg3: memref<32x80x128xi32, #tpu.memory_space<hbm>>, %arg4: memref<32x80x128xi32, #tpu.memory_space<hbm>>, %arg5: memref<32x80x128xi32, #tpu.memory_space<hbm>>, %arg6: memref<80x128xf32, #tpu.memory_space<hbm>>, %arg7: memref<10240xf32, #tpu.memory_space<hbm>>, %arg8: memref<2x4x10240xf32, #tpu.memory_space<hbm>>, %arg9: memref<10240xf32, #tpu.memory_space<vmem_shared>>, %arg10: memref<10240xf32, #tpu.memory_space<vmem_shared>>, %arg11: memref<10240xf32, #tpu.memory_space<vmem_shared>>, %arg12: memref<10240xf32, #tpu.memory_space<vmem_shared>>, %arg13: memref<80x128xi32, #tpu.memory_space<vmem>>, %arg14: memref<80x128xi32, #tpu.memory_space<vmem>>, %arg15: memref<80x128xf32, #tpu.memory_space<vmem>>, %arg16: memref<!tpu.dma_semaphore, #tpu.memory_space<semaphore_mem>>) attributes {dimension_semantics = [#tpu.dimension_semantics<core_parallel>, #tpu.dimension_semantics<subcore_parallel>], iteration_bounds = array<i64: 2, 16>, scalar_prefetch = 0 : i64, scratch_operands = 8 : i64, tpu.core_type = #tpu.core_type<sc_vector_subcore>, window_params = [{transform_indices = #map}, {transform_indices = #map}, {transform_indices = #map}, {transform_indices = #map}, {transform_indices = #map1}, {transform_indices = #map2}, {transform_indices = #map}]} {
    %mul3A = arith.constant 2 : i32
    %mul3A_0 = arith.muli %arg1, %mul3A : i32
    %add3A = arith.addi %mul3A_0, %arg0 : i32
    %mul3A_1 = arith.constant 640 : i32
    %mul3A_2 = arith.muli %arg1, %mul3A_1 : i32
    %mul3A_3 = arith.constant 640 : i32
    %mul3A_4 = arith.muli %arg1, %mul3A_3 : i32
    "tpu.region"() ({
      %run_scoped3A_71 = tpu.sem_alloc : memref<!tpu.dma_semaphore, #tpu.memory_space<semaphore_mem>>
      %dma_start3A = tpu.memref_slice %arg9[%mul3A_4] : memref<10240xf32, #tpu.memory_space<vmem_shared>> -> memref<640xf32, #tpu.memory_space<vmem_shared>>
      %dma_start3A_72 = tpu.memref_slice %arg7[%mul3A_2] : memref<10240xf32, #tpu.memory_space<hbm>> -> memref<640xf32, #tpu.memory_space<hbm>>
      tpu.enqueue_dma source(%dma_start3A_72 : memref<640xf32, #tpu.memory_space<hbm>>) target(%dma_start3A : memref<640xf32, #tpu.memory_space<vmem_shared>>) target_semaphore(%run_scoped3A_71 : memref<!tpu.dma_semaphore, #tpu.memory_space<semaphore_mem>>)
      %dma_wait3A = tpu.memref_slice %arg9[%mul3A_4] : memref<10240xf32, #tpu.memory_space<vmem_shared>> -> memref<640xf32, #tpu.memory_space<vmem_shared>>
      %dma_wait3A_73 = tpu.memref_slice %arg7[%mul3A_2] : memref<10240xf32, #tpu.memory_space<hbm>> -> memref<640xf32, #tpu.memory_space<hbm>>
      tpu.wait_dma2 semaphore(%run_scoped3A_71 : memref<!tpu.dma_semaphore, #tpu.memory_space<semaphore_mem>>) src(%dma_wait3A_73 : memref<640xf32, #tpu.memory_space<hbm>>) dst(%dma_wait3A : memref<640xf32, #tpu.memory_space<vmem_shared>>)
      tpu.yield
    }) : () -> ()
    %mul3A_5 = arith.constant 640 : i32
    %mul3A_6 = arith.muli %arg1, %mul3A_5 : i32
    %mul3A_7 = arith.constant 640 : i32
    %mul3A_8 = arith.muli %arg1, %mul3A_7 : i32
    "tpu.region"() ({
      %run_scoped3A_71 = tpu.sem_alloc : memref<!tpu.dma_semaphore, #tpu.memory_space<semaphore_mem>>
      %dma_start3A = tpu.memref_slice %arg10[%mul3A_8] : memref<10240xf32, #tpu.memory_space<vmem_shared>> -> memref<640xf32, #tpu.memory_space<vmem_shared>>
      %dma_start3A_72 = tpu.memref_slice %arg7[%mul3A_6] : memref<10240xf32, #tpu.memory_space<hbm>> -> memref<640xf32, #tpu.memory_space<hbm>>
      tpu.enqueue_dma source(%dma_start3A_72 : memref<640xf32, #tpu.memory_space<hbm>>) target(%dma_start3A : memref<640xf32, #tpu.memory_space<vmem_shared>>) target_semaphore(%run_scoped3A_71 : memref<!tpu.dma_semaphore, #tpu.memory_space<semaphore_mem>>)
      %dma_wait3A = tpu.memref_slice %arg10[%mul3A_8] : memref<10240xf32, #tpu.memory_space<vmem_shared>> -> memref<640xf32, #tpu.memory_space<vmem_shared>>
      %dma_wait3A_73 = tpu.memref_slice %arg7[%mul3A_6] : memref<10240xf32, #tpu.memory_space<hbm>> -> memref<640xf32, #tpu.memory_space<hbm>>
      tpu.wait_dma2 semaphore(%run_scoped3A_71 : memref<!tpu.dma_semaphore, #tpu.memory_space<semaphore_mem>>) src(%dma_wait3A_73 : memref<640xf32, #tpu.memory_space<hbm>>) dst(%dma_wait3A : memref<640xf32, #tpu.memory_space<vmem_shared>>)
      tpu.yield
    }) : () -> ()
    %mul3A_9 = arith.constant 640 : i32
    %mul3A_10 = arith.muli %arg1, %mul3A_9 : i32
    %mul3A_11 = arith.constant 640 : i32
    %mul3A_12 = arith.muli %arg1, %mul3A_11 : i32
    "tpu.region"() ({
      %run_scoped3A_71 = tpu.sem_alloc : memref<!tpu.dma_semaphore, #tpu.memory_space<semaphore_mem>>
      %dma_start3A = tpu.memref_slice %arg11[%mul3A_12] : memref<10240xf32, #tpu.memory_space<vmem_shared>> -> memref<640xf32, #tpu.memory_space<vmem_shared>>
      %dma_start3A_72 = tpu.memref_slice %arg7[%mul3A_10] : memref<10240xf32, #tpu.memory_space<hbm>> -> memref<640xf32, #tpu.memory_space<hbm>>
      tpu.enqueue_dma source(%dma_start3A_72 : memref<640xf32, #tpu.memory_space<hbm>>) target(%dma_start3A : memref<640xf32, #tpu.memory_space<vmem_shared>>) target_semaphore(%run_scoped3A_71 : memref<!tpu.dma_semaphore, #tpu.memory_space<semaphore_mem>>)
      %dma_wait3A = tpu.memref_slice %arg11[%mul3A_12] : memref<10240xf32, #tpu.memory_space<vmem_shared>> -> memref<640xf32, #tpu.memory_space<vmem_shared>>
      %dma_wait3A_73 = tpu.memref_slice %arg7[%mul3A_10] : memref<10240xf32, #tpu.memory_space<hbm>> -> memref<640xf32, #tpu.memory_space<hbm>>
      tpu.wait_dma2 semaphore(%run_scoped3A_71 : memref<!tpu.dma_semaphore, #tpu.memory_space<semaphore_mem>>) src(%dma_wait3A_73 : memref<640xf32, #tpu.memory_space<hbm>>) dst(%dma_wait3A : memref<640xf32, #tpu.memory_space<vmem_shared>>)
      tpu.yield
    }) : () -> ()
    %mul3A_13 = arith.constant 640 : i32
    %mul3A_14 = arith.muli %arg1, %mul3A_13 : i32
    %mul3A_15 = arith.constant 640 : i32
    %mul3A_16 = arith.muli %arg1, %mul3A_15 : i32
    "tpu.region"() ({
      %run_scoped3A_71 = tpu.sem_alloc : memref<!tpu.dma_semaphore, #tpu.memory_space<semaphore_mem>>
      %dma_start3A = tpu.memref_slice %arg12[%mul3A_16] : memref<10240xf32, #tpu.memory_space<vmem_shared>> -> memref<640xf32, #tpu.memory_space<vmem_shared>>
      %dma_start3A_72 = tpu.memref_slice %arg7[%mul3A_14] : memref<10240xf32, #tpu.memory_space<hbm>> -> memref<640xf32, #tpu.memory_space<hbm>>
      tpu.enqueue_dma source(%dma_start3A_72 : memref<640xf32, #tpu.memory_space<hbm>>) target(%dma_start3A : memref<640xf32, #tpu.memory_space<vmem_shared>>) target_semaphore(%run_scoped3A_71 : memref<!tpu.dma_semaphore, #tpu.memory_space<semaphore_mem>>)
      %dma_wait3A = tpu.memref_slice %arg12[%mul3A_16] : memref<10240xf32, #tpu.memory_space<vmem_shared>> -> memref<640xf32, #tpu.memory_space<vmem_shared>>
      %dma_wait3A_73 = tpu.memref_slice %arg7[%mul3A_14] : memref<10240xf32, #tpu.memory_space<hbm>> -> memref<640xf32, #tpu.memory_space<hbm>>
      tpu.wait_dma2 semaphore(%run_scoped3A_71 : memref<!tpu.dma_semaphore, #tpu.memory_space<semaphore_mem>>) src(%dma_wait3A_73 : memref<640xf32, #tpu.memory_space<hbm>>) dst(%dma_wait3A : memref<640xf32, #tpu.memory_space<vmem_shared>>)
      tpu.yield
    }) : () -> ()
    %barrier3A = arith.constant 0 : index
    tpu.barrier barrier_id(%barrier3A)
    "tpu.region"() ({
      %run_scoped3A_71 = tpu.sem_alloc : memref<!tpu.dma_semaphore, #tpu.memory_space<semaphore_mem>>
      tpu.enqueue_dma source(%arg6 : memref<80x128xf32, #tpu.memory_space<hbm>>) target(%arg15 : memref<80x128xf32, #tpu.memory_space<vmem>>) target_semaphore(%run_scoped3A_71 : memref<!tpu.dma_semaphore, #tpu.memory_space<semaphore_mem>>)
      tpu.wait_dma2 semaphore(%run_scoped3A_71 : memref<!tpu.dma_semaphore, #tpu.memory_space<semaphore_mem>>) src(%arg6 : memref<80x128xf32, #tpu.memory_space<hbm>>) dst(%arg15 : memref<80x128xf32, #tpu.memory_space<vmem>>)
      tpu.yield
    }) : () -> ()
    "tpu.region"() ({
      %run_scoped3A_71 = tpu.sem_alloc : memref<!tpu.dma_semaphore, #tpu.memory_space<semaphore_mem>>
      %dma_start3A = arith.constant 0 : i32
      %dma_start3A_72 = arith.constant 0 : i32
      %dma_start3A_73 = tpu.memref_slice %arg2[%add3A, %dma_start3A, %dma_start3A_72] : memref<32x80x128xi32, #tpu.memory_space<hbm>> -> memref<1x80x128xi32, #tpu.memory_space<hbm>>
      %dma_start3A_74 = tpu.memref_squeeze %dma_start3A_73 : memref<1x80x128xi32, #tpu.memory_space<hbm>> -> memref<80x128xi32, #tpu.memory_space<hbm>>
      %dma_start3A_75 = arith.constant 0 : i32
      %dma_start3A_76 = arith.constant 0 : i32
      %dma_start3A_77 = tpu.memref_slice %arg2[%add3A, %dma_start3A_75, %dma_start3A_76] : memref<32x80x128xi32, #tpu.memory_space<hbm>> -> memref<1x80x128xi32, #tpu.memory_space<hbm>>
      %dma_start3A_78 = tpu.memref_squeeze %dma_start3A_77 : memref<1x80x128xi32, #tpu.memory_space<hbm>> -> memref<80x128xi32, #tpu.memory_space<hbm>>
      tpu.enqueue_dma source(%dma_start3A_78 : memref<80x128xi32, #tpu.memory_space<hbm>>) target(%arg13 : memref<80x128xi32, #tpu.memory_space<vmem>>) target_semaphore(%run_scoped3A_71 : memref<!tpu.dma_semaphore, #tpu.memory_space<semaphore_mem>>)
      %dma_wait3A = arith.constant 0 : i32
      %dma_wait3A_79 = arith.constant 0 : i32
      %dma_wait3A_80 = tpu.memref_slice %arg2[%add3A, %dma_wait3A, %dma_wait3A_79] : memref<32x80x128xi32, #tpu.memory_space<hbm>> -> memref<1x80x128xi32, #tpu.memory_space<hbm>>
      %dma_wait3A_81 = tpu.memref_squeeze %dma_wait3A_80 : memref<1x80x128xi32, #tpu.memory_space<hbm>> -> memref<80x128xi32, #tpu.memory_space<hbm>>
      %dma_wait3A_82 = arith.constant 0 : i32
      %dma_wait3A_83 = arith.constant 0 : i32
      %dma_wait3A_84 = tpu.memref_slice %arg2[%add3A, %dma_wait3A_82, %dma_wait3A_83] : memref<32x80x128xi32, #tpu.memory_space<hbm>> -> memref<1x80x128xi32, #tpu.memory_space<hbm>>
      %dma_wait3A_85 = tpu.memref_squeeze %dma_wait3A_84 : memref<1x80x128xi32, #tpu.memory_space<hbm>> -> memref<80x128xi32, #tpu.memory_space<hbm>>
      tpu.wait_dma2 semaphore(%run_scoped3A_71 : memref<!tpu.dma_semaphore, #tpu.memory_space<semaphore_mem>>) src(%dma_wait3A_85 : memref<80x128xi32, #tpu.memory_space<hbm>>) dst(%arg13 : memref<80x128xi32, #tpu.memory_space<vmem>>)
      tpu.yield
    }) : () -> ()
    %scan3A = arith.constant 0 : i32
    %scan3A_17 = arith.constant 0 : i32
    %scan3A_18 = arith.constant 80 : i32
    %scan3A_19 = arith.addi %scan3A_17, %scan3A_18 : i32
    %scan3A_20 = arith.constant 1 : i32
    %scan3A_21 = scf.for %scan3A_71 = %scan3A_17 to %scan3A_19 step %scan3A_20 iter_args(%scan3A_72 = %scan3A) -> (i32)  : i32 {
      %dma_start3A = arith.constant 0 : i32
      %dma_start3A_73 = tpu.memref_slice %arg15[%scan3A_71, %dma_start3A] : memref<80x128xf32, #tpu.memory_space<vmem>> -> memref<1x128xf32, #tpu.memory_space<vmem>>
      %dma_start3A_74 = tpu.memref_squeeze %dma_start3A_73 : memref<1x128xf32, #tpu.memory_space<vmem>> -> memref<128xf32, #tpu.memory_space<vmem>>
      %dma_start3A_75 = arith.constant 0 : i32
      %dma_start3A_76 = tpu.memref_slice %arg13[%scan3A_71, %dma_start3A_75] : memref<80x128xi32, #tpu.memory_space<vmem>> -> memref<1x128xi32, #tpu.memory_space<vmem>>
      %dma_start3A_77 = tpu.memref_squeeze %dma_start3A_76 : memref<1x128xi32, #tpu.memory_space<vmem>> -> memref<128xi32, #tpu.memory_space<vmem>>
      %dma_start3A_78 = arith.constant 0 : i32
      %dma_start3A_79 = tpu.memref_slice %arg9[%dma_start3A_78] : memref<10240xf32, #tpu.memory_space<vmem_shared>> -> memref<10240xf32, #tpu.memory_space<vmem_shared>>
      tpu.enqueue_indirect_dma source(%dma_start3A_74 : memref<128xf32, #tpu.memory_space<vmem>>) target(%dma_start3A_79 : memref<10240xf32, #tpu.memory_space<vmem_shared>>) offsets(%dma_start3A_77 : memref<128xi32, #tpu.memory_space<vmem>>) semaphore(%arg16 : memref<!tpu.dma_semaphore, #tpu.memory_space<semaphore_mem>>) {add = true}
      %scan3A_80 = arith.constant 0 : i32
      scf.yield %scan3A_80 : i32
    }
    %scan3A_22 = arith.constant 80 : i32
    "tpu.region"() ({
      %run_scoped3A_71 = tpu.sem_alloc : memref<!tpu.dma_semaphore, #tpu.memory_space<semaphore_mem>>
      %dma_start3A = arith.constant 0 : i32
      %dma_start3A_72 = arith.constant 0 : i32
      %dma_start3A_73 = tpu.memref_slice %arg3[%add3A, %dma_start3A, %dma_start3A_72] : memref<32x80x128xi32, #tpu.memory_space<hbm>> -> memref<1x80x128xi32, #tpu.memory_space<hbm>>
      %dma_start3A_74 = tpu.memref_squeeze %dma_start3A_73 : memref<1x80x128xi32, #tpu.memory_space<hbm>> -> memref<80x128xi32, #tpu.memory_space<hbm>>
      %dma_start3A_75 = arith.constant 0 : i32
      %dma_start3A_76 = arith.constant 0 : i32
      %dma_start3A_77 = tpu.memref_slice %arg3[%add3A, %dma_start3A_75, %dma_start3A_76] : memref<32x80x128xi32, #tpu.memory_space<hbm>> -> memref<1x80x128xi32, #tpu.memory_space<hbm>>
      %dma_start3A_78 = tpu.memref_squeeze %dma_start3A_77 : memref<1x80x128xi32, #tpu.memory_space<hbm>> -> memref<80x128xi32, #tpu.memory_space<hbm>>
      tpu.enqueue_dma source(%dma_start3A_78 : memref<80x128xi32, #tpu.memory_space<hbm>>) target(%arg14 : memref<80x128xi32, #tpu.memory_space<vmem>>) target_semaphore(%run_scoped3A_71 : memref<!tpu.dma_semaphore, #tpu.memory_space<semaphore_mem>>)
      %dma_wait3A = arith.constant 0 : i32
      %dma_wait3A_79 = arith.constant 0 : i32
      %dma_wait3A_80 = tpu.memref_slice %arg3[%add3A, %dma_wait3A, %dma_wait3A_79] : memref<32x80x128xi32, #tpu.memory_space<hbm>> -> memref<1x80x128xi32, #tpu.memory_space<hbm>>
      %dma_wait3A_81 = tpu.memref_squeeze %dma_wait3A_80 : memref<1x80x128xi32, #tpu.memory_space<hbm>> -> memref<80x128xi32, #tpu.memory_space<hbm>>
      %dma_wait3A_82 = arith.constant 0 : i32
      %dma_wait3A_83 = arith.constant 0 : i32
      %dma_wait3A_84 = tpu.memref_slice %arg3[%add3A, %dma_wait3A_82, %dma_wait3A_83] : memref<32x80x128xi32, #tpu.memory_space<hbm>> -> memref<1x80x128xi32, #tpu.memory_space<hbm>>
      %dma_wait3A_85 = tpu.memref_squeeze %dma_wait3A_84 : memref<1x80x128xi32, #tpu.memory_space<hbm>> -> memref<80x128xi32, #tpu.memory_space<hbm>>
      tpu.wait_dma2 semaphore(%run_scoped3A_71 : memref<!tpu.dma_semaphore, #tpu.memory_space<semaphore_mem>>) src(%dma_wait3A_85 : memref<80x128xi32, #tpu.memory_space<hbm>>) dst(%arg14 : memref<80x128xi32, #tpu.memory_space<vmem>>)
      tpu.yield
    }) : () -> ()
    %scan3A_23 = arith.constant 0 : i32
    %scan3A_24 = arith.constant 0 : i32
    %scan3A_25 = arith.constant 80 : i32
    %scan3A_26 = arith.addi %scan3A_24, %scan3A_25 : i32
    %scan3A_27 = arith.constant 1 : i32
    %scan3A_28 = scf.for %scan3A_71 = %scan3A_24 to %scan3A_26 step %scan3A_27 iter_args(%scan3A_72 = %scan3A_23) -> (i32)  : i32 {
      %dma_start3A = arith.constant 0 : i32
      %dma_start3A_73 = tpu.memref_slice %arg15[%scan3A_71, %dma_start3A] : memref<80x128xf32, #tpu.memory_space<vmem>> -> memref<1x128xf32, #tpu.memory_space<vmem>>
      %dma_start3A_74 = tpu.memref_squeeze %dma_start3A_73 : memref<1x128xf32, #tpu.memory_space<vmem>> -> memref<128xf32, #tpu.memory_space<vmem>>
      %dma_start3A_75 = arith.constant 0 : i32
      %dma_start3A_76 = tpu.memref_slice %arg14[%scan3A_71, %dma_start3A_75] : memref<80x128xi32, #tpu.memory_space<vmem>> -> memref<1x128xi32, #tpu.memory_space<vmem>>
      %dma_start3A_77 = tpu.memref_squeeze %dma_start3A_76 : memref<1x128xi32, #tpu.memory_space<vmem>> -> memref<128xi32, #tpu.memory_space<vmem>>
      %dma_start3A_78 = arith.constant 0 : i32
      %dma_start3A_79 = tpu.memref_slice %arg10[%dma_start3A_78] : memref<10240xf32, #tpu.memory_space<vmem_shared>> -> memref<10240xf32, #tpu.memory_space<vmem_shared>>
      tpu.enqueue_indirect_dma source(%dma_start3A_74 : memref<128xf32, #tpu.memory_space<vmem>>) target(%dma_start3A_79 : memref<10240xf32, #tpu.memory_space<vmem_shared>>) offsets(%dma_start3A_77 : memref<128xi32, #tpu.memory_space<vmem>>) semaphore(%arg16 : memref<!tpu.dma_semaphore, #tpu.memory_space<semaphore_mem>>) {add = true}
      %scan3A_80 = arith.constant 0 : i32
      scf.yield %scan3A_80 : i32
    }
    %scan3A_29 = arith.constant 80 : i32
    "tpu.region"() ({
      %run_scoped3A_71 = tpu.sem_alloc : memref<!tpu.dma_semaphore, #tpu.memory_space<semaphore_mem>>
      %dma_start3A = arith.constant 0 : i32
      %dma_start3A_72 = arith.constant 0 : i32
      %dma_start3A_73 = tpu.memref_slice %arg4[%add3A, %dma_start3A, %dma_start3A_72] : memref<32x80x128xi32, #tpu.memory_space<hbm>> -> memref<1x80x128xi32, #tpu.memory_space<hbm>>
      %dma_start3A_74 = tpu.memref_squeeze %dma_start3A_73 : memref<1x80x128xi32, #tpu.memory_space<hbm>> -> memref<80x128xi32, #tpu.memory_space<hbm>>
      %dma_start3A_75 = arith.constant 0 : i32
      %dma_start3A_76 = arith.constant 0 : i32
      %dma_start3A_77 = tpu.memref_slice %arg4[%add3A, %dma_start3A_75, %dma_start3A_76] : memref<32x80x128xi32, #tpu.memory_space<hbm>> -> memref<1x80x128xi32, #tpu.memory_space<hbm>>
      %dma_start3A_78 = tpu.memref_squeeze %dma_start3A_77 : memref<1x80x128xi32, #tpu.memory_space<hbm>> -> memref<80x128xi32, #tpu.memory_space<hbm>>
      tpu.enqueue_dma source(%dma_start3A_78 : memref<80x128xi32, #tpu.memory_space<hbm>>) target(%arg13 : memref<80x128xi32, #tpu.memory_space<vmem>>) target_semaphore(%run_scoped3A_71 : memref<!tpu.dma_semaphore, #tpu.memory_space<semaphore_mem>>)
      %dma_wait3A = arith.constant 0 : i32
      %dma_wait3A_79 = arith.constant 0 : i32
      %dma_wait3A_80 = tpu.memref_slice %arg4[%add3A, %dma_wait3A, %dma_wait3A_79] : memref<32x80x128xi32, #tpu.memory_space<hbm>> -> memref<1x80x128xi32, #tpu.memory_space<hbm>>
      %dma_wait3A_81 = tpu.memref_squeeze %dma_wait3A_80 : memref<1x80x128xi32, #tpu.memory_space<hbm>> -> memref<80x128xi32, #tpu.memory_space<hbm>>
      %dma_wait3A_82 = arith.constant 0 : i32
      %dma_wait3A_83 = arith.constant 0 : i32
      %dma_wait3A_84 = tpu.memref_slice %arg4[%add3A, %dma_wait3A_82, %dma_wait3A_83] : memref<32x80x128xi32, #tpu.memory_space<hbm>> -> memref<1x80x128xi32, #tpu.memory_space<hbm>>
      %dma_wait3A_85 = tpu.memref_squeeze %dma_wait3A_84 : memref<1x80x128xi32, #tpu.memory_space<hbm>> -> memref<80x128xi32, #tpu.memory_space<hbm>>
      tpu.wait_dma2 semaphore(%run_scoped3A_71 : memref<!tpu.dma_semaphore, #tpu.memory_space<semaphore_mem>>) src(%dma_wait3A_85 : memref<80x128xi32, #tpu.memory_space<hbm>>) dst(%arg13 : memref<80x128xi32, #tpu.memory_space<vmem>>)
      tpu.yield
    }) : () -> ()
    %scan3A_30 = arith.constant 0 : i32
    %scan3A_31 = arith.constant 0 : i32
    %scan3A_32 = arith.constant 80 : i32
    %scan3A_33 = arith.addi %scan3A_31, %scan3A_32 : i32
    %scan3A_34 = arith.constant 1 : i32
    %scan3A_35 = scf.for %scan3A_71 = %scan3A_31 to %scan3A_33 step %scan3A_34 iter_args(%scan3A_72 = %scan3A_30) -> (i32)  : i32 {
      %dma_start3A = arith.constant 0 : i32
      %dma_start3A_73 = tpu.memref_slice %arg15[%scan3A_71, %dma_start3A] : memref<80x128xf32, #tpu.memory_space<vmem>> -> memref<1x128xf32, #tpu.memory_space<vmem>>
      %dma_start3A_74 = tpu.memref_squeeze %dma_start3A_73 : memref<1x128xf32, #tpu.memory_space<vmem>> -> memref<128xf32, #tpu.memory_space<vmem>>
      %dma_start3A_75 = arith.constant 0 : i32
      %dma_start3A_76 = tpu.memref_slice %arg13[%scan3A_71, %dma_start3A_75] : memref<80x128xi32, #tpu.memory_space<vmem>> -> memref<1x128xi32, #tpu.memory_space<vmem>>
      %dma_start3A_77 = tpu.memref_squeeze %dma_start3A_76 : memref<1x128xi32, #tpu.memory_space<vmem>> -> memref<128xi32, #tpu.memory_space<vmem>>
      %dma_start3A_78 = arith.constant 0 : i32
      %dma_start3A_79 = tpu.memref_slice %arg11[%dma_start3A_78] : memref<10240xf32, #tpu.memory_space<vmem_shared>> -> memref<10240xf32, #tpu.memory_space<vmem_shared>>
      tpu.enqueue_indirect_dma source(%dma_start3A_74 : memref<128xf32, #tpu.memory_space<vmem>>) target(%dma_start3A_79 : memref<10240xf32, #tpu.memory_space<vmem_shared>>) offsets(%dma_start3A_77 : memref<128xi32, #tpu.memory_space<vmem>>) semaphore(%arg16 : memref<!tpu.dma_semaphore, #tpu.memory_space<semaphore_mem>>) {add = true}
      %scan3A_80 = arith.constant 0 : i32
      scf.yield %scan3A_80 : i32
    }
    %scan3A_36 = arith.constant 80 : i32
    "tpu.region"() ({
      %run_scoped3A_71 = tpu.sem_alloc : memref<!tpu.dma_semaphore, #tpu.memory_space<semaphore_mem>>
      %dma_start3A = arith.constant 0 : i32
      %dma_start3A_72 = arith.constant 0 : i32
      %dma_start3A_73 = tpu.memref_slice %arg5[%add3A, %dma_start3A, %dma_start3A_72] : memref<32x80x128xi32, #tpu.memory_space<hbm>> -> memref<1x80x128xi32, #tpu.memory_space<hbm>>
      %dma_start3A_74 = tpu.memref_squeeze %dma_start3A_73 : memref<1x80x128xi32, #tpu.memory_space<hbm>> -> memref<80x128xi32, #tpu.memory_space<hbm>>
      %dma_start3A_75 = arith.constant 0 : i32
      %dma_start3A_76 = arith.constant 0 : i32
      %dma_start3A_77 = tpu.memref_slice %arg5[%add3A, %dma_start3A_75, %dma_start3A_76] : memref<32x80x128xi32, #tpu.memory_space<hbm>> -> memref<1x80x128xi32, #tpu.memory_space<hbm>>
      %dma_start3A_78 = tpu.memref_squeeze %dma_start3A_77 : memref<1x80x128xi32, #tpu.memory_space<hbm>> -> memref<80x128xi32, #tpu.memory_space<hbm>>
      tpu.enqueue_dma source(%dma_start3A_78 : memref<80x128xi32, #tpu.memory_space<hbm>>) target(%arg14 : memref<80x128xi32, #tpu.memory_space<vmem>>) target_semaphore(%run_scoped3A_71 : memref<!tpu.dma_semaphore, #tpu.memory_space<semaphore_mem>>)
      %dma_wait3A = arith.constant 0 : i32
      %dma_wait3A_79 = arith.constant 0 : i32
      %dma_wait3A_80 = tpu.memref_slice %arg5[%add3A, %dma_wait3A, %dma_wait3A_79] : memref<32x80x128xi32, #tpu.memory_space<hbm>> -> memref<1x80x128xi32, #tpu.memory_space<hbm>>
      %dma_wait3A_81 = tpu.memref_squeeze %dma_wait3A_80 : memref<1x80x128xi32, #tpu.memory_space<hbm>> -> memref<80x128xi32, #tpu.memory_space<hbm>>
      %dma_wait3A_82 = arith.constant 0 : i32
      %dma_wait3A_83 = arith.constant 0 : i32
      %dma_wait3A_84 = tpu.memref_slice %arg5[%add3A, %dma_wait3A_82, %dma_wait3A_83] : memref<32x80x128xi32, #tpu.memory_space<hbm>> -> memref<1x80x128xi32, #tpu.memory_space<hbm>>
      %dma_wait3A_85 = tpu.memref_squeeze %dma_wait3A_84 : memref<1x80x128xi32, #tpu.memory_space<hbm>> -> memref<80x128xi32, #tpu.memory_space<hbm>>
      tpu.wait_dma2 semaphore(%run_scoped3A_71 : memref<!tpu.dma_semaphore, #tpu.memory_space<semaphore_mem>>) src(%dma_wait3A_85 : memref<80x128xi32, #tpu.memory_space<hbm>>) dst(%arg14 : memref<80x128xi32, #tpu.memory_space<vmem>>)
      tpu.yield
    }) : () -> ()
    %scan3A_37 = arith.constant 0 : i32
    %scan3A_38 = arith.constant 0 : i32
    %scan3A_39 = arith.constant 80 : i32
    %scan3A_40 = arith.addi %scan3A_38, %scan3A_39 : i32
    %scan3A_41 = arith.constant 1 : i32
    %scan3A_42 = scf.for %scan3A_71 = %scan3A_38 to %scan3A_40 step %scan3A_41 iter_args(%scan3A_72 = %scan3A_37) -> (i32)  : i32 {
      %dma_start3A = arith.constant 0 : i32
      %dma_start3A_73 = tpu.memref_slice %arg15[%scan3A_71, %dma_start3A] : memref<80x128xf32, #tpu.memory_space<vmem>> -> memref<1x128xf32, #tpu.memory_space<vmem>>
      %dma_start3A_74 = tpu.memref_squeeze %dma_start3A_73 : memref<1x128xf32, #tpu.memory_space<vmem>> -> memref<128xf32, #tpu.memory_space<vmem>>
      %dma_start3A_75 = arith.constant 0 : i32
      %dma_start3A_76 = tpu.memref_slice %arg14[%scan3A_71, %dma_start3A_75] : memref<80x128xi32, #tpu.memory_space<vmem>> -> memref<1x128xi32, #tpu.memory_space<vmem>>
      %dma_start3A_77 = tpu.memref_squeeze %dma_start3A_76 : memref<1x128xi32, #tpu.memory_space<vmem>> -> memref<128xi32, #tpu.memory_space<vmem>>
      %dma_start3A_78 = arith.constant 0 : i32
      %dma_start3A_79 = tpu.memref_slice %arg12[%dma_start3A_78] : memref<10240xf32, #tpu.memory_space<vmem_shared>> -> memref<10240xf32, #tpu.memory_space<vmem_shared>>
      tpu.enqueue_indirect_dma source(%dma_start3A_74 : memref<128xf32, #tpu.memory_space<vmem>>) target(%dma_start3A_79 : memref<10240xf32, #tpu.memory_space<vmem_shared>>) offsets(%dma_start3A_77 : memref<128xi32, #tpu.memory_space<vmem>>) semaphore(%arg16 : memref<!tpu.dma_semaphore, #tpu.memory_space<semaphore_mem>>) {add = true}
      %scan3A_80 = arith.constant 0 : i32
      scf.yield %scan3A_80 : i32
    }
    %scan3A_43 = arith.constant 80 : i32
    %scan3A_44 = arith.constant 0 : i32
    %scan3A_45 = arith.constant 0 : i32
    %scan3A_46 = arith.constant 320 : i32
    %scan3A_47 = arith.addi %scan3A_45, %scan3A_46 : i32
    %scan3A_48 = arith.constant 1 : i32
    %scan3A_49 = scf.for %scan3A_71 = %scan3A_45 to %scan3A_47 step %scan3A_48 iter_args(%scan3A_72 = %scan3A_44) -> (i32)  : i32 {
      %dma_wait3A = arith.constant 0 : i32
      %dma_wait3A_73 = arith.constant 0 : i32
      %dma_wait3A_74 = arith.constant 0 : i32
      %dma_wait3A_75 = tpu.memref_slice %arg15[%dma_wait3A, %dma_wait3A_74] : memref<80x128xf32, #tpu.memory_space<vmem>> -> memref<1x128xf32, #tpu.memory_space<vmem>>
      %dma_wait3A_76 = tpu.memref_squeeze %dma_wait3A_75 : memref<1x128xf32, #tpu.memory_space<vmem>> -> memref<128xf32, #tpu.memory_space<vmem>>
      %dma_wait3A_77 = arith.constant 0 : i32
      %dma_wait3A_78 = tpu.memref_slice %arg13[%dma_wait3A_73, %dma_wait3A_77] : memref<80x128xi32, #tpu.memory_space<vmem>> -> memref<1x128xi32, #tpu.memory_space<vmem>>
      %dma_wait3A_79 = tpu.memref_squeeze %dma_wait3A_78 : memref<1x128xi32, #tpu.memory_space<vmem>> -> memref<128xi32, #tpu.memory_space<vmem>>
      %dma_wait3A_80 = arith.constant 0 : i32
      %dma_wait3A_81 = tpu.memref_slice %arg9[%dma_wait3A_80] : memref<10240xf32, #tpu.memory_space<vmem_shared>> -> memref<10240xf32, #tpu.memory_space<vmem_shared>>
      tpu.wait_indirect_dma semaphore(%arg16 : memref<!tpu.dma_semaphore, #tpu.memory_space<semaphore_mem>>) src(%dma_wait3A_76 : memref<128xf32, #tpu.memory_space<vmem>>) dst(%dma_wait3A_81 : memref<10240xf32, #tpu.memory_space<vmem_shared>>)
      %scan3A_82 = arith.constant 0 : i32
      scf.yield %scan3A_82 : i32
    }
    %scan3A_50 = arith.constant 320 : i32
    %barrier3A_51 = arith.constant 0 : index
    tpu.barrier barrier_id(%barrier3A_51)
    %mul3A_52 = arith.constant 640 : i32
    %mul3A_53 = arith.muli %arg1, %mul3A_52 : i32
    %mul3A_54 = arith.constant 640 : i32
    %mul3A_55 = arith.muli %arg1, %mul3A_54 : i32
    %run_scoped3A = arith.constant 0 : i32
    "tpu.region"() ({
      %run_scoped3A_71 = tpu.sem_alloc : memref<!tpu.dma_semaphore, #tpu.memory_space<semaphore_mem>>
      %dma_start3A = tpu.memref_slice %arg8[%arg0, %run_scoped3A, %mul3A_55] : memref<2x4x10240xf32, #tpu.memory_space<hbm>> -> memref<1x1x640xf32, #tpu.memory_space<hbm>>
      %dma_start3A_72 = tpu.memref_squeeze %dma_start3A : memref<1x1x640xf32, #tpu.memory_space<hbm>> -> memref<640xf32, #tpu.memory_space<hbm>>
      %dma_start3A_73 = tpu.memref_slice %arg9[%mul3A_53] : memref<10240xf32, #tpu.memory_space<vmem_shared>> -> memref<640xf32, #tpu.memory_space<vmem_shared>>
      tpu.enqueue_dma source(%dma_start3A_73 : memref<640xf32, #tpu.memory_space<vmem_shared>>) target(%dma_start3A_72 : memref<640xf32, #tpu.memory_space<hbm>>) target_semaphore(%run_scoped3A_71 : memref<!tpu.dma_semaphore, #tpu.memory_space<semaphore_mem>>)
      %dma_wait3A = tpu.memref_slice %arg8[%arg0, %run_scoped3A, %mul3A_55] : memref<2x4x10240xf32, #tpu.memory_space<hbm>> -> memref<1x1x640xf32, #tpu.memory_space<hbm>>
      %dma_wait3A_74 = tpu.memref_squeeze %dma_wait3A : memref<1x1x640xf32, #tpu.memory_space<hbm>> -> memref<640xf32, #tpu.memory_space<hbm>>
      %dma_wait3A_75 = tpu.memref_slice %arg9[%mul3A_53] : memref<10240xf32, #tpu.memory_space<vmem_shared>> -> memref<640xf32, #tpu.memory_space<vmem_shared>>
      tpu.wait_dma2 semaphore(%run_scoped3A_71 : memref<!tpu.dma_semaphore, #tpu.memory_space<semaphore_mem>>) src(%dma_wait3A_75 : memref<640xf32, #tpu.memory_space<vmem_shared>>) dst(%dma_wait3A_74 : memref<640xf32, #tpu.memory_space<hbm>>)
      tpu.yield
    }) : () -> ()
    %mul3A_56 = arith.constant 640 : i32
    %mul3A_57 = arith.muli %arg1, %mul3A_56 : i32
    %mul3A_58 = arith.constant 640 : i32
    %mul3A_59 = arith.muli %arg1, %mul3A_58 : i32
    %run_scoped3A_60 = arith.constant 1 : i32
    "tpu.region"() ({
      %run_scoped3A_71 = tpu.sem_alloc : memref<!tpu.dma_semaphore, #tpu.memory_space<semaphore_mem>>
      %dma_start3A = tpu.memref_slice %arg8[%arg0, %run_scoped3A_60, %mul3A_59] : memref<2x4x10240xf32, #tpu.memory_space<hbm>> -> memref<1x1x640xf32, #tpu.memory_space<hbm>>
      %dma_start3A_72 = tpu.memref_squeeze %dma_start3A : memref<1x1x640xf32, #tpu.memory_space<hbm>> -> memref<640xf32, #tpu.memory_space<hbm>>
      %dma_start3A_73 = tpu.memref_slice %arg10[%mul3A_57] : memref<10240xf32, #tpu.memory_space<vmem_shared>> -> memref<640xf32, #tpu.memory_space<vmem_shared>>
      tpu.enqueue_dma source(%dma_start3A_73 : memref<640xf32, #tpu.memory_space<vmem_shared>>) target(%dma_start3A_72 : memref<640xf32, #tpu.memory_space<hbm>>) target_semaphore(%run_scoped3A_71 : memref<!tpu.dma_semaphore, #tpu.memory_space<semaphore_mem>>)
      %dma_wait3A = tpu.memref_slice %arg8[%arg0, %run_scoped3A_60, %mul3A_59] : memref<2x4x10240xf32, #tpu.memory_space<hbm>> -> memref<1x1x640xf32, #tpu.memory_space<hbm>>
      %dma_wait3A_74 = tpu.memref_squeeze %dma_wait3A : memref<1x1x640xf32, #tpu.memory_space<hbm>> -> memref<640xf32, #tpu.memory_space<hbm>>
      %dma_wait3A_75 = tpu.memref_slice %arg10[%mul3A_57] : memref<10240xf32, #tpu.memory_space<vmem_shared>> -> memref<640xf32, #tpu.memory_space<vmem_shared>>
      tpu.wait_dma2 semaphore(%run_scoped3A_71 : memref<!tpu.dma_semaphore, #tpu.memory_space<semaphore_mem>>) src(%dma_wait3A_75 : memref<640xf32, #tpu.memory_space<vmem_shared>>) dst(%dma_wait3A_74 : memref<640xf32, #tpu.memory_space<hbm>>)
      tpu.yield
    }) : () -> ()
    %mul3A_61 = arith.constant 640 : i32
    %mul3A_62 = arith.muli %arg1, %mul3A_61 : i32
    %mul3A_63 = arith.constant 640 : i32
    %mul3A_64 = arith.muli %arg1, %mul3A_63 : i32
    %run_scoped3A_65 = arith.constant 2 : i32
    "tpu.region"() ({
      %run_scoped3A_71 = tpu.sem_alloc : memref<!tpu.dma_semaphore, #tpu.memory_space<semaphore_mem>>
      %dma_start3A = tpu.memref_slice %arg8[%arg0, %run_scoped3A_65, %mul3A_64] : memref<2x4x10240xf32, #tpu.memory_space<hbm>> -> memref<1x1x640xf32, #tpu.memory_space<hbm>>
      %dma_start3A_72 = tpu.memref_squeeze %dma_start3A : memref<1x1x640xf32, #tpu.memory_space<hbm>> -> memref<640xf32, #tpu.memory_space<hbm>>
      %dma_start3A_73 = tpu.memref_slice %arg11[%mul3A_62] : memref<10240xf32, #tpu.memory_space<vmem_shared>> -> memref<640xf32, #tpu.memory_space<vmem_shared>>
      tpu.enqueue_dma source(%dma_start3A_73 : memref<640xf32, #tpu.memory_space<vmem_shared>>) target(%dma_start3A_72 : memref<640xf32, #tpu.memory_space<hbm>>) target_semaphore(%run_scoped3A_71 : memref<!tpu.dma_semaphore, #tpu.memory_space<semaphore_mem>>)
      %dma_wait3A = tpu.memref_slice %arg8[%arg0, %run_scoped3A_65, %mul3A_64] : memref<2x4x10240xf32, #tpu.memory_space<hbm>> -> memref<1x1x640xf32, #tpu.memory_space<hbm>>
      %dma_wait3A_74 = tpu.memref_squeeze %dma_wait3A : memref<1x1x640xf32, #tpu.memory_space<hbm>> -> memref<640xf32, #tpu.memory_space<hbm>>
      %dma_wait3A_75 = tpu.memref_slice %arg11[%mul3A_62] : memref<10240xf32, #tpu.memory_space<vmem_shared>> -> memref<640xf32, #tpu.memory_space<vmem_shared>>
      tpu.wait_dma2 semaphore(%run_scoped3A_71 : memref<!tpu.dma_semaphore, #tpu.memory_space<semaphore_mem>>) src(%dma_wait3A_75 : memref<640xf32, #tpu.memory_space<vmem_shared>>) dst(%dma_wait3A_74 : memref<640xf32, #tpu.memory_space<hbm>>)
      tpu.yield
    }) : () -> ()
    %mul3A_66 = arith.constant 640 : i32
    %mul3A_67 = arith.muli %arg1, %mul3A_66 : i32
    %mul3A_68 = arith.constant 640 : i32
    %mul3A_69 = arith.muli %arg1, %mul3A_68 : i32
    %run_scoped3A_70 = arith.constant 3 : i32
    "tpu.region"() ({
      %run_scoped3A_71 = tpu.sem_alloc : memref<!tpu.dma_semaphore, #tpu.memory_space<semaphore_mem>>
      %dma_start3A = tpu.memref_slice %arg8[%arg0, %run_scoped3A_70, %mul3A_69] : memref<2x4x10240xf32, #tpu.memory_space<hbm>> -> memref<1x1x640xf32, #tpu.memory_space<hbm>>
      %dma_start3A_72 = tpu.memref_squeeze %dma_start3A : memref<1x1x640xf32, #tpu.memory_space<hbm>> -> memref<640xf32, #tpu.memory_space<hbm>>
      %dma_start3A_73 = tpu.memref_slice %arg12[%mul3A_67] : memref<10240xf32, #tpu.memory_space<vmem_shared>> -> memref<640xf32, #tpu.memory_space<vmem_shared>>
      tpu.enqueue_dma source(%dma_start3A_73 : memref<640xf32, #tpu.memory_space<vmem_shared>>) target(%dma_start3A_72 : memref<640xf32, #tpu.memory_space<hbm>>) target_semaphore(%run_scoped3A_71 : memref<!tpu.dma_semaphore, #tpu.memory_space<semaphore_mem>>)
      %dma_wait3A = tpu.memref_slice %arg8[%arg0, %run_scoped3A_70, %mul3A_69] : memref<2x4x10240xf32, #tpu.memory_space<hbm>> -> memref<1x1x640xf32, #tpu.memory_space<hbm>>
      %dma_wait3A_74 = tpu.memref_squeeze %dma_wait3A : memref<1x1x640xf32, #tpu.memory_space<hbm>> -> memref<640xf32, #tpu.memory_space<hbm>>
      %dma_wait3A_75 = tpu.memref_slice %arg12[%mul3A_67] : memref<10240xf32, #tpu.memory_space<vmem_shared>> -> memref<640xf32, #tpu.memory_space<vmem_shared>>
      tpu.wait_dma2 semaphore(%run_scoped3A_71 : memref<!tpu.dma_semaphore, #tpu.memory_space<semaphore_mem>>) src(%dma_wait3A_75 : memref<640xf32, #tpu.memory_space<vmem_shared>>) dst(%dma_wait3A_74 : memref<640xf32, #tpu.memory_space<hbm>>)
      tpu.yield
    }) : () -> ()
    return
  }
}

#map = affine_map<(d0, d1) -> (0, 0)>
#map1 = affine_map<(d0, d1) -> (0, 0, 0)>
module attributes {stable_mosaic.version = 14 : i64} {
  func.func @_score_kernel(%arg0: i32, %arg1: i32, %arg2: memref<10240x128xf32, #tpu.memory_space<hbm>>, %arg3: memref<32x26x128xi32, #tpu.memory_space<hbm>>, %arg4: memref<32x26x128xi32, #tpu.memory_space<hbm>>, %arg5: memref<32x53248xf32, #tpu.memory_space<hbm>>, %arg6: memref<10240x128xf32, #tpu.memory_space<vmem_shared>>, %arg7: memref<26x128xi32, #tpu.memory_space<vmem>>, %arg8: memref<26x128xi32, #tpu.memory_space<vmem>>, %arg9: memref<64x128xf32, #tpu.memory_space<vmem>>, %arg10: memref<64x128xf32, #tpu.memory_space<vmem>>, %arg11: memref<64x128xf32, #tpu.memory_space<vmem>>, %arg12: memref<64x128xf32, #tpu.memory_space<vmem>>, %arg13: memref<1024xf32, #tpu.memory_space<vmem>>, %arg14: memref<1024xf32, #tpu.memory_space<vmem>>, %arg15: memref<!tpu.dma_semaphore, #tpu.memory_space<semaphore_mem>>, %arg16: memref<!tpu.dma_semaphore, #tpu.memory_space<semaphore_mem>>, %arg17: memref<!tpu.dma_semaphore, #tpu.memory_space<semaphore_mem>>, %arg18: memref<!tpu.dma_semaphore, #tpu.memory_space<semaphore_mem>>, %arg19: memref<!tpu.dma_semaphore, #tpu.memory_space<semaphore_mem>>) attributes {dimension_semantics = [#tpu.dimension_semantics<core_parallel>, #tpu.dimension_semantics<subcore_parallel>], iteration_bounds = array<i64: 2, 16>, scalar_prefetch = 0 : i64, scratch_operands = 14 : i64, tpu.core_type = #tpu.core_type<sc_vector_subcore>, window_params = [{transform_indices = #map}, {transform_indices = #map1}, {transform_indices = #map1}, {transform_indices = #map}]} {
    %mul3A = arith.constant 2 : i32
    %mul3A_0 = arith.muli %arg1, %mul3A : i32
    %add3A = arith.addi %mul3A_0, %arg0 : i32
    %mul3A_1 = arith.constant 640 : i32
    %mul3A_2 = arith.muli %arg1, %mul3A_1 : i32
    %mul3A_3 = arith.constant 640 : i32
    %mul3A_4 = arith.muli %arg1, %mul3A_3 : i32
    "tpu.region"() ({
      %run_scoped3A = tpu.sem_alloc : memref<!tpu.dma_semaphore, #tpu.memory_space<semaphore_mem>>
      %dma_start3A = arith.constant 0 : i32
      %dma_start3A_22 = tpu.memref_slice %arg6[%mul3A_4, %dma_start3A] : memref<10240x128xf32, #tpu.memory_space<vmem_shared>> -> memref<640x128xf32, #tpu.memory_space<vmem_shared>>
      %dma_start3A_23 = arith.constant 0 : i32
      %dma_start3A_24 = tpu.memref_slice %arg2[%mul3A_2, %dma_start3A_23] : memref<10240x128xf32, #tpu.memory_space<hbm>> -> memref<640x128xf32, #tpu.memory_space<hbm>>
      tpu.enqueue_dma source(%dma_start3A_24 : memref<640x128xf32, #tpu.memory_space<hbm>>) target(%dma_start3A_22 : memref<640x128xf32, #tpu.memory_space<vmem_shared>>) target_semaphore(%run_scoped3A : memref<!tpu.dma_semaphore, #tpu.memory_space<semaphore_mem>>)
      %dma_wait3A_25 = arith.constant 0 : i32
      %dma_wait3A_26 = tpu.memref_slice %arg6[%mul3A_4, %dma_wait3A_25] : memref<10240x128xf32, #tpu.memory_space<vmem_shared>> -> memref<640x128xf32, #tpu.memory_space<vmem_shared>>
      %dma_wait3A_27 = arith.constant 0 : i32
      %dma_wait3A_28 = tpu.memref_slice %arg2[%mul3A_2, %dma_wait3A_27] : memref<10240x128xf32, #tpu.memory_space<hbm>> -> memref<640x128xf32, #tpu.memory_space<hbm>>
      tpu.wait_dma2 semaphore(%run_scoped3A : memref<!tpu.dma_semaphore, #tpu.memory_space<semaphore_mem>>) src(%dma_wait3A_28 : memref<640x128xf32, #tpu.memory_space<hbm>>) dst(%dma_wait3A_26 : memref<640x128xf32, #tpu.memory_space<vmem_shared>>)
      tpu.yield
    }) : () -> ()
    "tpu.region"() ({
      %run_scoped3A = tpu.sem_alloc : memref<!tpu.dma_semaphore, #tpu.memory_space<semaphore_mem>>
      %dma_start3A = arith.constant 0 : i32
      %dma_start3A_22 = arith.constant 0 : i32
      %dma_start3A_23 = tpu.memref_slice %arg3[%add3A, %dma_start3A, %dma_start3A_22] : memref<32x26x128xi32, #tpu.memory_space<hbm>> -> memref<1x26x128xi32, #tpu.memory_space<hbm>>
      %dma_start3A_24 = tpu.memref_squeeze %dma_start3A_23 : memref<1x26x128xi32, #tpu.memory_space<hbm>> -> memref<26x128xi32, #tpu.memory_space<hbm>>
      %dma_start3A_25 = arith.constant 0 : i32
      %dma_start3A_26 = arith.constant 0 : i32
      %dma_start3A_27 = tpu.memref_slice %arg3[%add3A, %dma_start3A_25, %dma_start3A_26] : memref<32x26x128xi32, #tpu.memory_space<hbm>> -> memref<1x26x128xi32, #tpu.memory_space<hbm>>
      %dma_start3A_28 = tpu.memref_squeeze %dma_start3A_27 : memref<1x26x128xi32, #tpu.memory_space<hbm>> -> memref<26x128xi32, #tpu.memory_space<hbm>>
      tpu.enqueue_dma source(%dma_start3A_28 : memref<26x128xi32, #tpu.memory_space<hbm>>) target(%arg7 : memref<26x128xi32, #tpu.memory_space<vmem>>) target_semaphore(%run_scoped3A : memref<!tpu.dma_semaphore, #tpu.memory_space<semaphore_mem>>)
      %dma_wait3A_29 = arith.constant 0 : i32
      %dma_wait3A_30 = arith.constant 0 : i32
      %dma_wait3A_31 = tpu.memref_slice %arg3[%add3A, %dma_wait3A_29, %dma_wait3A_30] : memref<32x26x128xi32, #tpu.memory_space<hbm>> -> memref<1x26x128xi32, #tpu.memory_space<hbm>>
      %dma_wait3A_32 = tpu.memref_squeeze %dma_wait3A_31 : memref<1x26x128xi32, #tpu.memory_space<hbm>> -> memref<26x128xi32, #tpu.memory_space<hbm>>
      %dma_wait3A_33 = arith.constant 0 : i32
      %dma_wait3A_34 = arith.constant 0 : i32
      %dma_wait3A_35 = tpu.memref_slice %arg3[%add3A, %dma_wait3A_33, %dma_wait3A_34] : memref<32x26x128xi32, #tpu.memory_space<hbm>> -> memref<1x26x128xi32, #tpu.memory_space<hbm>>
      %dma_wait3A_36 = tpu.memref_squeeze %dma_wait3A_35 : memref<1x26x128xi32, #tpu.memory_space<hbm>> -> memref<26x128xi32, #tpu.memory_space<hbm>>
      tpu.wait_dma2 semaphore(%run_scoped3A : memref<!tpu.dma_semaphore, #tpu.memory_space<semaphore_mem>>) src(%dma_wait3A_36 : memref<26x128xi32, #tpu.memory_space<hbm>>) dst(%arg7 : memref<26x128xi32, #tpu.memory_space<vmem>>)
      tpu.yield
    }) : () -> ()
    "tpu.region"() ({
      %run_scoped3A = tpu.sem_alloc : memref<!tpu.dma_semaphore, #tpu.memory_space<semaphore_mem>>
      %dma_start3A = arith.constant 0 : i32
      %dma_start3A_22 = arith.constant 0 : i32
      %dma_start3A_23 = tpu.memref_slice %arg4[%add3A, %dma_start3A, %dma_start3A_22] : memref<32x26x128xi32, #tpu.memory_space<hbm>> -> memref<1x26x128xi32, #tpu.memory_space<hbm>>
      %dma_start3A_24 = tpu.memref_squeeze %dma_start3A_23 : memref<1x26x128xi32, #tpu.memory_space<hbm>> -> memref<26x128xi32, #tpu.memory_space<hbm>>
      %dma_start3A_25 = arith.constant 0 : i32
      %dma_start3A_26 = arith.constant 0 : i32
      %dma_start3A_27 = tpu.memref_slice %arg4[%add3A, %dma_start3A_25, %dma_start3A_26] : memref<32x26x128xi32, #tpu.memory_space<hbm>> -> memref<1x26x128xi32, #tpu.memory_space<hbm>>
      %dma_start3A_28 = tpu.memref_squeeze %dma_start3A_27 : memref<1x26x128xi32, #tpu.memory_space<hbm>> -> memref<26x128xi32, #tpu.memory_space<hbm>>
      tpu.enqueue_dma source(%dma_start3A_28 : memref<26x128xi32, #tpu.memory_space<hbm>>) target(%arg8 : memref<26x128xi32, #tpu.memory_space<vmem>>) target_semaphore(%run_scoped3A : memref<!tpu.dma_semaphore, #tpu.memory_space<semaphore_mem>>)
      %dma_wait3A_29 = arith.constant 0 : i32
      %dma_wait3A_30 = arith.constant 0 : i32
      %dma_wait3A_31 = tpu.memref_slice %arg4[%add3A, %dma_wait3A_29, %dma_wait3A_30] : memref<32x26x128xi32, #tpu.memory_space<hbm>> -> memref<1x26x128xi32, #tpu.memory_space<hbm>>
      %dma_wait3A_32 = tpu.memref_squeeze %dma_wait3A_31 : memref<1x26x128xi32, #tpu.memory_space<hbm>> -> memref<26x128xi32, #tpu.memory_space<hbm>>
      %dma_wait3A_33 = arith.constant 0 : i32
      %dma_wait3A_34 = arith.constant 0 : i32
      %dma_wait3A_35 = tpu.memref_slice %arg4[%add3A, %dma_wait3A_33, %dma_wait3A_34] : memref<32x26x128xi32, #tpu.memory_space<hbm>> -> memref<1x26x128xi32, #tpu.memory_space<hbm>>
      %dma_wait3A_36 = tpu.memref_squeeze %dma_wait3A_35 : memref<1x26x128xi32, #tpu.memory_space<hbm>> -> memref<26x128xi32, #tpu.memory_space<hbm>>
      tpu.wait_dma2 semaphore(%run_scoped3A : memref<!tpu.dma_semaphore, #tpu.memory_space<semaphore_mem>>) src(%dma_wait3A_36 : memref<26x128xi32, #tpu.memory_space<hbm>>) dst(%arg8 : memref<26x128xi32, #tpu.memory_space<vmem>>)
      tpu.yield
    }) : () -> ()
    %barrier3A = arith.constant 0 : index
    tpu.barrier barrier_id(%barrier3A)
    %scan3A = arith.constant 0 : i32
    %scan3A_5 = arith.constant 0 : i32
    %scan3A_6 = arith.constant 26 : i32
    %scan3A_7 = arith.addi %scan3A_5, %scan3A_6 : i32
    %scan3A_8 = arith.constant 1 : i32
    %scan3A_9 = scf.for %scan3A_22 = %scan3A_5 to %scan3A_7 step %scan3A_8 iter_args(%scan3A_23 = %scan3A) -> (i32)  : i32 {
      %dma_start3A = arith.constant 0 : i32
      %dma_start3A_24 = tpu.memref_slice %arg7[%scan3A_22, %dma_start3A] : memref<26x128xi32, #tpu.memory_space<vmem>> -> memref<1x64xi32, #tpu.memory_space<vmem>>
      %dma_start3A_25 = tpu.memref_squeeze %dma_start3A_24 : memref<1x64xi32, #tpu.memory_space<vmem>> -> memref<64xi32, #tpu.memory_space<vmem>>
      %dma_start3A_26 = arith.constant 0 : i32
      %dma_start3A_27 = arith.constant 0 : i32
      %dma_start3A_28 = tpu.memref_slice %arg6[%dma_start3A_26, %dma_start3A_27] : memref<10240x128xf32, #tpu.memory_space<vmem_shared>> -> memref<10240x128xf32, #tpu.memory_space<vmem_shared>>
      tpu.enqueue_indirect_dma source(%dma_start3A_28 : memref<10240x128xf32, #tpu.memory_space<vmem_shared>>) target(%arg9 : memref<64x128xf32, #tpu.memory_space<vmem>>) offsets(%dma_start3A_25 : memref<64xi32, #tpu.memory_space<vmem>>) semaphore(%arg15 : memref<!tpu.dma_semaphore, #tpu.memory_space<semaphore_mem>>)
      %dma_start3A_29 = arith.constant 0 : i32
      %dma_start3A_30 = tpu.memref_slice %arg8[%scan3A_22, %dma_start3A_29] : memref<26x128xi32, #tpu.memory_space<vmem>> -> memref<1x64xi32, #tpu.memory_space<vmem>>
      %dma_start3A_31 = tpu.memref_squeeze %dma_start3A_30 : memref<1x64xi32, #tpu.memory_space<vmem>> -> memref<64xi32, #tpu.memory_space<vmem>>
      %dma_start3A_32 = arith.constant 0 : i32
      %dma_start3A_33 = arith.constant 0 : i32
      %dma_start3A_34 = tpu.memref_slice %arg6[%dma_start3A_32, %dma_start3A_33] : memref<10240x128xf32, #tpu.memory_space<vmem_shared>> -> memref<10240x128xf32, #tpu.memory_space<vmem_shared>>
      tpu.enqueue_indirect_dma source(%dma_start3A_34 : memref<10240x128xf32, #tpu.memory_space<vmem_shared>>) target(%arg10 : memref<64x128xf32, #tpu.memory_space<vmem>>) offsets(%dma_start3A_31 : memref<64xi32, #tpu.memory_space<vmem>>) semaphore(%arg16 : memref<!tpu.dma_semaphore, #tpu.memory_space<semaphore_mem>>)
      %dma_start3A_35 = arith.constant 64 : i32
      %dma_start3A_36 = tpu.memref_slice %arg7[%scan3A_22, %dma_start3A_35] : memref<26x128xi32, #tpu.memory_space<vmem>> -> memref<1x64xi32, #tpu.memory_space<vmem>>
      %dma_start3A_37 = tpu.memref_squeeze %dma_start3A_36 : memref<1x64xi32, #tpu.memory_space<vmem>> -> memref<64xi32, #tpu.memory_space<vmem>>
      %dma_start3A_38 = arith.constant 0 : i32
      %dma_start3A_39 = arith.constant 0 : i32
      %dma_start3A_40 = tpu.memref_slice %arg6[%dma_start3A_38, %dma_start3A_39] : memref<10240x128xf32, #tpu.memory_space<vmem_shared>> -> memref<10240x128xf32, #tpu.memory_space<vmem_shared>>
      tpu.enqueue_indirect_dma source(%dma_start3A_40 : memref<10240x128xf32, #tpu.memory_space<vmem_shared>>) target(%arg11 : memref<64x128xf32, #tpu.memory_space<vmem>>) offsets(%dma_start3A_37 : memref<64xi32, #tpu.memory_space<vmem>>) semaphore(%arg17 : memref<!tpu.dma_semaphore, #tpu.memory_space<semaphore_mem>>)
      %dma_start3A_41 = arith.constant 64 : i32
      %dma_start3A_42 = tpu.memref_slice %arg8[%scan3A_22, %dma_start3A_41] : memref<26x128xi32, #tpu.memory_space<vmem>> -> memref<1x64xi32, #tpu.memory_space<vmem>>
      %dma_start3A_43 = tpu.memref_squeeze %dma_start3A_42 : memref<1x64xi32, #tpu.memory_space<vmem>> -> memref<64xi32, #tpu.memory_space<vmem>>
      %dma_start3A_44 = arith.constant 0 : i32
      %dma_start3A_45 = arith.constant 0 : i32
      %dma_start3A_46 = tpu.memref_slice %arg6[%dma_start3A_44, %dma_start3A_45] : memref<10240x128xf32, #tpu.memory_space<vmem_shared>> -> memref<10240x128xf32, #tpu.memory_space<vmem_shared>>
      tpu.enqueue_indirect_dma source(%dma_start3A_46 : memref<10240x128xf32, #tpu.memory_space<vmem_shared>>) target(%arg12 : memref<64x128xf32, #tpu.memory_space<vmem>>) offsets(%dma_start3A_43 : memref<64xi32, #tpu.memory_space<vmem>>) semaphore(%arg18 : memref<!tpu.dma_semaphore, #tpu.memory_space<semaphore_mem>>)
      %dma_wait3A_47 = arith.constant 0 : i32
      %dma_wait3A_48 = tpu.memref_slice %arg7[%scan3A_22, %dma_wait3A_47] : memref<26x128xi32, #tpu.memory_space<vmem>> -> memref<1x64xi32, #tpu.memory_space<vmem>>
      %dma_wait3A_49 = tpu.memref_squeeze %dma_wait3A_48 : memref<1x64xi32, #tpu.memory_space<vmem>> -> memref<64xi32, #tpu.memory_space<vmem>>
      %dma_wait3A_50 = arith.constant 0 : i32
      %dma_wait3A_51 = arith.constant 0 : i32
      %dma_wait3A_52 = tpu.memref_slice %arg6[%dma_wait3A_50, %dma_wait3A_51] : memref<10240x128xf32, #tpu.memory_space<vmem_shared>> -> memref<10240x128xf32, #tpu.memory_space<vmem_shared>>
      tpu.wait_indirect_dma semaphore(%arg15 : memref<!tpu.dma_semaphore, #tpu.memory_space<semaphore_mem>>) src(%dma_wait3A_52 : memref<10240x128xf32, #tpu.memory_space<vmem_shared>>) dst(%arg9 : memref<64x128xf32, #tpu.memory_space<vmem>>)
      %dma_wait3A_53 = arith.constant 0 : i32
      %dma_wait3A_54 = tpu.memref_slice %arg8[%scan3A_22, %dma_wait3A_53] : memref<26x128xi32, #tpu.memory_space<vmem>> -> memref<1x64xi32, #tpu.memory_space<vmem>>
      %dma_wait3A_55 = tpu.memref_squeeze %dma_wait3A_54 : memref<1x64xi32, #tpu.memory_space<vmem>> -> memref<64xi32, #tpu.memory_space<vmem>>
      %dma_wait3A_56 = arith.constant 0 : i32
      %dma_wait3A_57 = arith.constant 0 : i32
      %dma_wait3A_58 = tpu.memref_slice %arg6[%dma_wait3A_56, %dma_wait3A_57] : memref<10240x128xf32, #tpu.memory_space<vmem_shared>> -> memref<10240x128xf32, #tpu.memory_space<vmem_shared>>
      tpu.wait_indirect_dma semaphore(%arg16 : memref<!tpu.dma_semaphore, #tpu.memory_space<semaphore_mem>>) src(%dma_wait3A_58 : memref<10240x128xf32, #tpu.memory_space<vmem_shared>>) dst(%arg10 : memref<64x128xf32, #tpu.memory_space<vmem>>)
      %gt3A = arith.constant 0 : i32
      %gt3A_59 = arith.cmpi sgt, %scan3A_22, %gt3A : i32
      %convert_element_type3A = arith.extui %gt3A_59 : i1 to i32
      %cond3A = arith.constant 0 : i32
      %cond3A_60 = arith.cmpi ne, %convert_element_type3A, %cond3A : i32
      scf.if %cond3A_60 {
        %dma_wait3A_111 = arith.constant 0 : i32
        %dma_wait3A_112 = tpu.memref_slice %arg5[%add3A, %dma_wait3A_111] : memref<32x53248xf32, #tpu.memory_space<hbm>> -> memref<1x1024xf32, #tpu.memory_space<hbm>>
        %dma_wait3A_113 = tpu.memref_squeeze %dma_wait3A_112 : memref<1x1024xf32, #tpu.memory_space<hbm>> -> memref<1024xf32, #tpu.memory_space<hbm>>
        %dma_wait3A_114 = arith.constant 0 : i32
        %dma_wait3A_115 = tpu.memref_slice %arg5[%add3A, %dma_wait3A_114] : memref<32x53248xf32, #tpu.memory_space<hbm>> -> memref<1x1024xf32, #tpu.memory_space<hbm>>
        %dma_wait3A_116 = tpu.memref_squeeze %dma_wait3A_115 : memref<1x1024xf32, #tpu.memory_space<hbm>> -> memref<1024xf32, #tpu.memory_space<hbm>>
        tpu.wait_dma2 semaphore(%arg19 : memref<!tpu.dma_semaphore, #tpu.memory_space<semaphore_mem>>) src(%arg13 : memref<1024xf32, #tpu.memory_space<vmem>>) dst(%dma_wait3A_116 : memref<1024xf32, #tpu.memory_space<hbm>>)
      } else {
      }
      %scan3A_61 = arith.constant 0 : i32
      %scan3A_62 = arith.constant 0 : i32
      %scan3A_63 = arith.constant 8 : i32
      %scan3A_64 = arith.addi %scan3A_62, %scan3A_63 : i32
      %scan3A_65 = arith.constant 1 : i32
      %scan3A_66 = scf.for %scan3A_111 = %scan3A_62 to %scan3A_64 step %scan3A_65 iter_args(%scan3A_112 = %scan3A_61) -> (i32)  : i32 {
        %mul3A_113 = arith.constant 8 : i32
        %mul3A_114 = arith.muli %scan3A_111, %mul3A_113 : i32
        %add3A_115 = arith.constant 0 : i32
        %add3A_116 = arith.addi %mul3A_114, %add3A_115 : i32
        %get3A = arith.index_cast %add3A_116 : i32 to index
        %get3A_117 = arith.constant 0 : index
        %get3A_118 = tpu.vector_load %arg9[%get3A, %get3A_117] {strides = array<i32>} : memref<64x128xf32, #tpu.memory_space<vmem>>, vector<1x16xf32>,
        %get3A_119 = vector.shape_cast %get3A_118 : vector<1x16xf32> to vector<16xf32>
        %get3A_120 = arith.index_cast %add3A_116 : i32 to index
        %get3A_121 = arith.constant 0 : index
        %get3A_122 = tpu.vector_load %arg10[%get3A_120, %get3A_121] {strides = array<i32>} : memref<64x128xf32, #tpu.memory_space<vmem>>, vector<1x16xf32>,
        %get3A_123 = vector.shape_cast %get3A_122 : vector<1x16xf32> to vector<16xf32>
        %mul3A_124 = arith.mulf %get3A_119, %get3A_123 : vector<16xf32>
        %get3A_125 = arith.index_cast %add3A_116 : i32 to index
        %get3A_126 = arith.constant 16 : index
        %get3A_127 = tpu.vector_load %arg9[%get3A_125, %get3A_126] {strides = array<i32>} : memref<64x128xf32, #tpu.memory_space<vmem>>, vector<1x16xf32>,
        %get3A_128 = vector.shape_cast %get3A_127 : vector<1x16xf32> to vector<16xf32>
        %get3A_129 = arith.index_cast %add3A_116 : i32 to index
        %get3A_130 = arith.constant 16 : index
        %get3A_131 = tpu.vector_load %arg10[%get3A_129, %get3A_130] {strides = array<i32>} : memref<64x128xf32, #tpu.memory_space<vmem>>, vector<1x16xf32>,
        %get3A_132 = vector.shape_cast %get3A_131 : vector<1x16xf32> to vector<16xf32>
        %mul3A_133 = arith.mulf %get3A_128, %get3A_132 : vector<16xf32>
        %add3A_134 = arith.addf %mul3A_124, %mul3A_133 : vector<16xf32>
        %get3A_135 = arith.index_cast %add3A_116 : i32 to index
        %get3A_136 = arith.constant 32 : index
        %get3A_137 = tpu.vector_load %arg9[%get3A_135, %get3A_136] {strides = array<i32>} : memref<64x128xf32, #tpu.memory_space<vmem>>, vector<1x16xf32>,
        %get3A_138 = vector.shape_cast %get3A_137 : vector<1x16xf32> to vector<16xf32>
        %get3A_139 = arith.index_cast %add3A_116 : i32 to index
        %get3A_140 = arith.constant 32 : index
        %get3A_141 = tpu.vector_load %arg10[%get3A_139, %get3A_140] {strides = array<i32>} : memref<64x128xf32, #tpu.memory_space<vmem>>, vector<1x16xf32>,
        %get3A_142 = vector.shape_cast %get3A_141 : vector<1x16xf32> to vector<16xf32>
        %mul3A_143 = arith.mulf %get3A_138, %get3A_142 : vector<16xf32>
        %add3A_144 = arith.addf %add3A_134, %mul3A_143 : vector<16xf32>
        %get3A_145 = arith.index_cast %add3A_116 : i32 to index
        %get3A_146 = arith.constant 48 : index
        %get3A_147 = tpu.vector_load %arg9[%get3A_145, %get3A_146] {strides = array<i32>} : memref<64x128xf32, #tpu.memory_space<vmem>>, vector<1x16xf32>,
        %get3A_148 = vector.shape_cast %get3A_147 : vector<1x16xf32> to vector<16xf32>
        %get3A_149 = arith.index_cast %add3A_116 : i32 to index
        %get3A_150 = arith.constant 48 : index
        %get3A_151 = tpu.vector_load %arg10[%get3A_149, %get3A_150] {strides = array<i32>} : memref<64x128xf32, #tpu.memory_space<vmem>>, vector<1x16xf32>,
        %get3A_152 = vector.shape_cast %get3A_151 : vector<1x16xf32> to vector<16xf32>
        %mul3A_153 = arith.mulf %get3A_148, %get3A_152 : vector<16xf32>
        %add3A_154 = arith.addf %add3A_144, %mul3A_153 : vector<16xf32>
        %get3A_155 = arith.index_cast %add3A_116 : i32 to index
        %get3A_156 = arith.constant 64 : index
        %get3A_157 = tpu.vector_load %arg9[%get3A_155, %get3A_156] {strides = array<i32>} : memref<64x128xf32, #tpu.memory_space<vmem>>, vector<1x16xf32>,
        %get3A_158 = vector.shape_cast %get3A_157 : vector<1x16xf32> to vector<16xf32>
        %get3A_159 = arith.index_cast %add3A_116 : i32 to index
        %get3A_160 = arith.constant 64 : index
        %get3A_161 = tpu.vector_load %arg10[%get3A_159, %get3A_160] {strides = array<i32>} : memref<64x128xf32, #tpu.memory_space<vmem>>, vector<1x16xf32>,
        %get3A_162 = vector.shape_cast %get3A_161 : vector<1x16xf32> to vector<16xf32>
        %mul3A_163 = arith.mulf %get3A_158, %get3A_162 : vector<16xf32>
        %add3A_164 = arith.addf %add3A_154, %mul3A_163 : vector<16xf32>
        %get3A_165 = arith.index_cast %add3A_116 : i32 to index
        %get3A_166 = arith.constant 80 : index
        %get3A_167 = tpu.vector_load %arg9[%get3A_165, %get3A_166] {strides = array<i32>} : memref<64x128xf32, #tpu.memory_space<vmem>>, vector<1x16xf32>,
        %get3A_168 = vector.shape_cast %get3A_167 : vector<1x16xf32> to vector<16xf32>
        %get3A_169 = arith.index_cast %add3A_116 : i32 to index
        %get3A_170 = arith.constant 80 : index
        %get3A_171 = tpu.vector_load %arg10[%get3A_169, %get3A_170] {strides = array<i32>} : memref<64x128xf32, #tpu.memory_space<vmem>>, vector<1x16xf32>,
        %get3A_172 = vector.shape_cast %get3A_171 : vector<1x16xf32> to vector<16xf32>
        %mul3A_173 = arith.mulf %get3A_168, %get3A_172 : vector<16xf32>
        %add3A_174 = arith.addf %add3A_164, %mul3A_173 : vector<16xf32>
        %get3A_175 = arith.index_cast %add3A_116 : i32 to index
        %get3A_176 = arith.constant 96 : index
        %get3A_177 = tpu.vector_load %arg9[%get3A_175, %get3A_176] {strides = array<i32>} : memref<64x128xf32, #tpu.memory_space<vmem>>, vector<1x16xf32>,
        %get3A_178 = vector.shape_cast %get3A_177 : vector<1x16xf32> to vector<16xf32>
        %get3A_179 = arith.index_cast %add3A_116 : i32 to index
        %get3A_180 = arith.constant 96 : index
        %get3A_181 = tpu.vector_load %arg10[%get3A_179, %get3A_180] {strides = array<i32>} : memref<64x128xf32, #tpu.memory_space<vmem>>, vector<1x16xf32>,
        %get3A_182 = vector.shape_cast %get3A_181 : vector<1x16xf32> to vector<16xf32>
        %mul3A_183 = arith.mulf %get3A_178, %get3A_182 : vector<16xf32>
        %add3A_184 = arith.addf %add3A_174, %mul3A_183 : vector<16xf32>
        %get3A_185 = arith.index_cast %add3A_116 : i32 to index
        %get3A_186 = arith.constant 112 : index
        %get3A_187 = tpu.vector_load %arg9[%get3A_185, %get3A_186] {strides = array<i32>} : memref<64x128xf32, #tpu.memory_space<vmem>>, vector<1x16xf32>,
        %get3A_188 = vector.shape_cast %get3A_187 : vector<1x16xf32> to vector<16xf32>
        %get3A_189 = arith.index_cast %add3A_116 : i32 to index
        %get3A_190 = arith.constant 112 : index
        %get3A_191 = tpu.vector_load %arg10[%get3A_189, %get3A_190] {strides = array<i32>} : memref<64x128xf32, #tpu.memory_space<vmem>>, vector<1x16xf32>,
        %get3A_192 = vector.shape_cast %get3A_191 : vector<1x16xf32> to vector<16xf32>
        %mul3A_193 = arith.mulf %get3A_188, %get3A_192 : vector<16xf32>
        %add3A_194 = arith.addf %add3A_184, %mul3A_193 : vector<16xf32>
        %mul3A_195 = arith.constant 16 : i32
        %mul3A_196 = arith.muli %add3A_116, %mul3A_195 : i32
        %swap3A = arith.index_cast %mul3A_196 : i32 to index
        %swap3A_197 = tpu.vector_load %arg13[%swap3A] {strides = array<i32>} : memref<1024xf32, #tpu.memory_space<vmem>>, vector<16xf32>,
        %swap3A_198 = vector.shape_cast %swap3A_197 : vector<16xf32> to vector<16xf32>
        %swap3A_199 = vector.shape_cast %add3A_194 : vector<16xf32> to vector<16xf32>
        tpu.vector_store %arg13[%swap3A], %swap3A_199 {strides = array<i32>} : memref<1024xf32, #tpu.memory_space<vmem>>, vector<16xf32>,
        %mul3A_200 = arith.constant 8 : i32
        %mul3A_201 = arith.muli %scan3A_111, %mul3A_200 : i32
        %add3A_202 = arith.constant 1 : i32
        %add3A_203 = arith.addi %mul3A_201, %add3A_202 : i32
        %get3A_204 = arith.index_cast %add3A_203 : i32 to index
        %get3A_205 = arith.constant 0 : index
        %get3A_206 = tpu.vector_load %arg9[%get3A_204, %get3A_205] {strides = array<i32>} : memref<64x128xf32, #tpu.memory_space<vmem>>, vector<1x16xf32>,
        %get3A_207 = vector.shape_cast %get3A_206 : vector<1x16xf32> to vector<16xf32>
        %get3A_208 = arith.index_cast %add3A_203 : i32 to index
        %get3A_209 = arith.constant 0 : index
        %get3A_210 = tpu.vector_load %arg10[%get3A_208, %get3A_209] {strides = array<i32>} : memref<64x128xf32, #tpu.memory_space<vmem>>, vector<1x16xf32>,
        %get3A_211 = vector.shape_cast %get3A_210 : vector<1x16xf32> to vector<16xf32>
        %mul3A_212 = arith.mulf %get3A_207, %get3A_211 : vector<16xf32>
        %get3A_213 = arith.index_cast %add3A_203 : i32 to index
        %get3A_214 = arith.constant 16 : index
        %get3A_215 = tpu.vector_load %arg9[%get3A_213, %get3A_214] {strides = array<i32>} : memref<64x128xf32, #tpu.memory_space<vmem>>, vector<1x16xf32>,
        %get3A_216 = vector.shape_cast %get3A_215 : vector<1x16xf32> to vector<16xf32>
        %get3A_217 = arith.index_cast %add3A_203 : i32 to index
        %get3A_218 = arith.constant 16 : index
        %get3A_219 = tpu.vector_load %arg10[%get3A_217, %get3A_218] {strides = array<i32>} : memref<64x128xf32, #tpu.memory_space<vmem>>, vector<1x16xf32>,
        %get3A_220 = vector.shape_cast %get3A_219 : vector<1x16xf32> to vector<16xf32>
        %mul3A_221 = arith.mulf %get3A_216, %get3A_220 : vector<16xf32>
        %add3A_222 = arith.addf %mul3A_212, %mul3A_221 : vector<16xf32>
        %get3A_223 = arith.index_cast %add3A_203 : i32 to index
        %get3A_224 = arith.constant 32 : index
        %get3A_225 = tpu.vector_load %arg9[%get3A_223, %get3A_224] {strides = array<i32>} : memref<64x128xf32, #tpu.memory_space<vmem>>, vector<1x16xf32>,
        %get3A_226 = vector.shape_cast %get3A_225 : vector<1x16xf32> to vector<16xf32>
        %get3A_227 = arith.index_cast %add3A_203 : i32 to index
        %get3A_228 = arith.constant 32 : index
        %get3A_229 = tpu.vector_load %arg10[%get3A_227, %get3A_228] {strides = array<i32>} : memref<64x128xf32, #tpu.memory_space<vmem>>, vector<1x16xf32>,
        %get3A_230 = vector.shape_cast %get3A_229 : vector<1x16xf32> to vector<16xf32>
        %mul3A_231 = arith.mulf %get3A_226, %get3A_230 : vector<16xf32>
        %add3A_232 = arith.addf %add3A_222, %mul3A_231 : vector<16xf32>
        %get3A_233 = arith.index_cast %add3A_203 : i32 to index
        %get3A_234 = arith.constant 48 : index
        %get3A_235 = tpu.vector_load %arg9[%get3A_233, %get3A_234] {strides = array<i32>} : memref<64x128xf32, #tpu.memory_space<vmem>>, vector<1x16xf32>,
        %get3A_236 = vector.shape_cast %get3A_235 : vector<1x16xf32> to vector<16xf32>
        %get3A_237 = arith.index_cast %add3A_203 : i32 to index
        %get3A_238 = arith.constant 48 : index
        %get3A_239 = tpu.vector_load %arg10[%get3A_237, %get3A_238] {strides = array<i32>} : memref<64x128xf32, #tpu.memory_space<vmem>>, vector<1x16xf32>,
        %get3A_240 = vector.shape_cast %get3A_239 : vector<1x16xf32> to vector<16xf32>
        %mul3A_241 = arith.mulf %get3A_236, %get3A_240 : vector<16xf32>
        %add3A_242 = arith.addf %add3A_232, %mul3A_241 : vector<16xf32>
        %get3A_243 = arith.index_cast %add3A_203 : i32 to index
        %get3A_244 = arith.constant 64 : index
        %get3A_245 = tpu.vector_load %arg9[%get3A_243, %get3A_244] {strides = array<i32>} : memref<64x128xf32, #tpu.memory_space<vmem>>, vector<1x16xf32>,
        %get3A_246 = vector.shape_cast %get3A_245 : vector<1x16xf32> to vector<16xf32>
        %get3A_247 = arith.index_cast %add3A_203 : i32 to index
        %get3A_248 = arith.constant 64 : index
        %get3A_249 = tpu.vector_load %arg10[%get3A_247, %get3A_248] {strides = array<i32>} : memref<64x128xf32, #tpu.memory_space<vmem>>, vector<1x16xf32>,
        %get3A_250 = vector.shape_cast %get3A_249 : vector<1x16xf32> to vector<16xf32>
        %mul3A_251 = arith.mulf %get3A_246, %get3A_250 : vector<16xf32>
        %add3A_252 = arith.addf %add3A_242, %mul3A_251 : vector<16xf32>
        %get3A_253 = arith.index_cast %add3A_203 : i32 to index
        %get3A_254 = arith.constant 80 : index
        %get3A_255 = tpu.vector_load %arg9[%get3A_253, %get3A_254] {strides = array<i32>} : memref<64x128xf32, #tpu.memory_space<vmem>>, vector<1x16xf32>,
        %get3A_256 = vector.shape_cast %get3A_255 : vector<1x16xf32> to vector<16xf32>
        %get3A_257 = arith.index_cast %add3A_203 : i32 to index
        %get3A_258 = arith.constant 80 : index
        %get3A_259 = tpu.vector_load %arg10[%get3A_257, %get3A_258] {strides = array<i32>} : memref<64x128xf32, #tpu.memory_space<vmem>>, vector<1x16xf32>,
        %get3A_260 = vector.shape_cast %get3A_259 : vector<1x16xf32> to vector<16xf32>
        %mul3A_261 = arith.mulf %get3A_256, %get3A_260 : vector<16xf32>
        %add3A_262 = arith.addf %add3A_252, %mul3A_261 : vector<16xf32>
        %get3A_263 = arith.index_cast %add3A_203 : i32 to index
        %get3A_264 = arith.constant 96 : index
        %get3A_265 = tpu.vector_load %arg9[%get3A_263, %get3A_264] {strides = array<i32>} : memref<64x128xf32, #tpu.memory_space<vmem>>, vector<1x16xf32>,
        %get3A_266 = vector.shape_cast %get3A_265 : vector<1x16xf32> to vector<16xf32>
        %get3A_267 = arith.index_cast %add3A_203 : i32 to index
        %get3A_268 = arith.constant 96 : index
        %get3A_269 = tpu.vector_load %arg10[%get3A_267, %get3A_268] {strides = array<i32>} : memref<64x128xf32, #tpu.memory_space<vmem>>, vector<1x16xf32>,
        %get3A_270 = vector.shape_cast %get3A_269 : vector<1x16xf32> to vector<16xf32>
        %mul3A_271 = arith.mulf %get3A_266, %get3A_270 : vector<16xf32>
        %add3A_272 = arith.addf %add3A_262, %mul3A_271 : vector<16xf32>
        %get3A_273 = arith.index_cast %add3A_203 : i32 to index
        %get3A_274 = arith.constant 112 : index
        %get3A_275 = tpu.vector_load %arg9[%get3A_273, %get3A_274] {strides = array<i32>} : memref<64x128xf32, #tpu.memory_space<vmem>>, vector<1x16xf32>,
        %get3A_276 = vector.shape_cast %get3A_275 : vector<1x16xf32> to vector<16xf32>
        %get3A_277 = arith.index_cast %add3A_203 : i32 to index
        %get3A_278 = arith.constant 112 : index
        %get3A_279 = tpu.vector_load %arg10[%get3A_277, %get3A_278] {strides = array<i32>} : memref<64x128xf32, #tpu.memory_space<vmem>>, vector<1x16xf32>,
        %get3A_280 = vector.shape_cast %get3A_279 : vector<1x16xf32> to vector<16xf32>
        %mul3A_281 = arith.mulf %get3A_276, %get3A_280 : vector<16xf32>
        %add3A_282 = arith.addf %add3A_272, %mul3A_281 : vector<16xf32>
        %mul3A_283 = arith.constant 16 : i32
        %mul3A_284 = arith.muli %add3A_203, %mul3A_283 : i32
        %swap3A_285 = arith.index_cast %mul3A_284 : i32 to index
        %swap3A_286 = tpu.vector_load %arg13[%swap3A_285] {strides = array<i32>} : memref<1024xf32, #tpu.memory_space<vmem>>, vector<16xf32>,
        %swap3A_287 = vector.shape_cast %swap3A_286 : vector<16xf32> to vector<16xf32>
        %swap3A_288 = vector.shape_cast %add3A_282 : vector<16xf32> to vector<16xf32>
        tpu.vector_store %arg13[%swap3A_285], %swap3A_288 {strides = array<i32>} : memref<1024xf32, #tpu.memory_space<vmem>>, vector<16xf32>,
        %mul3A_289 = arith.constant 8 : i32
        %mul3A_290 = arith.muli %scan3A_111, %mul3A_289 : i32
        %add3A_291 = arith.constant 2 : i32
        %add3A_292 = arith.addi %mul3A_290, %add3A_291 : i32
        %get3A_293 = arith.index_cast %add3A_292 : i32 to index
        %get3A_294 = arith.constant 0 : index
        %get3A_295 = tpu.vector_load %arg9[%get3A_293, %get3A_294] {strides = array<i32>} : memref<64x128xf32, #tpu.memory_space<vmem>>, vector<1x16xf32>,
        %get3A_296 = vector.shape_cast %get3A_295 : vector<1x16xf32> to vector<16xf32>
        %get3A_297 = arith.index_cast %add3A_292 : i32 to index
        %get3A_298 = arith.constant 0 : index
        %get3A_299 = tpu.vector_load %arg10[%get3A_297, %get3A_298] {strides = array<i32>} : memref<64x128xf32, #tpu.memory_space<vmem>>, vector<1x16xf32>,
        %get3A_300 = vector.shape_cast %get3A_299 : vector<1x16xf32> to vector<16xf32>
        %mul3A_301 = arith.mulf %get3A_296, %get3A_300 : vector<16xf32>
        %get3A_302 = arith.index_cast %add3A_292 : i32 to index
        %get3A_303 = arith.constant 16 : index
        %get3A_304 = tpu.vector_load %arg9[%get3A_302, %get3A_303] {strides = array<i32>} : memref<64x128xf32, #tpu.memory_space<vmem>>, vector<1x16xf32>,
        %get3A_305 = vector.shape_cast %get3A_304 : vector<1x16xf32> to vector<16xf32>
        %get3A_306 = arith.index_cast %add3A_292 : i32 to index
        %get3A_307 = arith.constant 16 : index
        %get3A_308 = tpu.vector_load %arg10[%get3A_306, %get3A_307] {strides = array<i32>} : memref<64x128xf32, #tpu.memory_space<vmem>>, vector<1x16xf32>,
        %get3A_309 = vector.shape_cast %get3A_308 : vector<1x16xf32> to vector<16xf32>
        %mul3A_310 = arith.mulf %get3A_305, %get3A_309 : vector<16xf32>
        %add3A_311 = arith.addf %mul3A_301, %mul3A_310 : vector<16xf32>
        %get3A_312 = arith.index_cast %add3A_292 : i32 to index
        %get3A_313 = arith.constant 32 : index
        %get3A_314 = tpu.vector_load %arg9[%get3A_312, %get3A_313] {strides = array<i32>} : memref<64x128xf32, #tpu.memory_space<vmem>>, vector<1x16xf32>,
        %get3A_315 = vector.shape_cast %get3A_314 : vector<1x16xf32> to vector<16xf32>
        %get3A_316 = arith.index_cast %add3A_292 : i32 to index
        %get3A_317 = arith.constant 32 : index
        %get3A_318 = tpu.vector_load %arg10[%get3A_316, %get3A_317] {strides = array<i32>} : memref<64x128xf32, #tpu.memory_space<vmem>>, vector<1x16xf32>,
        %get3A_319 = vector.shape_cast %get3A_318 : vector<1x16xf32> to vector<16xf32>
        %mul3A_320 = arith.mulf %get3A_315, %get3A_319 : vector<16xf32>
        %add3A_321 = arith.addf %add3A_311, %mul3A_320 : vector<16xf32>
        %get3A_322 = arith.index_cast %add3A_292 : i32 to index
        %get3A_323 = arith.constant 48 : index
        %get3A_324 = tpu.vector_load %arg9[%get3A_322, %get3A_323] {strides = array<i32>} : memref<64x128xf32, #tpu.memory_space<vmem>>, vector<1x16xf32>,
        %get3A_325 = vector.shape_cast %get3A_324 : vector<1x16xf32> to vector<16xf32>
        %get3A_326 = arith.index_cast %add3A_292 : i32 to index
        %get3A_327 = arith.constant 48 : index
        %get3A_328 = tpu.vector_load %arg10[%get3A_326, %get3A_327] {strides = array<i32>} : memref<64x128xf32, #tpu.memory_space<vmem>>, vector<1x16xf32>,
        %get3A_329 = vector.shape_cast %get3A_328 : vector<1x16xf32> to vector<16xf32>
        %mul3A_330 = arith.mulf %get3A_325, %get3A_329 : vector<16xf32>
        %add3A_331 = arith.addf %add3A_321, %mul3A_330 : vector<16xf32>
        %get3A_332 = arith.index_cast %add3A_292 : i32 to index
        %get3A_333 = arith.constant 64 : index
        %get3A_334 = tpu.vector_load %arg9[%get3A_332, %get3A_333] {strides = array<i32>} : memref<64x128xf32, #tpu.memory_space<vmem>>, vector<1x16xf32>,
        %get3A_335 = vector.shape_cast %get3A_334 : vector<1x16xf32> to vector<16xf32>
        %get3A_336 = arith.index_cast %add3A_292 : i32 to index
        %get3A_337 = arith.constant 64 : index
        %get3A_338 = tpu.vector_load %arg10[%get3A_336, %get3A_337] {strides = array<i32>} : memref<64x128xf32, #tpu.memory_space<vmem>>, vector<1x16xf32>,
        %get3A_339 = vector.shape_cast %get3A_338 : vector<1x16xf32> to vector<16xf32>
        %mul3A_340 = arith.mulf %get3A_335, %get3A_339 : vector<16xf32>
        %add3A_341 = arith.addf %add3A_331, %mul3A_340 : vector<16xf32>
        %get3A_342 = arith.index_cast %add3A_292 : i32 to index
        %get3A_343 = arith.constant 80 : index
        %get3A_344 = tpu.vector_load %arg9[%get3A_342, %get3A_343] {strides = array<i32>} : memref<64x128xf32, #tpu.memory_space<vmem>>, vector<1x16xf32>,
        %get3A_345 = vector.shape_cast %get3A_344 : vector<1x16xf32> to vector<16xf32>
        %get3A_346 = arith.index_cast %add3A_292 : i32 to index
        %get3A_347 = arith.constant 80 : index
        %get3A_348 = tpu.vector_load %arg10[%get3A_346, %get3A_347] {strides = array<i32>} : memref<64x128xf32, #tpu.memory_space<vmem>>, vector<1x16xf32>,
        %get3A_349 = vector.shape_cast %get3A_348 : vector<1x16xf32> to vector<16xf32>
        %mul3A_350 = arith.mulf %get3A_345, %get3A_349 : vector<16xf32>
        %add3A_351 = arith.addf %add3A_341, %mul3A_350 : vector<16xf32>
        %get3A_352 = arith.index_cast %add3A_292 : i32 to index
        %get3A_353 = arith.constant 96 : index
        %get3A_354 = tpu.vector_load %arg9[%get3A_352, %get3A_353] {strides = array<i32>} : memref<64x128xf32, #tpu.memory_space<vmem>>, vector<1x16xf32>,
        %get3A_355 = vector.shape_cast %get3A_354 : vector<1x16xf32> to vector<16xf32>
        %get3A_356 = arith.index_cast %add3A_292 : i32 to index
        %get3A_357 = arith.constant 96 : index
        %get3A_358 = tpu.vector_load %arg10[%get3A_356, %get3A_357] {strides = array<i32>} : memref<64x128xf32, #tpu.memory_space<vmem>>, vector<1x16xf32>,
        %get3A_359 = vector.shape_cast %get3A_358 : vector<1x16xf32> to vector<16xf32>
        %mul3A_360 = arith.mulf %get3A_355, %get3A_359 : vector<16xf32>
        %add3A_361 = arith.addf %add3A_351, %mul3A_360 : vector<16xf32>
        %get3A_362 = arith.index_cast %add3A_292 : i32 to index
        %get3A_363 = arith.constant 112 : index
        %get3A_364 = tpu.vector_load %arg9[%get3A_362, %get3A_363] {strides = array<i32>} : memref<64x128xf32, #tpu.memory_space<vmem>>, vector<1x16xf32>,
        %get3A_365 = vector.shape_cast %get3A_364 : vector<1x16xf32> to vector<16xf32>
        %get3A_366 = arith.index_cast %add3A_292 : i32 to index
        %get3A_367 = arith.constant 112 : index
        %get3A_368 = tpu.vector_load %arg10[%get3A_366, %get3A_367] {strides = array<i32>} : memref<64x128xf32, #tpu.memory_space<vmem>>, vector<1x16xf32>,
        %get3A_369 = vector.shape_cast %get3A_368 : vector<1x16xf32> to vector<16xf32>
        %mul3A_370 = arith.mulf %get3A_365, %get3A_369 : vector<16xf32>
        %add3A_371 = arith.addf %add3A_361, %mul3A_370 : vector<16xf32>
        %mul3A_372 = arith.constant 16 : i32
        %mul3A_373 = arith.muli %add3A_292, %mul3A_372 : i32
        %swap3A_374 = arith.index_cast %mul3A_373 : i32 to index
        %swap3A_375 = tpu.vector_load %arg13[%swap3A_374] {strides = array<i32>} : memref<1024xf32, #tpu.memory_space<vmem>>, vector<16xf32>,
        %swap3A_376 = vector.shape_cast %swap3A_375 : vector<16xf32> to vector<16xf32>
        %swap3A_377 = vector.shape_cast %add3A_371 : vector<16xf32> to vector<16xf32>
        tpu.vector_store %arg13[%swap3A_374], %swap3A_377 {strides = array<i32>} : memref<1024xf32, #tpu.memory_space<vmem>>, vector<16xf32>,
        %mul3A_378 = arith.constant 8 : i32
        %mul3A_379 = arith.muli %scan3A_111, %mul3A_378 : i32
        %add3A_380 = arith.constant 3 : i32
        %add3A_381 = arith.addi %mul3A_379, %add3A_380 : i32
        %get3A_382 = arith.index_cast %add3A_381 : i32 to index
        %get3A_383 = arith.constant 0 : index
        %get3A_384 = tpu.vector_load %arg9[%get3A_382, %get3A_383] {strides = array<i32>} : memref<64x128xf32, #tpu.memory_space<vmem>>, vector<1x16xf32>,
        %get3A_385 = vector.shape_cast %get3A_384 : vector<1x16xf32> to vector<16xf32>
        %get3A_386 = arith.index_cast %add3A_381 : i32 to index
        %get3A_387 = arith.constant 0 : index
        %get3A_388 = tpu.vector_load %arg10[%get3A_386, %get3A_387] {strides = array<i32>} : memref<64x128xf32, #tpu.memory_space<vmem>>, vector<1x16xf32>,
        %get3A_389 = vector.shape_cast %get3A_388 : vector<1x16xf32> to vector<16xf32>
        %mul3A_390 = arith.mulf %get3A_385, %get3A_389 : vector<16xf32>
        %get3A_391 = arith.index_cast %add3A_381 : i32 to index
        %get3A_392 = arith.constant 16 : index
        %get3A_393 = tpu.vector_load %arg9[%get3A_391, %get3A_392] {strides = array<i32>} : memref<64x128xf32, #tpu.memory_space<vmem>>, vector<1x16xf32>,
        %get3A_394 = vector.shape_cast %get3A_393 : vector<1x16xf32> to vector<16xf32>
        %get3A_395 = arith.index_cast %add3A_381 : i32 to index
        %get3A_396 = arith.constant 16 : index
        %get3A_397 = tpu.vector_load %arg10[%get3A_395, %get3A_396] {strides = array<i32>} : memref<64x128xf32, #tpu.memory_space<vmem>>, vector<1x16xf32>,
        %get3A_398 = vector.shape_cast %get3A_397 : vector<1x16xf32> to vector<16xf32>
        %mul3A_399 = arith.mulf %get3A_394, %get3A_398 : vector<16xf32>
        %add3A_400 = arith.addf %mul3A_390, %mul3A_399 : vector<16xf32>
        %get3A_401 = arith.index_cast %add3A_381 : i32 to index
        %get3A_402 = arith.constant 32 : index
        %get3A_403 = tpu.vector_load %arg9[%get3A_401, %get3A_402] {strides = array<i32>} : memref<64x128xf32, #tpu.memory_space<vmem>>, vector<1x16xf32>,
        %get3A_404 = vector.shape_cast %get3A_403 : vector<1x16xf32> to vector<16xf32>
        %get3A_405 = arith.index_cast %add3A_381 : i32 to index
        %get3A_406 = arith.constant 32 : index
        %get3A_407 = tpu.vector_load %arg10[%get3A_405, %get3A_406] {strides = array<i32>} : memref<64x128xf32, #tpu.memory_space<vmem>>, vector<1x16xf32>,
        %get3A_408 = vector.shape_cast %get3A_407 : vector<1x16xf32> to vector<16xf32>
        %mul3A_409 = arith.mulf %get3A_404, %get3A_408 : vector<16xf32>
        %add3A_410 = arith.addf %add3A_400, %mul3A_409 : vector<16xf32>
        %get3A_411 = arith.index_cast %add3A_381 : i32 to index
        %get3A_412 = arith.constant 48 : index
        %get3A_413 = tpu.vector_load %arg9[%get3A_411, %get3A_412] {strides = array<i32>} : memref<64x128xf32, #tpu.memory_space<vmem>>, vector<1x16xf32>,
        %get3A_414 = vector.shape_cast %get3A_413 : vector<1x16xf32> to vector<16xf32>
        %get3A_415 = arith.index_cast %add3A_381 : i32 to index
        %get3A_416 = arith.constant 48 : index
        %get3A_417 = tpu.vector_load %arg10[%get3A_415, %get3A_416] {strides = array<i32>} : memref<64x128xf32, #tpu.memory_space<vmem>>, vector<1x16xf32>,
        %get3A_418 = vector.shape_cast %get3A_417 : vector<1x16xf32> to vector<16xf32>
        %mul3A_419 = arith.mulf %get3A_414, %get3A_418 : vector<16xf32>
        %add3A_420 = arith.addf %add3A_410, %mul3A_419 : vector<16xf32>
        %get3A_421 = arith.index_cast %add3A_381 : i32 to index
        %get3A_422 = arith.constant 64 : index
        %get3A_423 = tpu.vector_load %arg9[%get3A_421, %get3A_422] {strides = array<i32>} : memref<64x128xf32, #tpu.memory_space<vmem>>, vector<1x16xf32>,
        %get3A_424 = vector.shape_cast %get3A_423 : vector<1x16xf32> to vector<16xf32>
        %get3A_425 = arith.index_cast %add3A_381 : i32 to index
        %get3A_426 = arith.constant 64 : index
        %get3A_427 = tpu.vector_load %arg10[%get3A_425, %get3A_426] {strides = array<i32>} : memref<64x128xf32, #tpu.memory_space<vmem>>, vector<1x16xf32>,
        %get3A_428 = vector.shape_cast %get3A_427 : vector<1x16xf32> to vector<16xf32>
        %mul3A_429 = arith.mulf %get3A_424, %get3A_428 : vector<16xf32>
        %add3A_430 = arith.addf %add3A_420, %mul3A_429 : vector<16xf32>
        %get3A_431 = arith.index_cast %add3A_381 : i32 to index
        %get3A_432 = arith.constant 80 : index
        %get3A_433 = tpu.vector_load %arg9[%get3A_431, %get3A_432] {strides = array<i32>} : memref<64x128xf32, #tpu.memory_space<vmem>>, vector<1x16xf32>,
        %get3A_434 = vector.shape_cast %get3A_433 : vector<1x16xf32> to vector<16xf32>
        %get3A_435 = arith.index_cast %add3A_381 : i32 to index
        %get3A_436 = arith.constant 80 : index
        %get3A_437 = tpu.vector_load %arg10[%get3A_435, %get3A_436] {strides = array<i32>} : memref<64x128xf32, #tpu.memory_space<vmem>>, vector<1x16xf32>,
        %get3A_438 = vector.shape_cast %get3A_437 : vector<1x16xf32> to vector<16xf32>
        %mul3A_439 = arith.mulf %get3A_434, %get3A_438 : vector<16xf32>
        %add3A_440 = arith.addf %add3A_430, %mul3A_439 : vector<16xf32>
        %get3A_441 = arith.index_cast %add3A_381 : i32 to index
        %get3A_442 = arith.constant 96 : index
        %get3A_443 = tpu.vector_load %arg9[%get3A_441, %get3A_442] {strides = array<i32>} : memref<64x128xf32, #tpu.memory_space<vmem>>, vector<1x16xf32>,
        %get3A_444 = vector.shape_cast %get3A_443 : vector<1x16xf32> to vector<16xf32>
        %get3A_445 = arith.index_cast %add3A_381 : i32 to index
        %get3A_446 = arith.constant 96 : index
        %get3A_447 = tpu.vector_load %arg10[%get3A_445, %get3A_446] {strides = array<i32>} : memref<64x128xf32, #tpu.memory_space<vmem>>, vector<1x16xf32>,
        %get3A_448 = vector.shape_cast %get3A_447 : vector<1x16xf32> to vector<16xf32>
        %mul3A_449 = arith.mulf %get3A_444, %get3A_448 : vector<16xf32>
        %add3A_450 = arith.addf %add3A_440, %mul3A_449 : vector<16xf32>
        %get3A_451 = arith.index_cast %add3A_381 : i32 to index
        %get3A_452 = arith.constant 112 : index
        %get3A_453 = tpu.vector_load %arg9[%get3A_451, %get3A_452] {strides = array<i32>} : memref<64x128xf32, #tpu.memory_space<vmem>>, vector<1x16xf32>,
        %get3A_454 = vector.shape_cast %get3A_453 : vector<1x16xf32> to vector<16xf32>
        %get3A_455 = arith.index_cast %add3A_381 : i32 to index
        %get3A_456 = arith.constant 112 : index
        %get3A_457 = tpu.vector_load %arg10[%get3A_455, %get3A_456] {strides = array<i32>} : memref<64x128xf32, #tpu.memory_space<vmem>>, vector<1x16xf32>,
        %get3A_458 = vector.shape_cast %get3A_457 : vector<1x16xf32> to vector<16xf32>
        %mul3A_459 = arith.mulf %get3A_454, %get3A_458 : vector<16xf32>
        %add3A_460 = arith.addf %add3A_450, %mul3A_459 : vector<16xf32>
        %mul3A_461 = arith.constant 16 : i32
        %mul3A_462 = arith.muli %add3A_381, %mul3A_461 : i32
        %swap3A_463 = arith.index_cast %mul3A_462 : i32 to index
        %swap3A_464 = tpu.vector_load %arg13[%swap3A_463] {strides = array<i32>} : memref<1024xf32, #tpu.memory_space<vmem>>, vector<16xf32>,
        %swap3A_465 = vector.shape_cast %swap3A_464 : vector<16xf32> to vector<16xf32>
        %swap3A_466 = vector.shape_cast %add3A_460 : vector<16xf32> to vector<16xf32>
        tpu.vector_store %arg13[%swap3A_463], %swap3A_466 {strides = array<i32>} : memref<1024xf32, #tpu.memory_space<vmem>>, vector<16xf32>,
        %mul3A_467 = arith.constant 8 : i32
        %mul3A_468 = arith.muli %scan3A_111, %mul3A_467 : i32
        %add3A_469 = arith.constant 4 : i32
        %add3A_470 = arith.addi %mul3A_468, %add3A_469 : i32
        %get3A_471 = arith.index_cast %add3A_470 : i32 to index
        %get3A_472 = arith.constant 0 : index
        %get3A_473 = tpu.vector_load %arg9[%get3A_471, %get3A_472] {strides = array<i32>} : memref<64x128xf32, #tpu.memory_space<vmem>>, vector<1x16xf32>,
        %get3A_474 = vector.shape_cast %get3A_473 : vector<1x16xf32> to vector<16xf32>
        %get3A_475 = arith.index_cast %add3A_470 : i32 to index
        %get3A_476 = arith.constant 0 : index
        %get3A_477 = tpu.vector_load %arg10[%get3A_475, %get3A_476] {strides = array<i32>} : memref<64x128xf32, #tpu.memory_space<vmem>>, vector<1x16xf32>,
        %get3A_478 = vector.shape_cast %get3A_477 : vector<1x16xf32> to vector<16xf32>
        %mul3A_479 = arith.mulf %get3A_474, %get3A_478 : vector<16xf32>
        %get3A_480 = arith.index_cast %add3A_470 : i32 to index
        %get3A_481 = arith.constant 16 : index
        %get3A_482 = tpu.vector_load %arg9[%get3A_480, %get3A_481] {strides = array<i32>} : memref<64x128xf32, #tpu.memory_space<vmem>>, vector<1x16xf32>,
        %get3A_483 = vector.shape_cast %get3A_482 : vector<1x16xf32> to vector<16xf32>
        %get3A_484 = arith.index_cast %add3A_470 : i32 to index
        %get3A_485 = arith.constant 16 : index
        %get3A_486 = tpu.vector_load %arg10[%get3A_484, %get3A_485] {strides = array<i32>} : memref<64x128xf32, #tpu.memory_space<vmem>>, vector<1x16xf32>,
        %get3A_487 = vector.shape_cast %get3A_486 : vector<1x16xf32> to vector<16xf32>
        %mul3A_488 = arith.mulf %get3A_483, %get3A_487 : vector<16xf32>
        %add3A_489 = arith.addf %mul3A_479, %mul3A_488 : vector<16xf32>
        %get3A_490 = arith.index_cast %add3A_470 : i32 to index
        %get3A_491 = arith.constant 32 : index
        %get3A_492 = tpu.vector_load %arg9[%get3A_490, %get3A_491] {strides = array<i32>} : memref<64x128xf32, #tpu.memory_space<vmem>>, vector<1x16xf32>,
        %get3A_493 = vector.shape_cast %get3A_492 : vector<1x16xf32> to vector<16xf32>
        %get3A_494 = arith.index_cast %add3A_470 : i32 to index
        %get3A_495 = arith.constant 32 : index
        %get3A_496 = tpu.vector_load %arg10[%get3A_494, %get3A_495] {strides = array<i32>} : memref<64x128xf32, #tpu.memory_space<vmem>>, vector<1x16xf32>,
        %get3A_497 = vector.shape_cast %get3A_496 : vector<1x16xf32> to vector<16xf32>
        %mul3A_498 = arith.mulf %get3A_493, %get3A_497 : vector<16xf32>
        %add3A_499 = arith.addf %add3A_489, %mul3A_498 : vector<16xf32>
        %get3A_500 = arith.index_cast %add3A_470 : i32 to index
        %get3A_501 = arith.constant 48 : index
        %get3A_502 = tpu.vector_load %arg9[%get3A_500, %get3A_501] {strides = array<i32>} : memref<64x128xf32, #tpu.memory_space<vmem>>, vector<1x16xf32>,
        %get3A_503 = vector.shape_cast %get3A_502 : vector<1x16xf32> to vector<16xf32>
        %get3A_504 = arith.index_cast %add3A_470 : i32 to index
        %get3A_505 = arith.constant 48 : index
        %get3A_506 = tpu.vector_load %arg10[%get3A_504, %get3A_505] {strides = array<i32>} : memref<64x128xf32, #tpu.memory_space<vmem>>, vector<1x16xf32>,
        %get3A_507 = vector.shape_cast %get3A_506 : vector<1x16xf32> to vector<16xf32>
        %mul3A_508 = arith.mulf %get3A_503, %get3A_507 : vector<16xf32>
        %add3A_509 = arith.addf %add3A_499, %mul3A_508 : vector<16xf32>
        %get3A_510 = arith.index_cast %add3A_470 : i32 to index
        %get3A_511 = arith.constant 64 : index
        %get3A_512 = tpu.vector_load %arg9[%get3A_510, %get3A_511] {strides = array<i32>} : memref<64x128xf32, #tpu.memory_space<vmem>>, vector<1x16xf32>,
        %get3A_513 = vector.shape_cast %get3A_512 : vector<1x16xf32> to vector<16xf32>
        %get3A_514 = arith.index_cast %add3A_470 : i32 to index
        %get3A_515 = arith.constant 64 : index
        %get3A_516 = tpu.vector_load %arg10[%get3A_514, %get3A_515] {strides = array<i32>} : memref<64x128xf32, #tpu.memory_space<vmem>>, vector<1x16xf32>,
        %get3A_517 = vector.shape_cast %get3A_516 : vector<1x16xf32> to vector<16xf32>
        %mul3A_518 = arith.mulf %get3A_513, %get3A_517 : vector<16xf32>
        %add3A_519 = arith.addf %add3A_509, %mul3A_518 : vector<16xf32>
        %get3A_520 = arith.index_cast %add3A_470 : i32 to index
        %get3A_521 = arith.constant 80 : index
        %get3A_522 = tpu.vector_load %arg9[%get3A_520, %get3A_521] {strides = array<i32>} : memref<64x128xf32, #tpu.memory_space<vmem>>, vector<1x16xf32>,
        %get3A_523 = vector.shape_cast %get3A_522 : vector<1x16xf32> to vector<16xf32>
        %get3A_524 = arith.index_cast %add3A_470 : i32 to index
        %get3A_525 = arith.constant 80 : index
        %get3A_526 = tpu.vector_load %arg10[%get3A_524, %get3A_525] {strides = array<i32>} : memref<64x128xf32, #tpu.memory_space<vmem>>, vector<1x16xf32>,
        %get3A_527 = vector.shape_cast %get3A_526 : vector<1x16xf32> to vector<16xf32>
        %mul3A_528 = arith.mulf %get3A_523, %get3A_527 : vector<16xf32>
        %add3A_529 = arith.addf %add3A_519, %mul3A_528 : vector<16xf32>
        %get3A_530 = arith.index_cast %add3A_470 : i32 to index
        %get3A_531 = arith.constant 96 : index
        %get3A_532 = tpu.vector_load %arg9[%get3A_530, %get3A_531] {strides = array<i32>} : memref<64x128xf32, #tpu.memory_space<vmem>>, vector<1x16xf32>,
        %get3A_533 = vector.shape_cast %get3A_532 : vector<1x16xf32> to vector<16xf32>
        %get3A_534 = arith.index_cast %add3A_470 : i32 to index
        %get3A_535 = arith.constant 96 : index
        %get3A_536 = tpu.vector_load %arg10[%get3A_534, %get3A_535] {strides = array<i32>} : memref<64x128xf32, #tpu.memory_space<vmem>>, vector<1x16xf32>,
        %get3A_537 = vector.shape_cast %get3A_536 : vector<1x16xf32> to vector<16xf32>
        %mul3A_538 = arith.mulf %get3A_533, %get3A_537 : vector<16xf32>
        %add3A_539 = arith.addf %add3A_529, %mul3A_538 : vector<16xf32>
        %get3A_540 = arith.index_cast %add3A_470 : i32 to index
        %get3A_541 = arith.constant 112 : index
        %get3A_542 = tpu.vector_load %arg9[%get3A_540, %get3A_541] {strides = array<i32>} : memref<64x128xf32, #tpu.memory_space<vmem>>, vector<1x16xf32>,
        %get3A_543 = vector.shape_cast %get3A_542 : vector<1x16xf32> to vector<16xf32>
        %get3A_544 = arith.index_cast %add3A_470 : i32 to index
        %get3A_545 = arith.constant 112 : index
        %get3A_546 = tpu.vector_load %arg10[%get3A_544, %get3A_545] {strides = array<i32>} : memref<64x128xf32, #tpu.memory_space<vmem>>, vector<1x16xf32>,
        %get3A_547 = vector.shape_cast %get3A_546 : vector<1x16xf32> to vector<16xf32>
        %mul3A_548 = arith.mulf %get3A_543, %get3A_547 : vector<16xf32>
        %add3A_549 = arith.addf %add3A_539, %mul3A_548 : vector<16xf32>
        %mul3A_550 = arith.constant 16 : i32
        %mul3A_551 = arith.muli %add3A_470, %mul3A_550 : i32
        %swap3A_552 = arith.index_cast %mul3A_551 : i32 to index
        %swap3A_553 = tpu.vector_load %arg13[%swap3A_552] {strides = array<i32>} : memref<1024xf32, #tpu.memory_space<vmem>>, vector<16xf32>,
        %swap3A_554 = vector.shape_cast %swap3A_553 : vector<16xf32> to vector<16xf32>
        %swap3A_555 = vector.shape_cast %add3A_549 : vector<16xf32> to vector<16xf32>
        tpu.vector_store %arg13[%swap3A_552], %swap3A_555 {strides = array<i32>} : memref<1024xf32, #tpu.memory_space<vmem>>, vector<16xf32>,
        %mul3A_556 = arith.constant 8 : i32
        %mul3A_557 = arith.muli %scan3A_111, %mul3A_556 : i32
        %add3A_558 = arith.constant 5 : i32
        %add3A_559 = arith.addi %mul3A_557, %add3A_558 : i32
        %get3A_560 = arith.index_cast %add3A_559 : i32 to index
        %get3A_561 = arith.constant 0 : index
        %get3A_562 = tpu.vector_load %arg9[%get3A_560, %get3A_561] {strides = array<i32>} : memref<64x128xf32, #tpu.memory_space<vmem>>, vector<1x16xf32>,
        %get3A_563 = vector.shape_cast %get3A_562 : vector<1x16xf32> to vector<16xf32>
        %get3A_564 = arith.index_cast %add3A_559 : i32 to index
        %get3A_565 = arith.constant 0 : index
        %get3A_566 = tpu.vector_load %arg10[%get3A_564, %get3A_565] {strides = array<i32>} : memref<64x128xf32, #tpu.memory_space<vmem>>, vector<1x16xf32>,
        %get3A_567 = vector.shape_cast %get3A_566 : vector<1x16xf32> to vector<16xf32>
        %mul3A_568 = arith.mulf %get3A_563, %get3A_567 : vector<16xf32>
        %get3A_569 = arith.index_cast %add3A_559 : i32 to index
        %get3A_570 = arith.constant 16 : index
        %get3A_571 = tpu.vector_load %arg9[%get3A_569, %get3A_570] {strides = array<i32>} : memref<64x128xf32, #tpu.memory_space<vmem>>, vector<1x16xf32>,
        %get3A_572 = vector.shape_cast %get3A_571 : vector<1x16xf32> to vector<16xf32>
        %get3A_573 = arith.index_cast %add3A_559 : i32 to index
        %get3A_574 = arith.constant 16 : index
        %get3A_575 = tpu.vector_load %arg10[%get3A_573, %get3A_574] {strides = array<i32>} : memref<64x128xf32, #tpu.memory_space<vmem>>, vector<1x16xf32>,
        %get3A_576 = vector.shape_cast %get3A_575 : vector<1x16xf32> to vector<16xf32>
        %mul3A_577 = arith.mulf %get3A_572, %get3A_576 : vector<16xf32>
        %add3A_578 = arith.addf %mul3A_568, %mul3A_577 : vector<16xf32>
        %get3A_579 = arith.index_cast %add3A_559 : i32 to index
        %get3A_580 = arith.constant 32 : index
        %get3A_581 = tpu.vector_load %arg9[%get3A_579, %get3A_580] {strides = array<i32>} : memref<64x128xf32, #tpu.memory_space<vmem>>, vector<1x16xf32>,
        %get3A_582 = vector.shape_cast %get3A_581 : vector<1x16xf32> to vector<16xf32>
        %get3A_583 = arith.index_cast %add3A_559 : i32 to index
        %get3A_584 = arith.constant 32 : index
        %get3A_585 = tpu.vector_load %arg10[%get3A_583, %get3A_584] {strides = array<i32>} : memref<64x128xf32, #tpu.memory_space<vmem>>, vector<1x16xf32>,
        %get3A_586 = vector.shape_cast %get3A_585 : vector<1x16xf32> to vector<16xf32>
        %mul3A_587 = arith.mulf %get3A_582, %get3A_586 : vector<16xf32>
        %add3A_588 = arith.addf %add3A_578, %mul3A_587 : vector<16xf32>
        %get3A_589 = arith.index_cast %add3A_559 : i32 to index
        %get3A_590 = arith.constant 48 : index
        %get3A_591 = tpu.vector_load %arg9[%get3A_589, %get3A_590] {strides = array<i32>} : memref<64x128xf32, #tpu.memory_space<vmem>>, vector<1x16xf32>,
        %get3A_592 = vector.shape_cast %get3A_591 : vector<1x16xf32> to vector<16xf32>
        %get3A_593 = arith.index_cast %add3A_559 : i32 to index
        %get3A_594 = arith.constant 48 : index
        %get3A_595 = tpu.vector_load %arg10[%get3A_593, %get3A_594] {strides = array<i32>} : memref<64x128xf32, #tpu.memory_space<vmem>>, vector<1x16xf32>,
        %get3A_596 = vector.shape_cast %get3A_595 : vector<1x16xf32> to vector<16xf32>
        %mul3A_597 = arith.mulf %get3A_592, %get3A_596 : vector<16xf32>
        %add3A_598 = arith.addf %add3A_588, %mul3A_597 : vector<16xf32>
        %get3A_599 = arith.index_cast %add3A_559 : i32 to index
        %get3A_600 = arith.constant 64 : index
        %get3A_601 = tpu.vector_load %arg9[%get3A_599, %get3A_600] {strides = array<i32>} : memref<64x128xf32, #tpu.memory_space<vmem>>, vector<1x16xf32>,
        %get3A_602 = vector.shape_cast %get3A_601 : vector<1x16xf32> to vector<16xf32>
        %get3A_603 = arith.index_cast %add3A_559 : i32 to index
        %get3A_604 = arith.constant 64 : index
        %get3A_605 = tpu.vector_load %arg10[%get3A_603, %get3A_604] {strides = array<i32>} : memref<64x128xf32, #tpu.memory_space<vmem>>, vector<1x16xf32>,
        %get3A_606 = vector.shape_cast %get3A_605 : vector<1x16xf32> to vector<16xf32>
        %mul3A_607 = arith.mulf %get3A_602, %get3A_606 : vector<16xf32>
        %add3A_608 = arith.addf %add3A_598, %mul3A_607 : vector<16xf32>
        %get3A_609 = arith.index_cast %add3A_559 : i32 to index
        %get3A_610 = arith.constant 80 : index
        %get3A_611 = tpu.vector_load %arg9[%get3A_609, %get3A_610] {strides = array<i32>} : memref<64x128xf32, #tpu.memory_space<vmem>>, vector<1x16xf32>,
        %get3A_612 = vector.shape_cast %get3A_611 : vector<1x16xf32> to vector<16xf32>
        %get3A_613 = arith.index_cast %add3A_559 : i32 to index
        %get3A_614 = arith.constant 80 : index
        %get3A_615 = tpu.vector_load %arg10[%get3A_613, %get3A_614] {strides = array<i32>} : memref<64x128xf32, #tpu.memory_space<vmem>>, vector<1x16xf32>,
        %get3A_616 = vector.shape_cast %get3A_615 : vector<1x16xf32> to vector<16xf32>
        %mul3A_617 = arith.mulf %get3A_612, %get3A_616 : vector<16xf32>
        %add3A_618 = arith.addf %add3A_608, %mul3A_617 : vector<16xf32>
        %get3A_619 = arith.index_cast %add3A_559 : i32 to index
        %get3A_620 = arith.constant 96 : index
        %get3A_621 = tpu.vector_load %arg9[%get3A_619, %get3A_620] {strides = array<i32>} : memref<64x128xf32, #tpu.memory_space<vmem>>, vector<1x16xf32>,
        %get3A_622 = vector.shape_cast %get3A_621 : vector<1x16xf32> to vector<16xf32>
        %get3A_623 = arith.index_cast %add3A_559 : i32 to index
        %get3A_624 = arith.constant 96 : index
        %get3A_625 = tpu.vector_load %arg10[%get3A_623, %get3A_624] {strides = array<i32>} : memref<64x128xf32, #tpu.memory_space<vmem>>, vector<1x16xf32>,
        %get3A_626 = vector.shape_cast %get3A_625 : vector<1x16xf32> to vector<16xf32>
        %mul3A_627 = arith.mulf %get3A_622, %get3A_626 : vector<16xf32>
        %add3A_628 = arith.addf %add3A_618, %mul3A_627 : vector<16xf32>
        %get3A_629 = arith.index_cast %add3A_559 : i32 to index
        %get3A_630 = arith.constant 112 : index
        %get3A_631 = tpu.vector_load %arg9[%get3A_629, %get3A_630] {strides = array<i32>} : memref<64x128xf32, #tpu.memory_space<vmem>>, vector<1x16xf32>,
        %get3A_632 = vector.shape_cast %get3A_631 : vector<1x16xf32> to vector<16xf32>
        %get3A_633 = arith.index_cast %add3A_559 : i32 to index
        %get3A_634 = arith.constant 112 : index
        %get3A_635 = tpu.vector_load %arg10[%get3A_633, %get3A_634] {strides = array<i32>} : memref<64x128xf32, #tpu.memory_space<vmem>>, vector<1x16xf32>,
        %get3A_636 = vector.shape_cast %get3A_635 : vector<1x16xf32> to vector<16xf32>
        %mul3A_637 = arith.mulf %get3A_632, %get3A_636 : vector<16xf32>
        %add3A_638 = arith.addf %add3A_628, %mul3A_637 : vector<16xf32>
        %mul3A_639 = arith.constant 16 : i32
        %mul3A_640 = arith.muli %add3A_559, %mul3A_639 : i32
        %swap3A_641 = arith.index_cast %mul3A_640 : i32 to index
        %swap3A_642 = tpu.vector_load %arg13[%swap3A_641] {strides = array<i32>} : memref<1024xf32, #tpu.memory_space<vmem>>, vector<16xf32>,
        %swap3A_643 = vector.shape_cast %swap3A_642 : vector<16xf32> to vector<16xf32>
        %swap3A_644 = vector.shape_cast %add3A_638 : vector<16xf32> to vector<16xf32>
        tpu.vector_store %arg13[%swap3A_641], %swap3A_644 {strides = array<i32>} : memref<1024xf32, #tpu.memory_space<vmem>>, vector<16xf32>,
        %mul3A_645 = arith.constant 8 : i32
        %mul3A_646 = arith.muli %scan3A_111, %mul3A_645 : i32
        %add3A_647 = arith.constant 6 : i32
        %add3A_648 = arith.addi %mul3A_646, %add3A_647 : i32
        %get3A_649 = arith.index_cast %add3A_648 : i32 to index
        %get3A_650 = arith.constant 0 : index
        %get3A_651 = tpu.vector_load %arg9[%get3A_649, %get3A_650] {strides = array<i32>} : memref<64x128xf32, #tpu.memory_space<vmem>>, vector<1x16xf32>,
        %get3A_652 = vector.shape_cast %get3A_651 : vector<1x16xf32> to vector<16xf32>
        %get3A_653 = arith.index_cast %add3A_648 : i32 to index
        %get3A_654 = arith.constant 0 : index
        %get3A_655 = tpu.vector_load %arg10[%get3A_653, %get3A_654] {strides = array<i32>} : memref<64x128xf32, #tpu.memory_space<vmem>>, vector<1x16xf32>,
        %get3A_656 = vector.shape_cast %get3A_655 : vector<1x16xf32> to vector<16xf32>
        %mul3A_657 = arith.mulf %get3A_652, %get3A_656 : vector<16xf32>
        %get3A_658 = arith.index_cast %add3A_648 : i32 to index
        %get3A_659 = arith.constant 16 : index
        %get3A_660 = tpu.vector_load %arg9[%get3A_658, %get3A_659] {strides = array<i32>} : memref<64x128xf32, #tpu.memory_space<vmem>>, vector<1x16xf32>,
        %get3A_661 = vector.shape_cast %get3A_660 : vector<1x16xf32> to vector<16xf32>
        %get3A_662 = arith.index_cast %add3A_648 : i32 to index
        %get3A_663 = arith.constant 16 : index
        %get3A_664 = tpu.vector_load %arg10[%get3A_662, %get3A_663] {strides = array<i32>} : memref<64x128xf32, #tpu.memory_space<vmem>>, vector<1x16xf32>,
        %get3A_665 = vector.shape_cast %get3A_664 : vector<1x16xf32> to vector<16xf32>
        %mul3A_666 = arith.mulf %get3A_661, %get3A_665 : vector<16xf32>
        %add3A_667 = arith.addf %mul3A_657, %mul3A_666 : vector<16xf32>
        %get3A_668 = arith.index_cast %add3A_648 : i32 to index
        %get3A_669 = arith.constant 32 : index
        %get3A_670 = tpu.vector_load %arg9[%get3A_668, %get3A_669] {strides = array<i32>} : memref<64x128xf32, #tpu.memory_space<vmem>>, vector<1x16xf32>,
        %get3A_671 = vector.shape_cast %get3A_670 : vector<1x16xf32> to vector<16xf32>
        %get3A_672 = arith.index_cast %add3A_648 : i32 to index
        %get3A_673 = arith.constant 32 : index
        %get3A_674 = tpu.vector_load %arg10[%get3A_672, %get3A_673] {strides = array<i32>} : memref<64x128xf32, #tpu.memory_space<vmem>>, vector<1x16xf32>,
        %get3A_675 = vector.shape_cast %get3A_674 : vector<1x16xf32> to vector<16xf32>
        %mul3A_676 = arith.mulf %get3A_671, %get3A_675 : vector<16xf32>
        %add3A_677 = arith.addf %add3A_667, %mul3A_676 : vector<16xf32>
        %get3A_678 = arith.index_cast %add3A_648 : i32 to index
        %get3A_679 = arith.constant 48 : index
        %get3A_680 = tpu.vector_load %arg9[%get3A_678, %get3A_679] {strides = array<i32>} : memref<64x128xf32, #tpu.memory_space<vmem>>, vector<1x16xf32>,
        %get3A_681 = vector.shape_cast %get3A_680 : vector<1x16xf32> to vector<16xf32>
        %get3A_682 = arith.index_cast %add3A_648 : i32 to index
        %get3A_683 = arith.constant 48 : index
        %get3A_684 = tpu.vector_load %arg10[%get3A_682, %get3A_683] {strides = array<i32>} : memref<64x128xf32, #tpu.memory_space<vmem>>, vector<1x16xf32>,
        %get3A_685 = vector.shape_cast %get3A_684 : vector<1x16xf32> to vector<16xf32>
        %mul3A_686 = arith.mulf %get3A_681, %get3A_685 : vector<16xf32>
        %add3A_687 = arith.addf %add3A_677, %mul3A_686 : vector<16xf32>
        %get3A_688 = arith.index_cast %add3A_648 : i32 to index
        %get3A_689 = arith.constant 64 : index
        %get3A_690 = tpu.vector_load %arg9[%get3A_688, %get3A_689] {strides = array<i32>} : memref<64x128xf32, #tpu.memory_space<vmem>>, vector<1x16xf32>,
        %get3A_691 = vector.shape_cast %get3A_690 : vector<1x16xf32> to vector<16xf32>
        %get3A_692 = arith.index_cast %add3A_648 : i32 to index
        %get3A_693 = arith.constant 64 : index
        %get3A_694 = tpu.vector_load %arg10[%get3A_692, %get3A_693] {strides = array<i32>} : memref<64x128xf32, #tpu.memory_space<vmem>>, vector<1x16xf32>,
        %get3A_695 = vector.shape_cast %get3A_694 : vector<1x16xf32> to vector<16xf32>
        %mul3A_696 = arith.mulf %get3A_691, %get3A_695 : vector<16xf32>
        %add3A_697 = arith.addf %add3A_687, %mul3A_696 : vector<16xf32>
        %get3A_698 = arith.index_cast %add3A_648 : i32 to index
        %get3A_699 = arith.constant 80 : index
        %get3A_700 = tpu.vector_load %arg9[%get3A_698, %get3A_699] {strides = array<i32>} : memref<64x128xf32, #tpu.memory_space<vmem>>, vector<1x16xf32>,
        %get3A_701 = vector.shape_cast %get3A_700 : vector<1x16xf32> to vector<16xf32>
        %get3A_702 = arith.index_cast %add3A_648 : i32 to index
        %get3A_703 = arith.constant 80 : index
        %get3A_704 = tpu.vector_load %arg10[%get3A_702, %get3A_703] {strides = array<i32>} : memref<64x128xf32, #tpu.memory_space<vmem>>, vector<1x16xf32>,
        %get3A_705 = vector.shape_cast %get3A_704 : vector<1x16xf32> to vector<16xf32>
        %mul3A_706 = arith.mulf %get3A_701, %get3A_705 : vector<16xf32>
        %add3A_707 = arith.addf %add3A_697, %mul3A_706 : vector<16xf32>
        %get3A_708 = arith.index_cast %add3A_648 : i32 to index
        %get3A_709 = arith.constant 96 : index
        %get3A_710 = tpu.vector_load %arg9[%get3A_708, %get3A_709] {strides = array<i32>} : memref<64x128xf32, #tpu.memory_space<vmem>>, vector<1x16xf32>,
        %get3A_711 = vector.shape_cast %get3A_710 : vector<1x16xf32> to vector<16xf32>
        %get3A_712 = arith.index_cast %add3A_648 : i32 to index
        %get3A_713 = arith.constant 96 : index
        %get3A_714 = tpu.vector_load %arg10[%get3A_712, %get3A_713] {strides = array<i32>} : memref<64x128xf32, #tpu.memory_space<vmem>>, vector<1x16xf32>,
        %get3A_715 = vector.shape_cast %get3A_714 : vector<1x16xf32> to vector<16xf32>
        %mul3A_716 = arith.mulf %get3A_711, %get3A_715 : vector<16xf32>
        %add3A_717 = arith.addf %add3A_707, %mul3A_716 : vector<16xf32>
        %get3A_718 = arith.index_cast %add3A_648 : i32 to index
        %get3A_719 = arith.constant 112 : index
        %get3A_720 = tpu.vector_load %arg9[%get3A_718, %get3A_719] {strides = array<i32>} : memref<64x128xf32, #tpu.memory_space<vmem>>, vector<1x16xf32>,
        %get3A_721 = vector.shape_cast %get3A_720 : vector<1x16xf32> to vector<16xf32>
        %get3A_722 = arith.index_cast %add3A_648 : i32 to index
        %get3A_723 = arith.constant 112 : index
        %get3A_724 = tpu.vector_load %arg10[%get3A_722, %get3A_723] {strides = array<i32>} : memref<64x128xf32, #tpu.memory_space<vmem>>, vector<1x16xf32>,
        %get3A_725 = vector.shape_cast %get3A_724 : vector<1x16xf32> to vector<16xf32>
        %mul3A_726 = arith.mulf %get3A_721, %get3A_725 : vector<16xf32>
        %add3A_727 = arith.addf %add3A_717, %mul3A_726 : vector<16xf32>
        %mul3A_728 = arith.constant 16 : i32
        %mul3A_729 = arith.muli %add3A_648, %mul3A_728 : i32
        %swap3A_730 = arith.index_cast %mul3A_729 : i32 to index
        %swap3A_731 = tpu.vector_load %arg13[%swap3A_730] {strides = array<i32>} : memref<1024xf32, #tpu.memory_space<vmem>>, vector<16xf32>,
        %swap3A_732 = vector.shape_cast %swap3A_731 : vector<16xf32> to vector<16xf32>
        %swap3A_733 = vector.shape_cast %add3A_727 : vector<16xf32> to vector<16xf32>
        tpu.vector_store %arg13[%swap3A_730], %swap3A_733 {strides = array<i32>} : memref<1024xf32, #tpu.memory_space<vmem>>, vector<16xf32>,
        %mul3A_734 = arith.constant 8 : i32
        %mul3A_735 = arith.muli %scan3A_111, %mul3A_734 : i32
        %add3A_736 = arith.constant 7 : i32
        %add3A_737 = arith.addi %mul3A_735, %add3A_736 : i32
        %get3A_738 = arith.index_cast %add3A_737 : i32 to index
        %get3A_739 = arith.constant 0 : index
        %get3A_740 = tpu.vector_load %arg9[%get3A_738, %get3A_739] {strides = array<i32>} : memref<64x128xf32, #tpu.memory_space<vmem>>, vector<1x16xf32>,
        %get3A_741 = vector.shape_cast %get3A_740 : vector<1x16xf32> to vector<16xf32>
        %get3A_742 = arith.index_cast %add3A_737 : i32 to index
        %get3A_743 = arith.constant 0 : index
        %get3A_744 = tpu.vector_load %arg10[%get3A_742, %get3A_743] {strides = array<i32>} : memref<64x128xf32, #tpu.memory_space<vmem>>, vector<1x16xf32>,
        %get3A_745 = vector.shape_cast %get3A_744 : vector<1x16xf32> to vector<16xf32>
        %mul3A_746 = arith.mulf %get3A_741, %get3A_745 : vector<16xf32>
        %get3A_747 = arith.index_cast %add3A_737 : i32 to index
        %get3A_748 = arith.constant 16 : index
        %get3A_749 = tpu.vector_load %arg9[%get3A_747, %get3A_748] {strides = array<i32>} : memref<64x128xf32, #tpu.memory_space<vmem>>, vector<1x16xf32>,
        %get3A_750 = vector.shape_cast %get3A_749 : vector<1x16xf32> to vector<16xf32>
        %get3A_751 = arith.index_cast %add3A_737 : i32 to index
        %get3A_752 = arith.constant 16 : index
        %get3A_753 = tpu.vector_load %arg10[%get3A_751, %get3A_752] {strides = array<i32>} : memref<64x128xf32, #tpu.memory_space<vmem>>, vector<1x16xf32>,
        %get3A_754 = vector.shape_cast %get3A_753 : vector<1x16xf32> to vector<16xf32>
        %mul3A_755 = arith.mulf %get3A_750, %get3A_754 : vector<16xf32>
        %add3A_756 = arith.addf %mul3A_746, %mul3A_755 : vector<16xf32>
        %get3A_757 = arith.index_cast %add3A_737 : i32 to index
        %get3A_758 = arith.constant 32 : index
        %get3A_759 = tpu.vector_load %arg9[%get3A_757, %get3A_758] {strides = array<i32>} : memref<64x128xf32, #tpu.memory_space<vmem>>, vector<1x16xf32>,
        %get3A_760 = vector.shape_cast %get3A_759 : vector<1x16xf32> to vector<16xf32>
        %get3A_761 = arith.index_cast %add3A_737 : i32 to index
        %get3A_762 = arith.constant 32 : index
        %get3A_763 = tpu.vector_load %arg10[%get3A_761, %get3A_762] {strides = array<i32>} : memref<64x128xf32, #tpu.memory_space<vmem>>, vector<1x16xf32>,
        %get3A_764 = vector.shape_cast %get3A_763 : vector<1x16xf32> to vector<16xf32>
        %mul3A_765 = arith.mulf %get3A_760, %get3A_764 : vector<16xf32>
        %add3A_766 = arith.addf %add3A_756, %mul3A_765 : vector<16xf32>
        %get3A_767 = arith.index_cast %add3A_737 : i32 to index
        %get3A_768 = arith.constant 48 : index
        %get3A_769 = tpu.vector_load %arg9[%get3A_767, %get3A_768] {strides = array<i32>} : memref<64x128xf32, #tpu.memory_space<vmem>>, vector<1x16xf32>,
        %get3A_770 = vector.shape_cast %get3A_769 : vector<1x16xf32> to vector<16xf32>
        %get3A_771 = arith.index_cast %add3A_737 : i32 to index
        %get3A_772 = arith.constant 48 : index
        %get3A_773 = tpu.vector_load %arg10[%get3A_771, %get3A_772] {strides = array<i32>} : memref<64x128xf32, #tpu.memory_space<vmem>>, vector<1x16xf32>,
        %get3A_774 = vector.shape_cast %get3A_773 : vector<1x16xf32> to vector<16xf32>
        %mul3A_775 = arith.mulf %get3A_770, %get3A_774 : vector<16xf32>
        %add3A_776 = arith.addf %add3A_766, %mul3A_775 : vector<16xf32>
        %get3A_777 = arith.index_cast %add3A_737 : i32 to index
        %get3A_778 = arith.constant 64 : index
        %get3A_779 = tpu.vector_load %arg9[%get3A_777, %get3A_778] {strides = array<i32>} : memref<64x128xf32, #tpu.memory_space<vmem>>, vector<1x16xf32>,
        %get3A_780 = vector.shape_cast %get3A_779 : vector<1x16xf32> to vector<16xf32>
        %get3A_781 = arith.index_cast %add3A_737 : i32 to index
        %get3A_782 = arith.constant 64 : index
        %get3A_783 = tpu.vector_load %arg10[%get3A_781, %get3A_782] {strides = array<i32>} : memref<64x128xf32, #tpu.memory_space<vmem>>, vector<1x16xf32>,
        %get3A_784 = vector.shape_cast %get3A_783 : vector<1x16xf32> to vector<16xf32>
        %mul3A_785 = arith.mulf %get3A_780, %get3A_784 : vector<16xf32>
        %add3A_786 = arith.addf %add3A_776, %mul3A_785 : vector<16xf32>
        %get3A_787 = arith.index_cast %add3A_737 : i32 to index
        %get3A_788 = arith.constant 80 : index
        %get3A_789 = tpu.vector_load %arg9[%get3A_787, %get3A_788] {strides = array<i32>} : memref<64x128xf32, #tpu.memory_space<vmem>>, vector<1x16xf32>,
        %get3A_790 = vector.shape_cast %get3A_789 : vector<1x16xf32> to vector<16xf32>
        %get3A_791 = arith.index_cast %add3A_737 : i32 to index
        %get3A_792 = arith.constant 80 : index
        %get3A_793 = tpu.vector_load %arg10[%get3A_791, %get3A_792] {strides = array<i32>} : memref<64x128xf32, #tpu.memory_space<vmem>>, vector<1x16xf32>,
        %get3A_794 = vector.shape_cast %get3A_793 : vector<1x16xf32> to vector<16xf32>
        %mul3A_795 = arith.mulf %get3A_790, %get3A_794 : vector<16xf32>
        %add3A_796 = arith.addf %add3A_786, %mul3A_795 : vector<16xf32>
        %get3A_797 = arith.index_cast %add3A_737 : i32 to index
        %get3A_798 = arith.constant 96 : index
        %get3A_799 = tpu.vector_load %arg9[%get3A_797, %get3A_798] {strides = array<i32>} : memref<64x128xf32, #tpu.memory_space<vmem>>, vector<1x16xf32>,
        %get3A_800 = vector.shape_cast %get3A_799 : vector<1x16xf32> to vector<16xf32>
        %get3A_801 = arith.index_cast %add3A_737 : i32 to index
        %get3A_802 = arith.constant 96 : index
        %get3A_803 = tpu.vector_load %arg10[%get3A_801, %get3A_802] {strides = array<i32>} : memref<64x128xf32, #tpu.memory_space<vmem>>, vector<1x16xf32>,
        %get3A_804 = vector.shape_cast %get3A_803 : vector<1x16xf32> to vector<16xf32>
        %mul3A_805 = arith.mulf %get3A_800, %get3A_804 : vector<16xf32>
        %add3A_806 = arith.addf %add3A_796, %mul3A_805 : vector<16xf32>
        %get3A_807 = arith.index_cast %add3A_737 : i32 to index
        %get3A_808 = arith.constant 112 : index
        %get3A_809 = tpu.vector_load %arg9[%get3A_807, %get3A_808] {strides = array<i32>} : memref<64x128xf32, #tpu.memory_space<vmem>>, vector<1x16xf32>,
        %get3A_810 = vector.shape_cast %get3A_809 : vector<1x16xf32> to vector<16xf32>
        %get3A_811 = arith.index_cast %add3A_737 : i32 to index
        %get3A_812 = arith.constant 112 : index
        %get3A_813 = tpu.vector_load %arg10[%get3A_811, %get3A_812] {strides = array<i32>} : memref<64x128xf32, #tpu.memory_space<vmem>>, vector<1x16xf32>,
        %get3A_814 = vector.shape_cast %get3A_813 : vector<1x16xf32> to vector<16xf32>
        %mul3A_815 = arith.mulf %get3A_810, %get3A_814 : vector<16xf32>
        %add3A_816 = arith.addf %add3A_806, %mul3A_815 : vector<16xf32>
        %mul3A_817 = arith.constant 16 : i32
        %mul3A_818 = arith.muli %add3A_737, %mul3A_817 : i32
        %swap3A_819 = arith.index_cast %mul3A_818 : i32 to index
        %swap3A_820 = tpu.vector_load %arg13[%swap3A_819] {strides = array<i32>} : memref<1024xf32, #tpu.memory_space<vmem>>, vector<16xf32>,
        %swap3A_821 = vector.shape_cast %swap3A_820 : vector<16xf32> to vector<16xf32>
        %swap3A_822 = vector.shape_cast %add3A_816 : vector<16xf32> to vector<16xf32>
        tpu.vector_store %arg13[%swap3A_819], %swap3A_822 {strides = array<i32>} : memref<1024xf32, #tpu.memory_space<vmem>>, vector<16xf32>,
        %scan3A_823 = arith.constant 0 : i32
        scf.yield %scan3A_823 : i32
      }
      %scan3A_67 = arith.constant 8 : i32
      %mul3A_68 = arith.constant 2 : i32
      %mul3A_69 = arith.muli %scan3A_22, %mul3A_68 : i32
      %mul3A_70 = arith.constant 1024 : i32
      %mul3A_71 = arith.muli %mul3A_69, %mul3A_70 : i32
      %dma_start3A_72 = tpu.memref_slice %arg5[%add3A, %mul3A_71] : memref<32x53248xf32, #tpu.memory_space<hbm>> -> memref<1x1024xf32, #tpu.memory_space<hbm>>
      %dma_start3A_73 = tpu.memref_squeeze %dma_start3A_72 : memref<1x1024xf32, #tpu.memory_space<hbm>> -> memref<1024xf32, #tpu.memory_space<hbm>>
      %dma_start3A_74 = tpu.memref_slice %arg5[%add3A, %mul3A_71] : memref<32x53248xf32, #tpu.memory_space<hbm>> -> memref<1x1024xf32, #tpu.memory_space<hbm>>
      %dma_start3A_75 = tpu.memref_squeeze %dma_start3A_74 : memref<1x1024xf32, #tpu.memory_space<hbm>> -> memref<1024xf32, #tpu.memory_space<hbm>>
      tpu.enqueue_dma source(%arg13 : memref<1024xf32, #tpu.memory_space<vmem>>) target(%dma_start3A_75 : memref<1024xf32, #tpu.memory_space<hbm>>) target_semaphore(%arg19 : memref<!tpu.dma_semaphore, #tpu.memory_space<semaphore_mem>>)
      %dma_wait3A_76 = arith.constant 64 : i32
      %dma_wait3A_77 = tpu.memref_slice %arg7[%scan3A_22, %dma_wait3A_76] : memref<26x128xi32, #tpu.memory_space<vmem>> -> memref<1x64xi32, #tpu.memory_space<vmem>>
      %dma_wait3A_78 = tpu.memref_squeeze %dma_wait3A_77 : memref<1x64xi32, #tpu.memory_space<vmem>> -> memref<64xi32, #tpu.memory_space<vmem>>
      %dma_wait3A_79 = arith.constant 0 : i32
      %dma_wait3A_80 = arith.constant 0 : i32
      %dma_wait3A_81 = tpu.memref_slice %arg6[%dma_wait3A_79, %dma_wait3A_80] : memref<10240x128xf32, #tpu.memory_space<vmem_shared>> -> memref<10240x128xf32, #tpu.memory_space<vmem_shared>>
      tpu.wait_indirect_dma semaphore(%arg17 : memref<!tpu.dma_semaphore, #tpu.memory_space<semaphore_mem>>) src(%dma_wait3A_81 : memref<10240x128xf32, #tpu.memory_space<vmem_shared>>) dst(%arg11 : memref<64x128xf32, #tpu.memory_space<vmem>>)
      %dma_wait3A_82 = arith.constant 64 : i32
      %dma_wait3A_83 = tpu.memref_slice %arg8[%scan3A_22, %dma_wait3A_82] : memref<26x128xi32, #tpu.memory_space<vmem>> -> memref<1x64xi32, #tpu.memory_space<vmem>>
      %dma_wait3A_84 = tpu.memref_squeeze %dma_wait3A_83 : memref<1x64xi32, #tpu.memory_space<vmem>> -> memref<64xi32, #tpu.memory_space<vmem>>
      %dma_wait3A_85 = arith.constant 0 : i32
      %dma_wait3A_86 = arith.constant 0 : i32
      %dma_wait3A_87 = tpu.memref_slice %arg6[%dma_wait3A_85, %dma_wait3A_86] : memref<10240x128xf32, #tpu.memory_space<vmem_shared>> -> memref<10240x128xf32, #tpu.memory_space<vmem_shared>>
      tpu.wait_indirect_dma semaphore(%arg18 : memref<!tpu.dma_semaphore, #tpu.memory_space<semaphore_mem>>) src(%dma_wait3A_87 : memref<10240x128xf32, #tpu.memory_space<vmem_shared>>) dst(%arg12 : memref<64x128xf32, #tpu.memory_space<vmem>>)
      %gt3A_88 = arith.constant 0 : i32
      %gt3A_89 = arith.cmpi sgt, %scan3A_22, %gt3A_88 : i32
      %convert_element_type3A_90 = arith.extui %gt3A_89 : i1 to i32
      %cond3A_91 = arith.constant 0 : i32
      %cond3A_92 = arith.cmpi ne, %convert_element_type3A_90, %cond3A_91 : i32
      scf.if %cond3A_92 {
        %dma_wait3A_111 = arith.constant 0 : i32
        %dma_wait3A_112 = tpu.memref_slice %arg5[%add3A, %dma_wait3A_111] : memref<32x53248xf32, #tpu.memory_space<hbm>> -> memref<1x1024xf32, #tpu.memory_space<hbm>>
        %dma_wait3A_113 = tpu.memref_squeeze %dma_wait3A_112 : memref<1x1024xf32, #tpu.memory_space<hbm>> -> memref<1024xf32, #tpu.memory_space<hbm>>
        %dma_wait3A_114 = arith.constant 0 : i32
        %dma_wait3A_115 = tpu.memref_slice %arg5[%add3A, %dma_wait3A_114] : memref<32x53248xf32, #tpu.memory_space<hbm>> -> memref<1x1024xf32, #tpu.memory_space<hbm>>
        %dma_wait3A_116 = tpu.memref_squeeze %dma_wait3A_115 : memref<1x1024xf32, #tpu.memory_space<hbm>> -> memref<1024xf32, #tpu.memory_space<hbm>>
        tpu.wait_dma2 semaphore(%arg19 : memref<!tpu.dma_semaphore, #tpu.memory_space<semaphore_mem>>) src(%arg14 : memref<1024xf32, #tpu.memory_space<vmem>>) dst(%dma_wait3A_116 : memref<1024xf32, #tpu.memory_space<hbm>>)
      } else {
      }
      %scan3A_93 = arith.constant 0 : i32
      %scan3A_94 = arith.constant 0 : i32
      %scan3A_95 = arith.constant 8 : i32
      %scan3A_96 = arith.addi %scan3A_94, %scan3A_95 : i32
      %scan3A_97 = arith.constant 1 : i32
      %scan3A_98 = scf.for %scan3A_111 = %scan3A_94 to %scan3A_96 step %scan3A_97 iter_args(%scan3A_112 = %scan3A_93) -> (i32)  : i32 {
        %mul3A_113 = arith.constant 8 : i32
        %mul3A_114 = arith.muli %scan3A_111, %mul3A_113 : i32
        %add3A_115 = arith.constant 0 : i32
        %add3A_116 = arith.addi %mul3A_114, %add3A_115 : i32
        %get3A = arith.index_cast %add3A_116 : i32 to index
        %get3A_117 = arith.constant 0 : index
        %get3A_118 = tpu.vector_load %arg11[%get3A, %get3A_117] {strides = array<i32>} : memref<64x128xf32, #tpu.memory_space<vmem>>, vector<1x16xf32>,
        %get3A_119 = vector.shape_cast %get3A_118 : vector<1x16xf32> to vector<16xf32>
        %get3A_120 = arith.index_cast %add3A_116 : i32 to index
        %get3A_121 = arith.constant 0 : index
        %get3A_122 = tpu.vector_load %arg12[%get3A_120, %get3A_121] {strides = array<i32>} : memref<64x128xf32, #tpu.memory_space<vmem>>, vector<1x16xf32>,
        %get3A_123 = vector.shape_cast %get3A_122 : vector<1x16xf32> to vector<16xf32>
        %mul3A_124 = arith.mulf %get3A_119, %get3A_123 : vector<16xf32>
        %get3A_125 = arith.index_cast %add3A_116 : i32 to index
        %get3A_126 = arith.constant 16 : index
        %get3A_127 = tpu.vector_load %arg11[%get3A_125, %get3A_126] {strides = array<i32>} : memref<64x128xf32, #tpu.memory_space<vmem>>, vector<1x16xf32>,
        %get3A_128 = vector.shape_cast %get3A_127 : vector<1x16xf32> to vector<16xf32>
        %get3A_129 = arith.index_cast %add3A_116 : i32 to index
        %get3A_130 = arith.constant 16 : index
        %get3A_131 = tpu.vector_load %arg12[%get3A_129, %get3A_130] {strides = array<i32>} : memref<64x128xf32, #tpu.memory_space<vmem>>, vector<1x16xf32>,
        %get3A_132 = vector.shape_cast %get3A_131 : vector<1x16xf32> to vector<16xf32>
        %mul3A_133 = arith.mulf %get3A_128, %get3A_132 : vector<16xf32>
        %add3A_134 = arith.addf %mul3A_124, %mul3A_133 : vector<16xf32>
        %get3A_135 = arith.index_cast %add3A_116 : i32 to index
        %get3A_136 = arith.constant 32 : index
        %get3A_137 = tpu.vector_load %arg11[%get3A_135, %get3A_136] {strides = array<i32>} : memref<64x128xf32, #tpu.memory_space<vmem>>, vector<1x16xf32>,
        %get3A_138 = vector.shape_cast %get3A_137 : vector<1x16xf32> to vector<16xf32>
        %get3A_139 = arith.index_cast %add3A_116 : i32 to index
        %get3A_140 = arith.constant 32 : index
        %get3A_141 = tpu.vector_load %arg12[%get3A_139, %get3A_140] {strides = array<i32>} : memref<64x128xf32, #tpu.memory_space<vmem>>, vector<1x16xf32>,
        %get3A_142 = vector.shape_cast %get3A_141 : vector<1x16xf32> to vector<16xf32>
        %mul3A_143 = arith.mulf %get3A_138, %get3A_142 : vector<16xf32>
        %add3A_144 = arith.addf %add3A_134, %mul3A_143 : vector<16xf32>
        %get3A_145 = arith.index_cast %add3A_116 : i32 to index
        %get3A_146 = arith.constant 48 : index
        %get3A_147 = tpu.vector_load %arg11[%get3A_145, %get3A_146] {strides = array<i32>} : memref<64x128xf32, #tpu.memory_space<vmem>>, vector<1x16xf32>,
        %get3A_148 = vector.shape_cast %get3A_147 : vector<1x16xf32> to vector<16xf32>
        %get3A_149 = arith.index_cast %add3A_116 : i32 to index
        %get3A_150 = arith.constant 48 : index
        %get3A_151 = tpu.vector_load %arg12[%get3A_149, %get3A_150] {strides = array<i32>} : memref<64x128xf32, #tpu.memory_space<vmem>>, vector<1x16xf32>,
        %get3A_152 = vector.shape_cast %get3A_151 : vector<1x16xf32> to vector<16xf32>
        %mul3A_153 = arith.mulf %get3A_148, %get3A_152 : vector<16xf32>
        %add3A_154 = arith.addf %add3A_144, %mul3A_153 : vector<16xf32>
        %get3A_155 = arith.index_cast %add3A_116 : i32 to index
        %get3A_156 = arith.constant 64 : index
        %get3A_157 = tpu.vector_load %arg11[%get3A_155, %get3A_156] {strides = array<i32>} : memref<64x128xf32, #tpu.memory_space<vmem>>, vector<1x16xf32>,
        %get3A_158 = vector.shape_cast %get3A_157 : vector<1x16xf32> to vector<16xf32>
        %get3A_159 = arith.index_cast %add3A_116 : i32 to index
        %get3A_160 = arith.constant 64 : index
        %get3A_161 = tpu.vector_load %arg12[%get3A_159, %get3A_160] {strides = array<i32>} : memref<64x128xf32, #tpu.memory_space<vmem>>, vector<1x16xf32>,
        %get3A_162 = vector.shape_cast %get3A_161 : vector<1x16xf32> to vector<16xf32>
        %mul3A_163 = arith.mulf %get3A_158, %get3A_162 : vector<16xf32>
        %add3A_164 = arith.addf %add3A_154, %mul3A_163 : vector<16xf32>
        %get3A_165 = arith.index_cast %add3A_116 : i32 to index
        %get3A_166 = arith.constant 80 : index
        %get3A_167 = tpu.vector_load %arg11[%get3A_165, %get3A_166] {strides = array<i32>} : memref<64x128xf32, #tpu.memory_space<vmem>>, vector<1x16xf32>,
        %get3A_168 = vector.shape_cast %get3A_167 : vector<1x16xf32> to vector<16xf32>
        %get3A_169 = arith.index_cast %add3A_116 : i32 to index
        %get3A_170 = arith.constant 80 : index
        %get3A_171 = tpu.vector_load %arg12[%get3A_169, %get3A_170] {strides = array<i32>} : memref<64x128xf32, #tpu.memory_space<vmem>>, vector<1x16xf32>,
        %get3A_172 = vector.shape_cast %get3A_171 : vector<1x16xf32> to vector<16xf32>
        %mul3A_173 = arith.mulf %get3A_168, %get3A_172 : vector<16xf32>
        %add3A_174 = arith.addf %add3A_164, %mul3A_173 : vector<16xf32>
        %get3A_175 = arith.index_cast %add3A_116 : i32 to index
        %get3A_176 = arith.constant 96 : index
        %get3A_177 = tpu.vector_load %arg11[%get3A_175, %get3A_176] {strides = array<i32>} : memref<64x128xf32, #tpu.memory_space<vmem>>, vector<1x16xf32>,
        %get3A_178 = vector.shape_cast %get3A_177 : vector<1x16xf32> to vector<16xf32>
        %get3A_179 = arith.index_cast %add3A_116 : i32 to index
        %get3A_180 = arith.constant 96 : index
        %get3A_181 = tpu.vector_load %arg12[%get3A_179, %get3A_180] {strides = array<i32>} : memref<64x128xf32, #tpu.memory_space<vmem>>, vector<1x16xf32>,
        %get3A_182 = vector.shape_cast %get3A_181 : vector<1x16xf32> to vector<16xf32>
        %mul3A_183 = arith.mulf %get3A_178, %get3A_182 : vector<16xf32>
        %add3A_184 = arith.addf %add3A_174, %mul3A_183 : vector<16xf32>
        %get3A_185 = arith.index_cast %add3A_116 : i32 to index
        %get3A_186 = arith.constant 112 : index
        %get3A_187 = tpu.vector_load %arg11[%get3A_185, %get3A_186] {strides = array<i32>} : memref<64x128xf32, #tpu.memory_space<vmem>>, vector<1x16xf32>,
        %get3A_188 = vector.shape_cast %get3A_187 : vector<1x16xf32> to vector<16xf32>
        %get3A_189 = arith.index_cast %add3A_116 : i32 to index
        %get3A_190 = arith.constant 112 : index
        %get3A_191 = tpu.vector_load %arg12[%get3A_189, %get3A_190] {strides = array<i32>} : memref<64x128xf32, #tpu.memory_space<vmem>>, vector<1x16xf32>,
        %get3A_192 = vector.shape_cast %get3A_191 : vector<1x16xf32> to vector<16xf32>
        %mul3A_193 = arith.mulf %get3A_188, %get3A_192 : vector<16xf32>
        %add3A_194 = arith.addf %add3A_184, %mul3A_193 : vector<16xf32>
        %mul3A_195 = arith.constant 16 : i32
        %mul3A_196 = arith.muli %add3A_116, %mul3A_195 : i32
        %swap3A = arith.index_cast %mul3A_196 : i32 to index
        %swap3A_197 = tpu.vector_load %arg14[%swap3A] {strides = array<i32>} : memref<1024xf32, #tpu.memory_space<vmem>>, vector<16xf32>,
        %swap3A_198 = vector.shape_cast %swap3A_197 : vector<16xf32> to vector<16xf32>
        %swap3A_199 = vector.shape_cast %add3A_194 : vector<16xf32> to vector<16xf32>
        tpu.vector_store %arg14[%swap3A], %swap3A_199 {strides = array<i32>} : memref<1024xf32, #tpu.memory_space<vmem>>, vector<16xf32>,
        %mul3A_200 = arith.constant 8 : i32
        %mul3A_201 = arith.muli %scan3A_111, %mul3A_200 : i32
        %add3A_202 = arith.constant 1 : i32
        %add3A_203 = arith.addi %mul3A_201, %add3A_202 : i32
        %get3A_204 = arith.index_cast %add3A_203 : i32 to index
        %get3A_205 = arith.constant 0 : index
        %get3A_206 = tpu.vector_load %arg11[%get3A_204, %get3A_205] {strides = array<i32>} : memref<64x128xf32, #tpu.memory_space<vmem>>, vector<1x16xf32>,
        %get3A_207 = vector.shape_cast %get3A_206 : vector<1x16xf32> to vector<16xf32>
        %get3A_208 = arith.index_cast %add3A_203 : i32 to index
        %get3A_209 = arith.constant 0 : index
        %get3A_210 = tpu.vector_load %arg12[%get3A_208, %get3A_209] {strides = array<i32>} : memref<64x128xf32, #tpu.memory_space<vmem>>, vector<1x16xf32>,
        %get3A_211 = vector.shape_cast %get3A_210 : vector<1x16xf32> to vector<16xf32>
        %mul3A_212 = arith.mulf %get3A_207, %get3A_211 : vector<16xf32>
        %get3A_213 = arith.index_cast %add3A_203 : i32 to index
        %get3A_214 = arith.constant 16 : index
        %get3A_215 = tpu.vector_load %arg11[%get3A_213, %get3A_214] {strides = array<i32>} : memref<64x128xf32, #tpu.memory_space<vmem>>, vector<1x16xf32>,
        %get3A_216 = vector.shape_cast %get3A_215 : vector<1x16xf32> to vector<16xf32>
        %get3A_217 = arith.index_cast %add3A_203 : i32 to index
        %get3A_218 = arith.constant 16 : index
        %get3A_219 = tpu.vector_load %arg12[%get3A_217, %get3A_218] {strides = array<i32>} : memref<64x128xf32, #tpu.memory_space<vmem>>, vector<1x16xf32>,
        %get3A_220 = vector.shape_cast %get3A_219 : vector<1x16xf32> to vector<16xf32>
        %mul3A_221 = arith.mulf %get3A_216, %get3A_220 : vector<16xf32>
        %add3A_222 = arith.addf %mul3A_212, %mul3A_221 : vector<16xf32>
        %get3A_223 = arith.index_cast %add3A_203 : i32 to index
        %get3A_224 = arith.constant 32 : index
        %get3A_225 = tpu.vector_load %arg11[%get3A_223, %get3A_224] {strides = array<i32>} : memref<64x128xf32, #tpu.memory_space<vmem>>, vector<1x16xf32>,
        %get3A_226 = vector.shape_cast %get3A_225 : vector<1x16xf32> to vector<16xf32>
        %get3A_227 = arith.index_cast %add3A_203 : i32 to index
        %get3A_228 = arith.constant 32 : index
        %get3A_229 = tpu.vector_load %arg12[%get3A_227, %get3A_228] {strides = array<i32>} : memref<64x128xf32, #tpu.memory_space<vmem>>, vector<1x16xf32>,
        %get3A_230 = vector.shape_cast %get3A_229 : vector<1x16xf32> to vector<16xf32>
        %mul3A_231 = arith.mulf %get3A_226, %get3A_230 : vector<16xf32>
        %add3A_232 = arith.addf %add3A_222, %mul3A_231 : vector<16xf32>
        %get3A_233 = arith.index_cast %add3A_203 : i32 to index
        %get3A_234 = arith.constant 48 : index
        %get3A_235 = tpu.vector_load %arg11[%get3A_233, %get3A_234] {strides = array<i32>} : memref<64x128xf32, #tpu.memory_space<vmem>>, vector<1x16xf32>,
        %get3A_236 = vector.shape_cast %get3A_235 : vector<1x16xf32> to vector<16xf32>
        %get3A_237 = arith.index_cast %add3A_203 : i32 to index
        %get3A_238 = arith.constant 48 : index
        %get3A_239 = tpu.vector_load %arg12[%get3A_237, %get3A_238] {strides = array<i32>} : memref<64x128xf32, #tpu.memory_space<vmem>>, vector<1x16xf32>,
        %get3A_240 = vector.shape_cast %get3A_239 : vector<1x16xf32> to vector<16xf32>
        %mul3A_241 = arith.mulf %get3A_236, %get3A_240 : vector<16xf32>
        %add3A_242 = arith.addf %add3A_232, %mul3A_241 : vector<16xf32>
        %get3A_243 = arith.index_cast %add3A_203 : i32 to index
        %get3A_244 = arith.constant 64 : index
        %get3A_245 = tpu.vector_load %arg11[%get3A_243, %get3A_244] {strides = array<i32>} : memref<64x128xf32, #tpu.memory_space<vmem>>, vector<1x16xf32>,
        %get3A_246 = vector.shape_cast %get3A_245 : vector<1x16xf32> to vector<16xf32>
        %get3A_247 = arith.index_cast %add3A_203 : i32 to index
        %get3A_248 = arith.constant 64 : index
        %get3A_249 = tpu.vector_load %arg12[%get3A_247, %get3A_248] {strides = array<i32>} : memref<64x128xf32, #tpu.memory_space<vmem>>, vector<1x16xf32>,
        %get3A_250 = vector.shape_cast %get3A_249 : vector<1x16xf32> to vector<16xf32>
        %mul3A_251 = arith.mulf %get3A_246, %get3A_250 : vector<16xf32>
        %add3A_252 = arith.addf %add3A_242, %mul3A_251 : vector<16xf32>
        %get3A_253 = arith.index_cast %add3A_203 : i32 to index
        %get3A_254 = arith.constant 80 : index
        %get3A_255 = tpu.vector_load %arg11[%get3A_253, %get3A_254] {strides = array<i32>} : memref<64x128xf32, #tpu.memory_space<vmem>>, vector<1x16xf32>,
        %get3A_256 = vector.shape_cast %get3A_255 : vector<1x16xf32> to vector<16xf32>
        %get3A_257 = arith.index_cast %add3A_203 : i32 to index
        %get3A_258 = arith.constant 80 : index
        %get3A_259 = tpu.vector_load %arg12[%get3A_257, %get3A_258] {strides = array<i32>} : memref<64x128xf32, #tpu.memory_space<vmem>>, vector<1x16xf32>,
        %get3A_260 = vector.shape_cast %get3A_259 : vector<1x16xf32> to vector<16xf32>
        %mul3A_261 = arith.mulf %get3A_256, %get3A_260 : vector<16xf32>
        %add3A_262 = arith.addf %add3A_252, %mul3A_261 : vector<16xf32>
        %get3A_263 = arith.index_cast %add3A_203 : i32 to index
        %get3A_264 = arith.constant 96 : index
        %get3A_265 = tpu.vector_load %arg11[%get3A_263, %get3A_264] {strides = array<i32>} : memref<64x128xf32, #tpu.memory_space<vmem>>, vector<1x16xf32>,
        %get3A_266 = vector.shape_cast %get3A_265 : vector<1x16xf32> to vector<16xf32>
        %get3A_267 = arith.index_cast %add3A_203 : i32 to index
        %get3A_268 = arith.constant 96 : index
        %get3A_269 = tpu.vector_load %arg12[%get3A_267, %get3A_268] {strides = array<i32>} : memref<64x128xf32, #tpu.memory_space<vmem>>, vector<1x16xf32>,
        %get3A_270 = vector.shape_cast %get3A_269 : vector<1x16xf32> to vector<16xf32>
        %mul3A_271 = arith.mulf %get3A_266, %get3A_270 : vector<16xf32>
        %add3A_272 = arith.addf %add3A_262, %mul3A_271 : vector<16xf32>
        %get3A_273 = arith.index_cast %add3A_203 : i32 to index
        %get3A_274 = arith.constant 112 : index
        %get3A_275 = tpu.vector_load %arg11[%get3A_273, %get3A_274] {strides = array<i32>} : memref<64x128xf32, #tpu.memory_space<vmem>>, vector<1x16xf32>,
        %get3A_276 = vector.shape_cast %get3A_275 : vector<1x16xf32> to vector<16xf32>
        %get3A_277 = arith.index_cast %add3A_203 : i32 to index
        %get3A_278 = arith.constant 112 : index
        %get3A_279 = tpu.vector_load %arg12[%get3A_277, %get3A_278] {strides = array<i32>} : memref<64x128xf32, #tpu.memory_space<vmem>>, vector<1x16xf32>,
        %get3A_280 = vector.shape_cast %get3A_279 : vector<1x16xf32> to vector<16xf32>
        %mul3A_281 = arith.mulf %get3A_276, %get3A_280 : vector<16xf32>
        %add3A_282 = arith.addf %add3A_272, %mul3A_281 : vector<16xf32>
        %mul3A_283 = arith.constant 16 : i32
        %mul3A_284 = arith.muli %add3A_203, %mul3A_283 : i32
        %swap3A_285 = arith.index_cast %mul3A_284 : i32 to index
        %swap3A_286 = tpu.vector_load %arg14[%swap3A_285] {strides = array<i32>} : memref<1024xf32, #tpu.memory_space<vmem>>, vector<16xf32>,
        %swap3A_287 = vector.shape_cast %swap3A_286 : vector<16xf32> to vector<16xf32>
        %swap3A_288 = vector.shape_cast %add3A_282 : vector<16xf32> to vector<16xf32>
        tpu.vector_store %arg14[%swap3A_285], %swap3A_288 {strides = array<i32>} : memref<1024xf32, #tpu.memory_space<vmem>>, vector<16xf32>,
        %mul3A_289 = arith.constant 8 : i32
        %mul3A_290 = arith.muli %scan3A_111, %mul3A_289 : i32
        %add3A_291 = arith.constant 2 : i32
        %add3A_292 = arith.addi %mul3A_290, %add3A_291 : i32
        %get3A_293 = arith.index_cast %add3A_292 : i32 to index
        %get3A_294 = arith.constant 0 : index
        %get3A_295 = tpu.vector_load %arg11[%get3A_293, %get3A_294] {strides = array<i32>} : memref<64x128xf32, #tpu.memory_space<vmem>>, vector<1x16xf32>,
        %get3A_296 = vector.shape_cast %get3A_295 : vector<1x16xf32> to vector<16xf32>
        %get3A_297 = arith.index_cast %add3A_292 : i32 to index
        %get3A_298 = arith.constant 0 : index
        %get3A_299 = tpu.vector_load %arg12[%get3A_297, %get3A_298] {strides = array<i32>} : memref<64x128xf32, #tpu.memory_space<vmem>>, vector<1x16xf32>,
        %get3A_300 = vector.shape_cast %get3A_299 : vector<1x16xf32> to vector<16xf32>
        %mul3A_301 = arith.mulf %get3A_296, %get3A_300 : vector<16xf32>
        %get3A_302 = arith.index_cast %add3A_292 : i32 to index
        %get3A_303 = arith.constant 16 : index
        %get3A_304 = tpu.vector_load %arg11[%get3A_302, %get3A_303] {strides = array<i32>} : memref<64x128xf32, #tpu.memory_space<vmem>>, vector<1x16xf32>,
        %get3A_305 = vector.shape_cast %get3A_304 : vector<1x16xf32> to vector<16xf32>
        %get3A_306 = arith.index_cast %add3A_292 : i32 to index
        %get3A_307 = arith.constant 16 : index
        %get3A_308 = tpu.vector_load %arg12[%get3A_306, %get3A_307] {strides = array<i32>} : memref<64x128xf32, #tpu.memory_space<vmem>>, vector<1x16xf32>,
        %get3A_309 = vector.shape_cast %get3A_308 : vector<1x16xf32> to vector<16xf32>
        %mul3A_310 = arith.mulf %get3A_305, %get3A_309 : vector<16xf32>
        %add3A_311 = arith.addf %mul3A_301, %mul3A_310 : vector<16xf32>
        %get3A_312 = arith.index_cast %add3A_292 : i32 to index
        %get3A_313 = arith.constant 32 : index
        %get3A_314 = tpu.vector_load %arg11[%get3A_312, %get3A_313] {strides = array<i32>} : memref<64x128xf32, #tpu.memory_space<vmem>>, vector<1x16xf32>,
        %get3A_315 = vector.shape_cast %get3A_314 : vector<1x16xf32> to vector<16xf32>
        %get3A_316 = arith.index_cast %add3A_292 : i32 to index
        %get3A_317 = arith.constant 32 : index
        %get3A_318 = tpu.vector_load %arg12[%get3A_316, %get3A_317] {strides = array<i32>} : memref<64x128xf32, #tpu.memory_space<vmem>>, vector<1x16xf32>,
        %get3A_319 = vector.shape_cast %get3A_318 : vector<1x16xf32> to vector<16xf32>
        %mul3A_320 = arith.mulf %get3A_315, %get3A_319 : vector<16xf32>
        %add3A_321 = arith.addf %add3A_311, %mul3A_320 : vector<16xf32>
        %get3A_322 = arith.index_cast %add3A_292 : i32 to index
        %get3A_323 = arith.constant 48 : index
        %get3A_324 = tpu.vector_load %arg11[%get3A_322, %get3A_323] {strides = array<i32>} : memref<64x128xf32, #tpu.memory_space<vmem>>, vector<1x16xf32>,
        %get3A_325 = vector.shape_cast %get3A_324 : vector<1x16xf32> to vector<16xf32>
        %get3A_326 = arith.index_cast %add3A_292 : i32 to index
        %get3A_327 = arith.constant 48 : index
        %get3A_328 = tpu.vector_load %arg12[%get3A_326, %get3A_327] {strides = array<i32>} : memref<64x128xf32, #tpu.memory_space<vmem>>, vector<1x16xf32>,
        %get3A_329 = vector.shape_cast %get3A_328 : vector<1x16xf32> to vector<16xf32>
        %mul3A_330 = arith.mulf %get3A_325, %get3A_329 : vector<16xf32>
        %add3A_331 = arith.addf %add3A_321, %mul3A_330 : vector<16xf32>
        %get3A_332 = arith.index_cast %add3A_292 : i32 to index
        %get3A_333 = arith.constant 64 : index
        %get3A_334 = tpu.vector_load %arg11[%get3A_332, %get3A_333] {strides = array<i32>} : memref<64x128xf32, #tpu.memory_space<vmem>>, vector<1x16xf32>,
        %get3A_335 = vector.shape_cast %get3A_334 : vector<1x16xf32> to vector<16xf32>
        %get3A_336 = arith.index_cast %add3A_292 : i32 to index
        %get3A_337 = arith.constant 64 : index
        %get3A_338 = tpu.vector_load %arg12[%get3A_336, %get3A_337] {strides = array<i32>} : memref<64x128xf32, #tpu.memory_space<vmem>>, vector<1x16xf32>,
        %get3A_339 = vector.shape_cast %get3A_338 : vector<1x16xf32> to vector<16xf32>
        %mul3A_340 = arith.mulf %get3A_335, %get3A_339 : vector<16xf32>
        %add3A_341 = arith.addf %add3A_331, %mul3A_340 : vector<16xf32>
        %get3A_342 = arith.index_cast %add3A_292 : i32 to index
        %get3A_343 = arith.constant 80 : index
        %get3A_344 = tpu.vector_load %arg11[%get3A_342, %get3A_343] {strides = array<i32>} : memref<64x128xf32, #tpu.memory_space<vmem>>, vector<1x16xf32>,
        %get3A_345 = vector.shape_cast %get3A_344 : vector<1x16xf32> to vector<16xf32>
        %get3A_346 = arith.index_cast %add3A_292 : i32 to index
        %get3A_347 = arith.constant 80 : index
        %get3A_348 = tpu.vector_load %arg12[%get3A_346, %get3A_347] {strides = array<i32>} : memref<64x128xf32, #tpu.memory_space<vmem>>, vector<1x16xf32>,
        %get3A_349 = vector.shape_cast %get3A_348 : vector<1x16xf32> to vector<16xf32>
        %mul3A_350 = arith.mulf %get3A_345, %get3A_349 : vector<16xf32>
        %add3A_351 = arith.addf %add3A_341, %mul3A_350 : vector<16xf32>
        %get3A_352 = arith.index_cast %add3A_292 : i32 to index
        %get3A_353 = arith.constant 96 : index
        %get3A_354 = tpu.vector_load %arg11[%get3A_352, %get3A_353] {strides = array<i32>} : memref<64x128xf32, #tpu.memory_space<vmem>>, vector<1x16xf32>,
        %get3A_355 = vector.shape_cast %get3A_354 : vector<1x16xf32> to vector<16xf32>
        %get3A_356 = arith.index_cast %add3A_292 : i32 to index
        %get3A_357 = arith.constant 96 : index
        %get3A_358 = tpu.vector_load %arg12[%get3A_356, %get3A_357] {strides = array<i32>} : memref<64x128xf32, #tpu.memory_space<vmem>>, vector<1x16xf32>,
        %get3A_359 = vector.shape_cast %get3A_358 : vector<1x16xf32> to vector<16xf32>
        %mul3A_360 = arith.mulf %get3A_355, %get3A_359 : vector<16xf32>
        %add3A_361 = arith.addf %add3A_351, %mul3A_360 : vector<16xf32>
        %get3A_362 = arith.index_cast %add3A_292 : i32 to index
        %get3A_363 = arith.constant 112 : index
        %get3A_364 = tpu.vector_load %arg11[%get3A_362, %get3A_363] {strides = array<i32>} : memref<64x128xf32, #tpu.memory_space<vmem>>, vector<1x16xf32>,
        %get3A_365 = vector.shape_cast %get3A_364 : vector<1x16xf32> to vector<16xf32>
        %get3A_366 = arith.index_cast %add3A_292 : i32 to index
        %get3A_367 = arith.constant 112 : index
        %get3A_368 = tpu.vector_load %arg12[%get3A_366, %get3A_367] {strides = array<i32>} : memref<64x128xf32, #tpu.memory_space<vmem>>, vector<1x16xf32>,
        %get3A_369 = vector.shape_cast %get3A_368 : vector<1x16xf32> to vector<16xf32>
        %mul3A_370 = arith.mulf %get3A_365, %get3A_369 : vector<16xf32>
        %add3A_371 = arith.addf %add3A_361, %mul3A_370 : vector<16xf32>
        %mul3A_372 = arith.constant 16 : i32
        %mul3A_373 = arith.muli %add3A_292, %mul3A_372 : i32
        %swap3A_374 = arith.index_cast %mul3A_373 : i32 to index
        %swap3A_375 = tpu.vector_load %arg14[%swap3A_374] {strides = array<i32>} : memref<1024xf32, #tpu.memory_space<vmem>>, vector<16xf32>,
        %swap3A_376 = vector.shape_cast %swap3A_375 : vector<16xf32> to vector<16xf32>
        %swap3A_377 = vector.shape_cast %add3A_371 : vector<16xf32> to vector<16xf32>
        tpu.vector_store %arg14[%swap3A_374], %swap3A_377 {strides = array<i32>} : memref<1024xf32, #tpu.memory_space<vmem>>, vector<16xf32>,
        %mul3A_378 = arith.constant 8 : i32
        %mul3A_379 = arith.muli %scan3A_111, %mul3A_378 : i32
        %add3A_380 = arith.constant 3 : i32
        %add3A_381 = arith.addi %mul3A_379, %add3A_380 : i32
        %get3A_382 = arith.index_cast %add3A_381 : i32 to index
        %get3A_383 = arith.constant 0 : index
        %get3A_384 = tpu.vector_load %arg11[%get3A_382, %get3A_383] {strides = array<i32>} : memref<64x128xf32, #tpu.memory_space<vmem>>, vector<1x16xf32>,
        %get3A_385 = vector.shape_cast %get3A_384 : vector<1x16xf32> to vector<16xf32>
        %get3A_386 = arith.index_cast %add3A_381 : i32 to index
        %get3A_387 = arith.constant 0 : index
        %get3A_388 = tpu.vector_load %arg12[%get3A_386, %get3A_387] {strides = array<i32>} : memref<64x128xf32, #tpu.memory_space<vmem>>, vector<1x16xf32>,
        %get3A_389 = vector.shape_cast %get3A_388 : vector<1x16xf32> to vector<16xf32>
        %mul3A_390 = arith.mulf %get3A_385, %get3A_389 : vector<16xf32>
        %get3A_391 = arith.index_cast %add3A_381 : i32 to index
        %get3A_392 = arith.constant 16 : index
        %get3A_393 = tpu.vector_load %arg11[%get3A_391, %get3A_392] {strides = array<i32>} : memref<64x128xf32, #tpu.memory_space<vmem>>, vector<1x16xf32>,
        %get3A_394 = vector.shape_cast %get3A_393 : vector<1x16xf32> to vector<16xf32>
        %get3A_395 = arith.index_cast %add3A_381 : i32 to index
        %get3A_396 = arith.constant 16 : index
        %get3A_397 = tpu.vector_load %arg12[%get3A_395, %get3A_396] {strides = array<i32>} : memref<64x128xf32, #tpu.memory_space<vmem>>, vector<1x16xf32>,
        %get3A_398 = vector.shape_cast %get3A_397 : vector<1x16xf32> to vector<16xf32>
        %mul3A_399 = arith.mulf %get3A_394, %get3A_398 : vector<16xf32>
        %add3A_400 = arith.addf %mul3A_390, %mul3A_399 : vector<16xf32>
        %get3A_401 = arith.index_cast %add3A_381 : i32 to index
        %get3A_402 = arith.constant 32 : index
        %get3A_403 = tpu.vector_load %arg11[%get3A_401, %get3A_402] {strides = array<i32>} : memref<64x128xf32, #tpu.memory_space<vmem>>, vector<1x16xf32>,
        %get3A_404 = vector.shape_cast %get3A_403 : vector<1x16xf32> to vector<16xf32>
        %get3A_405 = arith.index_cast %add3A_381 : i32 to index
        %get3A_406 = arith.constant 32 : index
        %get3A_407 = tpu.vector_load %arg12[%get3A_405, %get3A_406] {strides = array<i32>} : memref<64x128xf32, #tpu.memory_space<vmem>>, vector<1x16xf32>,
        %get3A_408 = vector.shape_cast %get3A_407 : vector<1x16xf32> to vector<16xf32>
        %mul3A_409 = arith.mulf %get3A_404, %get3A_408 : vector<16xf32>
        %add3A_410 = arith.addf %add3A_400, %mul3A_409 : vector<16xf32>
        %get3A_411 = arith.index_cast %add3A_381 : i32 to index
        %get3A_412 = arith.constant 48 : index
        %get3A_413 = tpu.vector_load %arg11[%get3A_411, %get3A_412] {strides = array<i32>} : memref<64x128xf32, #tpu.memory_space<vmem>>, vector<1x16xf32>,
        %get3A_414 = vector.shape_cast %get3A_413 : vector<1x16xf32> to vector<16xf32>
        %get3A_415 = arith.index_cast %add3A_381 : i32 to index
        %get3A_416 = arith.constant 48 : index
        %get3A_417 = tpu.vector_load %arg12[%get3A_415, %get3A_416] {strides = array<i32>} : memref<64x128xf32, #tpu.memory_space<vmem>>, vector<1x16xf32>,
        %get3A_418 = vector.shape_cast %get3A_417 : vector<1x16xf32> to vector<16xf32>
        %mul3A_419 = arith.mulf %get3A_414, %get3A_418 : vector<16xf32>
        %add3A_420 = arith.addf %add3A_410, %mul3A_419 : vector<16xf32>
        %get3A_421 = arith.index_cast %add3A_381 : i32 to index
        %get3A_422 = arith.constant 64 : index
        %get3A_423 = tpu.vector_load %arg11[%get3A_421, %get3A_422] {strides = array<i32>} : memref<64x128xf32, #tpu.memory_space<vmem>>, vector<1x16xf32>,
        %get3A_424 = vector.shape_cast %get3A_423 : vector<1x16xf32> to vector<16xf32>
        %get3A_425 = arith.index_cast %add3A_381 : i32 to index
        %get3A_426 = arith.constant 64 : index
        %get3A_427 = tpu.vector_load %arg12[%get3A_425, %get3A_426] {strides = array<i32>} : memref<64x128xf32, #tpu.memory_space<vmem>>, vector<1x16xf32>,
        %get3A_428 = vector.shape_cast %get3A_427 : vector<1x16xf32> to vector<16xf32>
        %mul3A_429 = arith.mulf %get3A_424, %get3A_428 : vector<16xf32>
        %add3A_430 = arith.addf %add3A_420, %mul3A_429 : vector<16xf32>
        %get3A_431 = arith.index_cast %add3A_381 : i32 to index
        %get3A_432 = arith.constant 80 : index
        %get3A_433 = tpu.vector_load %arg11[%get3A_431, %get3A_432] {strides = array<i32>} : memref<64x128xf32, #tpu.memory_space<vmem>>, vector<1x16xf32>,
        %get3A_434 = vector.shape_cast %get3A_433 : vector<1x16xf32> to vector<16xf32>
        %get3A_435 = arith.index_cast %add3A_381 : i32 to index
        %get3A_436 = arith.constant 80 : index
        %get3A_437 = tpu.vector_load %arg12[%get3A_435, %get3A_436] {strides = array<i32>} : memref<64x128xf32, #tpu.memory_space<vmem>>, vector<1x16xf32>,
        %get3A_438 = vector.shape_cast %get3A_437 : vector<1x16xf32> to vector<16xf32>
        %mul3A_439 = arith.mulf %get3A_434, %get3A_438 : vector<16xf32>
        %add3A_440 = arith.addf %add3A_430, %mul3A_439 : vector<16xf32>
        %get3A_441 = arith.index_cast %add3A_381 : i32 to index
        %get3A_442 = arith.constant 96 : index
        %get3A_443 = tpu.vector_load %arg11[%get3A_441, %get3A_442] {strides = array<i32>} : memref<64x128xf32, #tpu.memory_space<vmem>>, vector<1x16xf32>,
        %get3A_444 = vector.shape_cast %get3A_443 : vector<1x16xf32> to vector<16xf32>
        %get3A_445 = arith.index_cast %add3A_381 : i32 to index
        %get3A_446 = arith.constant 96 : index
        %get3A_447 = tpu.vector_load %arg12[%get3A_445, %get3A_446] {strides = array<i32>} : memref<64x128xf32, #tpu.memory_space<vmem>>, vector<1x16xf32>,
        %get3A_448 = vector.shape_cast %get3A_447 : vector<1x16xf32> to vector<16xf32>
        %mul3A_449 = arith.mulf %get3A_444, %get3A_448 : vector<16xf32>
        %add3A_450 = arith.addf %add3A_440, %mul3A_449 : vector<16xf32>
        %get3A_451 = arith.index_cast %add3A_381 : i32 to index
        %get3A_452 = arith.constant 112 : index
        %get3A_453 = tpu.vector_load %arg11[%get3A_451, %get3A_452] {strides = array<i32>} : memref<64x128xf32, #tpu.memory_space<vmem>>, vector<1x16xf32>,
        %get3A_454 = vector.shape_cast %get3A_453 : vector<1x16xf32> to vector<16xf32>
        %get3A_455 = arith.index_cast %add3A_381 : i32 to index
        %get3A_456 = arith.constant 112 : index
        %get3A_457 = tpu.vector_load %arg12[%get3A_455, %get3A_456] {strides = array<i32>} : memref<64x128xf32, #tpu.memory_space<vmem>>, vector<1x16xf32>,
        %get3A_458 = vector.shape_cast %get3A_457 : vector<1x16xf32> to vector<16xf32>
        %mul3A_459 = arith.mulf %get3A_454, %get3A_458 : vector<16xf32>
        %add3A_460 = arith.addf %add3A_450, %mul3A_459 : vector<16xf32>
        %mul3A_461 = arith.constant 16 : i32
        %mul3A_462 = arith.muli %add3A_381, %mul3A_461 : i32
        %swap3A_463 = arith.index_cast %mul3A_462 : i32 to index
        %swap3A_464 = tpu.vector_load %arg14[%swap3A_463] {strides = array<i32>} : memref<1024xf32, #tpu.memory_space<vmem>>, vector<16xf32>,
        %swap3A_465 = vector.shape_cast %swap3A_464 : vector<16xf32> to vector<16xf32>
        %swap3A_466 = vector.shape_cast %add3A_460 : vector<16xf32> to vector<16xf32>
        tpu.vector_store %arg14[%swap3A_463], %swap3A_466 {strides = array<i32>} : memref<1024xf32, #tpu.memory_space<vmem>>, vector<16xf32>,
        %mul3A_467 = arith.constant 8 : i32
        %mul3A_468 = arith.muli %scan3A_111, %mul3A_467 : i32
        %add3A_469 = arith.constant 4 : i32
        %add3A_470 = arith.addi %mul3A_468, %add3A_469 : i32
        %get3A_471 = arith.index_cast %add3A_470 : i32 to index
        %get3A_472 = arith.constant 0 : index
        %get3A_473 = tpu.vector_load %arg11[%get3A_471, %get3A_472] {strides = array<i32>} : memref<64x128xf32, #tpu.memory_space<vmem>>, vector<1x16xf32>,
        %get3A_474 = vector.shape_cast %get3A_473 : vector<1x16xf32> to vector<16xf32>
        %get3A_475 = arith.index_cast %add3A_470 : i32 to index
        %get3A_476 = arith.constant 0 : index
        %get3A_477 = tpu.vector_load %arg12[%get3A_475, %get3A_476] {strides = array<i32>} : memref<64x128xf32, #tpu.memory_space<vmem>>, vector<1x16xf32>,
        %get3A_478 = vector.shape_cast %get3A_477 : vector<1x16xf32> to vector<16xf32>
        %mul3A_479 = arith.mulf %get3A_474, %get3A_478 : vector<16xf32>
        %get3A_480 = arith.index_cast %add3A_470 : i32 to index
        %get3A_481 = arith.constant 16 : index
        %get3A_482 = tpu.vector_load %arg11[%get3A_480, %get3A_481] {strides = array<i32>} : memref<64x128xf32, #tpu.memory_space<vmem>>, vector<1x16xf32>,
        %get3A_483 = vector.shape_cast %get3A_482 : vector<1x16xf32> to vector<16xf32>
        %get3A_484 = arith.index_cast %add3A_470 : i32 to index
        %get3A_485 = arith.constant 16 : index
        %get3A_486 = tpu.vector_load %arg12[%get3A_484, %get3A_485] {strides = array<i32>} : memref<64x128xf32, #tpu.memory_space<vmem>>, vector<1x16xf32>,
        %get3A_487 = vector.shape_cast %get3A_486 : vector<1x16xf32> to vector<16xf32>
        %mul3A_488 = arith.mulf %get3A_483, %get3A_487 : vector<16xf32>
        %add3A_489 = arith.addf %mul3A_479, %mul3A_488 : vector<16xf32>
        %get3A_490 = arith.index_cast %add3A_470 : i32 to index
        %get3A_491 = arith.constant 32 : index
        %get3A_492 = tpu.vector_load %arg11[%get3A_490, %get3A_491] {strides = array<i32>} : memref<64x128xf32, #tpu.memory_space<vmem>>, vector<1x16xf32>,
        %get3A_493 = vector.shape_cast %get3A_492 : vector<1x16xf32> to vector<16xf32>
        %get3A_494 = arith.index_cast %add3A_470 : i32 to index
        %get3A_495 = arith.constant 32 : index
        %get3A_496 = tpu.vector_load %arg12[%get3A_494, %get3A_495] {strides = array<i32>} : memref<64x128xf32, #tpu.memory_space<vmem>>, vector<1x16xf32>,
        %get3A_497 = vector.shape_cast %get3A_496 : vector<1x16xf32> to vector<16xf32>
        %mul3A_498 = arith.mulf %get3A_493, %get3A_497 : vector<16xf32>
        %add3A_499 = arith.addf %add3A_489, %mul3A_498 : vector<16xf32>
        %get3A_500 = arith.index_cast %add3A_470 : i32 to index
        %get3A_501 = arith.constant 48 : index
        %get3A_502 = tpu.vector_load %arg11[%get3A_500, %get3A_501] {strides = array<i32>} : memref<64x128xf32, #tpu.memory_space<vmem>>, vector<1x16xf32>,
        %get3A_503 = vector.shape_cast %get3A_502 : vector<1x16xf32> to vector<16xf32>
        %get3A_504 = arith.index_cast %add3A_470 : i32 to index
        %get3A_505 = arith.constant 48 : index
        %get3A_506 = tpu.vector_load %arg12[%get3A_504, %get3A_505] {strides = array<i32>} : memref<64x128xf32, #tpu.memory_space<vmem>>, vector<1x16xf32>,
        %get3A_507 = vector.shape_cast %get3A_506 : vector<1x16xf32> to vector<16xf32>
        %mul3A_508 = arith.mulf %get3A_503, %get3A_507 : vector<16xf32>
        %add3A_509 = arith.addf %add3A_499, %mul3A_508 : vector<16xf32>
        %get3A_510 = arith.index_cast %add3A_470 : i32 to index
        %get3A_511 = arith.constant 64 : index
        %get3A_512 = tpu.vector_load %arg11[%get3A_510, %get3A_511] {strides = array<i32>} : memref<64x128xf32, #tpu.memory_space<vmem>>, vector<1x16xf32>,
        %get3A_513 = vector.shape_cast %get3A_512 : vector<1x16xf32> to vector<16xf32>
        %get3A_514 = arith.index_cast %add3A_470 : i32 to index
        %get3A_515 = arith.constant 64 : index
        %get3A_516 = tpu.vector_load %arg12[%get3A_514, %get3A_515] {strides = array<i32>} : memref<64x128xf32, #tpu.memory_space<vmem>>, vector<1x16xf32>,
        %get3A_517 = vector.shape_cast %get3A_516 : vector<1x16xf32> to vector<16xf32>
        %mul3A_518 = arith.mulf %get3A_513, %get3A_517 : vector<16xf32>
        %add3A_519 = arith.addf %add3A_509, %mul3A_518 : vector<16xf32>
        %get3A_520 = arith.index_cast %add3A_470 : i32 to index
        %get3A_521 = arith.constant 80 : index
        %get3A_522 = tpu.vector_load %arg11[%get3A_520, %get3A_521] {strides = array<i32>} : memref<64x128xf32, #tpu.memory_space<vmem>>, vector<1x16xf32>,
        %get3A_523 = vector.shape_cast %get3A_522 : vector<1x16xf32> to vector<16xf32>
        %get3A_524 = arith.index_cast %add3A_470 : i32 to index
        %get3A_525 = arith.constant 80 : index
        %get3A_526 = tpu.vector_load %arg12[%get3A_524, %get3A_525] {strides = array<i32>} : memref<64x128xf32, #tpu.memory_space<vmem>>, vector<1x16xf32>,
        %get3A_527 = vector.shape_cast %get3A_526 : vector<1x16xf32> to vector<16xf32>
        %mul3A_528 = arith.mulf %get3A_523, %get3A_527 : vector<16xf32>
        %add3A_529 = arith.addf %add3A_519, %mul3A_528 : vector<16xf32>
        %get3A_530 = arith.index_cast %add3A_470 : i32 to index
        %get3A_531 = arith.constant 96 : index
        %get3A_532 = tpu.vector_load %arg11[%get3A_530, %get3A_531] {strides = array<i32>} : memref<64x128xf32, #tpu.memory_space<vmem>>, vector<1x16xf32>,
        %get3A_533 = vector.shape_cast %get3A_532 : vector<1x16xf32> to vector<16xf32>
        %get3A_534 = arith.index_cast %add3A_470 : i32 to index
        %get3A_535 = arith.constant 96 : index
        %get3A_536 = tpu.vector_load %arg12[%get3A_534, %get3A_535] {strides = array<i32>} : memref<64x128xf32, #tpu.memory_space<vmem>>, vector<1x16xf32>,
        %get3A_537 = vector.shape_cast %get3A_536 : vector<1x16xf32> to vector<16xf32>
        %mul3A_538 = arith.mulf %get3A_533, %get3A_537 : vector<16xf32>
        %add3A_539 = arith.addf %add3A_529, %mul3A_538 : vector<16xf32>
        %get3A_540 = arith.index_cast %add3A_470 : i32 to index
        %get3A_541 = arith.constant 112 : index
        %get3A_542 = tpu.vector_load %arg11[%get3A_540, %get3A_541] {strides = array<i32>} : memref<64x128xf32, #tpu.memory_space<vmem>>, vector<1x16xf32>,
        %get3A_543 = vector.shape_cast %get3A_542 : vector<1x16xf32> to vector<16xf32>
        %get3A_544 = arith.index_cast %add3A_470 : i32 to index
        %get3A_545 = arith.constant 112 : index
        %get3A_546 = tpu.vector_load %arg12[%get3A_544, %get3A_545] {strides = array<i32>} : memref<64x128xf32, #tpu.memory_space<vmem>>, vector<1x16xf32>,
        %get3A_547 = vector.shape_cast %get3A_546 : vector<1x16xf32> to vector<16xf32>
        %mul3A_548 = arith.mulf %get3A_543, %get3A_547 : vector<16xf32>
        %add3A_549 = arith.addf %add3A_539, %mul3A_548 : vector<16xf32>
        %mul3A_550 = arith.constant 16 : i32
        %mul3A_551 = arith.muli %add3A_470, %mul3A_550 : i32
        %swap3A_552 = arith.index_cast %mul3A_551 : i32 to index
        %swap3A_553 = tpu.vector_load %arg14[%swap3A_552] {strides = array<i32>} : memref<1024xf32, #tpu.memory_space<vmem>>, vector<16xf32>,
        %swap3A_554 = vector.shape_cast %swap3A_553 : vector<16xf32> to vector<16xf32>
        %swap3A_555 = vector.shape_cast %add3A_549 : vector<16xf32> to vector<16xf32>
        tpu.vector_store %arg14[%swap3A_552], %swap3A_555 {strides = array<i32>} : memref<1024xf32, #tpu.memory_space<vmem>>, vector<16xf32>,
        %mul3A_556 = arith.constant 8 : i32
        %mul3A_557 = arith.muli %scan3A_111, %mul3A_556 : i32
        %add3A_558 = arith.constant 5 : i32
        %add3A_559 = arith.addi %mul3A_557, %add3A_558 : i32
        %get3A_560 = arith.index_cast %add3A_559 : i32 to index
        %get3A_561 = arith.constant 0 : index
        %get3A_562 = tpu.vector_load %arg11[%get3A_560, %get3A_561] {strides = array<i32>} : memref<64x128xf32, #tpu.memory_space<vmem>>, vector<1x16xf32>,
        %get3A_563 = vector.shape_cast %get3A_562 : vector<1x16xf32> to vector<16xf32>
        %get3A_564 = arith.index_cast %add3A_559 : i32 to index
        %get3A_565 = arith.constant 0 : index
        %get3A_566 = tpu.vector_load %arg12[%get3A_564, %get3A_565] {strides = array<i32>} : memref<64x128xf32, #tpu.memory_space<vmem>>, vector<1x16xf32>,
        %get3A_567 = vector.shape_cast %get3A_566 : vector<1x16xf32> to vector<16xf32>
        %mul3A_568 = arith.mulf %get3A_563, %get3A_567 : vector<16xf32>
        %get3A_569 = arith.index_cast %add3A_559 : i32 to index
        %get3A_570 = arith.constant 16 : index
        %get3A_571 = tpu.vector_load %arg11[%get3A_569, %get3A_570] {strides = array<i32>} : memref<64x128xf32, #tpu.memory_space<vmem>>, vector<1x16xf32>,
        %get3A_572 = vector.shape_cast %get3A_571 : vector<1x16xf32> to vector<16xf32>
        %get3A_573 = arith.index_cast %add3A_559 : i32 to index
        %get3A_574 = arith.constant 16 : index
        %get3A_575 = tpu.vector_load %arg12[%get3A_573, %get3A_574] {strides = array<i32>} : memref<64x128xf32, #tpu.memory_space<vmem>>, vector<1x16xf32>,
        %get3A_576 = vector.shape_cast %get3A_575 : vector<1x16xf32> to vector<16xf32>
        %mul3A_577 = arith.mulf %get3A_572, %get3A_576 : vector<16xf32>
        %add3A_578 = arith.addf %mul3A_568, %mul3A_577 : vector<16xf32>
        %get3A_579 = arith.index_cast %add3A_559 : i32 to index
        %get3A_580 = arith.constant 32 : index
        %get3A_581 = tpu.vector_load %arg11[%get3A_579, %get3A_580] {strides = array<i32>} : memref<64x128xf32, #tpu.memory_space<vmem>>, vector<1x16xf32>,
        %get3A_582 = vector.shape_cast %get3A_581 : vector<1x16xf32> to vector<16xf32>
        %get3A_583 = arith.index_cast %add3A_559 : i32 to index
        %get3A_584 = arith.constant 32 : index
        %get3A_585 = tpu.vector_load %arg12[%get3A_583, %get3A_584] {strides = array<i32>} : memref<64x128xf32, #tpu.memory_space<vmem>>, vector<1x16xf32>,
        %get3A_586 = vector.shape_cast %get3A_585 : vector<1x16xf32> to vector<16xf32>
        %mul3A_587 = arith.mulf %get3A_582, %get3A_586 : vector<16xf32>
        %add3A_588 = arith.addf %add3A_578, %mul3A_587 : vector<16xf32>
        %get3A_589 = arith.index_cast %add3A_559 : i32 to index
        %get3A_590 = arith.constant 48 : index
        %get3A_591 = tpu.vector_load %arg11[%get3A_589, %get3A_590] {strides = array<i32>} : memref<64x128xf32, #tpu.memory_space<vmem>>, vector<1x16xf32>,
        %get3A_592 = vector.shape_cast %get3A_591 : vector<1x16xf32> to vector<16xf32>
        %get3A_593 = arith.index_cast %add3A_559 : i32 to index
        %get3A_594 = arith.constant 48 : index
        %get3A_595 = tpu.vector_load %arg12[%get3A_593, %get3A_594] {strides = array<i32>} : memref<64x128xf32, #tpu.memory_space<vmem>>, vector<1x16xf32>,
        %get3A_596 = vector.shape_cast %get3A_595 : vector<1x16xf32> to vector<16xf32>
        %mul3A_597 = arith.mulf %get3A_592, %get3A_596 : vector<16xf32>
        %add3A_598 = arith.addf %add3A_588, %mul3A_597 : vector<16xf32>
        %get3A_599 = arith.index_cast %add3A_559 : i32 to index
        %get3A_600 = arith.constant 64 : index
        %get3A_601 = tpu.vector_load %arg11[%get3A_599, %get3A_600] {strides = array<i32>} : memref<64x128xf32, #tpu.memory_space<vmem>>, vector<1x16xf32>,
        %get3A_602 = vector.shape_cast %get3A_601 : vector<1x16xf32> to vector<16xf32>
        %get3A_603 = arith.index_cast %add3A_559 : i32 to index
        %get3A_604 = arith.constant 64 : index
        %get3A_605 = tpu.vector_load %arg12[%get3A_603, %get3A_604] {strides = array<i32>} : memref<64x128xf32, #tpu.memory_space<vmem>>, vector<1x16xf32>,
        %get3A_606 = vector.shape_cast %get3A_605 : vector<1x16xf32> to vector<16xf32>
        %mul3A_607 = arith.mulf %get3A_602, %get3A_606 : vector<16xf32>
        %add3A_608 = arith.addf %add3A_598, %mul3A_607 : vector<16xf32>
        %get3A_609 = arith.index_cast %add3A_559 : i32 to index
        %get3A_610 = arith.constant 80 : index
        %get3A_611 = tpu.vector_load %arg11[%get3A_609, %get3A_610] {strides = array<i32>} : memref<64x128xf32, #tpu.memory_space<vmem>>, vector<1x16xf32>,
        %get3A_612 = vector.shape_cast %get3A_611 : vector<1x16xf32> to vector<16xf32>
        %get3A_613 = arith.index_cast %add3A_559 : i32 to index
        %get3A_614 = arith.constant 80 : index
        %get3A_615 = tpu.vector_load %arg12[%get3A_613, %get3A_614] {strides = array<i32>} : memref<64x128xf32, #tpu.memory_space<vmem>>, vector<1x16xf32>,
        %get3A_616 = vector.shape_cast %get3A_615 : vector<1x16xf32> to vector<16xf32>
        %mul3A_617 = arith.mulf %get3A_612, %get3A_616 : vector<16xf32>
        %add3A_618 = arith.addf %add3A_608, %mul3A_617 : vector<16xf32>
        %get3A_619 = arith.index_cast %add3A_559 : i32 to index
        %get3A_620 = arith.constant 96 : index
        %get3A_621 = tpu.vector_load %arg11[%get3A_619, %get3A_620] {strides = array<i32>} : memref<64x128xf32, #tpu.memory_space<vmem>>, vector<1x16xf32>,
        %get3A_622 = vector.shape_cast %get3A_621 : vector<1x16xf32> to vector<16xf32>
        %get3A_623 = arith.index_cast %add3A_559 : i32 to index
        %get3A_624 = arith.constant 96 : index
        %get3A_625 = tpu.vector_load %arg12[%get3A_623, %get3A_624] {strides = array<i32>} : memref<64x128xf32, #tpu.memory_space<vmem>>, vector<1x16xf32>,
        %get3A_626 = vector.shape_cast %get3A_625 : vector<1x16xf32> to vector<16xf32>
        %mul3A_627 = arith.mulf %get3A_622, %get3A_626 : vector<16xf32>
        %add3A_628 = arith.addf %add3A_618, %mul3A_627 : vector<16xf32>
        %get3A_629 = arith.index_cast %add3A_559 : i32 to index
        %get3A_630 = arith.constant 112 : index
        %get3A_631 = tpu.vector_load %arg11[%get3A_629, %get3A_630] {strides = array<i32>} : memref<64x128xf32, #tpu.memory_space<vmem>>, vector<1x16xf32>,
        %get3A_632 = vector.shape_cast %get3A_631 : vector<1x16xf32> to vector<16xf32>
        %get3A_633 = arith.index_cast %add3A_559 : i32 to index
        %get3A_634 = arith.constant 112 : index
        %get3A_635 = tpu.vector_load %arg12[%get3A_633, %get3A_634] {strides = array<i32>} : memref<64x128xf32, #tpu.memory_space<vmem>>, vector<1x16xf32>,
        %get3A_636 = vector.shape_cast %get3A_635 : vector<1x16xf32> to vector<16xf32>
        %mul3A_637 = arith.mulf %get3A_632, %get3A_636 : vector<16xf32>
        %add3A_638 = arith.addf %add3A_628, %mul3A_637 : vector<16xf32>
        %mul3A_639 = arith.constant 16 : i32
        %mul3A_640 = arith.muli %add3A_559, %mul3A_639 : i32
        %swap3A_641 = arith.index_cast %mul3A_640 : i32 to index
        %swap3A_642 = tpu.vector_load %arg14[%swap3A_641] {strides = array<i32>} : memref<1024xf32, #tpu.memory_space<vmem>>, vector<16xf32>,
        %swap3A_643 = vector.shape_cast %swap3A_642 : vector<16xf32> to vector<16xf32>
        %swap3A_644 = vector.shape_cast %add3A_638 : vector<16xf32> to vector<16xf32>
        tpu.vector_store %arg14[%swap3A_641], %swap3A_644 {strides = array<i32>} : memref<1024xf32, #tpu.memory_space<vmem>>, vector<16xf32>,
        %mul3A_645 = arith.constant 8 : i32
        %mul3A_646 = arith.muli %scan3A_111, %mul3A_645 : i32
        %add3A_647 = arith.constant 6 : i32
        %add3A_648 = arith.addi %mul3A_646, %add3A_647 : i32
        %get3A_649 = arith.index_cast %add3A_648 : i32 to index
        %get3A_650 = arith.constant 0 : index
        %get3A_651 = tpu.vector_load %arg11[%get3A_649, %get3A_650] {strides = array<i32>} : memref<64x128xf32, #tpu.memory_space<vmem>>, vector<1x16xf32>,
        %get3A_652 = vector.shape_cast %get3A_651 : vector<1x16xf32> to vector<16xf32>
        %get3A_653 = arith.index_cast %add3A_648 : i32 to index
        %get3A_654 = arith.constant 0 : index
        %get3A_655 = tpu.vector_load %arg12[%get3A_653, %get3A_654] {strides = array<i32>} : memref<64x128xf32, #tpu.memory_space<vmem>>, vector<1x16xf32>,
        %get3A_656 = vector.shape_cast %get3A_655 : vector<1x16xf32> to vector<16xf32>
        %mul3A_657 = arith.mulf %get3A_652, %get3A_656 : vector<16xf32>
        %get3A_658 = arith.index_cast %add3A_648 : i32 to index
        %get3A_659 = arith.constant 16 : index
        %get3A_660 = tpu.vector_load %arg11[%get3A_658, %get3A_659] {strides = array<i32>} : memref<64x128xf32, #tpu.memory_space<vmem>>, vector<1x16xf32>,
        %get3A_661 = vector.shape_cast %get3A_660 : vector<1x16xf32> to vector<16xf32>
        %get3A_662 = arith.index_cast %add3A_648 : i32 to index
        %get3A_663 = arith.constant 16 : index
        %get3A_664 = tpu.vector_load %arg12[%get3A_662, %get3A_663] {strides = array<i32>} : memref<64x128xf32, #tpu.memory_space<vmem>>, vector<1x16xf32>,
        %get3A_665 = vector.shape_cast %get3A_664 : vector<1x16xf32> to vector<16xf32>
        %mul3A_666 = arith.mulf %get3A_661, %get3A_665 : vector<16xf32>
        %add3A_667 = arith.addf %mul3A_657, %mul3A_666 : vector<16xf32>
        %get3A_668 = arith.index_cast %add3A_648 : i32 to index
        %get3A_669 = arith.constant 32 : index
        %get3A_670 = tpu.vector_load %arg11[%get3A_668, %get3A_669] {strides = array<i32>} : memref<64x128xf32, #tpu.memory_space<vmem>>, vector<1x16xf32>,
        %get3A_671 = vector.shape_cast %get3A_670 : vector<1x16xf32> to vector<16xf32>
        %get3A_672 = arith.index_cast %add3A_648 : i32 to index
        %get3A_673 = arith.constant 32 : index
        %get3A_674 = tpu.vector_load %arg12[%get3A_672, %get3A_673] {strides = array<i32>} : memref<64x128xf32, #tpu.memory_space<vmem>>, vector<1x16xf32>,
        %get3A_675 = vector.shape_cast %get3A_674 : vector<1x16xf32> to vector<16xf32>
        %mul3A_676 = arith.mulf %get3A_671, %get3A_675 : vector<16xf32>
        %add3A_677 = arith.addf %add3A_667, %mul3A_676 : vector<16xf32>
        %get3A_678 = arith.index_cast %add3A_648 : i32 to index
        %get3A_679 = arith.constant 48 : index
        %get3A_680 = tpu.vector_load %arg11[%get3A_678, %get3A_679] {strides = array<i32>} : memref<64x128xf32, #tpu.memory_space<vmem>>, vector<1x16xf32>,
        %get3A_681 = vector.shape_cast %get3A_680 : vector<1x16xf32> to vector<16xf32>
        %get3A_682 = arith.index_cast %add3A_648 : i32 to index
        %get3A_683 = arith.constant 48 : index
        %get3A_684 = tpu.vector_load %arg12[%get3A_682, %get3A_683] {strides = array<i32>} : memref<64x128xf32, #tpu.memory_space<vmem>>, vector<1x16xf32>,
        %get3A_685 = vector.shape_cast %get3A_684 : vector<1x16xf32> to vector<16xf32>
        %mul3A_686 = arith.mulf %get3A_681, %get3A_685 : vector<16xf32>
        %add3A_687 = arith.addf %add3A_677, %mul3A_686 : vector<16xf32>
        %get3A_688 = arith.index_cast %add3A_648 : i32 to index
        %get3A_689 = arith.constant 64 : index
        %get3A_690 = tpu.vector_load %arg11[%get3A_688, %get3A_689] {strides = array<i32>} : memref<64x128xf32, #tpu.memory_space<vmem>>, vector<1x16xf32>,
        %get3A_691 = vector.shape_cast %get3A_690 : vector<1x16xf32> to vector<16xf32>
        %get3A_692 = arith.index_cast %add3A_648 : i32 to index
        %get3A_693 = arith.constant 64 : index
        %get3A_694 = tpu.vector_load %arg12[%get3A_692, %get3A_693] {strides = array<i32>} : memref<64x128xf32, #tpu.memory_space<vmem>>, vector<1x16xf32>,
        %get3A_695 = vector.shape_cast %get3A_694 : vector<1x16xf32> to vector<16xf32>
        %mul3A_696 = arith.mulf %get3A_691, %get3A_695 : vector<16xf32>
        %add3A_697 = arith.addf %add3A_687, %mul3A_696 : vector<16xf32>
        %get3A_698 = arith.index_cast %add3A_648 : i32 to index
        %get3A_699 = arith.constant 80 : index
        %get3A_700 = tpu.vector_load %arg11[%get3A_698, %get3A_699] {strides = array<i32>} : memref<64x128xf32, #tpu.memory_space<vmem>>, vector<1x16xf32>,
        %get3A_701 = vector.shape_cast %get3A_700 : vector<1x16xf32> to vector<16xf32>
        %get3A_702 = arith.index_cast %add3A_648 : i32 to index
        %get3A_703 = arith.constant 80 : index
        %get3A_704 = tpu.vector_load %arg12[%get3A_702, %get3A_703] {strides = array<i32>} : memref<64x128xf32, #tpu.memory_space<vmem>>, vector<1x16xf32>,
        %get3A_705 = vector.shape_cast %get3A_704 : vector<1x16xf32> to vector<16xf32>
        %mul3A_706 = arith.mulf %get3A_701, %get3A_705 : vector<16xf32>
        %add3A_707 = arith.addf %add3A_697, %mul3A_706 : vector<16xf32>
        %get3A_708 = arith.index_cast %add3A_648 : i32 to index
        %get3A_709 = arith.constant 96 : index
        %get3A_710 = tpu.vector_load %arg11[%get3A_708, %get3A_709] {strides = array<i32>} : memref<64x128xf32, #tpu.memory_space<vmem>>, vector<1x16xf32>,
        %get3A_711 = vector.shape_cast %get3A_710 : vector<1x16xf32> to vector<16xf32>
        %get3A_712 = arith.index_cast %add3A_648 : i32 to index
        %get3A_713 = arith.constant 96 : index
        %get3A_714 = tpu.vector_load %arg12[%get3A_712, %get3A_713] {strides = array<i32>} : memref<64x128xf32, #tpu.memory_space<vmem>>, vector<1x16xf32>,
        %get3A_715 = vector.shape_cast %get3A_714 : vector<1x16xf32> to vector<16xf32>
        %mul3A_716 = arith.mulf %get3A_711, %get3A_715 : vector<16xf32>
        %add3A_717 = arith.addf %add3A_707, %mul3A_716 : vector<16xf32>
        %get3A_718 = arith.index_cast %add3A_648 : i32 to index
        %get3A_719 = arith.constant 112 : index
        %get3A_720 = tpu.vector_load %arg11[%get3A_718, %get3A_719] {strides = array<i32>} : memref<64x128xf32, #tpu.memory_space<vmem>>, vector<1x16xf32>,
        %get3A_721 = vector.shape_cast %get3A_720 : vector<1x16xf32> to vector<16xf32>
        %get3A_722 = arith.index_cast %add3A_648 : i32 to index
        %get3A_723 = arith.constant 112 : index
        %get3A_724 = tpu.vector_load %arg12[%get3A_722, %get3A_723] {strides = array<i32>} : memref<64x128xf32, #tpu.memory_space<vmem>>, vector<1x16xf32>,
        %get3A_725 = vector.shape_cast %get3A_724 : vector<1x16xf32> to vector<16xf32>
        %mul3A_726 = arith.mulf %get3A_721, %get3A_725 : vector<16xf32>
        %add3A_727 = arith.addf %add3A_717, %mul3A_726 : vector<16xf32>
        %mul3A_728 = arith.constant 16 : i32
        %mul3A_729 = arith.muli %add3A_648, %mul3A_728 : i32
        %swap3A_730 = arith.index_cast %mul3A_729 : i32 to index
        %swap3A_731 = tpu.vector_load %arg14[%swap3A_730] {strides = array<i32>} : memref<1024xf32, #tpu.memory_space<vmem>>, vector<16xf32>,
        %swap3A_732 = vector.shape_cast %swap3A_731 : vector<16xf32> to vector<16xf32>
        %swap3A_733 = vector.shape_cast %add3A_727 : vector<16xf32> to vector<16xf32>
        tpu.vector_store %arg14[%swap3A_730], %swap3A_733 {strides = array<i32>} : memref<1024xf32, #tpu.memory_space<vmem>>, vector<16xf32>,
        %mul3A_734 = arith.constant 8 : i32
        %mul3A_735 = arith.muli %scan3A_111, %mul3A_734 : i32
        %add3A_736 = arith.constant 7 : i32
        %add3A_737 = arith.addi %mul3A_735, %add3A_736 : i32
        %get3A_738 = arith.index_cast %add3A_737 : i32 to index
        %get3A_739 = arith.constant 0 : index
        %get3A_740 = tpu.vector_load %arg11[%get3A_738, %get3A_739] {strides = array<i32>} : memref<64x128xf32, #tpu.memory_space<vmem>>, vector<1x16xf32>,
        %get3A_741 = vector.shape_cast %get3A_740 : vector<1x16xf32> to vector<16xf32>
        %get3A_742 = arith.index_cast %add3A_737 : i32 to index
        %get3A_743 = arith.constant 0 : index
        %get3A_744 = tpu.vector_load %arg12[%get3A_742, %get3A_743] {strides = array<i32>} : memref<64x128xf32, #tpu.memory_space<vmem>>, vector<1x16xf32>,
        %get3A_745 = vector.shape_cast %get3A_744 : vector<1x16xf32> to vector<16xf32>
        %mul3A_746 = arith.mulf %get3A_741, %get3A_745 : vector<16xf32>
        %get3A_747 = arith.index_cast %add3A_737 : i32 to index
        %get3A_748 = arith.constant 16 : index
        %get3A_749 = tpu.vector_load %arg11[%get3A_747, %get3A_748] {strides = array<i32>} : memref<64x128xf32, #tpu.memory_space<vmem>>, vector<1x16xf32>,
        %get3A_750 = vector.shape_cast %get3A_749 : vector<1x16xf32> to vector<16xf32>
        %get3A_751 = arith.index_cast %add3A_737 : i32 to index
        %get3A_752 = arith.constant 16 : index
        %get3A_753 = tpu.vector_load %arg12[%get3A_751, %get3A_752] {strides = array<i32>} : memref<64x128xf32, #tpu.memory_space<vmem>>, vector<1x16xf32>,
        %get3A_754 = vector.shape_cast %get3A_753 : vector<1x16xf32> to vector<16xf32>
        %mul3A_755 = arith.mulf %get3A_750, %get3A_754 : vector<16xf32>
        %add3A_756 = arith.addf %mul3A_746, %mul3A_755 : vector<16xf32>
        %get3A_757 = arith.index_cast %add3A_737 : i32 to index
        %get3A_758 = arith.constant 32 : index
        %get3A_759 = tpu.vector_load %arg11[%get3A_757, %get3A_758] {strides = array<i32>} : memref<64x128xf32, #tpu.memory_space<vmem>>, vector<1x16xf32>,
        %get3A_760 = vector.shape_cast %get3A_759 : vector<1x16xf32> to vector<16xf32>
        %get3A_761 = arith.index_cast %add3A_737 : i32 to index
        %get3A_762 = arith.constant 32 : index
        %get3A_763 = tpu.vector_load %arg12[%get3A_761, %get3A_762] {strides = array<i32>} : memref<64x128xf32, #tpu.memory_space<vmem>>, vector<1x16xf32>,
        %get3A_764 = vector.shape_cast %get3A_763 : vector<1x16xf32> to vector<16xf32>
        %mul3A_765 = arith.mulf %get3A_760, %get3A_764 : vector<16xf32>
        %add3A_766 = arith.addf %add3A_756, %mul3A_765 : vector<16xf32>
        %get3A_767 = arith.index_cast %add3A_737 : i32 to index
        %get3A_768 = arith.constant 48 : index
        %get3A_769 = tpu.vector_load %arg11[%get3A_767, %get3A_768] {strides = array<i32>} : memref<64x128xf32, #tpu.memory_space<vmem>>, vector<1x16xf32>,
        %get3A_770 = vector.shape_cast %get3A_769 : vector<1x16xf32> to vector<16xf32>
        %get3A_771 = arith.index_cast %add3A_737 : i32 to index
        %get3A_772 = arith.constant 48 : index
        %get3A_773 = tpu.vector_load %arg12[%get3A_771, %get3A_772] {strides = array<i32>} : memref<64x128xf32, #tpu.memory_space<vmem>>, vector<1x16xf32>,
        %get3A_774 = vector.shape_cast %get3A_773 : vector<1x16xf32> to vector<16xf32>
        %mul3A_775 = arith.mulf %get3A_770, %get3A_774 : vector<16xf32>
        %add3A_776 = arith.addf %add3A_766, %mul3A_775 : vector<16xf32>
        %get3A_777 = arith.index_cast %add3A_737 : i32 to index
        %get3A_778 = arith.constant 64 : index
        %get3A_779 = tpu.vector_load %arg11[%get3A_777, %get3A_778] {strides = array<i32>} : memref<64x128xf32, #tpu.memory_space<vmem>>, vector<1x16xf32>,
        %get3A_780 = vector.shape_cast %get3A_779 : vector<1x16xf32> to vector<16xf32>
        %get3A_781 = arith.index_cast %add3A_737 : i32 to index
        %get3A_782 = arith.constant 64 : index
        %get3A_783 = tpu.vector_load %arg12[%get3A_781, %get3A_782] {strides = array<i32>} : memref<64x128xf32, #tpu.memory_space<vmem>>, vector<1x16xf32>,
        %get3A_784 = vector.shape_cast %get3A_783 : vector<1x16xf32> to vector<16xf32>
        %mul3A_785 = arith.mulf %get3A_780, %get3A_784 : vector<16xf32>
        %add3A_786 = arith.addf %add3A_776, %mul3A_785 : vector<16xf32>
        %get3A_787 = arith.index_cast %add3A_737 : i32 to index
        %get3A_788 = arith.constant 80 : index
        %get3A_789 = tpu.vector_load %arg11[%get3A_787, %get3A_788] {strides = array<i32>} : memref<64x128xf32, #tpu.memory_space<vmem>>, vector<1x16xf32>,
        %get3A_790 = vector.shape_cast %get3A_789 : vector<1x16xf32> to vector<16xf32>
        %get3A_791 = arith.index_cast %add3A_737 : i32 to index
        %get3A_792 = arith.constant 80 : index
        %get3A_793 = tpu.vector_load %arg12[%get3A_791, %get3A_792] {strides = array<i32>} : memref<64x128xf32, #tpu.memory_space<vmem>>, vector<1x16xf32>,
        %get3A_794 = vector.shape_cast %get3A_793 : vector<1x16xf32> to vector<16xf32>
        %mul3A_795 = arith.mulf %get3A_790, %get3A_794 : vector<16xf32>
        %add3A_796 = arith.addf %add3A_786, %mul3A_795 : vector<16xf32>
        %get3A_797 = arith.index_cast %add3A_737 : i32 to index
        %get3A_798 = arith.constant 96 : index
        %get3A_799 = tpu.vector_load %arg11[%get3A_797, %get3A_798] {strides = array<i32>} : memref<64x128xf32, #tpu.memory_space<vmem>>, vector<1x16xf32>,
        %get3A_800 = vector.shape_cast %get3A_799 : vector<1x16xf32> to vector<16xf32>
        %get3A_801 = arith.index_cast %add3A_737 : i32 to index
        %get3A_802 = arith.constant 96 : index
        %get3A_803 = tpu.vector_load %arg12[%get3A_801, %get3A_802] {strides = array<i32>} : memref<64x128xf32, #tpu.memory_space<vmem>>, vector<1x16xf32>,
        %get3A_804 = vector.shape_cast %get3A_803 : vector<1x16xf32> to vector<16xf32>
        %mul3A_805 = arith.mulf %get3A_800, %get3A_804 : vector<16xf32>
        %add3A_806 = arith.addf %add3A_796, %mul3A_805 : vector<16xf32>
        %get3A_807 = arith.index_cast %add3A_737 : i32 to index
        %get3A_808 = arith.constant 112 : index
        %get3A_809 = tpu.vector_load %arg11[%get3A_807, %get3A_808] {strides = array<i32>} : memref<64x128xf32, #tpu.memory_space<vmem>>, vector<1x16xf32>,
        %get3A_810 = vector.shape_cast %get3A_809 : vector<1x16xf32> to vector<16xf32>
        %get3A_811 = arith.index_cast %add3A_737 : i32 to index
        %get3A_812 = arith.constant 112 : index
        %get3A_813 = tpu.vector_load %arg12[%get3A_811, %get3A_812] {strides = array<i32>} : memref<64x128xf32, #tpu.memory_space<vmem>>, vector<1x16xf32>,
        %get3A_814 = vector.shape_cast %get3A_813 : vector<1x16xf32> to vector<16xf32>
        %mul3A_815 = arith.mulf %get3A_810, %get3A_814 : vector<16xf32>
        %add3A_816 = arith.addf %add3A_806, %mul3A_815 : vector<16xf32>
        %mul3A_817 = arith.constant 16 : i32
        %mul3A_818 = arith.muli %add3A_737, %mul3A_817 : i32
        %swap3A_819 = arith.index_cast %mul3A_818 : i32 to index
        %swap3A_820 = tpu.vector_load %arg14[%swap3A_819] {strides = array<i32>} : memref<1024xf32, #tpu.memory_space<vmem>>, vector<16xf32>,
        %swap3A_821 = vector.shape_cast %swap3A_820 : vector<16xf32> to vector<16xf32>
        %swap3A_822 = vector.shape_cast %add3A_816 : vector<16xf32> to vector<16xf32>
        tpu.vector_store %arg14[%swap3A_819], %swap3A_822 {strides = array<i32>} : memref<1024xf32, #tpu.memory_space<vmem>>, vector<16xf32>,
        %scan3A_823 = arith.constant 0 : i32
        scf.yield %scan3A_823 : i32
      }
      %scan3A_99 = arith.constant 8 : i32
      %mul3A_100 = arith.constant 2 : i32
      %mul3A_101 = arith.muli %scan3A_22, %mul3A_100 : i32
      %add3A_102 = arith.constant 1 : i32
      %add3A_103 = arith.addi %mul3A_101, %add3A_102 : i32
      %mul3A_104 = arith.constant 1024 : i32
      %mul3A_105 = arith.muli %add3A_103, %mul3A_104 : i32
      %dma_start3A_106 = tpu.memref_slice %arg5[%add3A, %mul3A_105] : memref<32x53248xf32, #tpu.memory_space<hbm>> -> memref<1x1024xf32, #tpu.memory_space<hbm>>
      %dma_start3A_107 = tpu.memref_squeeze %dma_start3A_106 : memref<1x1024xf32, #tpu.memory_space<hbm>> -> memref<1024xf32, #tpu.memory_space<hbm>>
      %dma_start3A_108 = tpu.memref_slice %arg5[%add3A, %mul3A_105] : memref<32x53248xf32, #tpu.memory_space<hbm>> -> memref<1x1024xf32, #tpu.memory_space<hbm>>
      %dma_start3A_109 = tpu.memref_squeeze %dma_start3A_108 : memref<1x1024xf32, #tpu.memory_space<hbm>> -> memref<1024xf32, #tpu.memory_space<hbm>>
      tpu.enqueue_dma source(%arg14 : memref<1024xf32, #tpu.memory_space<vmem>>) target(%dma_start3A_109 : memref<1024xf32, #tpu.memory_space<hbm>>) target_semaphore(%arg19 : memref<!tpu.dma_semaphore, #tpu.memory_space<semaphore_mem>>)
      %scan3A_110 = arith.constant 0 : i32
      scf.yield %scan3A_110 : i32
    }
    %scan3A_10 = arith.constant 26 : i32
    %dma_wait3A = arith.constant 0 : i32
    %dma_wait3A_11 = tpu.memref_slice %arg5[%add3A, %dma_wait3A] : memref<32x53248xf32, #tpu.memory_space<hbm>> -> memref<1x1024xf32, #tpu.memory_space<hbm>>
    %dma_wait3A_12 = tpu.memref_squeeze %dma_wait3A_11 : memref<1x1024xf32, #tpu.memory_space<hbm>> -> memref<1024xf32, #tpu.memory_space<hbm>>
    %dma_wait3A_13 = arith.constant 0 : i32
    %dma_wait3A_14 = tpu.memref_slice %arg5[%add3A, %dma_wait3A_13] : memref<32x53248xf32, #tpu.memory_space<hbm>> -> memref<1x1024xf32, #tpu.memory_space<hbm>>
    %dma_wait3A_15 = tpu.memref_squeeze %dma_wait3A_14 : memref<1x1024xf32, #tpu.memory_space<hbm>> -> memref<1024xf32, #tpu.memory_space<hbm>>
    tpu.wait_dma2 semaphore(%arg19 : memref<!tpu.dma_semaphore, #tpu.memory_space<semaphore_mem>>) src(%arg13 : memref<1024xf32, #tpu.memory_space<vmem>>) dst(%dma_wait3A_15 : memref<1024xf32, #tpu.memory_space<hbm>>)
    %dma_wait3A_16 = arith.constant 0 : i32
    %dma_wait3A_17 = tpu.memref_slice %arg5[%add3A, %dma_wait3A_16] : memref<32x53248xf32, #tpu.memory_space<hbm>> -> memref<1x1024xf32, #tpu.memory_space<hbm>>
    %dma_wait3A_18 = tpu.memref_squeeze %dma_wait3A_17 : memref<1x1024xf32, #tpu.memory_space<hbm>> -> memref<1024xf32, #tpu.memory_space<hbm>>
    %dma_wait3A_19 = arith.constant 0 : i32
    %dma_wait3A_20 = tpu.memref_slice %arg5[%add3A, %dma_wait3A_19] : memref<32x53248xf32, #tpu.memory_space<hbm>> -> memref<1x1024xf32, #tpu.memory_space<hbm>>
    %dma_wait3A_21 = tpu.memref_squeeze %dma_wait3A_20 : memref<1x1024xf32, #tpu.memory_space<hbm>> -> memref<1024xf32, #tpu.memory_space<hbm>>
    tpu.wait_dma2 semaphore(%arg19 : memref<!tpu.dma_semaphore, #tpu.memory_space<semaphore_mem>>) src(%arg14 : memref<1024xf32, #tpu.memory_space<vmem>>) dst(%dma_wait3A_21 : memref<1024xf32, #tpu.memory_space<hbm>>)
    return
  }
}

#map = affine_map<(d0, d1) -> (0, 0)>
#map1 = affine_map<(d0, d1) -> (0, 0, 0)>
module attributes {stable_mosaic.version = 14 : i64} {
  func.func @_agg_kernel(%arg0: i32, %arg1: i32, %arg2: memref<10240x128xf32, #tpu.memory_space<hbm>>, %arg3: memref<32x160x64xi32, #tpu.memory_space<hbm>>, %arg4: memref<32x160x64xi32, #tpu.memory_space<hbm>>, %arg5: memref<640x128xf32, #tpu.memory_space<hbm>>, %arg6: memref<2x10240x128xf32, #tpu.memory_space<hbm>>, %arg7: memref<10240x128xf32, #tpu.memory_space<vmem_shared>>, %arg8: memref<8x64xi32, #tpu.memory_space<vmem>>, %arg9: memref<8x64xi32, #tpu.memory_space<vmem>>, %arg10: memref<64x128xf32, #tpu.memory_space<vmem>>, %arg11: memref<64x128xf32, #tpu.memory_space<vmem>>, %arg12: memref<64x128xf32, #tpu.memory_space<vmem>>, %arg13: memref<64x128xf32, #tpu.memory_space<vmem>>, %arg14: memref<!tpu.dma_semaphore, #tpu.memory_space<semaphore_mem>>, %arg15: memref<!tpu.dma_semaphore, #tpu.memory_space<semaphore_mem>>, %arg16: memref<!tpu.dma_semaphore, #tpu.memory_space<semaphore_mem>>, %arg17: memref<!tpu.dma_semaphore, #tpu.memory_space<semaphore_mem>>, %arg18: memref<!tpu.dma_semaphore, #tpu.memory_space<semaphore_mem>>, %arg19: memref<!tpu.dma_semaphore, #tpu.memory_space<semaphore_mem>>) attributes {dimension_semantics = [#tpu.dimension_semantics<core_parallel>, #tpu.dimension_semantics<subcore_parallel>], iteration_bounds = array<i64: 2, 16>, scalar_prefetch = 0 : i64, scratch_operands = 13 : i64, tpu.core_type = #tpu.core_type<sc_vector_subcore>, window_params = [{transform_indices = #map}, {transform_indices = #map1}, {transform_indices = #map1}, {transform_indices = #map}, {transform_indices = #map1}]} {
    %mul3A = arith.constant 2 : i32
    %mul3A_0 = arith.muli %arg1, %mul3A : i32
    %add3A = arith.addi %mul3A_0, %arg0 : i32
    %mul3A_1 = arith.constant 640 : i32
    %mul3A_2 = arith.muli %arg1, %mul3A_1 : i32
    "tpu.region"() ({
      %run_scoped3A = tpu.sem_alloc : memref<!tpu.dma_semaphore, #tpu.memory_space<semaphore_mem>>
      %dma_start3A_96 = arith.constant 0 : i32
      %dma_start3A_97 = tpu.memref_slice %arg7[%mul3A_2, %dma_start3A_96] : memref<10240x128xf32, #tpu.memory_space<vmem_shared>> -> memref<640x128xf32, #tpu.memory_space<vmem_shared>>
      tpu.enqueue_dma source(%arg5 : memref<640x128xf32, #tpu.memory_space<hbm>>) target(%dma_start3A_97 : memref<640x128xf32, #tpu.memory_space<vmem_shared>>) target_semaphore(%run_scoped3A : memref<!tpu.dma_semaphore, #tpu.memory_space<semaphore_mem>>)
      %dma_wait3A_98 = arith.constant 0 : i32
      %dma_wait3A_99 = tpu.memref_slice %arg7[%mul3A_2, %dma_wait3A_98] : memref<10240x128xf32, #tpu.memory_space<vmem_shared>> -> memref<640x128xf32, #tpu.memory_space<vmem_shared>>
      tpu.wait_dma2 semaphore(%run_scoped3A : memref<!tpu.dma_semaphore, #tpu.memory_space<semaphore_mem>>) src(%arg5 : memref<640x128xf32, #tpu.memory_space<hbm>>) dst(%dma_wait3A_99 : memref<640x128xf32, #tpu.memory_space<vmem_shared>>)
      tpu.yield
    }) : () -> ()
    %barrier3A = arith.constant 0 : index
    tpu.barrier barrier_id(%barrier3A)
    %dma_start3A = arith.constant 0 : i32
    %dma_start3A_3 = arith.constant 0 : i32
    %dma_start3A_4 = tpu.memref_slice %arg8[%dma_start3A, %dma_start3A_3] : memref<8x64xi32, #tpu.memory_space<vmem>> -> memref<4x64xi32, #tpu.memory_space<vmem>>
    %dma_start3A_5 = arith.constant 0 : i32
    %dma_start3A_6 = arith.constant 0 : i32
    %dma_start3A_7 = tpu.memref_slice %arg3[%add3A, %dma_start3A_5, %dma_start3A_6] : memref<32x160x64xi32, #tpu.memory_space<hbm>> -> memref<1x4x64xi32, #tpu.memory_space<hbm>>
    %dma_start3A_8 = tpu.memref_squeeze %dma_start3A_7 : memref<1x4x64xi32, #tpu.memory_space<hbm>> -> memref<4x64xi32, #tpu.memory_space<hbm>>
    %dma_start3A_9 = arith.constant 0 : i32
    %dma_start3A_10 = arith.constant 0 : i32
    %dma_start3A_11 = tpu.memref_slice %arg8[%dma_start3A_9, %dma_start3A_10] : memref<8x64xi32, #tpu.memory_space<vmem>> -> memref<4x64xi32, #tpu.memory_space<vmem>>
    %dma_start3A_12 = arith.constant 0 : i32
    %dma_start3A_13 = arith.constant 0 : i32
    %dma_start3A_14 = tpu.memref_slice %arg3[%add3A, %dma_start3A_12, %dma_start3A_13] : memref<32x160x64xi32, #tpu.memory_space<hbm>> -> memref<1x4x64xi32, #tpu.memory_space<hbm>>
    %dma_start3A_15 = tpu.memref_squeeze %dma_start3A_14 : memref<1x4x64xi32, #tpu.memory_space<hbm>> -> memref<4x64xi32, #tpu.memory_space<hbm>>
    tpu.enqueue_dma source(%dma_start3A_15 : memref<4x64xi32, #tpu.memory_space<hbm>>) target(%dma_start3A_11 : memref<4x64xi32, #tpu.memory_space<vmem>>) target_semaphore(%arg18 : memref<!tpu.dma_semaphore, #tpu.memory_space<semaphore_mem>>)
    %dma_start3A_16 = arith.constant 0 : i32
    %dma_start3A_17 = arith.constant 0 : i32
    %dma_start3A_18 = tpu.memref_slice %arg9[%dma_start3A_16, %dma_start3A_17] : memref<8x64xi32, #tpu.memory_space<vmem>> -> memref<4x64xi32, #tpu.memory_space<vmem>>
    %dma_start3A_19 = arith.constant 0 : i32
    %dma_start3A_20 = arith.constant 0 : i32
    %dma_start3A_21 = tpu.memref_slice %arg4[%add3A, %dma_start3A_19, %dma_start3A_20] : memref<32x160x64xi32, #tpu.memory_space<hbm>> -> memref<1x4x64xi32, #tpu.memory_space<hbm>>
    %dma_start3A_22 = tpu.memref_squeeze %dma_start3A_21 : memref<1x4x64xi32, #tpu.memory_space<hbm>> -> memref<4x64xi32, #tpu.memory_space<hbm>>
    %dma_start3A_23 = arith.constant 0 : i32
    %dma_start3A_24 = arith.constant 0 : i32
    %dma_start3A_25 = tpu.memref_slice %arg9[%dma_start3A_23, %dma_start3A_24] : memref<8x64xi32, #tpu.memory_space<vmem>> -> memref<4x64xi32, #tpu.memory_space<vmem>>
    %dma_start3A_26 = arith.constant 0 : i32
    %dma_start3A_27 = arith.constant 0 : i32
    %dma_start3A_28 = tpu.memref_slice %arg4[%add3A, %dma_start3A_26, %dma_start3A_27] : memref<32x160x64xi32, #tpu.memory_space<hbm>> -> memref<1x4x64xi32, #tpu.memory_space<hbm>>
    %dma_start3A_29 = tpu.memref_squeeze %dma_start3A_28 : memref<1x4x64xi32, #tpu.memory_space<hbm>> -> memref<4x64xi32, #tpu.memory_space<hbm>>
    tpu.enqueue_dma source(%dma_start3A_29 : memref<4x64xi32, #tpu.memory_space<hbm>>) target(%dma_start3A_25 : memref<4x64xi32, #tpu.memory_space<vmem>>) target_semaphore(%arg18 : memref<!tpu.dma_semaphore, #tpu.memory_space<semaphore_mem>>)
    %scan3A = arith.constant 0 : i32
    %scan3A_30 = arith.constant 0 : i32
    %scan3A_31 = arith.constant 40 : i32
    %scan3A_32 = arith.addi %scan3A_30, %scan3A_31 : i32
    %scan3A_33 = arith.constant 1 : i32
    %scan3A_34 = scf.for %scan3A_96 = %scan3A_30 to %scan3A_32 step %scan3A_33 iter_args(%scan3A_97 = %scan3A) -> (i32)  : i32 {
      %jit3A = arith.constant 2 : i32
      %eq3A = arith.constant 0 : i32
      %eq3A_98 = arith.cmpi eq, %jit3A, %eq3A : i32
      %jit3A_99 = arith.constant 1 : i32
      %select_n3A = arith.select %eq3A_98, %jit3A_99, %jit3A : i32
      %rem3A = arith.remsi %scan3A_96, %select_n3A : i32
      %ne3A = arith.constant 0 : i32
      %ne3A_100 = arith.cmpi ne, %rem3A, %ne3A : i32
      %lt3A = arith.constant 0 : i32
      %lt3A_101 = arith.cmpi slt, %rem3A, %lt3A : i32
      %lt3A_102 = arith.constant 0 : i32
      %lt3A_103 = arith.cmpi slt, %select_n3A, %lt3A_102 : i32
      %ne3A_104 = arith.xori %lt3A_101, %lt3A_103 : i1
      %and3A = arith.andi %ne3A_104, %ne3A_100 : i1
      %add3A_105 = arith.addi %rem3A, %select_n3A : i32
      %select_n3A_106 = arith.select %and3A, %add3A_105, %rem3A : i32
      %mul3A_107 = arith.constant 4 : i32
      %mul3A_108 = arith.muli %select_n3A_106, %mul3A_107 : i32
      %dma_wait3A_109 = arith.constant 0 : i32
      %dma_wait3A_110 = arith.constant 0 : i32
      %dma_wait3A_111 = tpu.memref_slice %arg8[%dma_wait3A_109, %dma_wait3A_110] : memref<8x64xi32, #tpu.memory_space<vmem>> -> memref<4x64xi32, #tpu.memory_space<vmem>>
      %dma_wait3A_112 = arith.constant 0 : i32
      %dma_wait3A_113 = arith.constant 0 : i32
      %dma_wait3A_114 = tpu.memref_slice %arg3[%add3A, %dma_wait3A_112, %dma_wait3A_113] : memref<32x160x64xi32, #tpu.memory_space<hbm>> -> memref<1x4x64xi32, #tpu.memory_space<hbm>>
      %dma_wait3A_115 = tpu.memref_squeeze %dma_wait3A_114 : memref<1x4x64xi32, #tpu.memory_space<hbm>> -> memref<4x64xi32, #tpu.memory_space<hbm>>
      %dma_wait3A_116 = arith.constant 0 : i32
      %dma_wait3A_117 = arith.constant 0 : i32
      %dma_wait3A_118 = tpu.memref_slice %arg8[%dma_wait3A_116, %dma_wait3A_117] : memref<8x64xi32, #tpu.memory_space<vmem>> -> memref<4x64xi32, #tpu.memory_space<vmem>>
      %dma_wait3A_119 = arith.constant 0 : i32
      %dma_wait3A_120 = arith.constant 0 : i32
      %dma_wait3A_121 = tpu.memref_slice %arg3[%add3A, %dma_wait3A_119, %dma_wait3A_120] : memref<32x160x64xi32, #tpu.memory_space<hbm>> -> memref<1x4x64xi32, #tpu.memory_space<hbm>>
      %dma_wait3A_122 = tpu.memref_squeeze %dma_wait3A_121 : memref<1x4x64xi32, #tpu.memory_space<hbm>> -> memref<4x64xi32, #tpu.memory_space<hbm>>
      tpu.wait_dma2 semaphore(%arg18 : memref<!tpu.dma_semaphore, #tpu.memory_space<semaphore_mem>>) src(%dma_wait3A_122 : memref<4x64xi32, #tpu.memory_space<hbm>>) dst(%dma_wait3A_118 : memref<4x64xi32, #tpu.memory_space<vmem>>)
      %dma_wait3A_123 = arith.constant 0 : i32
      %dma_wait3A_124 = arith.constant 0 : i32
      %dma_wait3A_125 = tpu.memref_slice %arg9[%dma_wait3A_123, %dma_wait3A_124] : memref<8x64xi32, #tpu.memory_space<vmem>> -> memref<4x64xi32, #tpu.memory_space<vmem>>
      %dma_wait3A_126 = arith.constant 0 : i32
      %dma_wait3A_127 = arith.constant 0 : i32
      %dma_wait3A_128 = tpu.memref_slice %arg4[%add3A, %dma_wait3A_126, %dma_wait3A_127] : memref<32x160x64xi32, #tpu.memory_space<hbm>> -> memref<1x4x64xi32, #tpu.memory_space<hbm>>
      %dma_wait3A_129 = tpu.memref_squeeze %dma_wait3A_128 : memref<1x4x64xi32, #tpu.memory_space<hbm>> -> memref<4x64xi32, #tpu.memory_space<hbm>>
      %dma_wait3A_130 = arith.constant 0 : i32
      %dma_wait3A_131 = arith.constant 0 : i32
      %dma_wait3A_132 = tpu.memref_slice %arg9[%dma_wait3A_130, %dma_wait3A_131] : memref<8x64xi32, #tpu.memory_space<vmem>> -> memref<4x64xi32, #tpu.memory_space<vmem>>
      %dma_wait3A_133 = arith.constant 0 : i32
      %dma_wait3A_134 = arith.constant 0 : i32
      %dma_wait3A_135 = tpu.memref_slice %arg4[%add3A, %dma_wait3A_133, %dma_wait3A_134] : memref<32x160x64xi32, #tpu.memory_space<hbm>> -> memref<1x4x64xi32, #tpu.memory_space<hbm>>
      %dma_wait3A_136 = tpu.memref_squeeze %dma_wait3A_135 : memref<1x4x64xi32, #tpu.memory_space<hbm>> -> memref<4x64xi32, #tpu.memory_space<hbm>>
      tpu.wait_dma2 semaphore(%arg18 : memref<!tpu.dma_semaphore, #tpu.memory_space<semaphore_mem>>) src(%dma_wait3A_136 : memref<4x64xi32, #tpu.memory_space<hbm>>) dst(%dma_wait3A_132 : memref<4x64xi32, #tpu.memory_space<vmem>>)
      %gt3A = arith.constant 0 : i32
      %gt3A_137 = arith.cmpi sgt, %scan3A_96, %gt3A : i32
      %convert_element_type3A = arith.extui %gt3A_137 : i1 to i32
      %cond3A = arith.constant 0 : i32
      %cond3A_138 = arith.cmpi ne, %convert_element_type3A, %cond3A : i32
      scf.if %cond3A_138 {
        %dma_wait3A_290 = arith.constant 0 : i32
        %dma_wait3A_291 = arith.constant 0 : i32
        %dma_wait3A_292 = tpu.memref_slice %arg9[%dma_wait3A_290, %dma_wait3A_291] : memref<8x64xi32, #tpu.memory_space<vmem>> -> memref<1x64xi32, #tpu.memory_space<vmem>>
        %dma_wait3A_293 = tpu.memref_squeeze %dma_wait3A_292 : memref<1x64xi32, #tpu.memory_space<vmem>> -> memref<64xi32, #tpu.memory_space<vmem>>
        %dma_wait3A_294 = arith.constant 0 : i32
        %dma_wait3A_295 = arith.constant 0 : i32
        %dma_wait3A_296 = tpu.memref_slice %arg7[%dma_wait3A_294, %dma_wait3A_295] : memref<10240x128xf32, #tpu.memory_space<vmem_shared>> -> memref<10240x128xf32, #tpu.memory_space<vmem_shared>>
        tpu.wait_indirect_dma semaphore(%arg19 : memref<!tpu.dma_semaphore, #tpu.memory_space<semaphore_mem>>) src(%arg10 : memref<64x128xf32, #tpu.memory_space<vmem>>) dst(%dma_wait3A_296 : memref<10240x128xf32, #tpu.memory_space<vmem_shared>>)
      } else {
      }
      %add3A_139 = arith.constant 0 : i32
      %add3A_140 = arith.addi %mul3A_108, %add3A_139 : i32
      %dma_start3A_141 = arith.constant 0 : i32
      %dma_start3A_142 = tpu.memref_slice %arg8[%add3A_140, %dma_start3A_141] : memref<8x64xi32, #tpu.memory_space<vmem>> -> memref<1x64xi32, #tpu.memory_space<vmem>>
      %dma_start3A_143 = tpu.memref_squeeze %dma_start3A_142 : memref<1x64xi32, #tpu.memory_space<vmem>> -> memref<64xi32, #tpu.memory_space<vmem>>
      %dma_start3A_144 = arith.constant 0 : i32
      %dma_start3A_145 = arith.constant 0 : i32
      %dma_start3A_146 = tpu.memref_slice %arg2[%dma_start3A_144, %dma_start3A_145] : memref<10240x128xf32, #tpu.memory_space<hbm>> -> memref<10240x128xf32, #tpu.memory_space<hbm>>
      tpu.enqueue_indirect_dma source(%dma_start3A_146 : memref<10240x128xf32, #tpu.memory_space<hbm>>) target(%arg10 : memref<64x128xf32, #tpu.memory_space<vmem>>) offsets(%dma_start3A_143 : memref<64xi32, #tpu.memory_space<vmem>>) semaphore(%arg14 : memref<!tpu.dma_semaphore, #tpu.memory_space<semaphore_mem>>)
      %gt3A_147 = arith.constant 0 : i32
      %gt3A_148 = arith.cmpi sgt, %scan3A_96, %gt3A_147 : i32
      %convert_element_type3A_149 = arith.extui %gt3A_148 : i1 to i32
      %cond3A_150 = arith.constant 0 : i32
      %cond3A_151 = arith.cmpi ne, %convert_element_type3A_149, %cond3A_150 : i32
      scf.if %cond3A_151 {
        %dma_wait3A_290 = arith.constant 0 : i32
        %dma_wait3A_291 = arith.constant 0 : i32
        %dma_wait3A_292 = tpu.memref_slice %arg9[%dma_wait3A_290, %dma_wait3A_291] : memref<8x64xi32, #tpu.memory_space<vmem>> -> memref<1x64xi32, #tpu.memory_space<vmem>>
        %dma_wait3A_293 = tpu.memref_squeeze %dma_wait3A_292 : memref<1x64xi32, #tpu.memory_space<vmem>> -> memref<64xi32, #tpu.memory_space<vmem>>
        %dma_wait3A_294 = arith.constant 0 : i32
        %dma_wait3A_295 = arith.constant 0 : i32
        %dma_wait3A_296 = tpu.memref_slice %arg7[%dma_wait3A_294, %dma_wait3A_295] : memref<10240x128xf32, #tpu.memory_space<vmem_shared>> -> memref<10240x128xf32, #tpu.memory_space<vmem_shared>>
        tpu.wait_indirect_dma semaphore(%arg19 : memref<!tpu.dma_semaphore, #tpu.memory_space<semaphore_mem>>) src(%arg11 : memref<64x128xf32, #tpu.memory_space<vmem>>) dst(%dma_wait3A_296 : memref<10240x128xf32, #tpu.memory_space<vmem_shared>>)
      } else {
      }
      %add3A_152 = arith.constant 1 : i32
      %add3A_153 = arith.addi %mul3A_108, %add3A_152 : i32
      %dma_start3A_154 = arith.constant 0 : i32
      %dma_start3A_155 = tpu.memref_slice %arg8[%add3A_153, %dma_start3A_154] : memref<8x64xi32, #tpu.memory_space<vmem>> -> memref<1x64xi32, #tpu.memory_space<vmem>>
      %dma_start3A_156 = tpu.memref_squeeze %dma_start3A_155 : memref<1x64xi32, #tpu.memory_space<vmem>> -> memref<64xi32, #tpu.memory_space<vmem>>
      %dma_start3A_157 = arith.constant 0 : i32
      %dma_start3A_158 = arith.constant 0 : i32
      %dma_start3A_159 = tpu.memref_slice %arg2[%dma_start3A_157, %dma_start3A_158] : memref<10240x128xf32, #tpu.memory_space<hbm>> -> memref<10240x128xf32, #tpu.memory_space<hbm>>
      tpu.enqueue_indirect_dma source(%dma_start3A_159 : memref<10240x128xf32, #tpu.memory_space<hbm>>) target(%arg11 : memref<64x128xf32, #tpu.memory_space<vmem>>) offsets(%dma_start3A_156 : memref<64xi32, #tpu.memory_space<vmem>>) semaphore(%arg15 : memref<!tpu.dma_semaphore, #tpu.memory_space<semaphore_mem>>)
      %gt3A_160 = arith.constant 0 : i32
      %gt3A_161 = arith.cmpi sgt, %scan3A_96, %gt3A_160 : i32
      %convert_element_type3A_162 = arith.extui %gt3A_161 : i1 to i32
      %cond3A_163 = arith.constant 0 : i32
      %cond3A_164 = arith.cmpi ne, %convert_element_type3A_162, %cond3A_163 : i32
      scf.if %cond3A_164 {
        %dma_wait3A_290 = arith.constant 0 : i32
        %dma_wait3A_291 = arith.constant 0 : i32
        %dma_wait3A_292 = tpu.memref_slice %arg9[%dma_wait3A_290, %dma_wait3A_291] : memref<8x64xi32, #tpu.memory_space<vmem>> -> memref<1x64xi32, #tpu.memory_space<vmem>>
        %dma_wait3A_293 = tpu.memref_squeeze %dma_wait3A_292 : memref<1x64xi32, #tpu.memory_space<vmem>> -> memref<64xi32, #tpu.memory_space<vmem>>
        %dma_wait3A_294 = arith.constant 0 : i32
        %dma_wait3A_295 = arith.constant 0 : i32
        %dma_wait3A_296 = tpu.memref_slice %arg7[%dma_wait3A_294, %dma_wait3A_295] : memref<10240x128xf32, #tpu.memory_space<vmem_shared>> -> memref<10240x128xf32, #tpu.memory_space<vmem_shared>>
        tpu.wait_indirect_dma semaphore(%arg19 : memref<!tpu.dma_semaphore, #tpu.memory_space<semaphore_mem>>) src(%arg12 : memref<64x128xf32, #tpu.memory_space<vmem>>) dst(%dma_wait3A_296 : memref<10240x128xf32, #tpu.memory_space<vmem_shared>>)
      } else {
      }
      %add3A_165 = arith.constant 2 : i32
      %add3A_166 = arith.addi %mul3A_108, %add3A_165 : i32
      %dma_start3A_167 = arith.constant 0 : i32
      %dma_start3A_168 = tpu.memref_slice %arg8[%add3A_166, %dma_start3A_167] : memref<8x64xi32, #tpu.memory_space<vmem>> -> memref<1x64xi32, #tpu.memory_space<vmem>>
      %dma_start3A_169 = tpu.memref_squeeze %dma_start3A_168 : memref<1x64xi32, #tpu.memory_space<vmem>> -> memref<64xi32, #tpu.memory_space<vmem>>
      %dma_start3A_170 = arith.constant 0 : i32
      %dma_start3A_171 = arith.constant 0 : i32
      %dma_start3A_172 = tpu.memref_slice %arg2[%dma_start3A_170, %dma_start3A_171] : memref<10240x128xf32, #tpu.memory_space<hbm>> -> memref<10240x128xf32, #tpu.memory_space<hbm>>
      tpu.enqueue_indirect_dma source(%dma_start3A_172 : memref<10240x128xf32, #tpu.memory_space<hbm>>) target(%arg12 : memref<64x128xf32, #tpu.memory_space<vmem>>) offsets(%dma_start3A_169 : memref<64xi32, #tpu.memory_space<vmem>>) semaphore(%arg16 : memref<!tpu.dma_semaphore, #tpu.memory_space<semaphore_mem>>)
      %gt3A_173 = arith.constant 0 : i32
      %gt3A_174 = arith.cmpi sgt, %scan3A_96, %gt3A_173 : i32
      %convert_element_type3A_175 = arith.extui %gt3A_174 : i1 to i32
      %cond3A_176 = arith.constant 0 : i32
      %cond3A_177 = arith.cmpi ne, %convert_element_type3A_175, %cond3A_176 : i32
      scf.if %cond3A_177 {
        %dma_wait3A_290 = arith.constant 0 : i32
        %dma_wait3A_291 = arith.constant 0 : i32
        %dma_wait3A_292 = tpu.memref_slice %arg9[%dma_wait3A_290, %dma_wait3A_291] : memref<8x64xi32, #tpu.memory_space<vmem>> -> memref<1x64xi32, #tpu.memory_space<vmem>>
        %dma_wait3A_293 = tpu.memref_squeeze %dma_wait3A_292 : memref<1x64xi32, #tpu.memory_space<vmem>> -> memref<64xi32, #tpu.memory_space<vmem>>
        %dma_wait3A_294 = arith.constant 0 : i32
        %dma_wait3A_295 = arith.constant 0 : i32
        %dma_wait3A_296 = tpu.memref_slice %arg7[%dma_wait3A_294, %dma_wait3A_295] : memref<10240x128xf32, #tpu.memory_space<vmem_shared>> -> memref<10240x128xf32, #tpu.memory_space<vmem_shared>>
        tpu.wait_indirect_dma semaphore(%arg19 : memref<!tpu.dma_semaphore, #tpu.memory_space<semaphore_mem>>) src(%arg13 : memref<64x128xf32, #tpu.memory_space<vmem>>) dst(%dma_wait3A_296 : memref<10240x128xf32, #tpu.memory_space<vmem_shared>>)
      } else {
      }
      %add3A_178 = arith.constant 3 : i32
      %add3A_179 = arith.addi %mul3A_108, %add3A_178 : i32
      %dma_start3A_180 = arith.constant 0 : i32
      %dma_start3A_181 = tpu.memref_slice %arg8[%add3A_179, %dma_start3A_180] : memref<8x64xi32, #tpu.memory_space<vmem>> -> memref<1x64xi32, #tpu.memory_space<vmem>>
      %dma_start3A_182 = tpu.memref_squeeze %dma_start3A_181 : memref<1x64xi32, #tpu.memory_space<vmem>> -> memref<64xi32, #tpu.memory_space<vmem>>
      %dma_start3A_183 = arith.constant 0 : i32
      %dma_start3A_184 = arith.constant 0 : i32
      %dma_start3A_185 = tpu.memref_slice %arg2[%dma_start3A_183, %dma_start3A_184] : memref<10240x128xf32, #tpu.memory_space<hbm>> -> memref<10240x128xf32, #tpu.memory_space<hbm>>
      tpu.enqueue_indirect_dma source(%dma_start3A_185 : memref<10240x128xf32, #tpu.memory_space<hbm>>) target(%arg13 : memref<64x128xf32, #tpu.memory_space<vmem>>) offsets(%dma_start3A_182 : memref<64xi32, #tpu.memory_space<vmem>>) semaphore(%arg17 : memref<!tpu.dma_semaphore, #tpu.memory_space<semaphore_mem>>)
      %add3A_186 = arith.constant 1 : i32
      %add3A_187 = arith.addi %scan3A_96, %add3A_186 : i32
      %min3A = arith.constant 39 : i32
      %min3A_188 = arith.minsi %add3A_187, %min3A : i32
      %add3A_189 = arith.constant 1 : i32
      %add3A_190 = arith.addi %scan3A_96, %add3A_189 : i32
      %jit3A_191 = arith.constant 2 : i32
      %eq3A_192 = arith.constant 0 : i32
      %eq3A_193 = arith.cmpi eq, %jit3A_191, %eq3A_192 : i32
      %jit3A_194 = arith.constant 1 : i32
      %select_n3A_195 = arith.select %eq3A_193, %jit3A_194, %jit3A_191 : i32
      %rem3A_196 = arith.remsi %add3A_190, %select_n3A_195 : i32
      %ne3A_197 = arith.constant 0 : i32
      %ne3A_198 = arith.cmpi ne, %rem3A_196, %ne3A_197 : i32
      %lt3A_199 = arith.constant 0 : i32
      %lt3A_200 = arith.cmpi slt, %rem3A_196, %lt3A_199 : i32
      %lt3A_201 = arith.constant 0 : i32
      %lt3A_202 = arith.cmpi slt, %select_n3A_195, %lt3A_201 : i32
      %ne3A_203 = arith.xori %lt3A_200, %lt3A_202 : i1
      %and3A_204 = arith.andi %ne3A_203, %ne3A_198 : i1
      %add3A_205 = arith.addi %rem3A_196, %select_n3A_195 : i32
      %select_n3A_206 = arith.select %and3A_204, %add3A_205, %rem3A_196 : i32
      %mul3A_207 = arith.constant 4 : i32
      %mul3A_208 = arith.muli %select_n3A_206, %mul3A_207 : i32
      %mul3A_209 = arith.constant 4 : i32
      %mul3A_210 = arith.muli %min3A_188, %mul3A_209 : i32
      %dma_start3A_211 = arith.constant 0 : i32
      %dma_start3A_212 = tpu.memref_slice %arg8[%mul3A_208, %dma_start3A_211] : memref<8x64xi32, #tpu.memory_space<vmem>> -> memref<4x64xi32, #tpu.memory_space<vmem>>
      %dma_start3A_213 = arith.constant 0 : i32
      %dma_start3A_214 = tpu.memref_slice %arg3[%add3A, %mul3A_210, %dma_start3A_213] : memref<32x160x64xi32, #tpu.memory_space<hbm>> -> memref<1x4x64xi32, #tpu.memory_space<hbm>>
      %dma_start3A_215 = tpu.memref_squeeze %dma_start3A_214 : memref<1x4x64xi32, #tpu.memory_space<hbm>> -> memref<4x64xi32, #tpu.memory_space<hbm>>
      %dma_start3A_216 = arith.constant 0 : i32
      %dma_start3A_217 = tpu.memref_slice %arg8[%mul3A_208, %dma_start3A_216] : memref<8x64xi32, #tpu.memory_space<vmem>> -> memref<4x64xi32, #tpu.memory_space<vmem>>
      %dma_start3A_218 = arith.constant 0 : i32
      %dma_start3A_219 = tpu.memref_slice %arg3[%add3A, %mul3A_210, %dma_start3A_218] : memref<32x160x64xi32, #tpu.memory_space<hbm>> -> memref<1x4x64xi32, #tpu.memory_space<hbm>>
      %dma_start3A_220 = tpu.memref_squeeze %dma_start3A_219 : memref<1x4x64xi32, #tpu.memory_space<hbm>> -> memref<4x64xi32, #tpu.memory_space<hbm>>
      tpu.enqueue_dma source(%dma_start3A_220 : memref<4x64xi32, #tpu.memory_space<hbm>>) target(%dma_start3A_217 : memref<4x64xi32, #tpu.memory_space<vmem>>) target_semaphore(%arg18 : memref<!tpu.dma_semaphore, #tpu.memory_space<semaphore_mem>>)
      %mul3A_221 = arith.constant 4 : i32
      %mul3A_222 = arith.muli %min3A_188, %mul3A_221 : i32
      %dma_start3A_223 = arith.constant 0 : i32
      %dma_start3A_224 = tpu.memref_slice %arg9[%mul3A_208, %dma_start3A_223] : memref<8x64xi32, #tpu.memory_space<vmem>> -> memref<4x64xi32, #tpu.memory_space<vmem>>
      %dma_start3A_225 = arith.constant 0 : i32
      %dma_start3A_226 = tpu.memref_slice %arg4[%add3A, %mul3A_222, %dma_start3A_225] : memref<32x160x64xi32, #tpu.memory_space<hbm>> -> memref<1x4x64xi32, #tpu.memory_space<hbm>>
      %dma_start3A_227 = tpu.memref_squeeze %dma_start3A_226 : memref<1x4x64xi32, #tpu.memory_space<hbm>> -> memref<4x64xi32, #tpu.memory_space<hbm>>
      %dma_start3A_228 = arith.constant 0 : i32
      %dma_start3A_229 = tpu.memref_slice %arg9[%mul3A_208, %dma_start3A_228] : memref<8x64xi32, #tpu.memory_space<vmem>> -> memref<4x64xi32, #tpu.memory_space<vmem>>
      %dma_start3A_230 = arith.constant 0 : i32
      %dma_start3A_231 = tpu.memref_slice %arg4[%add3A, %mul3A_222, %dma_start3A_230] : memref<32x160x64xi32, #tpu.memory_space<hbm>> -> memref<1x4x64xi32, #tpu.memory_space<hbm>>
      %dma_start3A_232 = tpu.memref_squeeze %dma_start3A_231 : memref<1x4x64xi32, #tpu.memory_space<hbm>> -> memref<4x64xi32, #tpu.memory_space<hbm>>
      tpu.enqueue_dma source(%dma_start3A_232 : memref<4x64xi32, #tpu.memory_space<hbm>>) target(%dma_start3A_229 : memref<4x64xi32, #tpu.memory_space<vmem>>) target_semaphore(%arg18 : memref<!tpu.dma_semaphore, #tpu.memory_space<semaphore_mem>>)
      %dma_wait3A_233 = arith.constant 0 : i32
      %dma_wait3A_234 = tpu.memref_slice %arg8[%add3A_140, %dma_wait3A_233] : memref<8x64xi32, #tpu.memory_space<vmem>> -> memref<1x64xi32, #tpu.memory_space<vmem>>
      %dma_wait3A_235 = tpu.memref_squeeze %dma_wait3A_234 : memref<1x64xi32, #tpu.memory_space<vmem>> -> memref<64xi32, #tpu.memory_space<vmem>>
      %dma_wait3A_236 = arith.constant 0 : i32
      %dma_wait3A_237 = arith.constant 0 : i32
      %dma_wait3A_238 = tpu.memref_slice %arg2[%dma_wait3A_236, %dma_wait3A_237] : memref<10240x128xf32, #tpu.memory_space<hbm>> -> memref<10240x128xf32, #tpu.memory_space<hbm>>
      tpu.wait_indirect_dma semaphore(%arg14 : memref<!tpu.dma_semaphore, #tpu.memory_space<semaphore_mem>>) src(%dma_wait3A_238 : memref<10240x128xf32, #tpu.memory_space<hbm>>) dst(%arg10 : memref<64x128xf32, #tpu.memory_space<vmem>>)
      %add3A_239 = arith.constant 0 : i32
      %add3A_240 = arith.addi %mul3A_108, %add3A_239 : i32
      %dma_start3A_241 = arith.constant 0 : i32
      %dma_start3A_242 = tpu.memref_slice %arg9[%add3A_240, %dma_start3A_241] : memref<8x64xi32, #tpu.memory_space<vmem>> -> memref<1x64xi32, #tpu.memory_space<vmem>>
      %dma_start3A_243 = tpu.memref_squeeze %dma_start3A_242 : memref<1x64xi32, #tpu.memory_space<vmem>> -> memref<64xi32, #tpu.memory_space<vmem>>
      %dma_start3A_244 = arith.constant 0 : i32
      %dma_start3A_245 = arith.constant 0 : i32
      %dma_start3A_246 = tpu.memref_slice %arg7[%dma_start3A_244, %dma_start3A_245] : memref<10240x128xf32, #tpu.memory_space<vmem_shared>> -> memref<10240x128xf32, #tpu.memory_space<vmem_shared>>
      tpu.enqueue_indirect_dma source(%arg10 : memref<64x128xf32, #tpu.memory_space<vmem>>) target(%dma_start3A_246 : memref<10240x128xf32, #tpu.memory_space<vmem_shared>>) offsets(%dma_start3A_243 : memref<64xi32, #tpu.memory_space<vmem>>) semaphore(%arg19 : memref<!tpu.dma_semaphore, #tpu.memory_space<semaphore_mem>>) {add = true}
      %dma_wait3A_247 = arith.constant 0 : i32
      %dma_wait3A_248 = tpu.memref_slice %arg8[%add3A_153, %dma_wait3A_247] : memref<8x64xi32, #tpu.memory_space<vmem>> -> memref<1x64xi32, #tpu.memory_space<vmem>>
      %dma_wait3A_249 = tpu.memref_squeeze %dma_wait3A_248 : memref<1x64xi32, #tpu.memory_space<vmem>> -> memref<64xi32, #tpu.memory_space<vmem>>
      %dma_wait3A_250 = arith.constant 0 : i32
      %dma_wait3A_251 = arith.constant 0 : i32
      %dma_wait3A_252 = tpu.memref_slice %arg2[%dma_wait3A_250, %dma_wait3A_251] : memref<10240x128xf32, #tpu.memory_space<hbm>> -> memref<10240x128xf32, #tpu.memory_space<hbm>>
      tpu.wait_indirect_dma semaphore(%arg15 : memref<!tpu.dma_semaphore, #tpu.memory_space<semaphore_mem>>) src(%dma_wait3A_252 : memref<10240x128xf32, #tpu.memory_space<hbm>>) dst(%arg11 : memref<64x128xf32, #tpu.memory_space<vmem>>)
      %add3A_253 = arith.constant 1 : i32
      %add3A_254 = arith.addi %mul3A_108, %add3A_253 : i32
      %dma_start3A_255 = arith.constant 0 : i32
      %dma_start3A_256 = tpu.memref_slice %arg9[%add3A_254, %dma_start3A_255] : memref<8x64xi32, #tpu.memory_space<vmem>> -> memref<1x64xi32, #tpu.memory_space<vmem>>
      %dma_start3A_257 = tpu.memref_squeeze %dma_start3A_256 : memref<1x64xi32, #tpu.memory_space<vmem>> -> memref<64xi32, #tpu.memory_space<vmem>>
      %dma_start3A_258 = arith.constant 0 : i32
      %dma_start3A_259 = arith.constant 0 : i32
      %dma_start3A_260 = tpu.memref_slice %arg7[%dma_start3A_258, %dma_start3A_259] : memref<10240x128xf32, #tpu.memory_space<vmem_shared>> -> memref<10240x128xf32, #tpu.memory_space<vmem_shared>>
      tpu.enqueue_indirect_dma source(%arg11 : memref<64x128xf32, #tpu.memory_space<vmem>>) target(%dma_start3A_260 : memref<10240x128xf32, #tpu.memory_space<vmem_shared>>) offsets(%dma_start3A_257 : memref<64xi32, #tpu.memory_space<vmem>>) semaphore(%arg19 : memref<!tpu.dma_semaphore, #tpu.memory_space<semaphore_mem>>) {add = true}
      %dma_wait3A_261 = arith.constant 0 : i32
      %dma_wait3A_262 = tpu.memref_slice %arg8[%add3A_166, %dma_wait3A_261] : memref<8x64xi32, #tpu.memory_space<vmem>> -> memref<1x64xi32, #tpu.memory_space<vmem>>
      %dma_wait3A_263 = tpu.memref_squeeze %dma_wait3A_262 : memref<1x64xi32, #tpu.memory_space<vmem>> -> memref<64xi32, #tpu.memory_space<vmem>>
      %dma_wait3A_264 = arith.constant 0 : i32
      %dma_wait3A_265 = arith.constant 0 : i32
      %dma_wait3A_266 = tpu.memref_slice %arg2[%dma_wait3A_264, %dma_wait3A_265] : memref<10240x128xf32, #tpu.memory_space<hbm>> -> memref<10240x128xf32, #tpu.memory_space<hbm>>
      tpu.wait_indirect_dma semaphore(%arg16 : memref<!tpu.dma_semaphore, #tpu.memory_space<semaphore_mem>>) src(%dma_wait3A_266 : memref<10240x128xf32, #tpu.memory_space<hbm>>) dst(%arg12 : memref<64x128xf32, #tpu.memory_space<vmem>>)
      %add3A_267 = arith.constant 2 : i32
      %add3A_268 = arith.addi %mul3A_108, %add3A_267 : i32
      %dma_start3A_269 = arith.constant 0 : i32
      %dma_start3A_270 = tpu.memref_slice %arg9[%add3A_268, %dma_start3A_269] : memref<8x64xi32, #tpu.memory_space<vmem>> -> memref<1x64xi32, #tpu.memory_space<vmem>>
      %dma_start3A_271 = tpu.memref_squeeze %dma_start3A_270 : memref<1x64xi32, #tpu.memory_space<vmem>> -> memref<64xi32, #tpu.memory_space<vmem>>
      %dma_start3A_272 = arith.constant 0 : i32
      %dma_start3A_273 = arith.constant 0 : i32
      %dma_start3A_274 = tpu.memref_slice %arg7[%dma_start3A_272, %dma_start3A_273] : memref<10240x128xf32, #tpu.memory_space<vmem_shared>> -> memref<10240x128xf32, #tpu.memory_space<vmem_shared>>
      tpu.enqueue_indirect_dma source(%arg12 : memref<64x128xf32, #tpu.memory_space<vmem>>) target(%dma_start3A_274 : memref<10240x128xf32, #tpu.memory_space<vmem_shared>>) offsets(%dma_start3A_271 : memref<64xi32, #tpu.memory_space<vmem>>) semaphore(%arg19 : memref<!tpu.dma_semaphore, #tpu.memory_space<semaphore_mem>>) {add = true}
      %dma_wait3A_275 = arith.constant 0 : i32
      %dma_wait3A_276 = tpu.memref_slice %arg8[%add3A_179, %dma_wait3A_275] : memref<8x64xi32, #tpu.memory_space<vmem>> -> memref<1x64xi32, #tpu.memory_space<vmem>>
      %dma_wait3A_277 = tpu.memref_squeeze %dma_wait3A_276 : memref<1x64xi32, #tpu.memory_space<vmem>> -> memref<64xi32, #tpu.memory_space<vmem>>
      %dma_wait3A_278 = arith.constant 0 : i32
      %dma_wait3A_279 = arith.constant 0 : i32
      %dma_wait3A_280 = tpu.memref_slice %arg2[%dma_wait3A_278, %dma_wait3A_279] : memref<10240x128xf32, #tpu.memory_space<hbm>> -> memref<10240x128xf32, #tpu.memory_space<hbm>>
      tpu.wait_indirect_dma semaphore(%arg17 : memref<!tpu.dma_semaphore, #tpu.memory_space<semaphore_mem>>) src(%dma_wait3A_280 : memref<10240x128xf32, #tpu.memory_space<hbm>>) dst(%arg13 : memref<64x128xf32, #tpu.memory_space<vmem>>)
      %add3A_281 = arith.constant 3 : i32
      %add3A_282 = arith.addi %mul3A_108, %add3A_281 : i32
      %dma_start3A_283 = arith.constant 0 : i32
      %dma_start3A_284 = tpu.memref_slice %arg9[%add3A_282, %dma_start3A_283] : memref<8x64xi32, #tpu.memory_space<vmem>> -> memref<1x64xi32, #tpu.memory_space<vmem>>
      %dma_start3A_285 = tpu.memref_squeeze %dma_start3A_284 : memref<1x64xi32, #tpu.memory_space<vmem>> -> memref<64xi32, #tpu.memory_space<vmem>>
      %dma_start3A_286 = arith.constant 0 : i32
      %dma_start3A_287 = arith.constant 0 : i32
      %dma_start3A_288 = tpu.memref_slice %arg7[%dma_start3A_286, %dma_start3A_287] : memref<10240x128xf32, #tpu.memory_space<vmem_shared>> -> memref<10240x128xf32, #tpu.memory_space<vmem_shared>>
      tpu.enqueue_indirect_dma source(%arg13 : memref<64x128xf32, #tpu.memory_space<vmem>>) target(%dma_start3A_288 : memref<10240x128xf32, #tpu.memory_space<vmem_shared>>) offsets(%dma_start3A_285 : memref<64xi32, #tpu.memory_space<vmem>>) semaphore(%arg19 : memref<!tpu.dma_semaphore, #tpu.memory_space<semaphore_mem>>) {add = true}
      %scan3A_289 = arith.constant 0 : i32
      scf.yield %scan3A_289 : i32
    }
    %scan3A_35 = arith.constant 40 : i32
    %dma_wait3A = arith.constant 0 : i32
    %dma_wait3A_36 = arith.constant 0 : i32
    %dma_wait3A_37 = tpu.memref_slice %arg8[%dma_wait3A, %dma_wait3A_36] : memref<8x64xi32, #tpu.memory_space<vmem>> -> memref<4x64xi32, #tpu.memory_space<vmem>>
    %dma_wait3A_38 = arith.constant 0 : i32
    %dma_wait3A_39 = arith.constant 0 : i32
    %dma_wait3A_40 = tpu.memref_slice %arg3[%add3A, %dma_wait3A_38, %dma_wait3A_39] : memref<32x160x64xi32, #tpu.memory_space<hbm>> -> memref<1x4x64xi32, #tpu.memory_space<hbm>>
    %dma_wait3A_41 = tpu.memref_squeeze %dma_wait3A_40 : memref<1x4x64xi32, #tpu.memory_space<hbm>> -> memref<4x64xi32, #tpu.memory_space<hbm>>
    %dma_wait3A_42 = arith.constant 0 : i32
    %dma_wait3A_43 = arith.constant 0 : i32
    %dma_wait3A_44 = tpu.memref_slice %arg8[%dma_wait3A_42, %dma_wait3A_43] : memref<8x64xi32, #tpu.memory_space<vmem>> -> memref<4x64xi32, #tpu.memory_space<vmem>>
    %dma_wait3A_45 = arith.constant 0 : i32
    %dma_wait3A_46 = arith.constant 0 : i32
    %dma_wait3A_47 = tpu.memref_slice %arg3[%add3A, %dma_wait3A_45, %dma_wait3A_46] : memref<32x160x64xi32, #tpu.memory_space<hbm>> -> memref<1x4x64xi32, #tpu.memory_space<hbm>>
    %dma_wait3A_48 = tpu.memref_squeeze %dma_wait3A_47 : memref<1x4x64xi32, #tpu.memory_space<hbm>> -> memref<4x64xi32, #tpu.memory_space<hbm>>
    tpu.wait_dma2 semaphore(%arg18 : memref<!tpu.dma_semaphore, #tpu.memory_space<semaphore_mem>>) src(%dma_wait3A_48 : memref<4x64xi32, #tpu.memory_space<hbm>>) dst(%dma_wait3A_44 : memref<4x64xi32, #tpu.memory_space<vmem>>)
    %dma_wait3A_49 = arith.constant 0 : i32
    %dma_wait3A_50 = arith.constant 0 : i32
    %dma_wait3A_51 = tpu.memref_slice %arg9[%dma_wait3A_49, %dma_wait3A_50] : memref<8x64xi32, #tpu.memory_space<vmem>> -> memref<4x64xi32, #tpu.memory_space<vmem>>
    %dma_wait3A_52 = arith.constant 0 : i32
    %dma_wait3A_53 = arith.constant 0 : i32
    %dma_wait3A_54 = tpu.memref_slice %arg4[%add3A, %dma_wait3A_52, %dma_wait3A_53] : memref<32x160x64xi32, #tpu.memory_space<hbm>> -> memref<1x4x64xi32, #tpu.memory_space<hbm>>
    %dma_wait3A_55 = tpu.memref_squeeze %dma_wait3A_54 : memref<1x4x64xi32, #tpu.memory_space<hbm>> -> memref<4x64xi32, #tpu.memory_space<hbm>>
    %dma_wait3A_56 = arith.constant 0 : i32
    %dma_wait3A_57 = arith.constant 0 : i32
    %dma_wait3A_58 = tpu.memref_slice %arg9[%dma_wait3A_56, %dma_wait3A_57] : memref<8x64xi32, #tpu.memory_space<vmem>> -> memref<4x64xi32, #tpu.memory_space<vmem>>
    %dma_wait3A_59 = arith.constant 0 : i32
    %dma_wait3A_60 = arith.constant 0 : i32
    %dma_wait3A_61 = tpu.memref_slice %arg4[%add3A, %dma_wait3A_59, %dma_wait3A_60] : memref<32x160x64xi32, #tpu.memory_space<hbm>> -> memref<1x4x64xi32, #tpu.memory_space<hbm>>
    %dma_wait3A_62 = tpu.memref_squeeze %dma_wait3A_61 : memref<1x4x64xi32, #tpu.memory_space<hbm>> -> memref<4x64xi32, #tpu.memory_space<hbm>>
    tpu.wait_dma2 semaphore(%arg18 : memref<!tpu.dma_semaphore, #tpu.memory_space<semaphore_mem>>) src(%dma_wait3A_62 : memref<4x64xi32, #tpu.memory_space<hbm>>) dst(%dma_wait3A_58 : memref<4x64xi32, #tpu.memory_space<vmem>>)
    %dma_wait3A_63 = arith.constant 0 : i32
    %dma_wait3A_64 = arith.constant 0 : i32
    %dma_wait3A_65 = tpu.memref_slice %arg9[%dma_wait3A_63, %dma_wait3A_64] : memref<8x64xi32, #tpu.memory_space<vmem>> -> memref<1x64xi32, #tpu.memory_space<vmem>>
    %dma_wait3A_66 = tpu.memref_squeeze %dma_wait3A_65 : memref<1x64xi32, #tpu.memory_space<vmem>> -> memref<64xi32, #tpu.memory_space<vmem>>
    %dma_wait3A_67 = arith.constant 0 : i32
    %dma_wait3A_68 = arith.constant 0 : i32
    %dma_wait3A_69 = tpu.memref_slice %arg7[%dma_wait3A_67, %dma_wait3A_68] : memref<10240x128xf32, #tpu.memory_space<vmem_shared>> -> memref<10240x128xf32, #tpu.memory_space<vmem_shared>>
    tpu.wait_indirect_dma semaphore(%arg19 : memref<!tpu.dma_semaphore, #tpu.memory_space<semaphore_mem>>) src(%arg10 : memref<64x128xf32, #tpu.memory_space<vmem>>) dst(%dma_wait3A_69 : memref<10240x128xf32, #tpu.memory_space<vmem_shared>>)
    %dma_wait3A_70 = arith.constant 0 : i32
    %dma_wait3A_71 = arith.constant 0 : i32
    %dma_wait3A_72 = tpu.memref_slice %arg9[%dma_wait3A_70, %dma_wait3A_71] : memref<8x64xi32, #tpu.memory_space<vmem>> -> memref<1x64xi32, #tpu.memory_space<vmem>>
    %dma_wait3A_73 = tpu.memref_squeeze %dma_wait3A_72 : memref<1x64xi32, #tpu.memory_space<vmem>> -> memref<64xi32, #tpu.memory_space<vmem>>
    %dma_wait3A_74 = arith.constant 0 : i32
    %dma_wait3A_75 = arith.constant 0 : i32
    %dma_wait3A_76 = tpu.memref_slice %arg7[%dma_wait3A_74, %dma_wait3A_75] : memref<10240x128xf32, #tpu.memory_space<vmem_shared>> -> memref<10240x128xf32, #tpu.memory_space<vmem_shared>>
    tpu.wait_indirect_dma semaphore(%arg19 : memref<!tpu.dma_semaphore, #tpu.memory_space<semaphore_mem>>) src(%arg11 : memref<64x128xf32, #tpu.memory_space<vmem>>) dst(%dma_wait3A_76 : memref<10240x128xf32, #tpu.memory_space<vmem_shared>>)
    %dma_wait3A_77 = arith.constant 0 : i32
    %dma_wait3A_78 = arith.constant 0 : i32
    %dma_wait3A_79 = tpu.memref_slice %arg9[%dma_wait3A_77, %dma_wait3A_78] : memref<8x64xi32, #tpu.memory_space<vmem>> -> memref<1x64xi32, #tpu.memory_space<vmem>>
    %dma_wait3A_80 = tpu.memref_squeeze %dma_wait3A_79 : memref<1x64xi32, #tpu.memory_space<vmem>> -> memref<64xi32, #tpu.memory_space<vmem>>
    %dma_wait3A_81 = arith.constant 0 : i32
    %dma_wait3A_82 = arith.constant 0 : i32
    %dma_wait3A_83 = tpu.memref_slice %arg7[%dma_wait3A_81, %dma_wait3A_82] : memref<10240x128xf32, #tpu.memory_space<vmem_shared>> -> memref<10240x128xf32, #tpu.memory_space<vmem_shared>>
    tpu.wait_indirect_dma semaphore(%arg19 : memref<!tpu.dma_semaphore, #tpu.memory_space<semaphore_mem>>) src(%arg12 : memref<64x128xf32, #tpu.memory_space<vmem>>) dst(%dma_wait3A_83 : memref<10240x128xf32, #tpu.memory_space<vmem_shared>>)
    %dma_wait3A_84 = arith.constant 0 : i32
    %dma_wait3A_85 = arith.constant 0 : i32
    %dma_wait3A_86 = tpu.memref_slice %arg9[%dma_wait3A_84, %dma_wait3A_85] : memref<8x64xi32, #tpu.memory_space<vmem>> -> memref<1x64xi32, #tpu.memory_space<vmem>>
    %dma_wait3A_87 = tpu.memref_squeeze %dma_wait3A_86 : memref<1x64xi32, #tpu.memory_space<vmem>> -> memref<64xi32, #tpu.memory_space<vmem>>
    %dma_wait3A_88 = arith.constant 0 : i32
    %dma_wait3A_89 = arith.constant 0 : i32
    %dma_wait3A_90 = tpu.memref_slice %arg7[%dma_wait3A_88, %dma_wait3A_89] : memref<10240x128xf32, #tpu.memory_space<vmem_shared>> -> memref<10240x128xf32, #tpu.memory_space<vmem_shared>>
    tpu.wait_indirect_dma semaphore(%arg19 : memref<!tpu.dma_semaphore, #tpu.memory_space<semaphore_mem>>) src(%arg13 : memref<64x128xf32, #tpu.memory_space<vmem>>) dst(%dma_wait3A_90 : memref<10240x128xf32, #tpu.memory_space<vmem_shared>>)
    %barrier3A_91 = arith.constant 0 : index
    tpu.barrier barrier_id(%barrier3A_91)
    %mul3A_92 = arith.constant 640 : i32
    %mul3A_93 = arith.muli %arg1, %mul3A_92 : i32
    %mul3A_94 = arith.constant 640 : i32
    %mul3A_95 = arith.muli %arg1, %mul3A_94 : i32
    "tpu.region"() ({
      %run_scoped3A = tpu.sem_alloc : memref<!tpu.dma_semaphore, #tpu.memory_space<semaphore_mem>>
      %dma_start3A_96 = arith.constant 0 : i32
      %dma_start3A_97 = tpu.memref_slice %arg6[%arg0, %mul3A_95, %dma_start3A_96] : memref<2x10240x128xf32, #tpu.memory_space<hbm>> -> memref<1x640x128xf32, #tpu.memory_space<hbm>>
      %dma_start3A_98 = tpu.memref_squeeze %dma_start3A_97 : memref<1x640x128xf32, #tpu.memory_space<hbm>> -> memref<640x128xf32, #tpu.memory_space<hbm>>
      %dma_start3A_99 = arith.constant 0 : i32
      %dma_start3A_100 = tpu.memref_slice %arg7[%mul3A_93, %dma_start3A_99] : memref<10240x128xf32, #tpu.memory_space<vmem_shared>> -> memref<640x128xf32, #tpu.memory_space<vmem_shared>>
      tpu.enqueue_dma source(%dma_start3A_100 : memref<640x128xf32, #tpu.memory_space<vmem_shared>>) target(%dma_start3A_98 : memref<640x128xf32, #tpu.memory_space<hbm>>) target_semaphore(%run_scoped3A : memref<!tpu.dma_semaphore, #tpu.memory_space<semaphore_mem>>)
      %dma_wait3A_101 = arith.constant 0 : i32
      %dma_wait3A_102 = tpu.memref_slice %arg6[%arg0, %mul3A_95, %dma_wait3A_101] : memref<2x10240x128xf32, #tpu.memory_space<hbm>> -> memref<1x640x128xf32, #tpu.memory_space<hbm>>
      %dma_wait3A_103 = tpu.memref_squeeze %dma_wait3A_102 : memref<1x640x128xf32, #tpu.memory_space<hbm>> -> memref<640x128xf32, #tpu.memory_space<hbm>>
      %dma_wait3A_104 = arith.constant 0 : i32
      %dma_wait3A_105 = tpu.memref_slice %arg7[%mul3A_93, %dma_wait3A_104] : memref<10240x128xf32, #tpu.memory_space<vmem_shared>> -> memref<640x128xf32, #tpu.memory_space<vmem_shared>>
      tpu.wait_dma2 semaphore(%run_scoped3A : memref<!tpu.dma_semaphore, #tpu.memory_space<semaphore_mem>>) src(%dma_wait3A_105 : memref<640x128xf32, #tpu.memory_space<vmem_shared>>) dst(%dma_wait3A_103 : memref<640x128xf32, #tpu.memory_space<hbm>>)
      tpu.yield
    }) : () -> ()
    return
  }
}

module attributes {stable_mosaic.version = 14 : i64} {
  func.func @_xs_body(%arg0: memref<10240x128xf32, #tpu.memory_space<vmem>>, %arg1: memref<2x4x10240xf32, #tpu.memory_space<vmem>>, %arg2: memref<10240x128xf32, #tpu.memory_space<vmem>>) attributes {dimension_semantics = [], scalar_prefetch = 0 : i64, scratch_operands = 0 : i64, tpu.core_type = #tpu.core_type<tc>} {
    %get3A = arith.constant 0 : index
    %get3A_0 = arith.constant 0 : index
    %get3A_1 = arith.constant 0 : index
    %get3A_2 = vector.load %arg1[%get3A, %get3A_0, %get3A_1] : memref<2x4x10240xf32, #tpu.memory_space<vmem>>, vector<1x1x10240xf32>
    %get3A_3 = vector.shape_cast %get3A_2 : vector<1x1x10240xf32> to vector<10240xf32>
    %get3A_4 = arith.constant 1 : index
    %get3A_5 = arith.constant 0 : index
    %get3A_6 = arith.constant 0 : index
    %get3A_7 = vector.load %arg1[%get3A_4, %get3A_5, %get3A_6] : memref<2x4x10240xf32, #tpu.memory_space<vmem>>, vector<1x1x10240xf32>
    %get3A_8 = vector.shape_cast %get3A_7 : vector<1x1x10240xf32> to vector<10240xf32>
    %add3A = arith.addf %get3A_3, %get3A_8 : vector<10240xf32>
    %get3A_9 = arith.constant 0 : index
    %get3A_10 = arith.constant 0 : index
    %get3A_11 = vector.load %arg0[%get3A_9, %get3A_10] : memref<10240x128xf32, #tpu.memory_space<vmem>>, vector<10240x128xf32>
    %gt3A = arith.constant 0.000000e+00 : f32
    %gt3A_12 = vector.broadcast %gt3A : f32 to vector<10240xf32>
    %gt3A_13 = arith.cmpf ogt, %add3A, %gt3A_12 : vector<10240xf32>
    %max3A = arith.constant 9.99999996E-13 : f32
    %max3A_14 = vector.broadcast %max3A : f32 to vector<10240xf32>
    %max3A_15 = arith.maximumf %add3A, %max3A_14 : vector<10240xf32>
    %rsqrt3A = math.rsqrt %max3A_15 : vector<10240xf32>
    %jit3A = arith.constant 0.000000e+00 : f32
    %broadcast_in_dim3A = vector.broadcast %jit3A : f32 to vector<10240xf32>
    %select_n3A = arith.select %gt3A_13, %rsqrt3A, %broadcast_in_dim3A : vector<10240xi1>, vector<10240xf32>
    %broadcast_in_dim3A_16 = vector.shape_cast %select_n3A : vector<10240xf32> to vector<10240x1xf32>
    %mul3A = vector.broadcast %broadcast_in_dim3A_16 : vector<10240x1xf32> to vector<10240x128xf32>
    %mul3A_17 = arith.mulf %get3A_11, %mul3A : vector<10240x128xf32>
    %swap3A = arith.constant 0 : index
    %swap3A_18 = arith.constant 0 : index
    %swap3A_19 = vector.load %arg2[%swap3A, %swap3A_18] : memref<10240x128xf32, #tpu.memory_space<vmem>>, vector<10240x128xf32>
    tpu.vector_store %arg2[%swap3A, %swap3A_18], %mul3A_17 {strides = array<i32>} : memref<10240x128xf32, #tpu.memory_space<vmem>>, vector<10240x128xf32>,
    return
  }
}

module attributes {stable_mosaic.version = 14 : i64} {
  func.func @_mm_body(%arg0: i32, %arg1: memref<2x1280x128xf32, #tpu.memory_space<vmem>>, %arg2: memref<2x4x1280xf32, #tpu.memory_space<vmem>>, %arg3: memref<128x256xf32, #tpu.memory_space<vmem>>, %arg4: memref<1x256xf32, #tpu.memory_space<vmem>>, %arg5: memref<256x128xf32, #tpu.memory_space<vmem>>, %arg6: memref<1280x128xf32, #tpu.memory_space<vmem>>) attributes {dimension_semantics = [#tpu.dimension_semantics<arbitrary>], iteration_bounds = array<i64: 8>, scalar_prefetch = 0 : i64, scratch_operands = 0 : i64, tpu.core_type = #tpu.core_type<tc>, window_params = [{transform_indices = @transform_0, window_bounds = array<i64: 2, 1280, 128>}, {transform_indices = @transform_1, window_bounds = array<i64: 2, 4, 1280>}, {pipeline_mode = #tpu.pipeline_mode<synchronous>, transform_indices = @transform_2, window_bounds = array<i64: 128, 256>}, {pipeline_mode = #tpu.pipeline_mode<synchronous>, transform_indices = @transform_3, window_bounds = array<i64: 1, 256>}, {pipeline_mode = #tpu.pipeline_mode<synchronous>, transform_indices = @transform_4, window_bounds = array<i64: 256, 128>}, {transform_indices = @transform_5, window_bounds = array<i64: 1280, 128>}]} {
    %get3A = arith.constant 0 : index
    %get3A_0 = arith.constant 0 : index
    %get3A_1 = arith.constant 0 : index
    %get3A_2 = vector.load %arg1[%get3A, %get3A_0, %get3A_1] : memref<2x1280x128xf32, #tpu.memory_space<vmem>>, vector<1x1280x128xf32>
    %get3A_3 = vector.shape_cast %get3A_2 : vector<1x1280x128xf32> to vector<1280x128xf32>
    %get3A_4 = arith.constant 1 : index
    %get3A_5 = arith.constant 0 : index
    %get3A_6 = arith.constant 0 : index
    %get3A_7 = vector.load %arg1[%get3A_4, %get3A_5, %get3A_6] : memref<2x1280x128xf32, #tpu.memory_space<vmem>>, vector<1x1280x128xf32>
    %get3A_8 = vector.shape_cast %get3A_7 : vector<1x1280x128xf32> to vector<1280x128xf32>
    %add3A = arith.addf %get3A_3, %get3A_8 : vector<1280x128xf32>
    %get3A_9 = arith.constant 0 : index
    %get3A_10 = arith.constant 1 : index
    %get3A_11 = arith.constant 0 : index
    %get3A_12 = vector.load %arg2[%get3A_9, %get3A_10, %get3A_11] : memref<2x4x1280xf32, #tpu.memory_space<vmem>>, vector<1x1x1280xf32>
    %get3A_13 = vector.shape_cast %get3A_12 : vector<1x1x1280xf32> to vector<1280xf32>
    %get3A_14 = arith.constant 1 : index
    %get3A_15 = arith.constant 1 : index
    %get3A_16 = arith.constant 0 : index
    %get3A_17 = vector.load %arg2[%get3A_14, %get3A_15, %get3A_16] : memref<2x4x1280xf32, #tpu.memory_space<vmem>>, vector<1x1x1280xf32>
    %get3A_18 = vector.shape_cast %get3A_17 : vector<1x1x1280xf32> to vector<1280xf32>
    %add3A_19 = arith.addf %get3A_13, %get3A_18 : vector<1280xf32>
    %gt3A = arith.constant 0.000000e+00 : f32
    %gt3A_20 = vector.broadcast %gt3A : f32 to vector<1280xf32>
    %gt3A_21 = arith.cmpf ogt, %add3A_19, %gt3A_20 : vector<1280xf32>
    %max3A = arith.constant 9.99999996E-13 : f32
    %max3A_22 = vector.broadcast %max3A : f32 to vector<1280xf32>
    %max3A_23 = arith.maximumf %add3A_19, %max3A_22 : vector<1280xf32>
    %rsqrt3A = math.rsqrt %max3A_23 : vector<1280xf32>
    %jit3A = arith.constant 0.000000e+00 : f32
    %broadcast_in_dim3A = vector.broadcast %jit3A : f32 to vector<1280xf32>
    %select_n3A = arith.select %gt3A_21, %rsqrt3A, %broadcast_in_dim3A : vector<1280xi1>, vector<1280xf32>
    %get3A_24 = arith.constant 0 : index
    %get3A_25 = arith.constant 2 : index
    %get3A_26 = arith.constant 0 : index
    %get3A_27 = vector.load %arg2[%get3A_24, %get3A_25, %get3A_26] : memref<2x4x1280xf32, #tpu.memory_space<vmem>>, vector<1x1x1280xf32>
    %get3A_28 = vector.shape_cast %get3A_27 : vector<1x1x1280xf32> to vector<1280xf32>
    %get3A_29 = arith.constant 1 : index
    %get3A_30 = arith.constant 2 : index
    %get3A_31 = arith.constant 0 : index
    %get3A_32 = vector.load %arg2[%get3A_29, %get3A_30, %get3A_31] : memref<2x4x1280xf32, #tpu.memory_space<vmem>>, vector<1x1x1280xf32>
    %get3A_33 = vector.shape_cast %get3A_32 : vector<1x1x1280xf32> to vector<1280xf32>
    %add3A_34 = arith.addf %get3A_28, %get3A_33 : vector<1280xf32>
    %gt3A_35 = arith.constant 0.000000e+00 : f32
    %gt3A_36 = vector.broadcast %gt3A_35 : f32 to vector<1280xf32>
    %gt3A_37 = arith.cmpf ogt, %add3A_34, %gt3A_36 : vector<1280xf32>
    %max3A_38 = arith.constant 9.99999996E-13 : f32
    %max3A_39 = vector.broadcast %max3A_38 : f32 to vector<1280xf32>
    %max3A_40 = arith.maximumf %add3A_34, %max3A_39 : vector<1280xf32>
    %rsqrt3A_41 = math.rsqrt %max3A_40 : vector<1280xf32>
    %jit3A_42 = arith.constant 0.000000e+00 : f32
    %broadcast_in_dim3A_43 = vector.broadcast %jit3A_42 : f32 to vector<1280xf32>
    %select_n3A_44 = arith.select %gt3A_37, %rsqrt3A_41, %broadcast_in_dim3A_43 : vector<1280xi1>, vector<1280xf32>
    %broadcast_in_dim3A_45 = vector.shape_cast %select_n3A : vector<1280xf32> to vector<1280x1xf32>
    %mul3A = vector.broadcast %broadcast_in_dim3A_45 : vector<1280x1xf32> to vector<1280x128xf32>
    %mul3A_46 = arith.mulf %add3A, %mul3A : vector<1280x128xf32>
    %get3A_47 = arith.constant 0 : index
    %get3A_48 = arith.constant 0 : index
    %get3A_49 = vector.load %arg3[%get3A_47, %get3A_48] : memref<128x256xf32, #tpu.memory_space<vmem>>, vector<128x256xf32>
    %dot_general3A = arith.constant dense<0.000000e+00> : vector<1280x256xf32>
    %dot_general3A_50 = tpu.matmul %mul3A_46, %get3A_49, %dot_general3A {dimension_numbers = #tpu.dot_dimension_numbers<[1], [0], [0], [1], [0, 0, 1, 1], [], []>, transpose_lhs_hint = false} : vector<1280x128xf32>, vector<128x256xf32>, vector<1280x256xf32> -> vector<1280x256xf32>
    %get3A_51 = arith.constant 0 : index
    %get3A_52 = arith.constant 0 : index
    %get3A_53 = vector.load %arg4[%get3A_51, %get3A_52] : memref<1x256xf32, #tpu.memory_space<vmem>>, vector<1x256xf32>
    %add3A_54 = vector.broadcast %get3A_53 : vector<1x256xf32> to vector<1280x256xf32>
    %add3A_55 = arith.addf %dot_general3A_50, %add3A_54 : vector<1280x256xf32>
    %max3A_56 = arith.constant 0.000000e+00 : f32
    %max3A_57 = vector.broadcast %max3A_56 : f32 to vector<1280x256xf32>
    %max3A_58 = arith.maximumf %add3A_55, %max3A_57 : vector<1280x256xf32>
    %broadcast_in_dim3A_59 = vector.shape_cast %select_n3A_44 : vector<1280xf32> to vector<1280x1xf32>
    %mul3A_60 = vector.broadcast %broadcast_in_dim3A_59 : vector<1280x1xf32> to vector<1280x256xf32>
    %mul3A_61 = arith.mulf %max3A_58, %mul3A_60 : vector<1280x256xf32>
    %get3A_62 = arith.constant 0 : index
    %get3A_63 = arith.constant 0 : index
    %get3A_64 = vector.load %arg5[%get3A_62, %get3A_63] : memref<256x128xf32, #tpu.memory_space<vmem>>, vector<256x128xf32>
    %dot_general3A_65 = arith.constant dense<0.000000e+00> : vector<1280x128xf32>
    %dot_general3A_66 = tpu.matmul %mul3A_61, %get3A_64, %dot_general3A_65 {dimension_numbers = #tpu.dot_dimension_numbers<[1], [0], [0], [1], [0, 0, 1, 1], [], []>, transpose_lhs_hint = false} : vector<1280x256xf32>, vector<256x128xf32>, vector<1280x128xf32> -> vector<1280x128xf32>
    %swap3A = arith.constant 0 : index
    %swap3A_67 = arith.constant 0 : index
    %swap3A_68 = vector.load %arg6[%swap3A, %swap3A_67] : memref<1280x128xf32, #tpu.memory_space<vmem>>, vector<1280x128xf32>
    tpu.vector_store %arg6[%swap3A, %swap3A_67], %dot_general3A_66 {strides = array<i32>} : memref<1280x128xf32, #tpu.memory_space<vmem>>, vector<1280x128xf32>,
    return
  }
  func.func @transform_0(%arg0: i32) -> (i32, i32, i32) {
    %c0_i32 = arith.constant 0 : i32
    %c0_i32_0 = arith.constant 0 : i32
    %c0_i32_1 = arith.constant 0 : i32
    return %c0_i32, %arg0, %c0_i32_0 : i32, i32, i32
  }
  func.func @transform_1(%arg0: i32) -> (i32, i32, i32) {
    %c0_i32 = arith.constant 0 : i32
    %c0_i32_0 = arith.constant 0 : i32
    %c0_i32_1 = arith.constant 0 : i32
    return %c0_i32, %c0_i32_0, %arg0 : i32, i32, i32
  }
  func.func @transform_2(%arg0: i32) -> (i32, i32) {
    %c0_i32 = arith.constant 0 : i32
    %c0_i32_0 = arith.constant 0 : i32
    %c0_i32_1 = arith.constant 0 : i32
    return %c0_i32, %c0_i32_0 : i32, i32
  }
  func.func @transform_3(%arg0: i32) -> (i32, i32) {
    %c0_i32 = arith.constant 0 : i32
    %c0_i32_0 = arith.constant 0 : i32
    %c0_i32_1 = arith.constant 0 : i32
    return %c0_i32, %c0_i32_0 : i32, i32
  }
  func.func @transform_4(%arg0: i32) -> (i32, i32) {
    %c0_i32 = arith.constant 0 : i32
    %c0_i32_0 = arith.constant 0 : i32
    %c0_i32_1 = arith.constant 0 : i32
    return %c0_i32, %c0_i32_0 : i32, i32
  }
  func.func @transform_5(%arg0: i32) -> (i32, i32) {
    %c0_i32 = arith.constant 0 : i32
    %c0_i32_0 = arith.constant 0 : i32
    return %arg0, %c0_i32 : i32, i32
  }
}

module attributes {stable_mosaic.version = 14 : i64} {
  func.func @_h2_body(%arg0: i32, %arg1: memref<2x1280x128xf32, #tpu.memory_space<vmem>>, %arg2: memref<2x4x1280xf32, #tpu.memory_space<vmem>>, %arg3: memref<1x128xf32, #tpu.memory_space<vmem>>, %arg4: memref<1280x128xf32, #tpu.memory_space<vmem>>) attributes {dimension_semantics = [#tpu.dimension_semantics<arbitrary>], iteration_bounds = array<i64: 8>, scalar_prefetch = 0 : i64, scratch_operands = 0 : i64, tpu.core_type = #tpu.core_type<tc>, window_params = [{transform_indices = @transform_0, window_bounds = array<i64: 2, 1280, 128>}, {transform_indices = @transform_1, window_bounds = array<i64: 2, 4, 1280>}, {pipeline_mode = #tpu.pipeline_mode<synchronous>, transform_indices = @transform_2, window_bounds = array<i64: 1, 128>}, {transform_indices = @transform_3, window_bounds = array<i64: 1280, 128>}]} {
    %get3A = arith.constant 0 : index
    %get3A_0 = arith.constant 0 : index
    %get3A_1 = arith.constant 0 : index
    %get3A_2 = vector.load %arg1[%get3A, %get3A_0, %get3A_1] : memref<2x1280x128xf32, #tpu.memory_space<vmem>>, vector<1x1280x128xf32>
    %get3A_3 = vector.shape_cast %get3A_2 : vector<1x1280x128xf32> to vector<1280x128xf32>
    %get3A_4 = arith.constant 1 : index
    %get3A_5 = arith.constant 0 : index
    %get3A_6 = arith.constant 0 : index
    %get3A_7 = vector.load %arg1[%get3A_4, %get3A_5, %get3A_6] : memref<2x1280x128xf32, #tpu.memory_space<vmem>>, vector<1x1280x128xf32>
    %get3A_8 = vector.shape_cast %get3A_7 : vector<1x1280x128xf32> to vector<1280x128xf32>
    %add3A = arith.addf %get3A_3, %get3A_8 : vector<1280x128xf32>
    %get3A_9 = arith.constant 0 : index
    %get3A_10 = arith.constant 3 : index
    %get3A_11 = arith.constant 0 : index
    %get3A_12 = vector.load %arg2[%get3A_9, %get3A_10, %get3A_11] : memref<2x4x1280xf32, #tpu.memory_space<vmem>>, vector<1x1x1280xf32>
    %get3A_13 = vector.shape_cast %get3A_12 : vector<1x1x1280xf32> to vector<1280xf32>
    %get3A_14 = arith.constant 1 : index
    %get3A_15 = arith.constant 3 : index
    %get3A_16 = arith.constant 0 : index
    %get3A_17 = vector.load %arg2[%get3A_14, %get3A_15, %get3A_16] : memref<2x4x1280xf32, #tpu.memory_space<vmem>>, vector<1x1x1280xf32>
    %get3A_18 = vector.shape_cast %get3A_17 : vector<1x1x1280xf32> to vector<1280xf32>
    %add3A_19 = arith.addf %get3A_13, %get3A_18 : vector<1280xf32>
    %gt3A = arith.constant 0.000000e+00 : f32
    %gt3A_20 = vector.broadcast %gt3A : f32 to vector<1280xf32>
    %gt3A_21 = arith.cmpf ogt, %add3A_19, %gt3A_20 : vector<1280xf32>
    %max3A = arith.constant 9.99999996E-13 : f32
    %max3A_22 = vector.broadcast %max3A : f32 to vector<1280xf32>
    %max3A_23 = arith.maximumf %add3A_19, %max3A_22 : vector<1280xf32>
    %rsqrt3A = math.rsqrt %max3A_23 : vector<1280xf32>
    %jit3A = arith.constant 0.000000e+00 : f32
    %broadcast_in_dim3A = vector.broadcast %jit3A : f32 to vector<1280xf32>
    %select_n3A = arith.select %gt3A_21, %rsqrt3A, %broadcast_in_dim3A : vector<1280xi1>, vector<1280xf32>
    %broadcast_in_dim3A_24 = vector.shape_cast %select_n3A : vector<1280xf32> to vector<1280x1xf32>
    %mul3A = vector.broadcast %broadcast_in_dim3A_24 : vector<1280x1xf32> to vector<1280x128xf32>
    %mul3A_25 = arith.mulf %add3A, %mul3A : vector<1280x128xf32>
    %get3A_26 = arith.constant 0 : index
    %get3A_27 = arith.constant 0 : index
    %get3A_28 = vector.load %arg3[%get3A_26, %get3A_27] : memref<1x128xf32, #tpu.memory_space<vmem>>, vector<1x128xf32>
    %add3A_29 = vector.broadcast %get3A_28 : vector<1x128xf32> to vector<1280x128xf32>
    %add3A_30 = arith.addf %mul3A_25, %add3A_29 : vector<1280x128xf32>
    %max3A_31 = arith.constant 0.000000e+00 : f32
    %max3A_32 = vector.broadcast %max3A_31 : f32 to vector<1280x128xf32>
    %max3A_33 = arith.maximumf %add3A_30, %max3A_32 : vector<1280x128xf32>
    %swap3A = arith.constant 0 : index
    %swap3A_34 = arith.constant 0 : index
    %swap3A_35 = vector.load %arg4[%swap3A, %swap3A_34] : memref<1280x128xf32, #tpu.memory_space<vmem>>, vector<1280x128xf32>
    tpu.vector_store %arg4[%swap3A, %swap3A_34], %max3A_33 {strides = array<i32>} : memref<1280x128xf32, #tpu.memory_space<vmem>>, vector<1280x128xf32>,
    return
  }
  func.func @transform_0(%arg0: i32) -> (i32, i32, i32) {
    %c0_i32 = arith.constant 0 : i32
    %c0_i32_0 = arith.constant 0 : i32
    %c0_i32_1 = arith.constant 0 : i32
    return %c0_i32, %arg0, %c0_i32_0 : i32, i32, i32
  }
  func.func @transform_1(%arg0: i32) -> (i32, i32, i32) {
    %c0_i32 = arith.constant 0 : i32
    %c0_i32_0 = arith.constant 0 : i32
    %c0_i32_1 = arith.constant 0 : i32
    return %c0_i32, %c0_i32_0, %arg0 : i32, i32, i32
  }
  func.func @transform_2(%arg0: i32) -> (i32, i32) {
    %c0_i32 = arith.constant 0 : i32
    %c0_i32_0 = arith.constant 0 : i32
    %c0_i32_1 = arith.constant 0 : i32
    return %c0_i32, %c0_i32_0 : i32, i32
  }
  func.func @transform_3(%arg0: i32) -> (i32, i32) {
    %c0_i32 = arith.constant 0 : i32
    %c0_i32_0 = arith.constant 0 : i32
    return %arg0, %c0_i32 : i32, i32
  }
}

module attributes {stable_mosaic.version = 14 : i64} {
  func.func @_red_body(%arg0: i32, %arg1: memref<6656x16xf32, #tpu.memory_space<vmem>>, %arg2: memref<6656x1xf32, #tpu.memory_space<vmem>>) attributes {dimension_semantics = [#tpu.dimension_semantics<arbitrary>], iteration_bounds = array<i64: 16>, scalar_prefetch = 0 : i64, scratch_operands = 0 : i64, tpu.core_type = #tpu.core_type<tc>, window_params = [{transform_indices = @transform_0, window_bounds = array<i64: 6656, 16>}, {transform_indices = @transform_1, window_bounds = array<i64: 6656, 1>}]} {
    %get3A = arith.constant 0 : index
    %get3A_0 = arith.constant 0 : index
    %get3A_1 = vector.load %arg1[%get3A, %get3A_0] : memref<6656x16xf32, #tpu.memory_space<vmem>>, vector<6656x16xf32>
    %reduce_sum3A = arith.constant dense<0.000000e+00> : vector<6656xf32>
    %reduce_sum3A_2 = vector.multi_reduction <add>, %get3A_1, %reduce_sum3A [1] : vector<6656x16xf32> to vector<6656xf32>
    %broadcast_in_dim3A = vector.shape_cast %reduce_sum3A_2 : vector<6656xf32> to vector<6656x1xf32>
    %swap3A = arith.constant 0 : index
    %swap3A_3 = arith.constant 0 : index
    %swap3A_4 = vector.load %arg2[%swap3A, %swap3A_3] : memref<6656x1xf32, #tpu.memory_space<vmem>>, vector<6656x1xf32>
    tpu.vector_store %arg2[%swap3A, %swap3A_3], %broadcast_in_dim3A {strides = array<i32>} : memref<6656x1xf32, #tpu.memory_space<vmem>>, vector<6656x1xf32>,
    return
  }
  func.func @transform_0(%arg0: i32) -> (i32, i32) {
    %c0_i32 = arith.constant 0 : i32
    %c0_i32_0 = arith.constant 0 : i32
    return %arg0, %c0_i32 : i32, i32
  }
  func.func @transform_1(%arg0: i32) -> (i32, i32) {
    %c0_i32 = arith.constant 0 : i32
    %c0_i32_0 = arith.constant 0 : i32
    return %arg0, %c0_i32 : i32, i32
  }
}

</mosaic_0001>

<sc_bundles>
// kernel: kernel.10.cloned.1.call-start
scs
__scs_entry_jumppad:
0x0: {  	(pc) =	sbr.rel $0x88, $3  }
0x1: {  	(tag) =	ssettag $0x0;
	lr =	simm.s32 $0x1  }
0x2: {  	[smem:$0x3F98] =	sst lr;
	_ =	strace $0xD0000000  }
0x3: {  	_ = 	snop  }
0x4: {  	_ = 	snop  }
0x5: {  	_ = 	snop  }
0x6: {  	_ = 	snop  }
0x7: {  	_ = 	snop  }
__scs_overlays_trampoline_lowered:
0x8: {  	[smem:$0x3FA7] =	sst s0  }
0x9: {  	[smem:$0x3FA8] =	sst s1  }
0xa: {  	[smem:$0x3FA9] =	sst s2  }
0xb: {  	[smem:$0x3FAA] =	sst s3  }
0xc: {  	[smem:$0x3FAB] =	sst s4  }
0xd: {  	[smem:$0x3FAC] =	sst s5  }
0xe: {  	[smem:$0x3FAD] =	sst s6  }
0xf: {  	[smem:$0x3FAE] =	sst s7  }
0x10: {  	[smem:$0x3FAF] =	sst s8  }
0x11: {  	[smem:$0x3FB0] =	sst s9;
	s0 =	simm.s32 @!p0 $0x0  }
0x12: {  	s1 =	sld [smem:$0x3F96];
	s0 =	simm.s32 @p0 $0x1  }
0x13: {  	[smem:$0x3FB1] =	sst s0;
	s0 =	simm.s32 @!p1 $0x0  }
0x14: {  	s2 =	sld [smem:$0x3F95];
	s0 =	simm.s32 @p1 $0x1  }
0x15: {  	[smem:$0x3FB2] =	sst s0;
	s0 =	simm.s32 @!p2 $0x0  }
0x16: {  	s3 =	sld [smem:$0x3FDB];
	s0 =	simm.s32 @p2 $0x1  }
0x17: {  	s4 =	simm.s32 $0x1BF5;
	[smem:$0x3FB4] =	sst s0  }
0x18: {  	s0 =	sld [smem:$0x3F97];
	_ =	swait.ge [sflag:s4], $0x0  }
0x19: {  	s7 =	sld [smem:$0x3F98]  }
0x1a: {  	s8 =	sadd.s32 $0xFFFFE003, lr  }
0x1b: {  	s9 =	sadd.s32 $0xFFFFFEF7, lr;
	s5 =	simm.s32 $0xFFFFFFFF;
	p2 =	slt.u32 s8, $0xFFFFF086  }
0x1c: {  	p1 =	slt.u32 s9, $0xF7A;
	s5 =	simm.s32 @!p2 $0x0  }
0x1d: {  	s5 =	simm.s32 @p1 $0x1;
	p0 =	seq.s32 s7, s2  }
0x1e: {  	s7 =	smul.u32 @!p0 $0xF7A, s2;
	p2 =	seq.s32 @!p0 s5, $0x0  }
0x1f: {  	s9 =	smul.u32 $0xF7A, s1;
	s8 =	simm.s32 @!p0 $0x1BF5;
	p2 =	por !p2, p0  }
0x20: {  	[sflag:s8] =	ssyncset.s32 @!p0 $0xFFFFF086;
	s6 =	sadd.s32 @!p0 s3, s7;
	s7 =	simm.s32 @!p0 $0x108  }
0x21: {  	s3 =	sadd.s32 s3, s9;
	s6 =	sadd.s32 @!p0 $0x88, s6;
	s7 =	simm.s32 @p2 $0x1082  }
0x22: {  	[simem:s7], [sflag:s8] =	dma.local @!p0 [hbm:s6], $0xF7A  }
0x23: {  	s9 =	sor.u32 $0xD0000000, s2;
	s6 =	simm.s32 $0x108;
	_ =	swait.ge @!p0 [sflag:s8], $0x0  }
0x24: {  	s3 =	sadd.s32 $0x88, s3;
	s6 =	simm.s32 @!p1 $0x1082;
	[sflag:s4] =	ssyncset.s32 $0xFFFFF086  }
0x25: {  	[simem:s6], [sflag:s4] =	dma.local [hbm:s3], $0xF7A  }
0x26: {  	[smem:$0x3F98] =	sst s1;
	(tag) =	ssettag s2;
	_ =	strace s9  }
0x27: {  	s1 =	sld [smem:$0x3FA8]  }
0x28: {  	s2 =	sld [smem:$0x3FA9]  }
0x29: {  	s4 =	sld [smem:$0x3FAB]  }
0x2a: {  	p0 =	seq.s32 s5, $0x0;
	s5 =	sld [smem:$0x3FAC]  }
0x2b: {  	s6 =	sld [smem:$0x3FAD]  }
0x2c: {  	s7 =	sld [smem:$0x3FAE]  }
0x2d: {  	s3 =	simm.s32 $0x108;
	s8 =	sld [smem:$0x3FAF]  }
0x2e: {  	s3 =	simm.s32 @!p0 $0x1082;
	s9 =	sld [smem:$0x3FB0]  }
0x2f: {  	lr =	sadd.s32 s0, s3;
	s0 =	sld [smem:$0x3FA7]  }
0x30: {  	s3 =	sld [smem:$0x3FAA]  }
0x31: {  	[smem:$0x3FB3] =	sst s10  }
0x32: {  	s10 =	sld [smem:$0x3FB1];
	_ =	sdelay $0x3  }
0x33: {  	p0 =	seq.s32 s10, $0x1;
	s10 =	sld [smem:$0x3FB3];
	_ =	sdelay $0x3  }
0x34: {  	[smem:$0x3FB3] =	sst s10  }
0x35: {  	s10 =	sld [smem:$0x3FB2];
	_ =	sdelay $0x3  }
0x36: {  	p1 =	seq.s32 s10, $0x1;
	s10 =	sld [smem:$0x3FB3];
	_ =	sdelay $0x3  }
0x37: {  	[smem:$0x3FB3] =	sst s10  }
0x38: {  	s10 =	sld [smem:$0x3FB4]  }
0x39: {  	_ = 	snop;
	(pc) =	sbr.ind lr, $3  }
0x3a: {  	_ = 	snop  }
0x3b: {  	_ = 	snop  }
0x3c: {  	p2 =	seq.s32 s10, $0x1;
	s10 =	sld [smem:$0x3FB3]  }
0x3d: {  	_ =	shalt  }
0x3e: {  	_ =	shalt  }
0x3f: {  	_ =	shalt  }
0x40: {  	_ =	shalt  }
0x41: {  	_ =	shalt  }
0x42: {  	_ =	shalt  }
0x43: {  	_ =	shalt  }
0x44: {  	_ =	shalt  }
0x45: {  	_ =	shalt  }
0x46: {  	_ =	shalt  }
0x47: {  	_ =	shalt  }
0x48: {  	_ =	shalt  }
0x49: {  	_ =	shalt  }
0x4a: {  	_ =	shalt  }
0x4b: {  	_ =	shalt  }
0x4c: {  	_ =	shalt  }
0x4d: {  	_ =	shalt  }
0x4e: {  	_ =	shalt  }
0x4f: {  	_ =	shalt  }
0x50: {  	_ =	shalt  }
0x51: {  	_ =	shalt  }
0x52: {  	_ =	shalt  }
0x53: {  	_ =	shalt  }
0x54: {  	_ =	shalt  }
0x55: {  	_ =	shalt  }
0x56: {  	_ =	shalt  }
0x57: {  	_ =	shalt  }
0x58: {  	_ =	shalt  }
0x59: {  	_ =	shalt  }
0x5a: {  	_ =	shalt  }
0x5b: {  	_ =	shalt  }
0x5c: {  	_ =	shalt  }
0x5d: {  	_ =	shalt  }
0x5e: {  	_ =	shalt  }
0x5f: {  	_ =	shalt  }
0x60: {  	_ =	shalt  }
0x61: {  	_ =	shalt  }
0x62: {  	_ =	shalt  }
0x63: {  	_ =	shalt  }
0x64: {  	_ =	shalt  }
0x65: {  	_ =	shalt  }
0x66: {  	_ =	shalt  }
0x67: {  	_ =	shalt  }
0x68: {  	_ =	shalt  }
0x69: {  	_ =	shalt  }
0x6a: {  	_ =	shalt  }
0x6b: {  	_ =	shalt  }
0x6c: {  	_ =	shalt  }
0x6d: {  	_ =	shalt  }
0x6e: {  	_ =	shalt  }
0x6f: {  	_ =	shalt  }
0x70: {  	_ =	shalt  }
0x71: {  	_ =	shalt  }
0x72: {  	_ =	shalt  }
0x73: {  	_ =	shalt  }
0x74: {  	_ =	shalt  }
0x75: {  	_ =	shalt  }
0x76: {  	_ =	shalt  }
0x77: {  	_ =	shalt  }
0x78: {  	_ =	shalt  }
0x79: {  	_ =	shalt  }
0x7a: {  	_ =	shalt  }
0x7b: {  	_ =	shalt  }
0x7c: {  	_ =	shalt  }
0x7d: {  	_ =	shalt  }
0x7e: {  	_ =	shalt  }
0x7f: {  	_ =	shalt  }
0x80: {  	_ =	shalt  }
0x81: {  	_ =	shalt  }
0x82: {  	_ =	shalt  }
0x83: {  	_ =	shalt  }
0x84: {  	_ =	shalt  }
0x85: {  	_ =	shalt  }
0x86: {  	_ =	shalt  }
0x87: {  	_ =	shalt  }
.Lfunc_end0:
.L_simem_size_0:
called_computation_lowered:
.L_overlay_start_0:
0x88: {  	s2 =	sld [smem:$0x3FD9]  }
0x89: {  	s3 =	sld [smem:$0x3FFE];
	_ =	sdelay $0x1  }
0x8a: {  	s1 =	srdreg.scid  }
0x8b: {  	s0 =	sand.u32 $0x1, s1  }
0x8c: {  	s14 =	sshll.u32 s0, $0xA;
	s2 =	sadd.s32 s3, s2  }
0x8d: {  	s2 =	sadd.s32 s2, s14  }
0x8e: {  	[smem:$0x3FBF] =	sst s2  }
0x8f: {  	_ = 	snop  }
0x90: {  	s2 =	sld [smem:$0x3FD0];
	_ =	sdelay $0x2  }
0x91: {  	s15 =	simm.s32 $0xA;
	s4 =	simm.s32 $0x10  }
0x92: {  	[smem:s4], [sflag:s15] =	dma.local [hbm:s2], $0x1  }
0x93: {  	_ =	swait.eq [sflag:s15], $0x1  }
0x94: {  	[sflag:s15] =	ssyncset.done $0x0  }
0x95: {  	s16 =	sld [smem:$0x10];
	[sflag:s15] =	ssyncadd.s32 $0xFFFFFFFF  }
0x96: {  	s17 =	sld [smem:$0x11];
	(tm) =	ssettm $0x1  }
0x97: {  	s18 =	sld [smem:$0x3FFB];
	_ =	sdelay $0x3  }
0x98: {  	_ =	strace s18  }
0x99: {  	s4 =	sld [smem:$0x3FFC];
	_ =	sdelay $0x3  }
0x9a: {  	_ =	strace s4  }
0x9b: {  	s4 =	sld [smem:$0x3FFD];
	_ =	sdelay $0x3  }
0x9c: {  	_ =	strace s4  }
0x9d: {  	_ =	strace $0x8FFFFFFF  }
0x9e: {  	s19 =	sld [smem:$0x3FDB];
	_ =	sdelay $0x1  }
0x9f: {  	s5 =	simm.s32 $_scs_section_size  }
0xa0: {  	s6 =	simm.s32 $_size__tile_overlayer_lowered;
	s7 =	simm.s32 $_tile_overlayer_lowered  }
0xa1: {  	s22 =	simm.s32 $0x1BFF;
	s21 =	sshll.u32 s7, $0x1;
	s4 =	sadd.s32 s5, s19  }
0xa2: {  	s8 =	simm.s32 $0x0;
	s20 =	sshll.u32 s6, $0x1;
	s6 =	sadd.s32 s21, s4  }
0xa3: {  	[timem:s8], [sflag:s22] =	dma.local [hbm:s6], s20  }
0xa4: {  	_ =	swait.ge [sflag:s22], s20  }
0xa5: {  	s5 =	ssub.s32 $0x0, s20;
	[sflag:s22] =	ssyncset.done $0x0  }
0xa6: {  	[sflag:s22] =	ssyncadd.s32 s5;
	_ =	sdelay $0x1  }
0xa7: {  	s23 =	simm.s32 $0x1B8B  }
0xa8: {  	_ =	swait.ge [sflag:s23], $0x1  }
0xa9: {  	[sflag:s23] =	ssyncset.done $0x0  }
0xaa: {  	s25 =	simm.s32 $0x1B8E;
	s24 =	sld [smem:$0x3FFE];
	[sflag:s23] =	ssyncadd.s32 $0xFFFFFFFF  }
0xab: {  	s26 =	simm.s32 $execute0_lowered;
	[smem:$0x3FD2] =	sst s25  }
0xac: {  	s6 =	sshll.u32 s26, $0x1;
	_ =	strace $0x80000046;
	[dreg:$0x1] =	wrdreg $0xFFFFFFFF  }
0xad: {  	s28 =	simm.s32 $_size_execute0_lowered;
	s4 =	sadd.s32 s4, s6;
	[dreg:$0x0] =	wrdreg $0x0  }
0xae: {  	s6 =	sshll.u32 s28, $0x1;
	[dreg:$0x2] =	wrdreg s4  }
0xaf: {  	[dreg:$0x3] =	wrdreg s6  }
0xb0: {  	[dreg:$0x4] =	wrdreg $0xC0  }
0xb1: {  	_ =	task [dreg:s8], $0x5FFFF  }
0xb2: {  	[dreg:$0x1] =	wrdreg $0xFFFFFFFF  }
0xb3: {  	[dreg:$0x0] =	wrdreg $0x60  }
0xb4: {  	[dreg:$0x2] =	wrdreg s24  }
0xb5: {  	[dreg:$0x3] =	wrdreg s17  }
0xb6: {  	[dreg:$0x4] =	wrdreg s16  }
0xb7: {  	[dreg:$0x5] =	wrdreg $0x0  }
0xb8: {  	[dreg:$0x6] =	wrdreg $0x2800  }
0xb9: {  	[dreg:$0x7] =	wrdreg $0x5000  }
0xba: {  	[dreg:$0x8] =	wrdreg $0x7800  }
0xbb: {  	[dreg:$0x9] =	wrdreg $0x9  }
0xbc: {  	_ =	task.clear_ibuf [dreg:s8], $0xAFFFF;
	_ =	strace $0x90000046  }
0xbd: {  	s29 =	simm.s32 $0x9;
	_ =	strace $0x80000048  }
0xbe: {  	_ =	swait.ge [sflag:s29], $0x1  }
0xbf: {  	[sflag:s29] =	ssyncadd.s32 $0xFFFFFFFF  }
0xc0: {  	_ =	strace $0x90000048  }
0xc1: {  	_ =	sfence  }
0xc2: {  	s30 =	sld [smem:$0x0];
	_ =	sdelay $0x2  }
0xc3: {  	s31 =	sshll.u32 s1, $0xD;
	s1 =	sshrl.u32 s1, $0x2  }
0xc4: {  	s3 =	sand.u32 $0x4000, s31;
	s1 =	sadd.s32 s1, s30  }
0xc5: {  	s0 =	sor.u32 s3, s0;
	s1 =	sshll.u32 s1, $0x11  }
0xc6: {  	s0 =	sor.u32 s1, s0  }
0xc7: {  	s0 =	sadd.s32 $0x8F2B, s0  }
0xc8: {  	[sflag:s0] =	ssyncadd.remote.s32 $0x1  }
0xc9: {  	_ =	sfence.sel $0xFFFF  }
0xca: {  	[dreg:$0x0] =	wrdreg $0xFFFFFFFF;
	(pc) =	sbr.abs _section_cstart, $3  }
0xcb: {  	[dreg:$0x1] =	wrdreg $0xFFFFFFFF  }
0xcc: {  	_ =	task.clear_ibuf [dreg:s8], $0x2FFFF;
	_ =	strace $0x9FFFFFFF  }
0xcd: {  	(tm) =	ssettm $0x7FFFFFFF  }
tec
execute0_lowered:
.L_overlay_start_1:
0x0: {  	(tag) =	ssettag $0x1  }
0x1: {  	s0 =	rddreg [dreg:$0x0]  }
0x2: {  	s1 =	rddreg [dreg:$0x2]  }
0x3: {  	s2 =	rddreg [dreg:$0x3]  }
0x4: {  	s3 =	rddreg [dreg:$0x4]  }
0x5: {  	s4 =	rddreg [dreg:$0x5]  }
0x6: {  	s5 =	rddreg [dreg:$0x6];
	s6 =	srdreg.scid;
	s8 =	simm.s32 $0x0  }
0x7: {  	s12 =	stileid.u32;
	s28 =	simm.s32 $0x3200;
	s29 =	simm.s32 $0x1  }
0x8: {  	s30 =	simm.s32 $0x40;
	s31 =	simm.s32 $0x10;
	s9 =	smul.u32 $0xA00, s12  }
0x9: {  	s6 =	sand.u32 $0x1, s6;
	[smem:$0x7FF] =	sst s8;
	s10 =	smul.u32 $0x280, s12  }
0xa: {  	s20 =	sshll.u32 s12, $0x1;
	s24 =	sshll.u32 s12, $0x6;
	s7 =	smul.u32 $0xA000, s6  }
0xb: {  	_ =	strace $0x80000047;
	s8 =	sor.u32 s6, s20;
	s6 =	ssub.s32 $0x2, s6  }
0xc: {  	s8 =	smul.u32 $0x500, s8;
	s21 =	sshrl.u32 s6, $0x1;
	s22 =	sadd.s32 s10, s2  }
0xd: {  	s23 =	sshrl.u32 s10, $0x3;
	s25 =	sadd.s32 s10, s3;
	s26 =	sadd.s32 s10, s4  }
0xe: {  	s12 =	sadd.s32 s10, s5;
	s7 =	sadd.s32 s9, s7;
	[dreg:$0x8] =	wrdreg s25  }
0xf: {  	s6 =	ssub.s32 s6, s21;
	s9 =	sor.u32 $0x1C02, s24;
	[dreg:$0x9] =	wrdreg s26  }
0x10: {  	s22 =	sshrl.u32 s22, $0x3;
	s25 =	simm.s32 $0xA00;
	s26 =	simm.s32 $0x80  }
0x11: {  	s7 =	sshrl.u32 s7, $0x3;
	s11 =	sadd.s32 s8, s0;
	s8 =	sadd.s32 s1, s23  }
0x12: {  	s21 =	smax.u32 s6, $0x1;
	s23 =	simm.s32 $0x2;
	s1 =	simm.s32 $0x0  }
0x13: {  	s0 =	sadd.s32 s7, s0;
	s13 =	sadd.s32 $0x1EA00, s11;
	s14 =	sadd.s32 $0x14A00, s11  }
0x14: {  	s15 =	sadd.s32 $0xAA00, s11;
	s16 =	sadd.s32 $0xA00, s11;
	s17 =	sadd.s32 $0x28A00, s0  }
0x15: {  	s18 =	sadd.s32 $0x28A10, s0;
	s19 =	sadd.s32 $0x28A20, s0;
	s20 =	sadd.s32 $0x28A30, s0  }
.LBB2_1:
0x16: {  	[spmem:s22], [sflag:s9] =	dma.local [hbm:s8], $0x50  }
0x17: {  	_ =	swait.ge [sflag:s23], $0x50  }
0x18: {  	[sflag:s23] =	ssyncset.done $0x0;
	s0 =	rddreg [dreg:$0x8]  }
0x19: {  	[sflag:s23] =	ssyncadd.s32 $0xFFFFFFB0;
	s6 =	sshrl.u32 s0, $0x3  }
0x1a: {  	[spmem:s6], [sflag:s9] =	dma.local [hbm:s8], $0x50  }
0x1b: {  	_ =	swait.ge [sflag:s23], $0x50  }
0x1c: {  	[sflag:s23] =	ssyncset.done $0x0;
	s24 =	rddreg [dreg:$0x9]  }
0x1d: {  	[sflag:s23] =	ssyncadd.s32 $0xFFFFFFB0;
	s0 =	sshrl.u32 s24, $0x3  }
0x1e: {  	[spmem:s0], [sflag:s9] =	dma.local [hbm:s8], $0x50  }
0x1f: {  	_ =	swait.ge [sflag:s23], $0x50  }
0x20: {  	[sflag:s23] =	ssyncset.done $0x0  }
0x21: {  	s24 =	sshrl.u32 s12, $0x3;
	[sflag:s23] =	ssyncadd.s32 $0xFFFFFFB0  }
0x22: {  	[spmem:s24], [sflag:s9] =	dma.local [hbm:s8], $0x50  }
0x23: {  	_ =	swait.ge [sflag:s23], $0x50  }
0x24: {  	[sflag:s23] =	ssyncset.done $0x0  }
0x25: {  	[sflag:s23] =	ssyncadd.s32 $0xFFFFFFB0  }
0x26: {  	[bflag:$0x0] =	sbarrier.arrive $0xFFFF  }
0x27: {  	s10 =	simm.s32 $0x0;
	s11 =	simm.s32 $0x5A00;
	s7 =	rddreg [dreg:$0x1]  }
0x28: {  	[tilespmem:s11], [sflag:$0x2] =	stream.linear.gather [hbm4b:s7+s10], $0x2800, $0x38;
	[tilespmem:$0x8200] =	vst v63  }
0x29: {  	_ =	swait.ge [sflag:s23], $0x2800  }
0x2a: {  	[sflag:s23] =	ssyncset.done $0x0  }
0x2b: {  	[sflag:s23] =	ssyncadd.s32 $0xFFFFD800  }
0x2c: {  	[tilespmem:s25], [sflag:$0x2] =	stream.linear.gather [hbm4b:s13+s10], $0x2800, $0x38;
	[tilespmem:$0x8200] =	vst v63  }
0x2d: {  	_ =	swait.ge [sflag:s23], $0x2800  }
0x2e: {  	s7 =	simm.s32 $0x200;
	[sflag:s23] =	ssyncset.done $0x0  }
0x2f: {  	s11 =	simm.s32 $0xA00;
	s10 =	simm.s32 $0x5A00;
	[sflag:s23] =	ssyncadd.s32 $0xFFFFD800  }
.LBB2_2:
0x30: {  	[spmem:s2] =	stream.indirect.scatter.add.f32 [tilespmem:s10], [sflag:$0x1], $0x1, s11, s26, $0xb8;
	[tilespmem:$0x8200] =	vst v63  }
0x31: {  	s10 =	smov.u32 s7;
	p0 =	sne.s32 s7, $0x9E00  }
.Ltmp0:
0x32: {  	s7 =	sadd.s32 $0x200, s7;
	(pc) =	sbr.rel @p0 .LBB2_2-.Ltmp0, $3  }
0x33: {  	_ =	sdelay $0x1  }
0x34: {  	s11 =	sshra.s32 s10, $0x2  }
0x35: {  	s10 =	sadd.s32 $0x5A00, s11;
	s11 =	sadd.s32 $0xA00, s11  }
0x36: {  	[spmem:s2] =	stream.indirect.scatter.add.f32 [tilespmem:s10], [sflag:$0x1], $0x1, s11, s26, $0xb8;
	[tilespmem:$0x8200] =	vst v63  }
0x37: {  	s7 =	simm.s32 $0x0  }
0x38: {  	[tilespmem:s28], [sflag:$0x2] =	stream.linear.gather [hbm4b:s14+s7], $0x2800, $0x38;
	[tilespmem:$0x8200] =	vst v63  }
0x39: {  	_ =	swait.ge [sflag:s23], $0x2800  }
0x3a: {  	s10 =	simm.s32 $0x5A00;
	[sflag:s23] =	ssyncset.done $0x0  }
0x3b: {  	s11 =	simm.s32 $0x3200;
	s7 =	simm.s32 $0x200;
	[sflag:s23] =	ssyncadd.s32 $0xFFFFD800  }
.LBB2_4:
0x3c: {  	[spmem:s3] =	stream.indirect.scatter.add.f32 [tilespmem:s10], [sflag:$0x1], $0x1, s11, s26, $0xb8;
	[tilespmem:$0x8200] =	vst v63  }
0x3d: {  	s10 =	smov.u32 s7;
	p0 =	sne.s32 s7, $0x9E00  }
.Ltmp1:
0x3e: {  	s7 =	sadd.s32 $0x200, s7;
	(pc) =	sbr.rel @p0 .LBB2_4-.Ltmp1, $3  }
0x3f: {  	_ =	sdelay $0x1  }
0x40: {  	s11 =	sshra.s32 s10, $0x2  }
0x41: {  	s10 =	sadd.s32 $0x5A00, s11;
	s11 =	sadd.s32 $0x3200, s11  }
0x42: {  	[spmem:s3] =	stream.indirect.scatter.add.f32 [tilespmem:s10], [sflag:$0x1], $0x1, s11, s26, $0xb8;
	[tilespmem:$0x8200] =	vst v63  }
0x43: {  	s7 =	simm.s32 $0x0  }
0x44: {  	[tilespmem:s25], [sflag:$0x2] =	stream.linear.gather [hbm4b:s15+s7], $0x2800, $0x38;
	[tilespmem:$0x8200] =	vst v63  }
0x45: {  	_ =	swait.ge [sflag:s23], $0x2800  }
0x46: {  	s10 =	simm.s32 $0x5A00;
	[sflag:s23] =	ssyncset.done $0x0  }
0x47: {  	s11 =	simm.s32 $0xA00;
	s7 =	simm.s32 $0x200;
	[sflag:s23] =	ssyncadd.s32 $0xFFFFD800  }
.LBB2_6:
0x48: {  	[spmem:s4] =	stream.indirect.scatter.add.f32 [tilespmem:s10], [sflag:$0x1], $0x1, s11, s26, $0xb8;
	[tilespmem:$0x8200] =	vst v63  }
0x49: {  	s10 =	smov.u32 s7;
	p0 =	sne.s32 s7, $0x9E00  }
.Ltmp2:
0x4a: {  	s7 =	sadd.s32 $0x200, s7;
	(pc) =	sbr.rel @p0 .LBB2_6-.Ltmp2, $3  }
0x4b: {  	_ =	sdelay $0x1  }
0x4c: {  	s11 =	sshra.s32 s10, $0x2  }
0x4d: {  	s10 =	sadd.s32 $0x5A00, s11;
	s11 =	sadd.s32 $0xA00, s11  }
0x4e: {  	[spmem:s4] =	stream.indirect.scatter.add.f32 [tilespmem:s10], [sflag:$0x1], $0x1, s11, s26, $0xb8;
	[tilespmem:$0x8200] =	vst v63  }
0x4f: {  	s7 =	simm.s32 $0x0  }
0x50: {  	[tilespmem:s28], [sflag:$0x2] =	stream.linear.gather [hbm4b:s16+s7], $0x2800, $0x38;
	[tilespmem:$0x8200] =	vst v63  }
0x51: {  	_ =	swait.ge [sflag:s23], $0x2800  }
0x52: {  	[sflag:s23] =	ssyncset.done $0x0  }
0x53: {  	[sflag:s23] =	ssyncadd.s32 $0xFFFFD800  }
.LBB2_8:
0x54: {  	p0 =	sne.s32 s7, $0x9E00  }
.Ltmp3:
0x55: {  	_ = 	snop;
	(pc) =	sbr.rel @p0 .LBB2_8-.Ltmp3, $4  }
0x56: {  	_ = 	snop  }
0x57: {  	s10 =	sshra.s32 s7, $0x2  }
0x58: {  	s7 =	sadd.s32 $0x200, s7;
	s11 =	sadd.s32 $0x5A00, s10;
	s10 =	sadd.s32 $0x3200, s10  }
0x59: {  	[spmem:s5] =	stream.indirect.scatter.add.f32 [tilespmem:s11], [sflag:$0x1], $0x1, s10, s26, $0xb8;
	[tilespmem:$0x8200] =	vst v63  }
0x5a: {  	_ =	swait.ge [sflag:s29], $0x80  }
0x5b: {  	s7 =	simm.s32 $0x13F;
	[sflag:s29] =	ssyncset.done $0x0  }
.LBB2_10:
0x5c: {  	p0 =	sne.s32 s7, $0x1;
	s7 =	sadd.s32 $0xFFFFFFFF, s7;
	[sflag:s29] =	ssyncadd.s32 $0xFFFFFF80  }
.Ltmp4:
0x5d: {  	(pc) =	sbr.rel @p0 .LBB2_10-.Ltmp4, $3  }
0x5e: {  	_ =	sdelay $0x1  }
0x5f: {  	_ =	swait.ge [sflag:s29], $0x80  }
0x60: {  	[sflag:s29] =	ssyncset.done $0x0  }
0x61: {  	[sflag:s29] =	ssyncadd.s32 $0xFFFFFF80  }
0x62: {  	[bflag:$0x0] =	sbarrier.arrive $0xFFFF  }
0x63: {  	[hbm:s17@s30], [sflag:s9] =	dma.strided [spmem:s22@s31], $0x50, s29, $0x10   }
0x64: {  	_ =	swait.ge [sflag:s23], $0x50  }
0x65: {  	[sflag:s23] =	ssyncset.done $0x0  }
0x66: {  	[sflag:s23] =	ssyncadd.s32 $0xFFFFFFB0  }
0x67: {  	[hbm:s18@s30], [sflag:s9] =	dma.strided [spmem:s6@s31], $0x50, s29, $0x10   }
0x68: {  	_ =	swait.ge [sflag:s23], $0x50  }
0x69: {  	[sflag:s23] =	ssyncset.done $0x0  }
0x6a: {  	[sflag:s23] =	ssyncadd.s32 $0xFFFFFFB0  }
0x6b: {  	[hbm:s19@s30], [sflag:s9] =	dma.strided [spmem:s0@s31], $0x50, s29, $0x10   }
0x6c: {  	s1 =	sadd.s32 $0x1, s1;
	_ =	swait.ge [sflag:s23], $0x50  }
0x6d: {  	p0 =	sne.s32 s1, s21;
	[sflag:s23] =	ssyncset.done $0x0  }
.Ltmp5:
0x6e: {  	[sflag:s23] =	ssyncadd.s32 $0xFFFFFFB0;
	(pc) =	sbr.rel @p0 .LBB2_1-.Ltmp5, $4  }
0x6f: {  	[hbm:s20@s30], [sflag:s9] =	dma.strided [spmem:s24@s31], $0x50, s29, $0x10   }
0x70: {  	_ =	swait.ge [sflag:s23], $0x50  }
0x71: {  	[sflag:s23] =	ssyncset.done $0x0  }
0x72: {  	[sflag:s23] =	ssyncadd.s32 $0xFFFFFFB0  }
0x73: {  	_ =	sfence.sel $0x180000  }
0x74: {  	[bflag:$0x0] =	sbarrier.arrive $0xFFFF  }
0x75: {  	_ =	strace $0x90000047  }
0x76: {  	s0 =	stileid.u32;
	[bflag:$0x2] =	sbarrier.arrive $0xFFFF  }
0x77: {  	p0 =	sne.s32 s0, $0x0;
	s0 =	rddreg [dreg:$0x7]  }
0x78: {  	s0 =	sadd.s32 @!p0 $0x100000, s0  }
0x79: {  	[sflag:s0] =	ssyncadd.tile.s32 @!p0 $0x1;
	_ =	shalt  }
.Lfunc_end2:
_tile_overlayer_lowered:
.L_overlay_start_2:
0x7a: {  	(tag) =	ssettag $0x2  }
0x7b: {  	s0 =	rddreg [dreg:$0x0];
	s2 =	stileid.u32  }
0x7c: {  	s1 =	rddreg [dreg:$0x1];
	p0 =	sne.s32 s2, $0x0  }
0x7d: {  	s3 =	rddreg [dreg:$0x2];
	[bflag:$0x3] =	sbarrier.arrive $0xFFFF;
	s2 =	simm.s32 @!p0 $0x1C02  }
0x7e: {  	[timem:s3], [sflag:s2] =	dma.local @!p0 [hbm:s0], s1  }
0x7f: {  	s0 =	simm.s32 @!p0 $0x2  }
0x80: {  	_ =	swait.ge @!p0 [sflag:s0], s1  }
0x81: {  	s1 =	ssub.s32 @!p0 $0x0, s1;
	[sflag:s0] =	ssyncset.done @!p0 $0x0  }
0x82: {  	[sflag:s0] =	ssyncadd.s32 @!p0 s1  }
0x83: {  	[bflag:$0x3] =	sbarrier.arrive $0xFFFF  }
0x84: {  	_ =	shalt  }

// kernel: kernel.13.cloned.1.call-start
scs
__scs_entry_jumppad:
0x0: {  	(pc) =	sbr.rel $0x88, $3  }
0x1: {  	(tag) =	ssettag $0x0;
	lr =	simm.s32 $0x1  }
0x2: {  	[smem:$0x3F98] =	sst lr;
	_ =	strace $0xD0000000  }
0x3: {  	_ = 	snop  }
0x4: {  	_ = 	snop  }
0x5: {  	_ = 	snop  }
0x6: {  	_ = 	snop  }
0x7: {  	_ = 	snop  }
__scs_overlays_trampoline_lowered:
0x8: {  	[smem:$0x3FA7] =	sst s0  }
0x9: {  	[smem:$0x3FA8] =	sst s1  }
0xa: {  	[smem:$0x3FA9] =	sst s2  }
0xb: {  	[smem:$0x3FAA] =	sst s3  }
0xc: {  	[smem:$0x3FAB] =	sst s4  }
0xd: {  	[smem:$0x3FAC] =	sst s5  }
0xe: {  	[smem:$0x3FAD] =	sst s6  }
0xf: {  	[smem:$0x3FAE] =	sst s7  }
0x10: {  	[smem:$0x3FAF] =	sst s8  }
0x11: {  	[smem:$0x3FB0] =	sst s9;
	s0 =	simm.s32 @!p0 $0x0  }
0x12: {  	s1 =	sld [smem:$0x3F96];
	s0 =	simm.s32 @p0 $0x1  }
0x13: {  	[smem:$0x3FB1] =	sst s0;
	s0 =	simm.s32 @!p1 $0x0  }
0x14: {  	s2 =	sld [smem:$0x3F95];
	s0 =	simm.s32 @p1 $0x1  }
0x15: {  	[smem:$0x3FB2] =	sst s0;
	s0 =	simm.s32 @!p2 $0x0  }
0x16: {  	s3 =	sld [smem:$0x3FDB];
	s0 =	simm.s32 @p2 $0x1  }
0x17: {  	s4 =	simm.s32 $0x1BF5;
	[smem:$0x3FB4] =	sst s0  }
0x18: {  	s0 =	sld [smem:$0x3F97];
	_ =	swait.ge [sflag:s4], $0x0  }
0x19: {  	s7 =	sld [smem:$0x3F98]  }
0x1a: {  	s8 =	sadd.s32 $0xFFFFE003, lr  }
0x1b: {  	s9 =	sadd.s32 $0xFFFFFEF7, lr;
	s5 =	simm.s32 $0xFFFFFFFF;
	p2 =	slt.u32 s8, $0xFFFFF086  }
0x1c: {  	p1 =	slt.u32 s9, $0xF7A;
	s5 =	simm.s32 @!p2 $0x0  }
0x1d: {  	s5 =	simm.s32 @p1 $0x1;
	p0 =	seq.s32 s7, s2  }
0x1e: {  	s7 =	smul.u32 @!p0 $0xF7A, s2;
	p2 =	seq.s32 @!p0 s5, $0x0  }
0x1f: {  	s9 =	smul.u32 $0xF7A, s1;
	s8 =	simm.s32 @!p0 $0x1BF5;
	p2 =	por !p2, p0  }
0x20: {  	[sflag:s8] =	ssyncset.s32 @!p0 $0xFFFFF086;
	s6 =	sadd.s32 @!p0 s3, s7;
	s7 =	simm.s32 @!p0 $0x108  }
0x21: {  	s3 =	sadd.s32 s3, s9;
	s6 =	sadd.s32 @!p0 $0x88, s6;
	s7 =	simm.s32 @p2 $0x1082  }
0x22: {  	[simem:s7], [sflag:s8] =	dma.local @!p0 [hbm:s6], $0xF7A  }
0x23: {  	s9 =	sor.u32 $0xD0000000, s2;
	s6 =	simm.s32 $0x108;
	_ =	swait.ge @!p0 [sflag:s8], $0x0  }
0x24: {  	s3 =	sadd.s32 $0x88, s3;
	s6 =	simm.s32 @!p1 $0x1082;
	[sflag:s4] =	ssyncset.s32 $0xFFFFF086  }
0x25: {  	[simem:s6], [sflag:s4] =	dma.local [hbm:s3], $0xF7A  }
0x26: {  	[smem:$0x3F98] =	sst s1;
	(tag) =	ssettag s2;
	_ =	strace s9  }
0x27: {  	s1 =	sld [smem:$0x3FA8]  }
0x28: {  	s2 =	sld [smem:$0x3FA9]  }
0x29: {  	s4 =	sld [smem:$0x3FAB]  }
0x2a: {  	p0 =	seq.s32 s5, $0x0;
	s5 =	sld [smem:$0x3FAC]  }
0x2b: {  	s6 =	sld [smem:$0x3FAD]  }
0x2c: {  	s7 =	sld [smem:$0x3FAE]  }
0x2d: {  	s3 =	simm.s32 $0x108;
	s8 =	sld [smem:$0x3FAF]  }
0x2e: {  	s3 =	simm.s32 @!p0 $0x1082;
	s9 =	sld [smem:$0x3FB0]  }
0x2f: {  	lr =	sadd.s32 s0, s3;
	s0 =	sld [smem:$0x3FA7]  }
0x30: {  	s3 =	sld [smem:$0x3FAA]  }
0x31: {  	[smem:$0x3FB3] =	sst s10  }
0x32: {  	s10 =	sld [smem:$0x3FB1];
	_ =	sdelay $0x3  }
0x33: {  	p0 =	seq.s32 s10, $0x1;
	s10 =	sld [smem:$0x3FB3];
	_ =	sdelay $0x3  }
0x34: {  	[smem:$0x3FB3] =	sst s10  }
0x35: {  	s10 =	sld [smem:$0x3FB2];
	_ =	sdelay $0x3  }
0x36: {  	p1 =	seq.s32 s10, $0x1;
	s10 =	sld [smem:$0x3FB3];
	_ =	sdelay $0x3  }
0x37: {  	[smem:$0x3FB3] =	sst s10  }
0x38: {  	s10 =	sld [smem:$0x3FB4]  }
0x39: {  	_ = 	snop;
	(pc) =	sbr.ind lr, $3  }
0x3a: {  	_ = 	snop  }
0x3b: {  	_ = 	snop  }
0x3c: {  	p2 =	seq.s32 s10, $0x1;
	s10 =	sld [smem:$0x3FB3]  }
0x3d: {  	_ =	shalt  }
0x3e: {  	_ =	shalt  }
0x3f: {  	_ =	shalt  }
0x40: {  	_ =	shalt  }
0x41: {  	_ =	shalt  }
0x42: {  	_ =	shalt  }
0x43: {  	_ =	shalt  }
0x44: {  	_ =	shalt  }
0x45: {  	_ =	shalt  }
0x46: {  	_ =	shalt  }
0x47: {  	_ =	shalt  }
0x48: {  	_ =	shalt  }
0x49: {  	_ =	shalt  }
0x4a: {  	_ =	shalt  }
0x4b: {  	_ =	shalt  }
0x4c: {  	_ =	shalt  }
0x4d: {  	_ =	shalt  }
0x4e: {  	_ =	shalt  }
0x4f: {  	_ =	shalt  }
0x50: {  	_ =	shalt  }
0x51: {  	_ =	shalt  }
0x52: {  	_ =	shalt  }
0x53: {  	_ =	shalt  }
0x54: {  	_ =	shalt  }
0x55: {  	_ =	shalt  }
0x56: {  	_ =	shalt  }
0x57: {  	_ =	shalt  }
0x58: {  	_ =	shalt  }
0x59: {  	_ =	shalt  }
0x5a: {  	_ =	shalt  }
0x5b: {  	_ =	shalt  }
0x5c: {  	_ =	shalt  }
0x5d: {  	_ =	shalt  }
0x5e: {  	_ =	shalt  }
0x5f: {  	_ =	shalt  }
0x60: {  	_ =	shalt  }
0x61: {  	_ =	shalt  }
0x62: {  	_ =	shalt  }
0x63: {  	_ =	shalt  }
0x64: {  	_ =	shalt  }
0x65: {  	_ =	shalt  }
0x66: {  	_ =	shalt  }
0x67: {  	_ =	shalt  }
0x68: {  	_ =	shalt  }
0x69: {  	_ =	shalt  }
0x6a: {  	_ =	shalt  }
0x6b: {  	_ =	shalt  }
0x6c: {  	_ =	shalt  }
0x6d: {  	_ =	shalt  }
0x6e: {  	_ =	shalt  }
0x6f: {  	_ =	shalt  }
0x70: {  	_ =	shalt  }
0x71: {  	_ =	shalt  }
0x72: {  	_ =	shalt  }
0x73: {  	_ =	shalt  }
0x74: {  	_ =	shalt  }
0x75: {  	_ =	shalt  }
0x76: {  	_ =	shalt  }
0x77: {  	_ =	shalt  }
0x78: {  	_ =	shalt  }
0x79: {  	_ =	shalt  }
0x7a: {  	_ =	shalt  }
0x7b: {  	_ =	shalt  }
0x7c: {  	_ =	shalt  }
0x7d: {  	_ =	shalt  }
0x7e: {  	_ =	shalt  }
0x7f: {  	_ =	shalt  }
0x80: {  	_ =	shalt  }
0x81: {  	_ =	shalt  }
0x82: {  	_ =	shalt  }
0x83: {  	_ =	shalt  }
0x84: {  	_ =	shalt  }
0x85: {  	_ =	shalt  }
0x86: {  	_ =	shalt  }
0x87: {  	_ =	shalt  }
.Lfunc_end0:
.L_simem_size_0:
called_computation.1_lowered:
.L_overlay_start_0:
0x88: {  	s2 =	sld [smem:$0x3FD9]  }
0x89: {  	s3 =	sld [smem:$0x3FFE];
	_ =	sdelay $0x1  }
0x8a: {  	s1 =	srdreg.scid  }
0x8b: {  	s0 =	sand.u32 $0x1, s1  }
0x8c: {  	s16 =	sshll.u32 s0, $0xA;
	s2 =	sadd.s32 s3, s2  }
0x8d: {  	s2 =	sadd.s32 s2, s16  }
0x8e: {  	[smem:$0x3FBF] =	sst s2  }
0x8f: {  	_ = 	snop  }
0x90: {  	(tm) =	ssettm $0x1  }
0x91: {  	s17 =	sld [smem:$0x3FFB];
	_ =	sdelay $0x3  }
0x92: {  	_ =	strace s17  }
0x93: {  	s2 =	sld [smem:$0x3FFC];
	_ =	sdelay $0x3  }
0x94: {  	_ =	strace s2  }
0x95: {  	s2 =	sld [smem:$0x3FFD];
	_ =	sdelay $0x3  }
0x96: {  	_ =	strace s2  }
0x97: {  	_ =	strace $0x8FFFFFFF  }
0x98: {  	s18 =	sld [smem:$0x3FDB];
	_ =	sdelay $0x1  }
0x99: {  	s19 =	simm.s32 $_scs_section_size  }
0x9a: {  	s4 =	simm.s32 $_size__tile_overlayer_lowered;
	s5 =	simm.s32 $_tile_overlayer_lowered  }
0x9b: {  	s22 =	simm.s32 $0x1BFF;
	s21 =	sshll.u32 s5, $0x1;
	s2 =	sadd.s32 s19, s18  }
0x9c: {  	s6 =	simm.s32 $0x0;
	s20 =	sshll.u32 s4, $0x1;
	s4 =	sadd.s32 s21, s2  }
0x9d: {  	[timem:s6], [sflag:s22] =	dma.local [hbm:s4], s20  }
0x9e: {  	_ =	swait.ge [sflag:s22], s20  }
0x9f: {  	s3 =	ssub.s32 $0x0, s20;
	[sflag:s22] =	ssyncset.done $0x0  }
0xa0: {  	[sflag:s22] =	ssyncadd.s32 s3;
	_ =	sdelay $0x1  }
0xa1: {  	s23 =	simm.s32 $0x1B8B  }
0xa2: {  	_ =	swait.ge [sflag:s23], $0x1  }
0xa3: {  	[sflag:s23] =	ssyncset.done $0x0  }
0xa4: {  	s25 =	simm.s32 $0x1B8E;
	s24 =	sld [smem:$0x3FFE];
	[sflag:s23] =	ssyncadd.s32 $0xFFFFFFFF  }
0xa5: {  	s26 =	simm.s32 $execute0_lowered;
	[smem:$0x3FD2] =	sst s25  }
0xa6: {  	s4 =	sshll.u32 s26, $0x1;
	_ =	strace $0x80000049;
	[dreg:$0x1] =	wrdreg $0xFFFFFFFF  }
0xa7: {  	s28 =	simm.s32 $_size_execute0_lowered;
	s2 =	sadd.s32 s2, s4;
	[dreg:$0x0] =	wrdreg $0x0  }
0xa8: {  	s4 =	sshll.u32 s28, $0x1;
	[dreg:$0x2] =	wrdreg s2  }
0xa9: {  	[dreg:$0x3] =	wrdreg s4  }
0xaa: {  	[dreg:$0x4] =	wrdreg $0xC0  }
0xab: {  	_ =	task [dreg:s6], $0x5FFFF  }
0xac: {  	[dreg:$0x1] =	wrdreg $0xFFFFFFFF  }
0xad: {  	[dreg:$0x0] =	wrdreg $0x60  }
0xae: {  	[dreg:$0x2] =	wrdreg s24  }
0xaf: {  	[dreg:$0x3] =	wrdreg $0x0  }
0xb0: {  	[dreg:$0x4] =	wrdreg $0x9  }
0xb1: {  	_ =	task.clear_ibuf [dreg:s6], $0x5FFFF;
	_ =	strace $0x90000049  }
0xb2: {  	s29 =	simm.s32 $0x9;
	_ =	strace $0x8000004B  }
0xb3: {  	_ =	swait.ge [sflag:s29], $0x1  }
0xb4: {  	[sflag:s29] =	ssyncadd.s32 $0xFFFFFFFF  }
0xb5: {  	_ =	strace $0x9000004B  }
0xb6: {  	_ =	sfence  }
0xb7: {  	s30 =	sld [smem:$0x0];
	_ =	sdelay $0x2  }
0xb8: {  	s31 =	sshll.u32 s1, $0xD;
	s1 =	sshrl.u32 s1, $0x2  }
0xb9: {  	s3 =	sand.u32 $0x4000, s31;
	s1 =	sadd.s32 s1, s30  }
0xba: {  	s0 =	sor.u32 s3, s0;
	s1 =	sshll.u32 s1, $0x11  }
0xbb: {  	s0 =	sor.u32 s1, s0  }
0xbc: {  	s0 =	sadd.s32 $0x8F2B, s0  }
0xbd: {  	[sflag:s0] =	ssyncadd.remote.s32 $0x1  }
0xbe: {  	_ =	sfence.sel $0xFFFF  }
0xbf: {  	[dreg:$0x0] =	wrdreg $0xFFFFFFFF;
	(pc) =	sbr.abs _section_cstart, $3  }
0xc0: {  	[dreg:$0x1] =	wrdreg $0xFFFFFFFF  }
0xc1: {  	_ =	task.clear_ibuf [dreg:s6], $0x2FFFF;
	_ =	strace $0x9FFFFFFF  }
0xc2: {  	(tm) =	ssettm $0x7FFFFFFF  }
0xc3: {  	_ =	shalt  }
tec
execute0_lowered:
.L_overlay_start_1:
0x0: {  	(tag) =	ssettag $0x1  }
0x1: {  	s0 =	rddreg [dreg:$0x0]  }
0x2: {  	s1 =	rddreg [dreg:$0x1];
	s3 =	simm.s32 $0x0  }
0x3: {  	s2 =	srdreg.scid;
	s7 =	stileid.u32;
	s15 =	simm.s32 $0x7  }
0x4: {  	s18 =	simm.s32 $0x5;
	s29 =	simm.s32 $0x14800;
	s30 =	simm.s32 $0x16800  }
0x5: {  	s31 =	simm.s32 $0x18800;
	[smem:$0x7FF] =	sst s3;
	s2 =	sand.u32 $0x1, s2  }
0x6: {  	s9 =	smul.u32 $0x14000, s7;
	s4 =	sadd.s32 $0xA00, s0;
	s5 =	sadd.s32 $0x3F200, s0  }
0x7: {  	s6 =	sadd.s32 $0x2B200, s0;
	s10 =	sadd.s32 $0x28A00, s0;
	s19 =	sshll.u32 s7, $0x1  }
0x8: {  	s21 =	smul.u32 $0x50000, s7;
	_ =	strace $0x8000004A;
	[dreg:$0x6] =	wrdreg s10  }
0x9: {  	s23 =	sshll.u32 s7, $0x6;
	s8 =	smul.u32 $0x140000, s2;
	[dreg:$0x3] =	wrdreg s29  }
0xa: {  	s20 =	ssub.s32 $0x2, s2;
	s2 =	sor.u32 s2, s19;
	[dreg:$0x4] =	wrdreg s30  }
0xb: {  	s7 =	sor.u32 $0x1C07, s23;
	s19 =	simm.s32 $0x40;
	[dreg:$0x5] =	wrdreg s31  }
0xc: {  	s23 =	simm.s32 $0x3;
	s12 =	sshrl.u32 s20, $0x1;
	[dreg:$0x7] =	wrdreg s7  }
0xd: {  	s8 =	sadd.s32 s9, s8;
	s22 =	ssub.s32 s20, s12;
	s9 =	sshrl.u32 s21, $0x2  }
0xe: {  	s20 =	simm.s32 $0x1A800;
	s21 =	simm.s32 $0x1;
	s11 =	sshrl.u32 s8, $0x3  }
0xf: {  	s8 =	smul.u32 $0x5000, s2;
	s14 =	sadd.s32 s9, s1;
	s28 =	smax.u32 s22, $0x1  }
0x10: {  	s0 =	sadd.s32 s11, s0;
	[dreg:$0xb] =	wrdreg s28;
	s2 =	sshrl.u32 s14, $0x3  }
0x11: {  	s24 =	sshrl.u32 s8, $0x3;
	s0 =	sadd.s32 $0x53200, s0;
	[dreg:$0xc] =	wrdreg s2  }
0x12: {  	s22 =	simm.s32 $0x2;
	s25 =	sadd.s32 s5, s24;
	[dreg:$0xa] =	wrdreg s0  }
0x13: {  	s26 =	sadd.s32 s6, s24;
	s24 =	simm.s32 $0x4;
	[dreg:$0x8] =	wrdreg s25  }
0x14: {  	[dreg:$0x9] =	wrdreg s26;
	s25 =	simm.s32 $0x6;
	s26 =	simm.s32 $0x0  }
.LBB2_1:
0x15: {  	s0 =	rddreg [dreg:$0x6]  }
0x16: {  	[spmem:s2], [sflag:s7] =	dma.local [hbm:s0], $0x2800  }
0x17: {  	_ =	swait.ge [sflag:s15], $0x2800  }
0x18: {  	[sflag:s15] =	ssyncset.done $0x0  }
0x19: {  	[sflag:s15] =	ssyncadd.s32 $0xFFFFD800  }
0x1a: {  	[bflag:$0x0] =	sbarrier.arrive $0xFFFF  }
0x1b: {  	s17 =	simm.s32 $0x14000;
	s16 =	rddreg [dreg:$0x8]  }
0x1c: {  	[tilespmem:s17], [sflag:$0x5] =	stream.linear.gather [hbm4b:s16+s3], $0x200, $0x38;
	[tilespmem:$0x1C800] =	vst v63  }
0x1d: {  	s7 =	simm.s32 $0x14400;
	s2 =	rddreg [dreg:$0x9]  }
0x1e: {  	[tilespmem:s7], [sflag:$0x5] =	stream.linear.gather [hbm4b:s2+s3], $0x200, $0x38;
	[tilespmem:$0x1C800] =	vst v63  }
0x1f: {  	_ =	swait.ge [sflag:s18], $0x200  }
0x20: {  	[sflag:s18] =	ssyncset.done $0x0  }
0x21: {  	[sflag:s18] =	ssyncadd.s32 $0xFFFFFE00  }
0x22: {  	_ =	swait.ge [sflag:s18], $0x200  }
0x23: {  	p0 =	por $0x0, $0x0;
	[sflag:s18] =	ssyncset.done $0x0  }
0x24: {  	s2 =	simm.s32 @p0 $0x6;
	[sflag:s18] =	ssyncadd.s32 $0xFFFFFE00  }
0x25: {  	_ =	swait.ge @p0 [sflag:s2], $0x2000  }
0x26: {  	s0 =	sand.u32 @p0 $0x200, s3;
	s28 =	simm.s32 @p0 $0x40;
	[sflag:s2] =	ssyncset.done @p0 $0x0  }
0x27: {  	s29 =	simm.s32 @p0 $0x14800;
	s30 =	sor.u32 @p0 $0x14000, s0;
	[sflag:s2] =	ssyncadd.s32 @p0 $0xFFFFE000  }
0x28: {  	[tilespmem:s29], [sflag:$0x1] =	stream.indirect.gather @p0 [hbm4b:s4+s28], $0x80, s30, s28, $0xb8;
	[tilespmem:$0x1C800] =	vst v63  }
0x29: {  	_ =	swait.ge @p0 [sflag:s2], $0x2000  }
0x2a: {  	[sflag:s2] =	ssyncset.done @p0 $0x0  }
0x2b: {  	s29 =	sor.u32 @p0 $0x14080, s0;
	s30 =	simm.s32 @p0 $0x16800;
	[sflag:s2] =	ssyncadd.s32 @p0 $0xFFFFE000  }
0x2c: {  	[tilespmem:s30], [sflag:$0x2] =	stream.indirect.gather @p0 [hbm4b:s4+s28], $0x80, s29, s28, $0xb8;
	[tilespmem:$0x1C800] =	vst v63  }
0x2d: {  	_ =	swait.ge @p0 [sflag:s2], $0x2000  }
0x2e: {  	[sflag:s2] =	ssyncset.done @p0 $0x0  }
0x2f: {  	s29 =	sor.u32 @p0 $0x14100, s0;
	s30 =	simm.s32 @p0 $0x18800;
	[sflag:s2] =	ssyncadd.s32 @p0 $0xFFFFE000  }
0x30: {  	[tilespmem:s30], [sflag:$0x3] =	stream.indirect.gather @p0 [hbm4b:s4+s28], $0x80, s29, s28, $0xb8;
	[tilespmem:$0x1C800] =	vst v63  }
0x31: {  	_ =	swait.ge @p0 [sflag:s2], $0x2000  }
0x32: {  	s28 =	simm.s32 @!p0 $0x14800;
	s29 =	smin.u32 s21, $0x27;
	[sflag:s2] =	ssyncset.done @p0 $0x0  }
0x33: {  	s30 =	simm.s32 @!p0 $0x14000;
	[sflag:s2] =	ssyncadd.s32 @p0 $0xFFFFE000;
	s2 =	simm.s32 @!p0 $0x40  }
0x34: {  	[tilespmem:s28], [sflag:$0x1] =	stream.indirect.gather @!p0 [hbm4b:s4+s2], $0x80, s30, s2, $0xb8;
	[tilespmem:$0x1C800] =	vst v63  }
0x35: {  	s31 =	sshll.u32 s29, $0x9;
	s28 =	simm.s32 @!p0 $0x14080;
	s30 =	simm.s32 @!p0 $0x16800  }
0x36: {  	[tilespmem:s30], [sflag:$0x2] =	stream.indirect.gather @!p0 [hbm4b:s4+s2], $0x80, s28, s2, $0xb8;
	[tilespmem:$0x1C800] =	vst v63  }
0x37: {  	s16 =	simm.s32 @!p0 $0x14100;
	s29 =	simm.s32 $0x200;
	s30 =	sand.u32 $0x7C00, s31  }
0x38: {  	s28 =	smov.u32 s0;
	s31 =	sand.u32 $0x200, s31;
	s30 =	sadd.s32 s8, s30  }
0x39: {  	s28 =	simm.s32 @!p0 $0x0;
	s30 =	sor.u32 s31, s30;
	s31 =	simm.s32 @!p0 $0x18800  }
0x3a: {  	[tilespmem:s31], [sflag:$0x3] =	stream.indirect.gather @!p0 [hbm4b:s4+s2], $0x80, s16, s2, $0xb8;
	[tilespmem:$0x1C800] =	vst v63  }
0x3b: {  	s9 =	sand.u32 $0x200, s29;
	s10 =	sor.u32 $0x14180, s28;
	s30 =	sshrl.u32 s30, $0x3  }
0x3c: {  	[tilespmem:s20], [sflag:$0x4] =	stream.indirect.gather [hbm4b:s4+s19], $0x80, s10, s19, $0xb8;
	[tilespmem:$0x1C800] =	vst v63  }
0x3d: {  	s11 =	sor.u32 $0x14000, s9;
	s31 =	sadd.s32 s5, s30  }
0x3e: {  	[tilespmem:s11], [sflag:$0x5] =	stream.linear.gather [hbm4b:s31+s3], $0x200, $0x38;
	[tilespmem:$0x1C800] =	vst v63  }
0x3f: {  	s2 =	sor.u32 $0x14400, s9;
	s12 =	sadd.s32 s6, s30  }
0x40: {  	[tilespmem:s2], [sflag:$0x5] =	stream.linear.gather [hbm4b:s12+s3], $0x200, $0x38;
	[tilespmem:$0x1C800] =	vst v63  }
0x41: {  	_ =	swait.ge [sflag:s21], $0x2000  }
0x42: {  	[sflag:s21] =	ssyncset.done $0x0  }
0x43: {  	s14 =	sor.u32 $0x14400, s28;
	s13 =	rddreg [dreg:$0x3];
	[sflag:s21] =	ssyncadd.s32 $0xFFFFE000  }
0x44: {  	[spmem:s1] =	stream.indirect.scatter.add.f32 [tilespmem:s13], [sflag:$0x6], $0x80, s14, s19, $0xb8;
	[tilespmem:$0x1C800] =	vst v63  }
0x45: {  	s2 =	sor.u32 @p0 $0x80, s0;
	_ =	swait.ge [sflag:s22], $0x2000  }
0x46: {  	s31 =	sor.u32 @p0 $0x100, s0;
	s2 =	simm.s32 @!p0 $0x80;
	[sflag:s22] =	ssyncset.done $0x0  }
0x47: {  	s2 =	sor.u32 $0x14400, s2;
	s17 =	rddreg [dreg:$0x4];
	[sflag:s22] =	ssyncadd.s32 $0xFFFFE000  }
0x48: {  	[spmem:s1] =	stream.indirect.scatter.add.f32 [tilespmem:s17], [sflag:$0x6], $0x80, s2, s19, $0xb8;
	[tilespmem:$0x1C800] =	vst v63  }
0x49: {  	s30 =	simm.s32 $0x1;
	s31 =	simm.s32 @!p0 $0x100;
	_ =	swait.ge [sflag:s23], $0x2000  }
.LBB2_2:
0x4a: {  	[sflag:s23] =	ssyncset.done $0x0  }
0x4b: {  	s16 =	rddreg [dreg:$0x5];
	s31 =	sor.u32 $0x14400, s31;
	[sflag:s23] =	ssyncadd.s32 $0xFFFFE000  }
0x4c: {  	[spmem:s1] =	stream.indirect.scatter.add.f32 [tilespmem:s16], [sflag:$0x6], $0x80, s31, s19, $0xb8;
	[tilespmem:$0x1C800] =	vst v63  }
0x4d: {  	_ =	swait.ge [sflag:s24], $0x2000  }
0x4e: {  	[sflag:s24] =	ssyncset.done $0x0  }
0x4f: {  	s2 =	smov.u32 s29;
	s13 =	sor.u32 $0x14580, s28;
	[sflag:s24] =	ssyncadd.s32 $0xFFFFE000  }
0x50: {  	[spmem:s1] =	stream.indirect.scatter.add.f32 [tilespmem:s20], [sflag:$0x6], $0x80, s13, s19, $0xb8;
	[tilespmem:$0x1C800] =	vst v63  }
0x51: {  	p1 =	sne.s32 s2, $0x0;
	_ =	swait.ge [sflag:s18], $0x200  }
0x52: {  	s16 =	sand.u32 @p1 $0x200, s2;
	[sflag:s18] =	ssyncset.done $0x0  }
0x53: {  	s17 =	sor.u32 @p1 $0x14100, s16;
	[sflag:s18] =	ssyncadd.s32 $0xFFFFFE00  }
0x54: {  	s28 =	smov.u32 s16;
	s11 =	sor.u32 @p1 $0x14000, s16;
	_ =	swait.ge [sflag:s18], $0x200  }
0x55: {  	s12 =	sor.u32 @p1 $0x14080, s16;
	s2 =	sor.u32 @p1 $0x80, s16;
	[sflag:s18] =	ssyncset.done $0x0  }
0x56: {  	s31 =	sor.u32 @p1 $0x100, s16;
	s16 =	simm.s32 @p1 $0x6;
	[sflag:s18] =	ssyncadd.s32 $0xFFFFFE00  }
0x57: {  	_ =	swait.ge @p1 [sflag:s16], $0x2000  }
0x58: {  	[sflag:s16] =	ssyncset.done @p1 $0x0  }
0x59: {  	s7 =	simm.s32 @p1 $0x40;
	s10 =	simm.s32 @p1 $0x14800;
	[sflag:s16] =	ssyncadd.s32 @p1 $0xFFFFE000  }
0x5a: {  	[tilespmem:s10], [sflag:$0x1] =	stream.indirect.gather @p1 [hbm4b:s4+s7], $0x80, s11, s7, $0xb8;
	[tilespmem:$0x1C800] =	vst v63  }
0x5b: {  	_ =	swait.ge @p1 [sflag:s16], $0x2000  }
0x5c: {  	[sflag:s16] =	ssyncset.done @p1 $0x0  }
0x5d: {  	s10 =	simm.s32 @p1 $0x16800;
	[sflag:s16] =	ssyncadd.s32 @p1 $0xFFFFE000  }
0x5e: {  	[tilespmem:s10], [sflag:$0x2] =	stream.indirect.gather @p1 [hbm4b:s4+s7], $0x80, s12, s7, $0xb8;
	[tilespmem:$0x1C800] =	vst v63  }
0x5f: {  	s30 =	sadd.s32 $0x1, s30;
	_ =	swait.ge @p1 [sflag:s16], $0x2000  }
0x60: {  	s29 =	sadd.s32 $0x200, s29;
	s14 =	smin.u32 s30, $0x27;
	[sflag:s16] =	ssyncset.done @p1 $0x0  }
0x61: {  	s9 =	simm.s32 @!p1 $0x16800;
	s11 =	simm.s32 @p1 $0x18800;
	[sflag:s16] =	ssyncadd.s32 @p1 $0xFFFFE000  }
0x62: {  	[tilespmem:s11], [sflag:$0x3] =	stream.indirect.gather @p1 [hbm4b:s4+s7], $0x80, s17, s7, $0xb8;
	[tilespmem:$0x1C800] =	vst v63  }
0x63: {  	s28 =	simm.s32 @!p1 $0x0;
	s12 =	sshll.u32 s14, $0x9;
	_ =	swait.ge @p1 [sflag:s16], $0x2000  }
0x64: {  	s10 =	simm.s32 @!p1 $0x14800;
	s14 =	sand.u32 $0x7C00, s12;
	[sflag:s16] =	ssyncset.done @p1 $0x0  }
0x65: {  	s17 =	simm.s32 @!p1 $0x14000;
	[sflag:s16] =	ssyncadd.s32 @p1 $0xFFFFE000;
	s16 =	simm.s32 @!p1 $0x40  }
0x66: {  	[tilespmem:s10], [sflag:$0x1] =	stream.indirect.gather @!p1 [hbm4b:s4+s16], $0x80, s17, s16, $0xb8;
	[tilespmem:$0x1C800] =	vst v63  }
0x67: {  	s13 =	simm.s32 @!p1 $0x14080;
	s12 =	sand.u32 $0x200, s12;
	s14 =	sadd.s32 s8, s14  }
0x68: {  	[tilespmem:s9], [sflag:$0x2] =	stream.indirect.gather @!p1 [hbm4b:s4+s16], $0x80, s13, s16, $0xb8;
	[tilespmem:$0x1C800] =	vst v63  }
0x69: {  	s7 =	simm.s32 @!p1 $0x14100;
	s11 =	simm.s32 @!p1 $0x18800;
	s17 =	sor.u32 s12, s14  }
0x6a: {  	[tilespmem:s11], [sflag:$0x3] =	stream.indirect.gather @!p1 [hbm4b:s4+s16], $0x80, s7, s16, $0xb8;
	[tilespmem:$0x1C800] =	vst v63  }
0x6b: {  	s0 =	sand.u32 $0x200, s29;
	s10 =	sor.u32 $0x14180, s28;
	s9 =	sshrl.u32 s17, $0x3  }
0x6c: {  	[tilespmem:s20], [sflag:$0x4] =	stream.indirect.gather [hbm4b:s4+s19], $0x80, s10, s19, $0xb8;
	[tilespmem:$0x1C800] =	vst v63  }
0x6d: {  	s12 =	sadd.s32 s5, s9;
	s11 =	sor.u32 $0x14000, s0  }
0x6e: {  	[tilespmem:s11], [sflag:$0x5] =	stream.linear.gather [hbm4b:s12+s3], $0x200, $0x38;
	[tilespmem:$0x1C800] =	vst v63  }
0x6f: {  	s13 =	sadd.s32 s6, s9;
	s0 =	sor.u32 $0x14400, s0  }
0x70: {  	[tilespmem:s0], [sflag:$0x5] =	stream.linear.gather [hbm4b:s13+s3], $0x200, $0x38;
	[tilespmem:$0x1C800] =	vst v63  }
0x71: {  	_ =	swait.ge [sflag:s21], $0x2000  }
0x72: {  	p0 =	sne.s32 s29, $0x5000;
	[sflag:s21] =	ssyncset.done $0x0  }
0x73: {  	s16 =	sor.u32 $0x14400, s28;
	s14 =	rddreg [dreg:$0x3];
	[sflag:s21] =	ssyncadd.s32 $0xFFFFE000  }
0x74: {  	[spmem:s1] =	stream.indirect.scatter.add.f32 [tilespmem:s14], [sflag:$0x6], $0x80, s16, s19, $0xb8;
	[tilespmem:$0x1C800] =	vst v63  }
.Ltmp0:
0x75: {  	_ =	swait.ge [sflag:s22], $0x2000;
	(pc) =	sbr.rel @p0 .LBB2_2-.Ltmp0, $4  }
0x76: {  	s2 =	simm.s32 @!p1 $0x80;
	[sflag:s22] =	ssyncset.done $0x0  }
0x77: {  	s2 =	sor.u32 $0x14400, s2;
	s17 =	rddreg [dreg:$0x4];
	[sflag:s22] =	ssyncadd.s32 $0xFFFFE000  }
0x78: {  	[spmem:s1] =	stream.indirect.scatter.add.f32 [tilespmem:s17], [sflag:$0x6], $0x80, s2, s19, $0xb8;
	[tilespmem:$0x1C800] =	vst v63  }
0x79: {  	s31 =	simm.s32 @!p1 $0x100;
	_ =	swait.ge [sflag:s23], $0x2000  }
0x7a: {  	[sflag:s23] =	ssyncset.done $0x0  }
0x7b: {  	s0 =	rddreg [dreg:$0x5];
	s2 =	sor.u32 $0x14400, s31;
	[sflag:s23] =	ssyncadd.s32 $0xFFFFE000  }
0x7c: {  	[spmem:s1] =	stream.indirect.scatter.add.f32 [tilespmem:s0], [sflag:$0x6], $0x80, s2, s19, $0xb8;
	[tilespmem:$0x1C800] =	vst v63  }
0x7d: {  	_ =	swait.ge [sflag:s24], $0x2000  }
0x7e: {  	[sflag:s24] =	ssyncset.done $0x0  }
0x7f: {  	s29 =	sor.u32 $0x14580, s28;
	[sflag:s24] =	ssyncadd.s32 $0xFFFFE000  }
0x80: {  	[spmem:s1] =	stream.indirect.scatter.add.f32 [tilespmem:s20], [sflag:$0x6], $0x80, s29, s19, $0xb8;
	[tilespmem:$0x1C800] =	vst v63  }
0x81: {  	_ =	swait.ge [sflag:s18], $0x200  }
0x82: {  	[sflag:s18] =	ssyncset.done $0x0  }
0x83: {  	[sflag:s18] =	ssyncadd.s32 $0xFFFFFE00  }
0x84: {  	_ =	swait.ge [sflag:s18], $0x200  }
0x85: {  	[sflag:s18] =	ssyncset.done $0x0  }
0x86: {  	[sflag:s18] =	ssyncadd.s32 $0xFFFFFE00  }
0x87: {  	_ =	swait.ge [sflag:s25], $0x2000  }
0x88: {  	[sflag:s25] =	ssyncset.done $0x0  }
0x89: {  	[sflag:s25] =	ssyncadd.s32 $0xFFFFE000  }
0x8a: {  	_ =	swait.ge [sflag:s25], $0x2000  }
0x8b: {  	[sflag:s25] =	ssyncset.done $0x0  }
0x8c: {  	[sflag:s25] =	ssyncadd.s32 $0xFFFFE000  }
0x8d: {  	_ =	swait.ge [sflag:s25], $0x2000  }
0x8e: {  	[sflag:s25] =	ssyncset.done $0x0  }
0x8f: {  	[sflag:s25] =	ssyncadd.s32 $0xFFFFE000  }
0x90: {  	_ =	swait.ge [sflag:s25], $0x2000  }
0x91: {  	[sflag:s25] =	ssyncset.done $0x0  }
0x92: {  	[sflag:s25] =	ssyncadd.s32 $0xFFFFE000  }
0x93: {  	[bflag:$0x0] =	sbarrier.arrive $0xFFFF  }
0x94: {  	s7 =	rddreg [dreg:$0x7]  }
0x95: {  	s30 =	rddreg [dreg:$0xa]  }
0x96: {  	s2 =	rddreg [dreg:$0xc]  }
0x97: {  	[hbm:s30], [sflag:s7] =	dma.local [spmem:s2], $0x2800  }
0x98: {  	_ =	swait.ge [sflag:s15], $0x2800  }
0x99: {  	s26 =	sadd.s32 $0x1, s26;
	s31 =	rddreg [dreg:$0xb]  }
0x9a: {  	p0 =	sne.s32 s26, s31  }
.Ltmp1:
0x9b: {  	_ = 	snop;
	(pc) =	sbr.rel @p0 .LBB2_1-.Ltmp1, $3  }
0x9c: {  	_ =	sdelay $0x1  }
0x9d: {  	[sflag:s15] =	ssyncset.done $0x0  }
0x9e: {  	[sflag:s15] =	ssyncadd.s32 $0xFFFFD800  }
0x9f: {  	_ =	sfence.sel $0x180000  }
0xa0: {  	[bflag:$0x0] =	sbarrier.arrive $0xFFFF  }
0xa1: {  	_ =	strace $0x9000004A  }
0xa2: {  	s0 =	stileid.u32;
	[bflag:$0x2] =	sbarrier.arrive $0xFFFF  }
0xa3: {  	p0 =	sne.s32 s0, $0x0;
	s0 =	rddreg [dreg:$0x2]  }
0xa4: {  	s0 =	sadd.s32 @!p0 $0x100000, s0  }
0xa5: {  	[sflag:s0] =	ssyncadd.tile.s32 @!p0 $0x1;
	_ =	shalt  }
.Lfunc_end2:
_tile_overlayer_lowered:
.L_overlay_start_2:
0xa6: {  	(tag) =	ssettag $0x2  }
0xa7: {  	s0 =	rddreg [dreg:$0x0];
	s2 =	stileid.u32  }
0xa8: {  	s1 =	rddreg [dreg:$0x1];
	p0 =	sne.s32 s2, $0x0  }
0xa9: {  	s3 =	rddreg [dreg:$0x2];
	[bflag:$0x3] =	sbarrier.arrive $0xFFFF;
	s2 =	simm.s32 @!p0 $0x1C07  }
0xaa: {  	[timem:s3], [sflag:s2] =	dma.local @!p0 [hbm:s0], s1  }
0xab: {  	s0 =	simm.s32 @!p0 $0x7  }
0xac: {  	_ =	swait.ge @!p0 [sflag:s0], s1  }
0xad: {  	s1 =	ssub.s32 @!p0 $0x0, s1;
	[sflag:s0] =	ssyncset.done @!p0 $0x0  }
0xae: {  	[sflag:s0] =	ssyncadd.s32 @!p0 s1  }
0xaf: {  	[bflag:$0x3] =	sbarrier.arrive $0xFFFF  }
0xb0: {  	_ =	shalt  }

// kernel: kernel.16.cloned.1.call-start
scs
__scs_entry_jumppad:
0x0: {  	(pc) =	sbr.rel $0x88, $3  }
0x1: {  	(tag) =	ssettag $0x0;
	lr =	simm.s32 $0x1  }
0x2: {  	[smem:$0x3F98] =	sst lr;
	_ =	strace $0xD0000000  }
0x3: {  	_ = 	snop  }
0x4: {  	_ = 	snop  }
0x5: {  	_ = 	snop  }
0x6: {  	_ = 	snop  }
0x7: {  	_ = 	snop  }
__scs_overlays_trampoline_lowered:
0x8: {  	[smem:$0x3FA7] =	sst s0  }
0x9: {  	[smem:$0x3FA8] =	sst s1  }
0xa: {  	[smem:$0x3FA9] =	sst s2  }
0xb: {  	[smem:$0x3FAA] =	sst s3  }
0xc: {  	[smem:$0x3FAB] =	sst s4  }
0xd: {  	[smem:$0x3FAC] =	sst s5  }
0xe: {  	[smem:$0x3FAD] =	sst s6  }
0xf: {  	[smem:$0x3FAE] =	sst s7  }
0x10: {  	[smem:$0x3FAF] =	sst s8  }
0x11: {  	[smem:$0x3FB0] =	sst s9;
	s0 =	simm.s32 @!p0 $0x0  }
0x12: {  	s1 =	sld [smem:$0x3F96];
	s0 =	simm.s32 @p0 $0x1  }
0x13: {  	[smem:$0x3FB1] =	sst s0;
	s0 =	simm.s32 @!p1 $0x0  }
0x14: {  	s2 =	sld [smem:$0x3F95];
	s0 =	simm.s32 @p1 $0x1  }
0x15: {  	[smem:$0x3FB2] =	sst s0;
	s0 =	simm.s32 @!p2 $0x0  }
0x16: {  	s3 =	sld [smem:$0x3FDB];
	s0 =	simm.s32 @p2 $0x1  }
0x17: {  	s4 =	simm.s32 $0x1BF5;
	[smem:$0x3FB4] =	sst s0  }
0x18: {  	s0 =	sld [smem:$0x3F97];
	_ =	swait.ge [sflag:s4], $0x0  }
0x19: {  	s7 =	sld [smem:$0x3F98]  }
0x1a: {  	s8 =	sadd.s32 $0xFFFFE003, lr  }
0x1b: {  	s9 =	sadd.s32 $0xFFFFFEF7, lr;
	s5 =	simm.s32 $0xFFFFFFFF;
	p2 =	slt.u32 s8, $0xFFFFF086  }
0x1c: {  	p1 =	slt.u32 s9, $0xF7A;
	s5 =	simm.s32 @!p2 $0x0  }
0x1d: {  	s5 =	simm.s32 @p1 $0x1;
	p0 =	seq.s32 s7, s2  }
0x1e: {  	s7 =	smul.u32 @!p0 $0xF7A, s2;
	p2 =	seq.s32 @!p0 s5, $0x0  }
0x1f: {  	s9 =	smul.u32 $0xF7A, s1;
	s8 =	simm.s32 @!p0 $0x1BF5;
	p2 =	por !p2, p0  }
0x20: {  	[sflag:s8] =	ssyncset.s32 @!p0 $0xFFFFF086;
	s6 =	sadd.s32 @!p0 s3, s7;
	s7 =	simm.s32 @!p0 $0x108  }
0x21: {  	s3 =	sadd.s32 s3, s9;
	s6 =	sadd.s32 @!p0 $0x88, s6;
	s7 =	simm.s32 @p2 $0x1082  }
0x22: {  	[simem:s7], [sflag:s8] =	dma.local @!p0 [hbm:s6], $0xF7A  }
0x23: {  	s9 =	sor.u32 $0xD0000000, s2;
	s6 =	simm.s32 $0x108;
	_ =	swait.ge @!p0 [sflag:s8], $0x0  }
0x24: {  	s3 =	sadd.s32 $0x88, s3;
	s6 =	simm.s32 @!p1 $0x1082;
	[sflag:s4] =	ssyncset.s32 $0xFFFFF086  }
0x25: {  	[simem:s6], [sflag:s4] =	dma.local [hbm:s3], $0xF7A  }
0x26: {  	[smem:$0x3F98] =	sst s1;
	(tag) =	ssettag s2;
	_ =	strace s9  }
0x27: {  	s1 =	sld [smem:$0x3FA8]  }
0x28: {  	s2 =	sld [smem:$0x3FA9]  }
0x29: {  	s4 =	sld [smem:$0x3FAB]  }
0x2a: {  	p0 =	seq.s32 s5, $0x0;
	s5 =	sld [smem:$0x3FAC]  }
0x2b: {  	s6 =	sld [smem:$0x3FAD]  }
0x2c: {  	s7 =	sld [smem:$0x3FAE]  }
0x2d: {  	s3 =	simm.s32 $0x108;
	s8 =	sld [smem:$0x3FAF]  }
0x2e: {  	s3 =	simm.s32 @!p0 $0x1082;
	s9 =	sld [smem:$0x3FB0]  }
0x2f: {  	lr =	sadd.s32 s0, s3;
	s0 =	sld [smem:$0x3FA7]  }
0x30: {  	s3 =	sld [smem:$0x3FAA]  }
0x31: {  	[smem:$0x3FB3] =	sst s10  }
0x32: {  	s10 =	sld [smem:$0x3FB1];
	_ =	sdelay $0x3  }
0x33: {  	p0 =	seq.s32 s10, $0x1;
	s10 =	sld [smem:$0x3FB3];
	_ =	sdelay $0x3  }
0x34: {  	[smem:$0x3FB3] =	sst s10  }
0x35: {  	s10 =	sld [smem:$0x3FB2];
	_ =	sdelay $0x3  }
0x36: {  	p1 =	seq.s32 s10, $0x1;
	s10 =	sld [smem:$0x3FB3];
	_ =	sdelay $0x3  }
0x37: {  	[smem:$0x3FB3] =	sst s10  }
0x38: {  	s10 =	sld [smem:$0x3FB4]  }
0x39: {  	_ = 	snop;
	(pc) =	sbr.ind lr, $3  }
0x3a: {  	_ = 	snop  }
0x3b: {  	_ = 	snop  }
0x3c: {  	p2 =	seq.s32 s10, $0x1;
	s10 =	sld [smem:$0x3FB3]  }
0x3d: {  	_ =	shalt  }
0x3e: {  	_ =	shalt  }
0x3f: {  	_ =	shalt  }
0x40: {  	_ =	shalt  }
0x41: {  	_ =	shalt  }
0x42: {  	_ =	shalt  }
0x43: {  	_ =	shalt  }
0x44: {  	_ =	shalt  }
0x45: {  	_ =	shalt  }
0x46: {  	_ =	shalt  }
0x47: {  	_ =	shalt  }
0x48: {  	_ =	shalt  }
0x49: {  	_ =	shalt  }
0x4a: {  	_ =	shalt  }
0x4b: {  	_ =	shalt  }
0x4c: {  	_ =	shalt  }
0x4d: {  	_ =	shalt  }
0x4e: {  	_ =	shalt  }
0x4f: {  	_ =	shalt  }
0x50: {  	_ =	shalt  }
0x51: {  	_ =	shalt  }
0x52: {  	_ =	shalt  }
0x53: {  	_ =	shalt  }
0x54: {  	_ =	shalt  }
0x55: {  	_ =	shalt  }
0x56: {  	_ =	shalt  }
0x57: {  	_ =	shalt  }
0x58: {  	_ =	shalt  }
0x59: {  	_ =	shalt  }
0x5a: {  	_ =	shalt  }
0x5b: {  	_ =	shalt  }
0x5c: {  	_ =	shalt  }
0x5d: {  	_ =	shalt  }
0x5e: {  	_ =	shalt  }
0x5f: {  	_ =	shalt  }
0x60: {  	_ =	shalt  }
0x61: {  	_ =	shalt  }
0x62: {  	_ =	shalt  }
0x63: {  	_ =	shalt  }
0x64: {  	_ =	shalt  }
0x65: {  	_ =	shalt  }
0x66: {  	_ =	shalt  }
0x67: {  	_ =	shalt  }
0x68: {  	_ =	shalt  }
0x69: {  	_ =	shalt  }
0x6a: {  	_ =	shalt  }
0x6b: {  	_ =	shalt  }
0x6c: {  	_ =	shalt  }
0x6d: {  	_ =	shalt  }
0x6e: {  	_ =	shalt  }
0x6f: {  	_ =	shalt  }
0x70: {  	_ =	shalt  }
0x71: {  	_ =	shalt  }
0x72: {  	_ =	shalt  }
0x73: {  	_ =	shalt  }
0x74: {  	_ =	shalt  }
0x75: {  	_ =	shalt  }
0x76: {  	_ =	shalt  }
0x77: {  	_ =	shalt  }
0x78: {  	_ =	shalt  }
0x79: {  	_ =	shalt  }
0x7a: {  	_ =	shalt  }
0x7b: {  	_ =	shalt  }
0x7c: {  	_ =	shalt  }
0x7d: {  	_ =	shalt  }
0x7e: {  	_ =	shalt  }
0x7f: {  	_ =	shalt  }
0x80: {  	_ =	shalt  }
0x81: {  	_ =	shalt  }
0x82: {  	_ =	shalt  }
0x83: {  	_ =	shalt  }
0x84: {  	_ =	shalt  }
0x85: {  	_ =	shalt  }
0x86: {  	_ =	shalt  }
0x87: {  	_ =	shalt  }
.Lfunc_end0:
.L_simem_size_0:
called_computation.2_lowered:
.L_overlay_start_0:
0x88: {  	s2 =	sld [smem:$0x3FD9]  }
0x89: {  	s3 =	sld [smem:$0x3FFE];
	_ =	sdelay $0x1  }
0x8a: {  	s1 =	srdreg.scid  }
0x8b: {  	s0 =	sand.u32 $0x1, s1  }
0x8c: {  	s16 =	sshll.u32 s0, $0xA;
	s2 =	sadd.s32 s3, s2  }
0x8d: {  	s2 =	sadd.s32 s2, s16  }
0x8e: {  	[smem:$0x3FBF] =	sst s2  }
0x8f: {  	_ = 	snop  }
0x90: {  	(tm) =	ssettm $0x1  }
0x91: {  	s17 =	sld [smem:$0x3FFB];
	_ =	sdelay $0x3  }
0x92: {  	_ =	strace s17  }
0x93: {  	s2 =	sld [smem:$0x3FFC];
	_ =	sdelay $0x3  }
0x94: {  	_ =	strace s2  }
0x95: {  	s2 =	sld [smem:$0x3FFD];
	_ =	sdelay $0x3  }
0x96: {  	_ =	strace s2  }
0x97: {  	_ =	strace $0x8FFFFFFF  }
0x98: {  	s18 =	sld [smem:$0x3FDB];
	_ =	sdelay $0x1  }
0x99: {  	s19 =	simm.s32 $_scs_section_size  }
0x9a: {  	s4 =	simm.s32 $_size__tile_overlayer_lowered;
	s5 =	simm.s32 $_tile_overlayer_lowered  }
0x9b: {  	s22 =	simm.s32 $0x1BFF;
	s21 =	sshll.u32 s5, $0x1;
	s2 =	sadd.s32 s19, s18  }
0x9c: {  	s6 =	simm.s32 $0x0;
	s20 =	sshll.u32 s4, $0x1;
	s4 =	sadd.s32 s21, s2  }
0x9d: {  	[timem:s6], [sflag:s22] =	dma.local [hbm:s4], s20  }
0x9e: {  	_ =	swait.ge [sflag:s22], s20  }
0x9f: {  	s3 =	ssub.s32 $0x0, s20;
	[sflag:s22] =	ssyncset.done $0x0  }
0xa0: {  	[sflag:s22] =	ssyncadd.s32 s3;
	_ =	sdelay $0x1  }
0xa1: {  	s23 =	simm.s32 $0x1B8B  }
0xa2: {  	_ =	swait.ge [sflag:s23], $0x1  }
0xa3: {  	[sflag:s23] =	ssyncset.done $0x0  }
0xa4: {  	s25 =	simm.s32 $0x1B8E;
	s24 =	sld [smem:$0x3FFE];
	[sflag:s23] =	ssyncadd.s32 $0xFFFFFFFF  }
0xa5: {  	s26 =	simm.s32 $execute0_lowered;
	[smem:$0x3FD2] =	sst s25  }
0xa6: {  	s4 =	sshll.u32 s26, $0x1;
	_ =	strace $0x8000004C;
	[dreg:$0x1] =	wrdreg $0xFFFFFFFF  }
0xa7: {  	s28 =	simm.s32 $_size_execute0_lowered;
	s2 =	sadd.s32 s2, s4;
	[dreg:$0x0] =	wrdreg $0x0  }
0xa8: {  	s4 =	sshll.u32 s28, $0x1;
	[dreg:$0x2] =	wrdreg s2  }
0xa9: {  	[dreg:$0x3] =	wrdreg s4  }
0xaa: {  	[dreg:$0x4] =	wrdreg $0xC0  }
0xab: {  	_ =	task [dreg:s6], $0x5FFFF  }
0xac: {  	[dreg:$0x1] =	wrdreg $0xFFFFFFFF  }
0xad: {  	[dreg:$0x0] =	wrdreg $0x60  }
0xae: {  	[dreg:$0x2] =	wrdreg s24  }
0xaf: {  	[dreg:$0x3] =	wrdreg $0x0  }
0xb0: {  	[dreg:$0x4] =	wrdreg $0x9  }
0xb1: {  	_ =	task.clear_ibuf [dreg:s6], $0x5FFFF;
	_ =	strace $0x9000004C  }
0xb2: {  	s29 =	simm.s32 $0x9;
	_ =	strace $0x8000004E  }
0xb3: {  	_ =	swait.ge [sflag:s29], $0x1  }
0xb4: {  	[sflag:s29] =	ssyncadd.s32 $0xFFFFFFFF  }
0xb5: {  	_ =	strace $0x9000004E  }
0xb6: {  	_ =	sfence  }
0xb7: {  	s30 =	sld [smem:$0x0];
	_ =	sdelay $0x2  }
0xb8: {  	s31 =	sshll.u32 s1, $0xD;
	s1 =	sshrl.u32 s1, $0x2  }
0xb9: {  	s3 =	sand.u32 $0x4000, s31;
	s1 =	sadd.s32 s1, s30  }
0xba: {  	s0 =	sor.u32 s3, s0;
	s1 =	sshll.u32 s1, $0x11  }
0xbb: {  	s0 =	sor.u32 s1, s0  }
0xbc: {  	s0 =	sadd.s32 $0x8F2B, s0  }
0xbd: {  	[sflag:s0] =	ssyncadd.remote.s32 $0x1  }
0xbe: {  	_ =	sfence.sel $0xFFFF  }
0xbf: {  	[dreg:$0x0] =	wrdreg $0xFFFFFFFF;
	(pc) =	sbr.abs _section_cstart, $3  }
0xc0: {  	[dreg:$0x1] =	wrdreg $0xFFFFFFFF  }
0xc1: {  	_ =	task.clear_ibuf [dreg:s6], $0x2FFFF;
	_ =	strace $0x9FFFFFFF  }
0xc2: {  	(tm) =	ssettm $0x7FFFFFFF  }
0xc3: {  	_ =	shalt  }
tec
execute0_lowered:
.L_overlay_start_1:
0x0: {  	(tag) =	ssettag $0x1  }
0x1: {  	s0 =	rddreg [dreg:$0x0]  }
0x2: {  	s1 =	rddreg [dreg:$0x1];
	s3 =	simm.s32 $0x0  }
0x3: {  	s2 =	srdreg.scid;
	s7 =	stileid.u32;
	s15 =	simm.s32 $0x7  }
0x4: {  	s18 =	simm.s32 $0x5;
	s29 =	simm.s32 $0x14800;
	s30 =	simm.s32 $0x16800  }
0x5: {  	s31 =	simm.s32 $0x18800;
	[smem:$0x7FF] =	sst s3;
	s2 =	sand.u32 $0x1, s2  }
0x6: {  	s9 =	smul.u32 $0x14000, s7;
	s4 =	sadd.s32 $0xA00, s0;
	s5 =	sadd.s32 $0xB7200, s0  }
0x7: {  	s6 =	sadd.s32 $0xA3200, s0;
	s10 =	sadd.s32 $0x28A00, s0;
	s19 =	sshll.u32 s7, $0x1  }
0x8: {  	s21 =	smul.u32 $0x50000, s7;
	_ =	strace $0x8000004D;
	[dreg:$0x6] =	wrdreg s10  }
0x9: {  	s23 =	sshll.u32 s7, $0x6;
	s8 =	smul.u32 $0x140000, s2;
	[dreg:$0x3] =	wrdreg s29  }
0xa: {  	s20 =	ssub.s32 $0x2, s2;
	s2 =	sor.u32 s2, s19;
	[dreg:$0x4] =	wrdreg s30  }
0xb: {  	s7 =	sor.u32 $0x1C07, s23;
	s19 =	simm.s32 $0x40;
	[dreg:$0x5] =	wrdreg s31  }
0xc: {  	s23 =	simm.s32 $0x3;
	s12 =	sshrl.u32 s20, $0x1;
	[dreg:$0x7] =	wrdreg s7  }
0xd: {  	s8 =	sadd.s32 s9, s8;
	s22 =	ssub.s32 s20, s12;
	s9 =	sshrl.u32 s21, $0x2  }
0xe: {  	s20 =	simm.s32 $0x1A800;
	s21 =	simm.s32 $0x1;
	s11 =	sshrl.u32 s8, $0x3  }
0xf: {  	s8 =	smul.u32 $0x5000, s2;
	s14 =	sadd.s32 s9, s1;
	s28 =	smax.u32 s22, $0x1  }
0x10: {  	s0 =	sadd.s32 s11, s0;
	[dreg:$0xb] =	wrdreg s28;
	s2 =	sshrl.u32 s14, $0x3  }
0x11: {  	s24 =	sshrl.u32 s8, $0x3;
	s0 =	sadd.s32 $0x2B200, s0;
	[dreg:$0xc] =	wrdreg s2  }
0x12: {  	s22 =	simm.s32 $0x2;
	s25 =	sadd.s32 s5, s24;
	[dreg:$0xa] =	wrdreg s0  }
0x13: {  	s26 =	sadd.s32 s6, s24;
	s24 =	simm.s32 $0x4;
	[dreg:$0x8] =	wrdreg s25  }
0x14: {  	[dreg:$0x9] =	wrdreg s26;
	s25 =	simm.s32 $0x6;
	s26 =	simm.s32 $0x0  }
.LBB2_1:
0x15: {  	s0 =	rddreg [dreg:$0x6]  }
0x16: {  	[spmem:s2], [sflag:s7] =	dma.local [hbm:s0], $0x2800  }
0x17: {  	_ =	swait.ge [sflag:s15], $0x2800  }
0x18: {  	[sflag:s15] =	ssyncset.done $0x0  }
0x19: {  	[sflag:s15] =	ssyncadd.s32 $0xFFFFD800  }
0x1a: {  	[bflag:$0x0] =	sbarrier.arrive $0xFFFF  }
0x1b: {  	s17 =	simm.s32 $0x14000;
	s16 =	rddreg [dreg:$0x8]  }
0x1c: {  	[tilespmem:s17], [sflag:$0x5] =	stream.linear.gather [hbm4b:s16+s3], $0x200, $0x38;
	[tilespmem:$0x1C800] =	vst v63  }
0x1d: {  	s7 =	simm.s32 $0x14400;
	s2 =	rddreg [dreg:$0x9]  }
0x1e: {  	[tilespmem:s7], [sflag:$0x5] =	stream.linear.gather [hbm4b:s2+s3], $0x200, $0x38;
	[tilespmem:$0x1C800] =	vst v63  }
0x1f: {  	_ =	swait.ge [sflag:s18], $0x200  }
0x20: {  	[sflag:s18] =	ssyncset.done $0x0  }
0x21: {  	[sflag:s18] =	ssyncadd.s32 $0xFFFFFE00  }
0x22: {  	_ =	swait.ge [sflag:s18], $0x200  }
0x23: {  	p0 =	por $0x0, $0x0;
	[sflag:s18] =	ssyncset.done $0x0  }
0x24: {  	s2 =	simm.s32 @p0 $0x6;
	[sflag:s18] =	ssyncadd.s32 $0xFFFFFE00  }
0x25: {  	_ =	swait.ge @p0 [sflag:s2], $0x2000  }
0x26: {  	s0 =	sand.u32 @p0 $0x200, s3;
	s28 =	simm.s32 @p0 $0x40;
	[sflag:s2] =	ssyncset.done @p0 $0x0  }
0x27: {  	s29 =	simm.s32 @p0 $0x14800;
	s30 =	sor.u32 @p0 $0x14000, s0;
	[sflag:s2] =	ssyncadd.s32 @p0 $0xFFFFE000  }
0x28: {  	[tilespmem:s29], [sflag:$0x1] =	stream.indirect.gather @p0 [hbm4b:s4+s28], $0x80, s30, s28, $0xb8;
	[tilespmem:$0x1C800] =	vst v63  }
0x29: {  	_ =	swait.ge @p0 [sflag:s2], $0x2000  }
0x2a: {  	[sflag:s2] =	ssyncset.done @p0 $0x0  }
0x2b: {  	s29 =	sor.u32 @p0 $0x14080, s0;
	s30 =	simm.s32 @p0 $0x16800;
	[sflag:s2] =	ssyncadd.s32 @p0 $0xFFFFE000  }
0x2c: {  	[tilespmem:s30], [sflag:$0x2] =	stream.indirect.gather @p0 [hbm4b:s4+s28], $0x80, s29, s28, $0xb8;
	[tilespmem:$0x1C800] =	vst v63  }
0x2d: {  	_ =	swait.ge @p0 [sflag:s2], $0x2000  }
0x2e: {  	[sflag:s2] =	ssyncset.done @p0 $0x0  }
0x2f: {  	s29 =	sor.u32 @p0 $0x14100, s0;
	s30 =	simm.s32 @p0 $0x18800;
	[sflag:s2] =	ssyncadd.s32 @p0 $0xFFFFE000  }
0x30: {  	[tilespmem:s30], [sflag:$0x3] =	stream.indirect.gather @p0 [hbm4b:s4+s28], $0x80, s29, s28, $0xb8;
	[tilespmem:$0x1C800] =	vst v63  }
0x31: {  	_ =	swait.ge @p0 [sflag:s2], $0x2000  }
0x32: {  	s28 =	simm.s32 @!p0 $0x14800;
	s29 =	smin.u32 s21, $0x27;
	[sflag:s2] =	ssyncset.done @p0 $0x0  }
0x33: {  	s30 =	simm.s32 @!p0 $0x14000;
	[sflag:s2] =	ssyncadd.s32 @p0 $0xFFFFE000;
	s2 =	simm.s32 @!p0 $0x40  }
0x34: {  	[tilespmem:s28], [sflag:$0x1] =	stream.indirect.gather @!p0 [hbm4b:s4+s2], $0x80, s30, s2, $0xb8;
	[tilespmem:$0x1C800] =	vst v63  }
0x35: {  	s31 =	sshll.u32 s29, $0x9;
	s28 =	simm.s32 @!p0 $0x14080;
	s30 =	simm.s32 @!p0 $0x16800  }
0x36: {  	[tilespmem:s30], [sflag:$0x2] =	stream.indirect.gather @!p0 [hbm4b:s4+s2], $0x80, s28, s2, $0xb8;
	[tilespmem:$0x1C800] =	vst v63  }
0x37: {  	s16 =	simm.s32 @!p0 $0x14100;
	s29 =	simm.s32 $0x200;
	s30 =	sand.u32 $0x7C00, s31  }
0x38: {  	s28 =	smov.u32 s0;
	s31 =	sand.u32 $0x200, s31;
	s30 =	sadd.s32 s8, s30  }
0x39: {  	s28 =	simm.s32 @!p0 $0x0;
	s30 =	sor.u32 s31, s30;
	s31 =	simm.s32 @!p0 $0x18800  }
0x3a: {  	[tilespmem:s31], [sflag:$0x3] =	stream.indirect.gather @!p0 [hbm4b:s4+s2], $0x80, s16, s2, $0xb8;
	[tilespmem:$0x1C800] =	vst v63  }
0x3b: {  	s9 =	sand.u32 $0x200, s29;
	s10 =	sor.u32 $0x14180, s28;
	s30 =	sshrl.u32 s30, $0x3  }
0x3c: {  	[tilespmem:s20], [sflag:$0x4] =	stream.indirect.gather [hbm4b:s4+s19], $0x80, s10, s19, $0xb8;
	[tilespmem:$0x1C800] =	vst v63  }
0x3d: {  	s11 =	sor.u32 $0x14000, s9;
	s31 =	sadd.s32 s5, s30  }
0x3e: {  	[tilespmem:s11], [sflag:$0x5] =	stream.linear.gather [hbm4b:s31+s3], $0x200, $0x38;
	[tilespmem:$0x1C800] =	vst v63  }
0x3f: {  	s2 =	sor.u32 $0x14400, s9;
	s12 =	sadd.s32 s6, s30  }
0x40: {  	[tilespmem:s2], [sflag:$0x5] =	stream.linear.gather [hbm4b:s12+s3], $0x200, $0x38;
	[tilespmem:$0x1C800] =	vst v63  }
0x41: {  	_ =	swait.ge [sflag:s21], $0x2000  }
0x42: {  	[sflag:s21] =	ssyncset.done $0x0  }
0x43: {  	s14 =	sor.u32 $0x14400, s28;
	s13 =	rddreg [dreg:$0x3];
	[sflag:s21] =	ssyncadd.s32 $0xFFFFE000  }
0x44: {  	[spmem:s1] =	stream.indirect.scatter.add.f32 [tilespmem:s13], [sflag:$0x6], $0x80, s14, s19, $0xb8;
	[tilespmem:$0x1C800] =	vst v63  }
0x45: {  	s2 =	sor.u32 @p0 $0x80, s0;
	_ =	swait.ge [sflag:s22], $0x2000  }
0x46: {  	s31 =	sor.u32 @p0 $0x100, s0;
	s2 =	simm.s32 @!p0 $0x80;
	[sflag:s22] =	ssyncset.done $0x0  }
0x47: {  	s2 =	sor.u32 $0x14400, s2;
	s17 =	rddreg [dreg:$0x4];
	[sflag:s22] =	ssyncadd.s32 $0xFFFFE000  }
0x48: {  	[spmem:s1] =	stream.indirect.scatter.add.f32 [tilespmem:s17], [sflag:$0x6], $0x80, s2, s19, $0xb8;
	[tilespmem:$0x1C800] =	vst v63  }
0x49: {  	s30 =	simm.s32 $0x1;
	s31 =	simm.s32 @!p0 $0x100;
	_ =	swait.ge [sflag:s23], $0x2000  }
.LBB2_2:
0x4a: {  	[sflag:s23] =	ssyncset.done $0x0  }
0x4b: {  	s16 =	rddreg [dreg:$0x5];
	s31 =	sor.u32 $0x14400, s31;
	[sflag:s23] =	ssyncadd.s32 $0xFFFFE000  }
0x4c: {  	[spmem:s1] =	stream.indirect.scatter.add.f32 [tilespmem:s16], [sflag:$0x6], $0x80, s31, s19, $0xb8;
	[tilespmem:$0x1C800] =	vst v63  }
0x4d: {  	_ =	swait.ge [sflag:s24], $0x2000  }
0x4e: {  	[sflag:s24] =	ssyncset.done $0x0  }
0x4f: {  	s2 =	smov.u32 s29;
	s13 =	sor.u32 $0x14580, s28;
	[sflag:s24] =	ssyncadd.s32 $0xFFFFE000  }
0x50: {  	[spmem:s1] =	stream.indirect.scatter.add.f32 [tilespmem:s20], [sflag:$0x6], $0x80, s13, s19, $0xb8;
	[tilespmem:$0x1C800] =	vst v63  }
0x51: {  	p1 =	sne.s32 s2, $0x0;
	_ =	swait.ge [sflag:s18], $0x200  }
0x52: {  	s16 =	sand.u32 @p1 $0x200, s2;
	[sflag:s18] =	ssyncset.done $0x0  }
0x53: {  	s17 =	sor.u32 @p1 $0x14100, s16;
	[sflag:s18] =	ssyncadd.s32 $0xFFFFFE00  }
0x54: {  	s28 =	smov.u32 s16;
	s11 =	sor.u32 @p1 $0x14000, s16;
	_ =	swait.ge [sflag:s18], $0x200  }
0x55: {  	s12 =	sor.u32 @p1 $0x14080, s16;
	s2 =	sor.u32 @p1 $0x80, s16;
	[sflag:s18] =	ssyncset.done $0x0  }
0x56: {  	s31 =	sor.u32 @p1 $0x100, s16;
	s16 =	simm.s32 @p1 $0x6;
	[sflag:s18] =	ssyncadd.s32 $0xFFFFFE00  }
0x57: {  	_ =	swait.ge @p1 [sflag:s16], $0x2000  }
0x58: {  	[sflag:s16] =	ssyncset.done @p1 $0x0  }
0x59: {  	s7 =	simm.s32 @p1 $0x40;
	s10 =	simm.s32 @p1 $0x14800;
	[sflag:s16] =	ssyncadd.s32 @p1 $0xFFFFE000  }
0x5a: {  	[tilespmem:s10], [sflag:$0x1] =	stream.indirect.gather @p1 [hbm4b:s4+s7], $0x80, s11, s7, $0xb8;
	[tilespmem:$0x1C800] =	vst v63  }
0x5b: {  	_ =	swait.ge @p1 [sflag:s16], $0x2000  }
0x5c: {  	[sflag:s16] =	ssyncset.done @p1 $0x0  }
0x5d: {  	s10 =	simm.s32 @p1 $0x16800;
	[sflag:s16] =	ssyncadd.s32 @p1 $0xFFFFE000  }
0x5e: {  	[tilespmem:s10], [sflag:$0x2] =	stream.indirect.gather @p1 [hbm4b:s4+s7], $0x80, s12, s7, $0xb8;
	[tilespmem:$0x1C800] =	vst v63  }
0x5f: {  	s30 =	sadd.s32 $0x1, s30;
	_ =	swait.ge @p1 [sflag:s16], $0x2000  }
0x60: {  	s29 =	sadd.s32 $0x200, s29;
	s14 =	smin.u32 s30, $0x27;
	[sflag:s16] =	ssyncset.done @p1 $0x0  }
0x61: {  	s9 =	simm.s32 @!p1 $0x16800;
	s11 =	simm.s32 @p1 $0x18800;
	[sflag:s16] =	ssyncadd.s32 @p1 $0xFFFFE000  }
0x62: {  	[tilespmem:s11], [sflag:$0x3] =	stream.indirect.gather @p1 [hbm4b:s4+s7], $0x80, s17, s7, $0xb8;
	[tilespmem:$0x1C800] =	vst v63  }
0x63: {  	s28 =	simm.s32 @!p1 $0x0;
	s12 =	sshll.u32 s14, $0x9;
	_ =	swait.ge @p1 [sflag:s16], $0x2000  }
0x64: {  	s10 =	simm.s32 @!p1 $0x14800;
	s14 =	sand.u32 $0x7C00, s12;
	[sflag:s16] =	ssyncset.done @p1 $0x0  }
0x65: {  	s17 =	simm.s32 @!p1 $0x14000;
	[sflag:s16] =	ssyncadd.s32 @p1 $0xFFFFE000;
	s16 =	simm.s32 @!p1 $0x40  }
0x66: {  	[tilespmem:s10], [sflag:$0x1] =	stream.indirect.gather @!p1 [hbm4b:s4+s16], $0x80, s17, s16, $0xb8;
	[tilespmem:$0x1C800] =	vst v63  }
0x67: {  	s13 =	simm.s32 @!p1 $0x14080;
	s12 =	sand.u32 $0x200, s12;
	s14 =	sadd.s32 s8, s14  }
0x68: {  	[tilespmem:s9], [sflag:$0x2] =	stream.indirect.gather @!p1 [hbm4b:s4+s16], $0x80, s13, s16, $0xb8;
	[tilespmem:$0x1C800] =	vst v63  }
0x69: {  	s7 =	simm.s32 @!p1 $0x14100;
	s11 =	simm.s32 @!p1 $0x18800;
	s17 =	sor.u32 s12, s14  }
0x6a: {  	[tilespmem:s11], [sflag:$0x3] =	stream.indirect.gather @!p1 [hbm4b:s4+s16], $0x80, s7, s16, $0xb8;
	[tilespmem:$0x1C800] =	vst v63  }
0x6b: {  	s0 =	sand.u32 $0x200, s29;
	s10 =	sor.u32 $0x14180, s28;
	s9 =	sshrl.u32 s17, $0x3  }
0x6c: {  	[tilespmem:s20], [sflag:$0x4] =	stream.indirect.gather [hbm4b:s4+s19], $0x80, s10, s19, $0xb8;
	[tilespmem:$0x1C800] =	vst v63  }
0x6d: {  	s12 =	sadd.s32 s5, s9;
	s11 =	sor.u32 $0x14000, s0  }
0x6e: {  	[tilespmem:s11], [sflag:$0x5] =	stream.linear.gather [hbm4b:s12+s3], $0x200, $0x38;
	[tilespmem:$0x1C800] =	vst v63  }
0x6f: {  	s13 =	sadd.s32 s6, s9;
	s0 =	sor.u32 $0x14400, s0  }
0x70: {  	[tilespmem:s0], [sflag:$0x5] =	stream.linear.gather [hbm4b:s13+s3], $0x200, $0x38;
	[tilespmem:$0x1C800] =	vst v63  }
0x71: {  	_ =	swait.ge [sflag:s21], $0x2000  }
0x72: {  	p0 =	sne.s32 s29, $0x5000;
	[sflag:s21] =	ssyncset.done $0x0  }
0x73: {  	s16 =	sor.u32 $0x14400, s28;
	s14 =	rddreg [dreg:$0x3];
	[sflag:s21] =	ssyncadd.s32 $0xFFFFE000  }
0x74: {  	[spmem:s1] =	stream.indirect.scatter.add.f32 [tilespmem:s14], [sflag:$0x6], $0x80, s16, s19, $0xb8;
	[tilespmem:$0x1C800] =	vst v63  }
.Ltmp0:
0x75: {  	_ =	swait.ge [sflag:s22], $0x2000;
	(pc) =	sbr.rel @p0 .LBB2_2-.Ltmp0, $4  }
0x76: {  	s2 =	simm.s32 @!p1 $0x80;
	[sflag:s22] =	ssyncset.done $0x0  }
0x77: {  	s2 =	sor.u32 $0x14400, s2;
	s17 =	rddreg [dreg:$0x4];
	[sflag:s22] =	ssyncadd.s32 $0xFFFFE000  }
0x78: {  	[spmem:s1] =	stream.indirect.scatter.add.f32 [tilespmem:s17], [sflag:$0x6], $0x80, s2, s19, $0xb8;
	[tilespmem:$0x1C800] =	vst v63  }
0x79: {  	s31 =	simm.s32 @!p1 $0x100;
	_ =	swait.ge [sflag:s23], $0x2000  }
0x7a: {  	[sflag:s23] =	ssyncset.done $0x0  }
0x7b: {  	s0 =	rddreg [dreg:$0x5];
	s2 =	sor.u32 $0x14400, s31;
	[sflag:s23] =	ssyncadd.s32 $0xFFFFE000  }
0x7c: {  	[spmem:s1] =	stream.indirect.scatter.add.f32 [tilespmem:s0], [sflag:$0x6], $0x80, s2, s19, $0xb8;
	[tilespmem:$0x1C800] =	vst v63  }
0x7d: {  	_ =	swait.ge [sflag:s24], $0x2000  }
0x7e: {  	[sflag:s24] =	ssyncset.done $0x0  }
0x7f: {  	s29 =	sor.u32 $0x14580, s28;
	[sflag:s24] =	ssyncadd.s32 $0xFFFFE000  }
0x80: {  	[spmem:s1] =	stream.indirect.scatter.add.f32 [tilespmem:s20], [sflag:$0x6], $0x80, s29, s19, $0xb8;
	[tilespmem:$0x1C800] =	vst v63  }
0x81: {  	_ =	swait.ge [sflag:s18], $0x200  }
0x82: {  	[sflag:s18] =	ssyncset.done $0x0  }
0x83: {  	[sflag:s18] =	ssyncadd.s32 $0xFFFFFE00  }
0x84: {  	_ =	swait.ge [sflag:s18], $0x200  }
0x85: {  	[sflag:s18] =	ssyncset.done $0x0  }
0x86: {  	[sflag:s18] =	ssyncadd.s32 $0xFFFFFE00  }
0x87: {  	_ =	swait.ge [sflag:s25], $0x2000  }
0x88: {  	[sflag:s25] =	ssyncset.done $0x0  }
0x89: {  	[sflag:s25] =	ssyncadd.s32 $0xFFFFE000  }
0x8a: {  	_ =	swait.ge [sflag:s25], $0x2000  }
0x8b: {  	[sflag:s25] =	ssyncset.done $0x0  }
0x8c: {  	[sflag:s25] =	ssyncadd.s32 $0xFFFFE000  }
0x8d: {  	_ =	swait.ge [sflag:s25], $0x2000  }
0x8e: {  	[sflag:s25] =	ssyncset.done $0x0  }
0x8f: {  	[sflag:s25] =	ssyncadd.s32 $0xFFFFE000  }
0x90: {  	_ =	swait.ge [sflag:s25], $0x2000  }
0x91: {  	[sflag:s25] =	ssyncset.done $0x0  }
0x92: {  	[sflag:s25] =	ssyncadd.s32 $0xFFFFE000  }
0x93: {  	[bflag:$0x0] =	sbarrier.arrive $0xFFFF  }
0x94: {  	s7 =	rddreg [dreg:$0x7]  }
0x95: {  	s30 =	rddreg [dreg:$0xa]  }
0x96: {  	s2 =	rddreg [dreg:$0xc]  }
0x97: {  	[hbm:s30], [sflag:s7] =	dma.local [spmem:s2], $0x2800  }
0x98: {  	_ =	swait.ge [sflag:s15], $0x2800  }
0x99: {  	s26 =	sadd.s32 $0x1, s26;
	s31 =	rddreg [dreg:$0xb]  }
0x9a: {  	p0 =	sne.s32 s26, s31  }
.Ltmp1:
0x9b: {  	_ = 	snop;
	(pc) =	sbr.rel @p0 .LBB2_1-.Ltmp1, $3  }
0x9c: {  	_ =	sdelay $0x1  }
0x9d: {  	[sflag:s15] =	ssyncset.done $0x0  }
0x9e: {  	[sflag:s15] =	ssyncadd.s32 $0xFFFFD800  }
0x9f: {  	_ =	sfence.sel $0x180000  }
0xa0: {  	[bflag:$0x0] =	sbarrier.arrive $0xFFFF  }
0xa1: {  	_ =	strace $0x9000004D  }
0xa2: {  	s0 =	stileid.u32;
	[bflag:$0x2] =	sbarrier.arrive $0xFFFF  }
0xa3: {  	p0 =	sne.s32 s0, $0x0;
	s0 =	rddreg [dreg:$0x2]  }
0xa4: {  	s0 =	sadd.s32 @!p0 $0x100000, s0  }
0xa5: {  	[sflag:s0] =	ssyncadd.tile.s32 @!p0 $0x1;
	_ =	shalt  }
.Lfunc_end2:
_tile_overlayer_lowered:
.L_overlay_start_2:
0xa6: {  	(tag) =	ssettag $0x2  }
0xa7: {  	s0 =	rddreg [dreg:$0x0];
	s2 =	stileid.u32  }
0xa8: {  	s1 =	rddreg [dreg:$0x1];
	p0 =	sne.s32 s2, $0x0  }
0xa9: {  	s3 =	rddreg [dreg:$0x2];
	[bflag:$0x3] =	sbarrier.arrive $0xFFFF;
	s2 =	simm.s32 @!p0 $0x1C07  }
0xaa: {  	[timem:s3], [sflag:s2] =	dma.local @!p0 [hbm:s0], s1  }
0xab: {  	s0 =	simm.s32 @!p0 $0x7  }
0xac: {  	_ =	swait.ge @!p0 [sflag:s0], s1  }
0xad: {  	s1 =	ssub.s32 @!p0 $0x0, s1;
	[sflag:s0] =	ssyncset.done @!p0 $0x0  }
0xae: {  	[sflag:s0] =	ssyncadd.s32 @!p0 s1  }
0xaf: {  	[bflag:$0x3] =	sbarrier.arrive $0xFFFF  }
0xb0: {  	_ =	shalt  }

// kernel: kernel.19.cloned.1.call-start
scs
__scs_entry_jumppad:
0x0: {  	(pc) =	sbr.rel $0x88, $3  }
0x1: {  	(tag) =	ssettag $0x0;
	lr =	simm.s32 $0x1  }
0x2: {  	[smem:$0x3F98] =	sst lr;
	_ =	strace $0xD0000000  }
0x3: {  	_ = 	snop  }
0x4: {  	_ = 	snop  }
0x5: {  	_ = 	snop  }
0x6: {  	_ = 	snop  }
0x7: {  	_ = 	snop  }
__scs_overlays_trampoline_lowered:
0x8: {  	[smem:$0x3FA7] =	sst s0  }
0x9: {  	[smem:$0x3FA8] =	sst s1  }
0xa: {  	[smem:$0x3FA9] =	sst s2  }
0xb: {  	[smem:$0x3FAA] =	sst s3  }
0xc: {  	[smem:$0x3FAB] =	sst s4  }
0xd: {  	[smem:$0x3FAC] =	sst s5  }
0xe: {  	[smem:$0x3FAD] =	sst s6  }
0xf: {  	[smem:$0x3FAE] =	sst s7  }
0x10: {  	[smem:$0x3FAF] =	sst s8  }
0x11: {  	[smem:$0x3FB0] =	sst s9;
	s0 =	simm.s32 @!p0 $0x0  }
0x12: {  	s1 =	sld [smem:$0x3F96];
	s0 =	simm.s32 @p0 $0x1  }
0x13: {  	[smem:$0x3FB1] =	sst s0;
	s0 =	simm.s32 @!p1 $0x0  }
0x14: {  	s2 =	sld [smem:$0x3F95];
	s0 =	simm.s32 @p1 $0x1  }
0x15: {  	[smem:$0x3FB2] =	sst s0;
	s0 =	simm.s32 @!p2 $0x0  }
0x16: {  	s3 =	sld [smem:$0x3FDB];
	s0 =	simm.s32 @p2 $0x1  }
0x17: {  	s4 =	simm.s32 $0x1BF5;
	[smem:$0x3FB4] =	sst s0  }
0x18: {  	s0 =	sld [smem:$0x3F97];
	_ =	swait.ge [sflag:s4], $0x0  }
0x19: {  	s7 =	sld [smem:$0x3F98]  }
0x1a: {  	s8 =	sadd.s32 $0xFFFFE003, lr  }
0x1b: {  	s9 =	sadd.s32 $0xFFFFFEF7, lr;
	s5 =	simm.s32 $0xFFFFFFFF;
	p2 =	slt.u32 s8, $0xFFFFF086  }
0x1c: {  	p1 =	slt.u32 s9, $0xF7A;
	s5 =	simm.s32 @!p2 $0x0  }
0x1d: {  	s5 =	simm.s32 @p1 $0x1;
	p0 =	seq.s32 s7, s2  }
0x1e: {  	s7 =	smul.u32 @!p0 $0xF7A, s2;
	p2 =	seq.s32 @!p0 s5, $0x0  }
0x1f: {  	s9 =	smul.u32 $0xF7A, s1;
	s8 =	simm.s32 @!p0 $0x1BF5;
	p2 =	por !p2, p0  }
0x20: {  	[sflag:s8] =	ssyncset.s32 @!p0 $0xFFFFF086;
	s6 =	sadd.s32 @!p0 s3, s7;
	s7 =	simm.s32 @!p0 $0x108  }
0x21: {  	s3 =	sadd.s32 s3, s9;
	s6 =	sadd.s32 @!p0 $0x88, s6;
	s7 =	simm.s32 @p2 $0x1082  }
0x22: {  	[simem:s7], [sflag:s8] =	dma.local @!p0 [hbm:s6], $0xF7A  }
0x23: {  	s9 =	sor.u32 $0xD0000000, s2;
	s6 =	simm.s32 $0x108;
	_ =	swait.ge @!p0 [sflag:s8], $0x0  }
0x24: {  	s3 =	sadd.s32 $0x88, s3;
	s6 =	simm.s32 @!p1 $0x1082;
	[sflag:s4] =	ssyncset.s32 $0xFFFFF086  }
0x25: {  	[simem:s6], [sflag:s4] =	dma.local [hbm:s3], $0xF7A  }
0x26: {  	[smem:$0x3F98] =	sst s1;
	(tag) =	ssettag s2;
	_ =	strace s9  }
0x27: {  	s1 =	sld [smem:$0x3FA8]  }
0x28: {  	s2 =	sld [smem:$0x3FA9]  }
0x29: {  	s4 =	sld [smem:$0x3FAB]  }
0x2a: {  	p0 =	seq.s32 s5, $0x0;
	s5 =	sld [smem:$0x3FAC]  }
0x2b: {  	s6 =	sld [smem:$0x3FAD]  }
0x2c: {  	s7 =	sld [smem:$0x3FAE]  }
0x2d: {  	s3 =	simm.s32 $0x108;
	s8 =	sld [smem:$0x3FAF]  }
0x2e: {  	s3 =	simm.s32 @!p0 $0x1082;
	s9 =	sld [smem:$0x3FB0]  }
0x2f: {  	lr =	sadd.s32 s0, s3;
	s0 =	sld [smem:$0x3FA7]  }
0x30: {  	s3 =	sld [smem:$0x3FAA]  }
0x31: {  	[smem:$0x3FB3] =	sst s10  }
0x32: {  	s10 =	sld [smem:$0x3FB1];
	_ =	sdelay $0x3  }
0x33: {  	p0 =	seq.s32 s10, $0x1;
	s10 =	sld [smem:$0x3FB3];
	_ =	sdelay $0x3  }
0x34: {  	[smem:$0x3FB3] =	sst s10  }
0x35: {  	s10 =	sld [smem:$0x3FB2];
	_ =	sdelay $0x3  }
0x36: {  	p1 =	seq.s32 s10, $0x1;
	s10 =	sld [smem:$0x3FB3];
	_ =	sdelay $0x3  }
0x37: {  	[smem:$0x3FB3] =	sst s10  }
0x38: {  	s10 =	sld [smem:$0x3FB4]  }
0x39: {  	_ = 	snop;
	(pc) =	sbr.ind lr, $3  }
0x3a: {  	_ = 	snop  }
0x3b: {  	_ = 	snop  }
0x3c: {  	p2 =	seq.s32 s10, $0x1;
	s10 =	sld [smem:$0x3FB3]  }
0x3d: {  	_ =	shalt  }
0x3e: {  	_ =	shalt  }
0x3f: {  	_ =	shalt  }
0x40: {  	_ =	shalt  }
0x41: {  	_ =	shalt  }
0x42: {  	_ =	shalt  }
0x43: {  	_ =	shalt  }
0x44: {  	_ =	shalt  }
0x45: {  	_ =	shalt  }
0x46: {  	_ =	shalt  }
0x47: {  	_ =	shalt  }
0x48: {  	_ =	shalt  }
0x49: {  	_ =	shalt  }
0x4a: {  	_ =	shalt  }
0x4b: {  	_ =	shalt  }
0x4c: {  	_ =	shalt  }
0x4d: {  	_ =	shalt  }
0x4e: {  	_ =	shalt  }
0x4f: {  	_ =	shalt  }
0x50: {  	_ =	shalt  }
0x51: {  	_ =	shalt  }
0x52: {  	_ =	shalt  }
0x53: {  	_ =	shalt  }
0x54: {  	_ =	shalt  }
0x55: {  	_ =	shalt  }
0x56: {  	_ =	shalt  }
0x57: {  	_ =	shalt  }
0x58: {  	_ =	shalt  }
0x59: {  	_ =	shalt  }
0x5a: {  	_ =	shalt  }
0x5b: {  	_ =	shalt  }
0x5c: {  	_ =	shalt  }
0x5d: {  	_ =	shalt  }
0x5e: {  	_ =	shalt  }
0x5f: {  	_ =	shalt  }
0x60: {  	_ =	shalt  }
0x61: {  	_ =	shalt  }
0x62: {  	_ =	shalt  }
0x63: {  	_ =	shalt  }
0x64: {  	_ =	shalt  }
0x65: {  	_ =	shalt  }
0x66: {  	_ =	shalt  }
0x67: {  	_ =	shalt  }
0x68: {  	_ =	shalt  }
0x69: {  	_ =	shalt  }
0x6a: {  	_ =	shalt  }
0x6b: {  	_ =	shalt  }
0x6c: {  	_ =	shalt  }
0x6d: {  	_ =	shalt  }
0x6e: {  	_ =	shalt  }
0x6f: {  	_ =	shalt  }
0x70: {  	_ =	shalt  }
0x71: {  	_ =	shalt  }
0x72: {  	_ =	shalt  }
0x73: {  	_ =	shalt  }
0x74: {  	_ =	shalt  }
0x75: {  	_ =	shalt  }
0x76: {  	_ =	shalt  }
0x77: {  	_ =	shalt  }
0x78: {  	_ =	shalt  }
0x79: {  	_ =	shalt  }
0x7a: {  	_ =	shalt  }
0x7b: {  	_ =	shalt  }
0x7c: {  	_ =	shalt  }
0x7d: {  	_ =	shalt  }
0x7e: {  	_ =	shalt  }
0x7f: {  	_ =	shalt  }
0x80: {  	_ =	shalt  }
0x81: {  	_ =	shalt  }
0x82: {  	_ =	shalt  }
0x83: {  	_ =	shalt  }
0x84: {  	_ =	shalt  }
0x85: {  	_ =	shalt  }
0x86: {  	_ =	shalt  }
0x87: {  	_ =	shalt  }
.Lfunc_end0:
.L_simem_size_0:
called_computation.3_lowered:
.L_overlay_start_0:
0x88: {  	s2 =	sld [smem:$0x3FD9]  }
0x89: {  	s3 =	sld [smem:$0x3FFE];
	_ =	sdelay $0x1  }
0x8a: {  	s1 =	srdreg.scid  }
0x8b: {  	s0 =	sand.u32 $0x1, s1  }
0x8c: {  	s16 =	sshll.u32 s0, $0xA;
	s2 =	sadd.s32 s3, s2  }
0x8d: {  	s2 =	sadd.s32 s2, s16  }
0x8e: {  	[smem:$0x3FBF] =	sst s2  }
0x8f: {  	_ = 	snop  }
0x90: {  	(tm) =	ssettm $0x1  }
0x91: {  	s17 =	sld [smem:$0x3FFB];
	_ =	sdelay $0x3  }
0x92: {  	_ =	strace s17  }
0x93: {  	s2 =	sld [smem:$0x3FFC];
	_ =	sdelay $0x3  }
0x94: {  	_ =	strace s2  }
0x95: {  	s2 =	sld [smem:$0x3FFD];
	_ =	sdelay $0x3  }
0x96: {  	_ =	strace s2  }
0x97: {  	_ =	strace $0x8FFFFFFF  }
0x98: {  	s18 =	sld [smem:$0x3FDB];
	_ =	sdelay $0x1  }
0x99: {  	s19 =	simm.s32 $_scs_section_size  }
0x9a: {  	s4 =	simm.s32 $_size__tile_overlayer_lowered;
	s5 =	simm.s32 $_tile_overlayer_lowered  }
0x9b: {  	s22 =	simm.s32 $0x1BFF;
	s21 =	sshll.u32 s5, $0x1;
	s2 =	sadd.s32 s19, s18  }
0x9c: {  	s6 =	simm.s32 $0x0;
	s20 =	sshll.u32 s4, $0x1;
	s4 =	sadd.s32 s21, s2  }
0x9d: {  	[timem:s6], [sflag:s22] =	dma.local [hbm:s4], s20  }
0x9e: {  	_ =	swait.ge [sflag:s22], s20  }
0x9f: {  	s3 =	ssub.s32 $0x0, s20;
	[sflag:s22] =	ssyncset.done $0x0  }
0xa0: {  	[sflag:s22] =	ssyncadd.s32 s3;
	_ =	sdelay $0x1  }
0xa1: {  	s23 =	simm.s32 $0x1B8B  }
0xa2: {  	_ =	swait.ge [sflag:s23], $0x1  }
0xa3: {  	[sflag:s23] =	ssyncset.done $0x0  }
0xa4: {  	s25 =	simm.s32 $0x1B8E;
	s24 =	sld [smem:$0x3FFE];
	[sflag:s23] =	ssyncadd.s32 $0xFFFFFFFF  }
0xa5: {  	s26 =	simm.s32 $execute0_lowered;
	[smem:$0x3FD2] =	sst s25  }
0xa6: {  	s4 =	sshll.u32 s26, $0x1;
	_ =	strace $0x8000004F;
	[dreg:$0x1] =	wrdreg $0xFFFFFFFF  }
0xa7: {  	s28 =	simm.s32 $_size_execute0_lowered;
	s2 =	sadd.s32 s2, s4;
	[dreg:$0x0] =	wrdreg $0x0  }
0xa8: {  	s4 =	sshll.u32 s28, $0x1;
	[dreg:$0x2] =	wrdreg s2  }
0xa9: {  	[dreg:$0x3] =	wrdreg s4  }
0xaa: {  	[dreg:$0x4] =	wrdreg $0xC0  }
0xab: {  	_ =	task [dreg:s6], $0x5FFFF  }
0xac: {  	[dreg:$0x1] =	wrdreg $0xFFFFFFFF  }
0xad: {  	[dreg:$0x0] =	wrdreg $0x60  }
0xae: {  	[dreg:$0x2] =	wrdreg s24  }
0xaf: {  	[dreg:$0x3] =	wrdreg $0x0  }
0xb0: {  	[dreg:$0x4] =	wrdreg $0x9  }
0xb1: {  	_ =	task.clear_ibuf [dreg:s6], $0x5FFFF;
	_ =	strace $0x9000004F  }
0xb2: {  	s29 =	simm.s32 $0x9;
	_ =	strace $0x80000051  }
0xb3: {  	_ =	swait.ge [sflag:s29], $0x1  }
0xb4: {  	[sflag:s29] =	ssyncadd.s32 $0xFFFFFFFF  }
0xb5: {  	_ =	strace $0x90000051  }
0xb6: {  	_ =	sfence  }
0xb7: {  	s30 =	sld [smem:$0x0];
	_ =	sdelay $0x2  }
0xb8: {  	s31 =	sshll.u32 s1, $0xD;
	s1 =	sshrl.u32 s1, $0x2  }
0xb9: {  	s3 =	sand.u32 $0x4000, s31;
	s1 =	sadd.s32 s1, s30  }
0xba: {  	s0 =	sor.u32 s3, s0;
	s1 =	sshll.u32 s1, $0x11  }
0xbb: {  	s0 =	sor.u32 s1, s0  }
0xbc: {  	s0 =	sadd.s32 $0x8F2B, s0  }
0xbd: {  	[sflag:s0] =	ssyncadd.remote.s32 $0x1  }
0xbe: {  	_ =	sfence.sel $0xFFFF  }
0xbf: {  	[dreg:$0x0] =	wrdreg $0xFFFFFFFF;
	(pc) =	sbr.abs _section_cstart, $3  }
0xc0: {  	[dreg:$0x1] =	wrdreg $0xFFFFFFFF  }
0xc1: {  	_ =	task.clear_ibuf [dreg:s6], $0x2FFFF;
	_ =	strace $0x9FFFFFFF  }
0xc2: {  	(tm) =	ssettm $0x7FFFFFFF  }
0xc3: {  	_ =	shalt  }
tec
execute0_lowered:
.L_overlay_start_1:
0x0: {  	(tag) =	ssettag $0x1  }
0x1: {  	s0 =	rddreg [dreg:$0x0]  }
0x2: {  	s2 =	rddreg [dreg:$0x1]  }
0x3: {  	s8 =	stileid.u32;
	s1 =	srdreg.scid  }
0x4: {  	s4 =	simm.s32 $0x0;
	s13 =	simm.s32 $0x6;
	s16 =	simm.s32 $0x40  }
0x5: {  	s17 =	simm.s32 $0x16000;
	s18 =	simm.s32 $0x18000;
	s19 =	simm.s32 $0x1A000  }
0x6: {  	s20 =	simm.s32 $0x1C000;
	s28 =	simm.s32 $0x4;
	s29 =	simm.s32 $0x1E400  }
0x7: {  	s30 =	simm.s32 $0x5;
	s31 =	simm.s32 $0x0;
	s1 =	sand.u32 $0x1, s1  }
0x8: {  	s3 =	sshll.u32 s8, $0x1;
	[smem:$0x7FF] =	sst s4;
	s21 =	smul.u32 $0x2800, s8  }
0x9: {  	s6 =	smul.u32 $0x50000, s8;
	s4 =	sadd.s32 $0x28A00, s0;
	s24 =	sshrl.u32 s8, $0x2  }
0xa: {  	s8 =	sshll.u32 s8, $0x6;
	s3 =	sor.u32 s1, s3;
	_ =	strace $0x80000050  }
0xb: {  	s1 =	ssub.s32 $0x2, s1;
	s9 =	smul.u32 $0x68000, s24;
	s26 =	sor.u32 $0x1C06, s8  }
0xc: {  	s24 =	simm.s32 $0x400;
	s5 =	sshll.u32 s3, $0x9;
	s7 =	sadd.s32 s21, s0  }
0xd: {  	s22 =	sshrl.u32 s1, $0x1;
	s6 =	sshrl.u32 s6, $0x2;
	s3 =	sshll.u32 s3, $0x7  }
0xe: {  	[dreg:$0x4] =	wrdreg s26;
	s21 =	simm.s32 $0x1;
	s26 =	simm.s32 $0x3  }
0xf: {  	s5 =	sadd.s32 s5, s0;
	s0 =	ssub.s32 s1, s22;
	s23 =	sadd.s32 s6, s2  }
0x10: {  	s25 =	sadd.s32 $0xA00, s7;
	s3 =	sand.u32 $0x380, s3;
	s22 =	simm.s32 $0x2  }
0x11: {  	[dreg:$0x3] =	wrdreg s25;
	s7 =	sadd.s32 $0x7F200, s5;
	s8 =	sadd.s32 $0x7B200, s5  }
0x12: {  	s9 =	sor.u32 s3, s9;
	s11 =	smax.u32 s0, $0x1;
	s12 =	sshrl.u32 s23, $0x3  }
0x13: {  	s23 =	simm.s32 $0x80;
	s25 =	simm.s32 $0x1E000;
	s10 =	sor.u32 $0x2000, s9  }
.LBB2_1:
0x14: {  	s0 =	rddreg [dreg:$0x3]  }
0x15: {  	s1 =	rddreg [dreg:$0x4]  }
0x16: {  	[spmem:s12], [sflag:s1] =	dma.local [hbm:s0], $0x2800  }
0x17: {  	_ =	swait.ge [sflag:s13], $0x2800  }
0x18: {  	[sflag:s13] =	ssyncset.done $0x0  }
0x19: {  	s6 =	simm.s32 $0x0;
	s14 =	simm.s32 $0x14000;
	[sflag:s13] =	ssyncadd.s32 $0xFFFFD800  }
0x1a: {  	[tilespmem:s14], [sflag:$0x6] =	stream.linear.gather [hbm4b:s7+s6], $0xD00, $0x38;
	[tilespmem:$0x1E800] =	vst v63  }
0x1b: {  	_ =	swait.ge [sflag:s13], $0xD00  }
0x1c: {  	[sflag:s13] =	ssyncset.done $0x0  }
0x1d: {  	s15 =	simm.s32 $0x15000;
	[sflag:s13] =	ssyncadd.s32 $0xFFFFF300  }
0x1e: {  	[tilespmem:s15], [sflag:$0x6] =	stream.linear.gather [hbm4b:s8+s6], $0xD00, $0x38;
	[tilespmem:$0x1E800] =	vst v63  }
0x1f: {  	_ =	swait.ge [sflag:s13], $0xD00  }
0x20: {  	[sflag:s13] =	ssyncset.done $0x0  }
0x21: {  	[sflag:s13] =	ssyncadd.s32 $0xFFFFF300  }
0x22: {  	s0 =	simm.s32 $0x0;
	[bflag:$0x0] =	sbarrier.arrive $0xFFFF  }
.LBB2_2:
0x23: {  	s1 =	sshll.u32 s0, $0x7  }
0x24: {  	s3 =	sadd.s32 $0x14000, s1  }
0x25: {  	[tilespmem:s17], [sflag:$0x1] =	stream.indirect.gather [spmem:s2], $0x80, s3, s16, $0xb8;
	[tilespmem:$0x1E800] =	vst v63  }
0x26: {  	s14 =	sadd.s32 $0x15000, s1  }
0x27: {  	[tilespmem:s18], [sflag:$0x2] =	stream.indirect.gather [spmem:s2], $0x80, s14, s16, $0xb8;
	[tilespmem:$0x1E800] =	vst v63  }
0x28: {  	s15 =	sadd.s32 $0x14040, s1  }
0x29: {  	[tilespmem:s19], [sflag:$0x3] =	stream.indirect.gather [spmem:s2], $0x80, s15, s16, $0xb8;
	[tilespmem:$0x1E800] =	vst v63  }
0x2a: {  	s1 =	sadd.s32 $0x15040, s1  }
0x2b: {  	[tilespmem:s20], [sflag:$0x4] =	stream.indirect.gather [spmem:s2], $0x80, s1, s16, $0xb8;
	[tilespmem:$0x1E800] =	vst v63  }
0x2c: {  	_ =	swait.ge [sflag:s21], $0x2000  }
0x2d: {  	[sflag:s21] =	ssyncset.done $0x0  }
0x2e: {  	[sflag:s21] =	ssyncadd.s32 $0xFFFFE000  }
0x2f: {  	_ =	swait.ge [sflag:s22], $0x2000  }
0x30: {  	p0 =	seq.s32 s0, $0x0;
	[sflag:s22] =	ssyncset.done $0x0  }
0x31: {  	s1 =	simm.s32 @!p0 $0x5;
	[sflag:s22] =	ssyncadd.s32 $0xFFFFE000  }
0x32: {  	_ =	swait.ge @!p0 [sflag:s1], $0x400  }
0x33: {  	[sflag:s1] =	ssyncset.done @!p0 $0x0  }
0x34: {  	[sflag:s1] =	ssyncadd.s32 @!p0 $0xFFFFFC00;
	s1 =	simm.s32 $0x0  }
0x35: {  	v0 =	vld [tilespmem:s1+$0x18010]  }
0x36: {  	v1 =	vld [tilespmem:s1+$0x16000]  }
0x37: {  	v2 =	vld [tilespmem:s1+$0x16010]  }
0x38: {  	v3 =	vld [tilespmem:s1+$0x18000]  }
0x39: {  	v4 =	vld [tilespmem:s1+$0x18020]  }
0x3a: {  	v5 =	vld [tilespmem:s1+$0x16020]  }
0x3b: {  	v6 =	vld [tilespmem:s1+$0x18030]  }
0x3c: {  	v7 =	vld [tilespmem:s1+$0x16030]  }
0x3d: {  	v32 =	vld [tilespmem:s1+$0x18040];
	v0 =	vmul.f32 v0, v2;
	v1 =	vmul.f32 v3, v1  }
0x3e: {  	v33 =	vld [tilespmem:s1+$0x16040]  }
0x3f: {  	v35 =	vld [tilespmem:s1+$0x18050];
	v34 =	vmul.f32 v4, v5;
	v0 =	vadd.f32 v0, v1  }
0x40: {  	v36 =	vld [tilespmem:s1+$0x16050]  }
0x41: {  	v38 =	vld [tilespmem:s1+$0x18060];
	v37 =	vmul.f32 v6, v7;
	v0 =	vadd.f32 v34, v0  }
0x42: {  	v39 =	vld [tilespmem:s1+$0x16060]  }
0x43: {  	v41 =	vld [tilespmem:s1+$0x18070];
	v40 =	vmul.f32 v32, v33;
	v0 =	vadd.f32 v37, v0  }
0x44: {  	v42 =	vld [tilespmem:s1+$0x16070]  }
0x45: {  	v43 =	vmul.f32 v35, v36;
	v0 =	vadd.f32 v40, v0;
	_ =	sdelay $0x1  }
0x46: {  	v44 =	vmul.f32 v38, v39;
	v0 =	vadd.f32 v43, v0;
	_ =	sdelay $0x1  }
0x47: {  	v45 =	vmul.f32 v41, v42;
	v0 =	vadd.f32 v44, v0;
	_ =	sdelay $0x1  }
0x48: {  	v0 =	vadd.f32 v45, v0  }
0x49: {  	s14 =	simm.s32 $0x1E040  }
0x4a: {  	[tilespmem:s14+$0xFFFFFFC0] =	vst v0  }
0x4b: {  	v0 =	vld [tilespmem:s1+$0x16080]  }
0x4c: {  	v46 =	vld [tilespmem:s1+$0x18080]  }
0x4d: {  	v47 =	vld [tilespmem:s1+$0x16090]  }
0x4e: {  	v48 =	vld [tilespmem:s1+$0x18090]  }
0x4f: {  	v49 =	vld [tilespmem:s1+$0x160A0]  }
0x50: {  	v50 =	vld [tilespmem:s1+$0x180A0]  }
0x51: {  	v51 =	vld [tilespmem:s1+$0x160B0]  }
0x52: {  	v52 =	vld [tilespmem:s1+$0x180B0]  }
0x53: {  	v54 =	vld [tilespmem:s1+$0x160C0];
	v0 =	vmul.f32 v46, v0;
	v53 =	vmul.f32 v48, v47  }
0x54: {  	v55 =	vld [tilespmem:s1+$0x180C0]  }
0x55: {  	v57 =	vld [tilespmem:s1+$0x180D0];
	v56 =	vmul.f32 v50, v49;
	v0 =	vadd.f32 v53, v0  }
0x56: {  	v58 =	vld [tilespmem:s1+$0x160D0]  }
0x57: {  	v60 =	vld [tilespmem:s1+$0x180E0];
	v59 =	vmul.f32 v52, v51;
	v0 =	vadd.f32 v56, v0  }
0x58: {  	v61 =	vld [tilespmem:s1+$0x160E0]  }
0x59: {  	v63 =	vld [tilespmem:s1+$0x180F0];
	v62 =	vmul.f32 v55, v54;
	v0 =	vadd.f32 v59, v0  }
0x5a: {  	v8 =	vld [tilespmem:s1+$0x160F0]  }
0x5b: {  	v9 =	vmul.f32 v57, v58;
	v0 =	vadd.f32 v62, v0;
	_ =	sdelay $0x1  }
0x5c: {  	v10 =	vmul.f32 v60, v61;
	v0 =	vadd.f32 v9, v0;
	_ =	sdelay $0x1  }
0x5d: {  	v11 =	vmul.f32 v63, v8;
	v0 =	vadd.f32 v10, v0;
	_ =	sdelay $0x1  }
0x5e: {  	v0 =	vadd.f32 v11, v0;
	_ =	sdelay $0x1  }
0x5f: {  	[tilespmem:s14+$0xFFFFFFD0] =	vst v0  }
0x60: {  	v0 =	vld [tilespmem:s1+$0x18110]  }
0x61: {  	v12 =	vld [tilespmem:s1+$0x16100]  }
0x62: {  	v13 =	vld [tilespmem:s1+$0x18100]  }
0x63: {  	v14 =	vld [tilespmem:s1+$0x16110]  }
0x64: {  	v15 =	vld [tilespmem:s1+$0x16120]  }
0x65: {  	v16 =	vld [tilespmem:s1+$0x18120]  }
0x66: {  	v17 =	vld [tilespmem:s1+$0x16130]  }
0x67: {  	v18 =	vld [tilespmem:s1+$0x18130]  }
0x68: {  	v19 =	vld [tilespmem:s1+$0x18140];
	v1 =	vmul.f32 v13, v12;
	v0 =	vmul.f32 v0, v14  }
0x69: {  	v20 =	vld [tilespmem:s1+$0x16140]  }
0x6a: {  	v22 =	vld [tilespmem:s1+$0x18150];
	v21 =	vmul.f32 v16, v15;
	v0 =	vadd.f32 v0, v1  }
0x6b: {  	v23 =	vld [tilespmem:s1+$0x16150]  }
0x6c: {  	v25 =	vld [tilespmem:s1+$0x18160];
	v24 =	vmul.f32 v18, v17;
	v0 =	vadd.f32 v21, v0  }
0x6d: {  	v26 =	vld [tilespmem:s1+$0x16160]  }
0x6e: {  	v28 =	vld [tilespmem:s1+$0x18170];
	v27 =	vmul.f32 v19, v20;
	v0 =	vadd.f32 v24, v0  }
0x6f: {  	v29 =	vld [tilespmem:s1+$0x16170]  }
0x70: {  	v30 =	vmul.f32 v22, v23;
	v0 =	vadd.f32 v27, v0;
	_ =	sdelay $0x1  }
0x71: {  	v31 =	vmul.f32 v25, v26;
	v0 =	vadd.f32 v30, v0;
	_ =	sdelay $0x1  }
0x72: {  	v32 =	vmul.f32 v28, v29;
	v0 =	vadd.f32 v31, v0;
	_ =	sdelay $0x1  }
0x73: {  	v0 =	vadd.f32 v32, v0;
	_ =	sdelay $0x1  }
0x74: {  	[tilespmem:s14+$0xFFFFFFE0] =	vst v0  }
0x75: {  	v0 =	vld [tilespmem:s1+$0x18190]  }
0x76: {  	v33 =	vld [tilespmem:s1+$0x16180]  }
0x77: {  	v34 =	vld [tilespmem:s1+$0x18180]  }
0x78: {  	v35 =	vld [tilespmem:s1+$0x16190]  }
0x79: {  	v36 =	vld [tilespmem:s1+$0x181A0]  }
0x7a: {  	v37 =	vld [tilespmem:s1+$0x161A0]  }
0x7b: {  	v38 =	vld [tilespmem:s1+$0x181B0]  }
0x7c: {  	v39 =	vld [tilespmem:s1+$0x161B0]  }
0x7d: {  	v40 =	vld [tilespmem:s1+$0x181C0];
	v1 =	vmul.f32 v34, v33;
	v0 =	vmul.f32 v0, v35  }
0x7e: {  	v41 =	vld [tilespmem:s1+$0x161C0]  }
0x7f: {  	v43 =	vld [tilespmem:s1+$0x181D0];
	v42 =	vmul.f32 v36, v37;
	v0 =	vadd.f32 v0, v1  }
0x80: {  	v44 =	vld [tilespmem:s1+$0x161D0]  }
0x81: {  	v46 =	vld [tilespmem:s1+$0x181E0];
	v45 =	vmul.f32 v38, v39;
	v0 =	vadd.f32 v42, v0  }
0x82: {  	v47 =	vld [tilespmem:s1+$0x161E0]  }
0x83: {  	v49 =	vld [tilespmem:s1+$0x181F0];
	v48 =	vmul.f32 v40, v41;
	v0 =	vadd.f32 v45, v0  }
0x84: {  	v50 =	vld [tilespmem:s1+$0x161F0]  }
0x85: {  	v51 =	vmul.f32 v43, v44;
	v0 =	vadd.f32 v48, v0;
	_ =	sdelay $0x1  }
0x86: {  	v52 =	vmul.f32 v46, v47;
	v0 =	vadd.f32 v51, v0;
	_ =	sdelay $0x1  }
0x87: {  	v53 =	vmul.f32 v49, v50;
	v0 =	vadd.f32 v52, v0;
	_ =	sdelay $0x1  }
0x88: {  	v0 =	vadd.f32 v53, v0;
	_ =	sdelay $0x1  }
0x89: {  	[tilespmem:s14+$0xFFFFFFF0] =	vst v0  }
0x8a: {  	v0 =	vld [tilespmem:s1+$0x18200]  }
0x8b: {  	v54 =	vld [tilespmem:s1+$0x16200]  }
0x8c: {  	v55 =	vld [tilespmem:s1+$0x18210]  }
0x8d: {  	v56 =	vld [tilespmem:s1+$0x16210]  }
0x8e: {  	v57 =	vld [tilespmem:s1+$0x16220]  }
0x8f: {  	v58 =	vld [tilespmem:s1+$0x18220]  }
0x90: {  	v59 =	vld [tilespmem:s1+$0x16230]  }
0x91: {  	v60 =	vld [tilespmem:s1+$0x18230]  }
0x92: {  	v62 =	vld [tilespmem:s1+$0x16240];
	v0 =	vmul.f32 v0, v54;
	v61 =	vmul.f32 v55, v56  }
0x93: {  	v63 =	vld [tilespmem:s1+$0x18240]  }
0x94: {  	v10 =	vld [tilespmem:s1+$0x16250];
	v9 =	vmul.f32 v58, v57;
	v0 =	vadd.f32 v61, v0  }
0x95: {  	v11 =	vld [tilespmem:s1+$0x18250]  }
0x96: {  	v13 =	vld [tilespmem:s1+$0x16260];
	v12 =	vmul.f32 v60, v59;
	v0 =	vadd.f32 v9, v0  }
0x97: {  	v14 =	vld [tilespmem:s1+$0x18260]  }
0x98: {  	v16 =	vld [tilespmem:s1+$0x16270];
	v15 =	vmul.f32 v63, v62;
	v0 =	vadd.f32 v12, v0  }
0x99: {  	v17 =	vld [tilespmem:s1+$0x18270]  }
0x9a: {  	v18 =	vmul.f32 v11, v10;
	v0 =	vadd.f32 v15, v0;
	_ =	sdelay $0x1  }
0x9b: {  	v19 =	vmul.f32 v14, v13;
	v0 =	vadd.f32 v18, v0;
	_ =	sdelay $0x1  }
0x9c: {  	v20 =	vmul.f32 v17, v16;
	v0 =	vadd.f32 v19, v0;
	_ =	sdelay $0x1  }
0x9d: {  	v0 =	vadd.f32 v20, v0;
	_ =	sdelay $0x1  }
0x9e: {  	[tilespmem:s14+$0x0] =	vst v0  }
0x9f: {  	v0 =	vld [tilespmem:s1+$0x16280]  }
0xa0: {  	v21 =	vld [tilespmem:s1+$0x18280]  }
0xa1: {  	v22 =	vld [tilespmem:s1+$0x18290]  }
0xa2: {  	v23 =	vld [tilespmem:s1+$0x16290]  }
0xa3: {  	v24 =	vld [tilespmem:s1+$0x162A0]  }
0xa4: {  	v25 =	vld [tilespmem:s1+$0x182A0]  }
0xa5: {  	v26 =	vld [tilespmem:s1+$0x162B0]  }
0xa6: {  	v27 =	vld [tilespmem:s1+$0x182B0]  }
0xa7: {  	v29 =	vld [tilespmem:s1+$0x162C0];
	v0 =	vmul.f32 v21, v0;
	v28 =	vmul.f32 v22, v23  }
0xa8: {  	v30 =	vld [tilespmem:s1+$0x182C0]  }
0xa9: {  	v32 =	vld [tilespmem:s1+$0x162D0];
	v31 =	vmul.f32 v25, v24;
	v0 =	vadd.f32 v28, v0  }
0xaa: {  	v33 =	vld [tilespmem:s1+$0x182D0]  }
0xab: {  	v35 =	vld [tilespmem:s1+$0x162E0];
	v34 =	vmul.f32 v27, v26;
	v0 =	vadd.f32 v31, v0  }
0xac: {  	v36 =	vld [tilespmem:s1+$0x182E0]  }
0xad: {  	v38 =	vld [tilespmem:s1+$0x162F0];
	v37 =	vmul.f32 v30, v29;
	v0 =	vadd.f32 v34, v0  }
0xae: {  	v39 =	vld [tilespmem:s1+$0x182F0]  }
0xaf: {  	v40 =	vmul.f32 v33, v32;
	v0 =	vadd.f32 v37, v0;
	_ =	sdelay $0x1  }
0xb0: {  	v41 =	vmul.f32 v36, v35;
	v0 =	vadd.f32 v40, v0;
	_ =	sdelay $0x1  }
0xb1: {  	v42 =	vmul.f32 v39, v38;
	v0 =	vadd.f32 v41, v0;
	_ =	sdelay $0x1  }
0xb2: {  	v0 =	vadd.f32 v42, v0;
	_ =	sdelay $0x1  }
0xb3: {  	[tilespmem:s14+$0x10] =	vst v0  }
0xb4: {  	v0 =	vld [tilespmem:s1+$0x18300]  }
0xb5: {  	v43 =	vld [tilespmem:s1+$0x18310]  }
0xb6: {  	v44 =	vld [tilespmem:s1+$0x16300]  }
0xb7: {  	v45 =	vld [tilespmem:s1+$0x16310]  }
0xb8: {  	v46 =	vld [tilespmem:s1+$0x16320]  }
0xb9: {  	v47 =	vld [tilespmem:s1+$0x18320]  }
0xba: {  	v48 =	vld [tilespmem:s1+$0x16330]  }
0xbb: {  	v49 =	vld [tilespmem:s1+$0x18330]  }
0xbc: {  	v50 =	vld [tilespmem:s1+$0x16340];
	v0 =	vmul.f32 v0, v44;
	v1 =	vmul.f32 v43, v45  }
0xbd: {  	v51 =	vld [tilespmem:s1+$0x18340]  }
0xbe: {  	v53 =	vld [tilespmem:s1+$0x16350];
	v52 =	vmul.f32 v47, v46;
	v0 =	vadd.f32 v1, v0  }
0xbf: {  	v54 =	vld [tilespmem:s1+$0x18350]  }
0xc0: {  	v56 =	vld [tilespmem:s1+$0x16360];
	v55 =	vmul.f32 v49, v48;
	v0 =	vadd.f32 v52, v0  }
0xc1: {  	v57 =	vld [tilespmem:s1+$0x18360]  }
0xc2: {  	v59 =	vld [tilespmem:s1+$0x16370];
	v58 =	vmul.f32 v51, v50;
	v0 =	vadd.f32 v55, v0  }
0xc3: {  	v60 =	vld [tilespmem:s1+$0x18370]  }
0xc4: {  	v61 =	vmul.f32 v54, v53;
	v0 =	vadd.f32 v58, v0;
	_ =	sdelay $0x1  }
0xc5: {  	v62 =	vmul.f32 v57, v56;
	v0 =	vadd.f32 v61, v0;
	_ =	sdelay $0x1  }
0xc6: {  	v63 =	vmul.f32 v60, v59;
	v0 =	vadd.f32 v62, v0;
	_ =	sdelay $0x1  }
0xc7: {  	v0 =	vadd.f32 v63, v0;
	_ =	sdelay $0x1  }
0xc8: {  	s3 =	simm.s32 $0x1000;
	s15 =	simm.s32 $0x1E040;
	[tilespmem:s14+$0x20] =	vst v0  }
.LBB2_3:
0xc9: {  	p1 =	sne.s32 s3, $0x7000  }
0xca: {  	v0 =	vld [tilespmem:s1+$0x163A0];
	s14 =	sadd.s32 $0x80, s14;
	s5 =	smov.u32 s3;
	s3 =	sadd.s32 $0x1000, s3  }
0xcb: {  	v1 =	vld [tilespmem:s1+$0x183A0]  }
0xcc: {  	v2 =	vld [tilespmem:s1+$0x18380]  }
0xcd: {  	v3 =	vld [tilespmem:s1+$0x18390]  }
0xce: {  	v4 =	vld [tilespmem:s1+$0x16380]  }
0xcf: {  	v5 =	vld [tilespmem:s1+$0x16390];
	_ =	sdelay $0x1  }
0xd0: {  	v6 =	vld [tilespmem:s1+$0x183B0]  }
0xd1: {  	v7 =	vld [tilespmem:s1+$0x163B0]  }
0xd2: {  	v0 =	vmul.f32 v1, v0;
	v2 =	vmul.f32 v2, v4;
	v1 =	vld [tilespmem:s1+$0x183C0]  }
0xd3: {  	v3 =	vmul.f32 v3, v5;
	v4 =	vld [tilespmem:s1+$0x163C0]  }
0xd4: {  	v5 =	vld [tilespmem:s1+$0x183D0]  }
0xd5: {  	v2 =	vadd.f32 v3, v2;
	v3 =	vld [tilespmem:s1+$0x163D0]  }
0xd6: {  	v6 =	vmul.f32 v6, v7;
	v7 =	vld [tilespmem:s1+$0x183E0]  }
0xd7: {  	v0 =	vadd.f32 v0, v2;
	v2 =	vld [tilespmem:s1+$0x163E0]  }
0xd8: {  	v1 =	vmul.f32 v1, v4;
	v4 =	vld [tilespmem:s1+$0x183F0]  }
0xd9: {  	v0 =	vadd.f32 v6, v0;
	v6 =	vld [tilespmem:s1+$0x163F0]  }
0xda: {  	v3 =	vmul.f32 v5, v3  }
0xdb: {  	v0 =	vadd.f32 v1, v0  }
0xdc: {  	v1 =	vmul.f32 v7, v2  }
0xdd: {  	v0 =	vadd.f32 v3, v0  }
0xde: {  	v2 =	vmul.f32 v4, v6  }
0xdf: {  	v0 =	vadd.f32 v1, v0;
	_ =	sdelay $0x1  }
0xe0: {  	v0 =	vadd.f32 v2, v0;
	_ =	sdelay $0x1  }
0xe1: {  	s1 =	sshra.s32 s5, $0x2;
	[tilespmem:s15+$0x30] =	vst v0;
	s15 =	smov.u32 s14  }
0xe2: {  	v0 =	vld [tilespmem:s1+$0x18010]  }
0xe3: {  	v1 =	vld [tilespmem:s1+$0x16000]  }
0xe4: {  	v2 =	vld [tilespmem:s1+$0x16010]  }
0xe5: {  	v3 =	vld [tilespmem:s1+$0x18000]  }
0xe6: {  	v4 =	vld [tilespmem:s1+$0x18020]  }
0xe7: {  	v5 =	vld [tilespmem:s1+$0x16020]  }
0xe8: {  	v6 =	vld [tilespmem:s1+$0x18030]  }
0xe9: {  	v0 =	vmul.f32 v0, v2;
	v2 =	vld [tilespmem:s1+$0x16030]  }
0xea: {  	v1 =	vmul.f32 v3, v1;
	v3 =	vld [tilespmem:s1+$0x18040]  }
0xeb: {  	v7 =	vld [tilespmem:s1+$0x16040]  }
0xec: {  	v0 =	vadd.f32 v0, v1;
	v1 =	vmul.f32 v4, v5;
	v4 =	vld [tilespmem:s1+$0x18050]  }
0xed: {  	v5 =	vld [tilespmem:s1+$0x16050]  }
0xee: {  	v0 =	vadd.f32 v1, v0;
	v1 =	vmul.f32 v6, v2;
	v2 =	vld [tilespmem:s1+$0x18060]  }
0xef: {  	v6 =	vld [tilespmem:s1+$0x16060]  }
0xf0: {  	v0 =	vadd.f32 v1, v0;
	v1 =	vmul.f32 v3, v7;
	v3 =	vld [tilespmem:s1+$0x18070]  }
0xf1: {  	v7 =	vld [tilespmem:s1+$0x16070]  }
0xf2: {  	v0 =	vadd.f32 v1, v0;
	v1 =	vmul.f32 v4, v5;
	_ =	sdelay $0x1  }
0xf3: {  	v0 =	vadd.f32 v1, v0;
	v1 =	vmul.f32 v2, v6;
	_ =	sdelay $0x1  }
0xf4: {  	v0 =	vadd.f32 v1, v0;
	v1 =	vmul.f32 v3, v7;
	_ =	sdelay $0x1  }
0xf5: {  	v0 =	vadd.f32 v1, v0;
	_ =	sdelay $0x1  }
0xf6: {  	[tilespmem:s14+$0xFFFFFFC0] =	vst v0  }
0xf7: {  	v0 =	vld [tilespmem:s1+$0x16080]  }
0xf8: {  	v1 =	vld [tilespmem:s1+$0x18080]  }
0xf9: {  	v2 =	vld [tilespmem:s1+$0x16090]  }
0xfa: {  	v3 =	vld [tilespmem:s1+$0x18090]  }
0xfb: {  	v4 =	vld [tilespmem:s1+$0x160A0]  }
0xfc: {  	v5 =	vld [tilespmem:s1+$0x180A0]  }
0xfd: {  	v0 =	vmul.f32 v1, v0;
	v1 =	vld [tilespmem:s1+$0x160B0]  }
0xfe: {  	v6 =	vld [tilespmem:s1+$0x180B0]  }
0xff: {  	v2 =	vmul.f32 v3, v2;
	v3 =	vld [tilespmem:s1+$0x160C0]  }
0x100: {  	v7 =	vld [tilespmem:s1+$0x180C0]  }
0x101: {  	v0 =	vadd.f32 v2, v0;
	v2 =	vmul.f32 v5, v4;
	v4 =	vld [tilespmem:s1+$0x180D0]  }
0x102: {  	v5 =	vld [tilespmem:s1+$0x160D0]  }
0x103: {  	v0 =	vadd.f32 v2, v0;
	v1 =	vmul.f32 v6, v1;
	v2 =	vld [tilespmem:s1+$0x180E0]  }
0x104: {  	v6 =	vld [tilespmem:s1+$0x160E0]  }
0x105: {  	v0 =	vadd.f32 v1, v0;
	v1 =	vmul.f32 v7, v3;
	v3 =	vld [tilespmem:s1+$0x180F0]  }
0x106: {  	v7 =	vld [tilespmem:s1+$0x160F0]  }
0x107: {  	v0 =	vadd.f32 v1, v0;
	v1 =	vmul.f32 v4, v5;
	_ =	sdelay $0x1  }
0x108: {  	v0 =	vadd.f32 v1, v0;
	v1 =	vmul.f32 v2, v6;
	_ =	sdelay $0x1  }
0x109: {  	v0 =	vadd.f32 v1, v0;
	v1 =	vmul.f32 v3, v7;
	_ =	sdelay $0x1  }
0x10a: {  	v0 =	vadd.f32 v1, v0;
	_ =	sdelay $0x1  }
0x10b: {  	[tilespmem:s14+$0xFFFFFFD0] =	vst v0  }
0x10c: {  	v0 =	vld [tilespmem:s1+$0x18110]  }
0x10d: {  	v1 =	vld [tilespmem:s1+$0x16100]  }
0x10e: {  	v2 =	vld [tilespmem:s1+$0x18100]  }
0x10f: {  	v3 =	vld [tilespmem:s1+$0x16110]  }
0x110: {  	v4 =	vld [tilespmem:s1+$0x16120]  }
0x111: {  	v5 =	vld [tilespmem:s1+$0x18120]  }
0x112: {  	v6 =	vld [tilespmem:s1+$0x16130]  }
0x113: {  	v1 =	vmul.f32 v2, v1;
	v2 =	vld [tilespmem:s1+$0x18130]  }
0x114: {  	v0 =	vmul.f32 v0, v3;
	v3 =	vld [tilespmem:s1+$0x18140]  }
0x115: {  	v7 =	vld [tilespmem:s1+$0x16140]  }
0x116: {  	v0 =	vadd.f32 v0, v1;
	v1 =	vmul.f32 v5, v4;
	v4 =	vld [tilespmem:s1+$0x18150]  }
0x117: {  	v5 =	vld [tilespmem:s1+$0x16150]  }
0x118: {  	v0 =	vadd.f32 v1, v0;
	v1 =	vmul.f32 v2, v6;
	v2 =	vld [tilespmem:s1+$0x18160]  }
0x119: {  	v6 =	vld [tilespmem:s1+$0x16160]  }
0x11a: {  	v0 =	vadd.f32 v1, v0;
	v1 =	vmul.f32 v3, v7;
	v3 =	vld [tilespmem:s1+$0x18170]  }
0x11b: {  	v7 =	vld [tilespmem:s1+$0x16170]  }
0x11c: {  	v0 =	vadd.f32 v1, v0;
	v1 =	vmul.f32 v4, v5;
	_ =	sdelay $0x1  }
0x11d: {  	v0 =	vadd.f32 v1, v0;
	v1 =	vmul.f32 v2, v6;
	_ =	sdelay $0x1  }
0x11e: {  	v0 =	vadd.f32 v1, v0;
	v1 =	vmul.f32 v3, v7;
	_ =	sdelay $0x1  }
0x11f: {  	v0 =	vadd.f32 v1, v0;
	_ =	sdelay $0x1  }
0x120: {  	[tilespmem:s14+$0xFFFFFFE0] =	vst v0  }
0x121: {  	v0 =	vld [tilespmem:s1+$0x18190]  }
0x122: {  	v1 =	vld [tilespmem:s1+$0x16180]  }
0x123: {  	v2 =	vld [tilespmem:s1+$0x18180]  }
0x124: {  	v3 =	vld [tilespmem:s1+$0x16190]  }
0x125: {  	v4 =	vld [tilespmem:s1+$0x181A0]  }
0x126: {  	v5 =	vld [tilespmem:s1+$0x161A0]  }
0x127: {  	v6 =	vld [tilespmem:s1+$0x181B0]  }
0x128: {  	v1 =	vmul.f32 v2, v1;
	v2 =	vld [tilespmem:s1+$0x161B0]  }
0x129: {  	v0 =	vmul.f32 v0, v3;
	v3 =	vld [tilespmem:s1+$0x181C0]  }
0x12a: {  	v7 =	vld [tilespmem:s1+$0x161C0]  }
0x12b: {  	v0 =	vadd.f32 v0, v1;
	v1 =	vmul.f32 v4, v5;
	v4 =	vld [tilespmem:s1+$0x181D0]  }
0x12c: {  	v5 =	vld [tilespmem:s1+$0x161D0]  }
0x12d: {  	v0 =	vadd.f32 v1, v0;
	v1 =	vmul.f32 v6, v2;
	v2 =	vld [tilespmem:s1+$0x181E0]  }
0x12e: {  	v6 =	vld [tilespmem:s1+$0x161E0]  }
0x12f: {  	v0 =	vadd.f32 v1, v0;
	v1 =	vmul.f32 v3, v7;
	v3 =	vld [tilespmem:s1+$0x181F0]  }
0x130: {  	v7 =	vld [tilespmem:s1+$0x161F0]  }
0x131: {  	v0 =	vadd.f32 v1, v0;
	v1 =	vmul.f32 v4, v5;
	_ =	sdelay $0x1  }
0x132: {  	v0 =	vadd.f32 v1, v0;
	v1 =	vmul.f32 v2, v6;
	_ =	sdelay $0x1  }
0x133: {  	v0 =	vadd.f32 v1, v0;
	v1 =	vmul.f32 v3, v7;
	_ =	sdelay $0x1  }
0x134: {  	v0 =	vadd.f32 v1, v0;
	_ =	sdelay $0x1  }
0x135: {  	[tilespmem:s14+$0xFFFFFFF0] =	vst v0  }
0x136: {  	v0 =	vld [tilespmem:s1+$0x18200]  }
0x137: {  	v1 =	vld [tilespmem:s1+$0x16200]  }
0x138: {  	v2 =	vld [tilespmem:s1+$0x18210]  }
0x139: {  	v3 =	vld [tilespmem:s1+$0x16210]  }
0x13a: {  	v4 =	vld [tilespmem:s1+$0x16220]  }
0x13b: {  	v5 =	vld [tilespmem:s1+$0x18220]  }
0x13c: {  	v0 =	vmul.f32 v0, v1;
	v1 =	vld [tilespmem:s1+$0x16230]  }
0x13d: {  	v6 =	vld [tilespmem:s1+$0x18230]  }
0x13e: {  	v2 =	vmul.f32 v2, v3;
	v3 =	vld [tilespmem:s1+$0x16240]  }
0x13f: {  	v7 =	vld [tilespmem:s1+$0x18240]  }
0x140: {  	v0 =	vadd.f32 v2, v0;
	v2 =	vmul.f32 v5, v4;
	v4 =	vld [tilespmem:s1+$0x16250]  }
0x141: {  	v5 =	vld [tilespmem:s1+$0x18250]  }
0x142: {  	v0 =	vadd.f32 v2, v0;
	v1 =	vmul.f32 v6, v1;
	v2 =	vld [tilespmem:s1+$0x16260]  }
0x143: {  	v6 =	vld [tilespmem:s1+$0x18260]  }
0x144: {  	v0 =	vadd.f32 v1, v0;
	v1 =	vmul.f32 v7, v3;
	v3 =	vld [tilespmem:s1+$0x16270]  }
0x145: {  	v7 =	vld [tilespmem:s1+$0x18270]  }
0x146: {  	v0 =	vadd.f32 v1, v0;
	v1 =	vmul.f32 v5, v4;
	_ =	sdelay $0x1  }
0x147: {  	v0 =	vadd.f32 v1, v0;
	v1 =	vmul.f32 v6, v2;
	_ =	sdelay $0x1  }
0x148: {  	v0 =	vadd.f32 v1, v0;
	v1 =	vmul.f32 v7, v3;
	_ =	sdelay $0x1  }
0x149: {  	v0 =	vadd.f32 v1, v0;
	_ =	sdelay $0x1  }
0x14a: {  	[tilespmem:s14+$0x0] =	vst v0  }
0x14b: {  	v0 =	vld [tilespmem:s1+$0x16280]  }
0x14c: {  	v1 =	vld [tilespmem:s1+$0x18280]  }
0x14d: {  	v2 =	vld [tilespmem:s1+$0x18290]  }
0x14e: {  	v3 =	vld [tilespmem:s1+$0x16290]  }
0x14f: {  	v4 =	vld [tilespmem:s1+$0x162A0]  }
0x150: {  	v5 =	vld [tilespmem:s1+$0x182A0]  }
0x151: {  	v0 =	vmul.f32 v1, v0;
	v1 =	vld [tilespmem:s1+$0x162B0]  }
0x152: {  	v6 =	vld [tilespmem:s1+$0x182B0]  }
0x153: {  	v2 =	vmul.f32 v2, v3;
	v3 =	vld [tilespmem:s1+$0x162C0]  }
0x154: {  	v7 =	vld [tilespmem:s1+$0x182C0]  }
0x155: {  	v0 =	vadd.f32 v2, v0;
	v2 =	vmul.f32 v5, v4;
	v4 =	vld [tilespmem:s1+$0x162D0]  }
0x156: {  	v5 =	vld [tilespmem:s1+$0x182D0]  }
0x157: {  	v0 =	vadd.f32 v2, v0;
	v1 =	vmul.f32 v6, v1;
	v2 =	vld [tilespmem:s1+$0x162E0]  }
0x158: {  	v6 =	vld [tilespmem:s1+$0x182E0]  }
0x159: {  	v0 =	vadd.f32 v1, v0;
	v1 =	vmul.f32 v7, v3;
	v3 =	vld [tilespmem:s1+$0x162F0]  }
0x15a: {  	v7 =	vld [tilespmem:s1+$0x182F0]  }
0x15b: {  	v0 =	vadd.f32 v1, v0;
	v1 =	vmul.f32 v5, v4;
	_ =	sdelay $0x1  }
0x15c: {  	v0 =	vadd.f32 v1, v0;
	v1 =	vmul.f32 v6, v2;
	_ =	sdelay $0x1  }
0x15d: {  	v0 =	vadd.f32 v1, v0;
	v1 =	vmul.f32 v7, v3;
	_ =	sdelay $0x1  }
0x15e: {  	v0 =	vadd.f32 v1, v0;
	_ =	sdelay $0x1  }
0x15f: {  	[tilespmem:s14+$0x10] =	vst v0  }
0x160: {  	v0 =	vld [tilespmem:s1+$0x18300]  }
0x161: {  	v1 =	vld [tilespmem:s1+$0x18310]  }
0x162: {  	v2 =	vld [tilespmem:s1+$0x16300]  }
0x163: {  	v3 =	vld [tilespmem:s1+$0x16310]  }
0x164: {  	v4 =	vld [tilespmem:s1+$0x16320]  }
0x165: {  	v5 =	vld [tilespmem:s1+$0x18320]  }
0x166: {  	v6 =	vld [tilespmem:s1+$0x16330]  }
0x167: {  	v0 =	vmul.f32 v0, v2;
	v2 =	vld [tilespmem:s1+$0x18330]  }
0x168: {  	v1 =	vmul.f32 v1, v3;
	v3 =	vld [tilespmem:s1+$0x16340]  }
0x169: {  	v7 =	vld [tilespmem:s1+$0x18340]  }
0x16a: {  	v0 =	vadd.f32 v1, v0;
	v1 =	vmul.f32 v5, v4;
	v4 =	vld [tilespmem:s1+$0x16350]  }
0x16b: {  	v5 =	vld [tilespmem:s1+$0x18350]  }
0x16c: {  	v0 =	vadd.f32 v1, v0;
	v1 =	vmul.f32 v2, v6;
	v2 =	vld [tilespmem:s1+$0x16360]  }
0x16d: {  	v6 =	vld [tilespmem:s1+$0x18360]  }
0x16e: {  	v0 =	vadd.f32 v1, v0;
	v1 =	vmul.f32 v7, v3;
	v3 =	vld [tilespmem:s1+$0x16370]  }
0x16f: {  	v7 =	vld [tilespmem:s1+$0x18370]  }
0x170: {  	v0 =	vadd.f32 v1, v0;
	v1 =	vmul.f32 v5, v4;
	_ =	sdelay $0x1  }
0x171: {  	v0 =	vadd.f32 v1, v0;
	v1 =	vmul.f32 v6, v2;
	_ =	sdelay $0x1  }
.Ltmp0:
0x172: {  	v0 =	vadd.f32 v1, v0;
	v1 =	vmul.f32 v7, v3;
	(pc) =	sbr.rel @p1 .LBB2_3-.Ltmp0, $3  }
0x173: {  	_ = 	snop  }
0x174: {  	v0 =	vadd.f32 v1, v0;
	_ =	sdelay $0x1  }
0x175: {  	[tilespmem:s14+$0x20] =	vst v0  }
0x176: {  	v0 =	vld [tilespmem:s1+$0x18380]  }
0x177: {  	v1 =	vld [tilespmem:s1+$0x18390]  }
0x178: {  	v2 =	vld [tilespmem:s1+$0x16380]  }
0x179: {  	v3 =	vld [tilespmem:s1+$0x16390]  }
0x17a: {  	v4 =	vld [tilespmem:s1+$0x163A0]  }
0x17b: {  	v5 =	vld [tilespmem:s1+$0x183A0]  }
0x17c: {  	v6 =	vld [tilespmem:s1+$0x183B0]  }
0x17d: {  	v7 =	vld [tilespmem:s1+$0x163B0]  }
0x17e: {  	v14 =	vld [tilespmem:s1+$0x183C0];
	v0 =	vmul.f32 v0, v2;
	v1 =	vmul.f32 v1, v3  }
0x17f: {  	v15 =	vld [tilespmem:s1+$0x163C0]  }
0x180: {  	v16 =	vld [tilespmem:s1+$0x183D0];
	v4 =	vmul.f32 v5, v4;
	v0 =	vadd.f32 v1, v0  }
0x181: {  	v17 =	vld [tilespmem:s1+$0x163D0]  }
0x182: {  	v18 =	vld [tilespmem:s1+$0x183E0];
	v6 =	vmul.f32 v6, v7;
	v0 =	vadd.f32 v4, v0  }
0x183: {  	v19 =	vld [tilespmem:s1+$0x163E0]  }
0x184: {  	v20 =	vld [tilespmem:s1+$0x183F0];
	v2 =	vmul.f32 v14, v15;
	v0 =	vadd.f32 v6, v0  }
0x185: {  	v21 =	vld [tilespmem:s1+$0x163F0]  }
0x186: {  	v1 =	vmul.f32 v16, v17;
	v0 =	vadd.f32 v2, v0;
	_ =	sdelay $0x1  }
0x187: {  	v22 =	vmul.f32 v18, v19;
	v0 =	vadd.f32 v1, v0;
	_ =	sdelay $0x1  }
0x188: {  	v23 =	vmul.f32 v20, v21;
	v0 =	vadd.f32 v22, v0  }
0x189: {  	s1 =	sshll.u32 s0, $0xE  }
0x18a: {  	s3 =	sadd.s32 s9, s1;
	v0 =	vadd.f32 v23, v0  }
0x18b: {  	s3 =	sshrl.u32 s3, $0x3  }
0x18c: {  	s3 =	sadd.s32 s4, s3;
	[tilespmem:s15+$0x30] =	vst v0  }
0x18d: {  	[hbm4b:s3+s23] =	stream.strided.scatter [tilespmem:s25], [sflag:$0x5], $0x400, s24, s23, $0x38;
	[tilespmem:$0x1E800] =	vst v63  }
0x18e: {  	_ =	swait.ge [sflag:s26], $0x2000  }
0x18f: {  	[sflag:s26] =	ssyncset.done $0x0  }
0x190: {  	[sflag:s26] =	ssyncadd.s32 $0xFFFFE000  }
0x191: {  	_ =	swait.ge [sflag:s28], $0x2000  }
0x192: {  	[sflag:s28] =	ssyncset.done $0x0  }
0x193: {  	s3 =	simm.s32 @!p0 $0x5;
	[sflag:s28] =	ssyncadd.s32 $0xFFFFE000  }
0x194: {  	_ =	swait.ge @!p0 [sflag:s3], $0x400  }
0x195: {  	[sflag:s3] =	ssyncset.done @!p0 $0x0  }
0x196: {  	s14 =	simm.s32 $0x0;
	[sflag:s3] =	ssyncadd.s32 @!p0 $0xFFFFFC00  }
0x197: {  	v24 =	vld [tilespmem:s14+$0x1C010]  }
0x198: {  	v25 =	vld [tilespmem:s14+$0x1A000]  }
0x199: {  	v26 =	vld [tilespmem:s14+$0x1A010]  }
0x19a: {  	v27 =	vld [tilespmem:s14+$0x1C000]  }
0x19b: {  	v28 =	vld [tilespmem:s14+$0x1C020]  }
0x19c: {  	v29 =	vld [tilespmem:s14+$0x1A020]  }
0x19d: {  	v30 =	vld [tilespmem:s14+$0x1C030]  }
0x19e: {  	v31 =	vld [tilespmem:s14+$0x1A030]  }
0x19f: {  	v32 =	vld [tilespmem:s14+$0x1C040];
	v0 =	vmul.f32 v24, v26;
	v1 =	vmul.f32 v27, v25  }
0x1a0: {  	v33 =	vld [tilespmem:s14+$0x1A040]  }
0x1a1: {  	v35 =	vld [tilespmem:s14+$0x1C050];
	v34 =	vmul.f32 v28, v29;
	v0 =	vadd.f32 v0, v1  }
0x1a2: {  	v36 =	vld [tilespmem:s14+$0x1A050]  }
0x1a3: {  	v38 =	vld [tilespmem:s14+$0x1C060];
	v37 =	vmul.f32 v30, v31;
	v0 =	vadd.f32 v34, v0  }
0x1a4: {  	v39 =	vld [tilespmem:s14+$0x1A060]  }
0x1a5: {  	v41 =	vld [tilespmem:s14+$0x1C070];
	v40 =	vmul.f32 v32, v33;
	v0 =	vadd.f32 v37, v0  }
0x1a6: {  	v42 =	vld [tilespmem:s14+$0x1A070]  }
0x1a7: {  	v43 =	vmul.f32 v35, v36;
	v0 =	vadd.f32 v40, v0;
	_ =	sdelay $0x1  }
0x1a8: {  	v44 =	vmul.f32 v38, v39;
	v0 =	vadd.f32 v43, v0;
	_ =	sdelay $0x1  }
0x1a9: {  	v45 =	vmul.f32 v41, v42;
	v0 =	vadd.f32 v44, v0;
	_ =	sdelay $0x1  }
0x1aa: {  	v0 =	vadd.f32 v45, v0  }
0x1ab: {  	s15 =	simm.s32 $0x1E440  }
0x1ac: {  	[tilespmem:s15+$0xFFFFFFC0] =	vst v0  }
0x1ad: {  	v0 =	vld [tilespmem:s14+$0x1A080]  }
0x1ae: {  	v46 =	vld [tilespmem:s14+$0x1C080]  }
0x1af: {  	v47 =	vld [tilespmem:s14+$0x1A090]  }
0x1b0: {  	v48 =	vld [tilespmem:s14+$0x1C090]  }
0x1b1: {  	v49 =	vld [tilespmem:s14+$0x1A0A0]  }
0x1b2: {  	v50 =	vld [tilespmem:s14+$0x1C0A0]  }
0x1b3: {  	v51 =	vld [tilespmem:s14+$0x1A0B0]  }
0x1b4: {  	v52 =	vld [tilespmem:s14+$0x1C0B0]  }
0x1b5: {  	v54 =	vld [tilespmem:s14+$0x1A0C0];
	v0 =	vmul.f32 v46, v0;
	v53 =	vmul.f32 v48, v47  }
0x1b6: {  	v55 =	vld [tilespmem:s14+$0x1C0C0]  }
0x1b7: {  	v57 =	vld [tilespmem:s14+$0x1C0D0];
	v56 =	vmul.f32 v50, v49;
	v0 =	vadd.f32 v53, v0  }
0x1b8: {  	v58 =	vld [tilespmem:s14+$0x1A0D0]  }
0x1b9: {  	v60 =	vld [tilespmem:s14+$0x1C0E0];
	v59 =	vmul.f32 v52, v51;
	v0 =	vadd.f32 v56, v0  }
0x1ba: {  	v61 =	vld [tilespmem:s14+$0x1A0E0]  }
0x1bb: {  	v63 =	vld [tilespmem:s14+$0x1C0F0];
	v62 =	vmul.f32 v55, v54;
	v0 =	vadd.f32 v59, v0  }
0x1bc: {  	v8 =	vld [tilespmem:s14+$0x1A0F0]  }
0x1bd: {  	v9 =	vmul.f32 v57, v58;
	v0 =	vadd.f32 v62, v0;
	_ =	sdelay $0x1  }
0x1be: {  	v10 =	vmul.f32 v60, v61;
	v0 =	vadd.f32 v9, v0;
	_ =	sdelay $0x1  }
0x1bf: {  	v11 =	vmul.f32 v63, v8;
	v0 =	vadd.f32 v10, v0;
	_ =	sdelay $0x1  }
0x1c0: {  	v0 =	vadd.f32 v11, v0;
	_ =	sdelay $0x1  }
0x1c1: {  	[tilespmem:s15+$0xFFFFFFD0] =	vst v0  }
0x1c2: {  	v0 =	vld [tilespmem:s14+$0x1C110]  }
0x1c3: {  	v12 =	vld [tilespmem:s14+$0x1A100]  }
0x1c4: {  	v13 =	vld [tilespmem:s14+$0x1C100]  }
0x1c5: {  	v14 =	vld [tilespmem:s14+$0x1A110]  }
0x1c6: {  	v15 =	vld [tilespmem:s14+$0x1A120]  }
0x1c7: {  	v16 =	vld [tilespmem:s14+$0x1C120]  }
0x1c8: {  	v17 =	vld [tilespmem:s14+$0x1A130]  }
0x1c9: {  	v18 =	vld [tilespmem:s14+$0x1C130]  }
0x1ca: {  	v19 =	vld [tilespmem:s14+$0x1C140];
	v1 =	vmul.f32 v13, v12;
	v0 =	vmul.f32 v0, v14  }
0x1cb: {  	v20 =	vld [tilespmem:s14+$0x1A140]  }
0x1cc: {  	v22 =	vld [tilespmem:s14+$0x1C150];
	v21 =	vmul.f32 v16, v15;
	v0 =	vadd.f32 v0, v1  }
0x1cd: {  	v23 =	vld [tilespmem:s14+$0x1A150]  }
0x1ce: {  	v25 =	vld [tilespmem:s14+$0x1C160];
	v24 =	vmul.f32 v18, v17;
	v0 =	vadd.f32 v21, v0  }
0x1cf: {  	v26 =	vld [tilespmem:s14+$0x1A160]  }
0x1d0: {  	v28 =	vld [tilespmem:s14+$0x1C170];
	v27 =	vmul.f32 v19, v20;
	v0 =	vadd.f32 v24, v0  }
0x1d1: {  	v29 =	vld [tilespmem:s14+$0x1A170]  }
0x1d2: {  	v30 =	vmul.f32 v22, v23;
	v0 =	vadd.f32 v27, v0;
	_ =	sdelay $0x1  }
0x1d3: {  	v31 =	vmul.f32 v25, v26;
	v0 =	vadd.f32 v30, v0;
	_ =	sdelay $0x1  }
0x1d4: {  	v32 =	vmul.f32 v28, v29;
	v0 =	vadd.f32 v31, v0;
	_ =	sdelay $0x1  }
0x1d5: {  	v0 =	vadd.f32 v32, v0;
	_ =	sdelay $0x1  }
0x1d6: {  	[tilespmem:s15+$0xFFFFFFE0] =	vst v0  }
0x1d7: {  	v0 =	vld [tilespmem:s14+$0x1C190]  }
0x1d8: {  	v33 =	vld [tilespmem:s14+$0x1A180]  }
0x1d9: {  	v34 =	vld [tilespmem:s14+$0x1C180]  }
0x1da: {  	v35 =	vld [tilespmem:s14+$0x1A190]  }
0x1db: {  	v36 =	vld [tilespmem:s14+$0x1C1A0]  }
0x1dc: {  	v37 =	vld [tilespmem:s14+$0x1A1A0]  }
0x1dd: {  	v38 =	vld [tilespmem:s14+$0x1C1B0]  }
0x1de: {  	v39 =	vld [tilespmem:s14+$0x1A1B0]  }
0x1df: {  	v40 =	vld [tilespmem:s14+$0x1C1C0];
	v1 =	vmul.f32 v34, v33;
	v0 =	vmul.f32 v0, v35  }
0x1e0: {  	v41 =	vld [tilespmem:s14+$0x1A1C0]  }
0x1e1: {  	v43 =	vld [tilespmem:s14+$0x1C1D0];
	v42 =	vmul.f32 v36, v37;
	v0 =	vadd.f32 v0, v1  }
0x1e2: {  	v44 =	vld [tilespmem:s14+$0x1A1D0]  }
0x1e3: {  	v46 =	vld [tilespmem:s14+$0x1C1E0];
	v45 =	vmul.f32 v38, v39;
	v0 =	vadd.f32 v42, v0  }
0x1e4: {  	v47 =	vld [tilespmem:s14+$0x1A1E0]  }
0x1e5: {  	v49 =	vld [tilespmem:s14+$0x1C1F0];
	v48 =	vmul.f32 v40, v41;
	v0 =	vadd.f32 v45, v0  }
0x1e6: {  	v50 =	vld [tilespmem:s14+$0x1A1F0]  }
0x1e7: {  	v51 =	vmul.f32 v43, v44;
	v0 =	vadd.f32 v48, v0;
	_ =	sdelay $0x1  }
0x1e8: {  	v52 =	vmul.f32 v46, v47;
	v0 =	vadd.f32 v51, v0;
	_ =	sdelay $0x1  }
0x1e9: {  	v53 =	vmul.f32 v49, v50;
	v0 =	vadd.f32 v52, v0;
	_ =	sdelay $0x1  }
0x1ea: {  	v0 =	vadd.f32 v53, v0;
	_ =	sdelay $0x1  }
0x1eb: {  	[tilespmem:s15+$0xFFFFFFF0] =	vst v0  }
0x1ec: {  	v0 =	vld [tilespmem:s14+$0x1C200]  }
0x1ed: {  	v54 =	vld [tilespmem:s14+$0x1A200]  }
0x1ee: {  	v55 =	vld [tilespmem:s14+$0x1C210]  }
0x1ef: {  	v56 =	vld [tilespmem:s14+$0x1A210]  }
0x1f0: {  	v57 =	vld [tilespmem:s14+$0x1A220]  }
0x1f1: {  	v58 =	vld [tilespmem:s14+$0x1C220]  }
0x1f2: {  	v59 =	vld [tilespmem:s14+$0x1A230]  }
0x1f3: {  	v60 =	vld [tilespmem:s14+$0x1C230]  }
0x1f4: {  	v62 =	vld [tilespmem:s14+$0x1A240];
	v0 =	vmul.f32 v0, v54;
	v61 =	vmul.f32 v55, v56  }
0x1f5: {  	v63 =	vld [tilespmem:s14+$0x1C240]  }
0x1f6: {  	v10 =	vld [tilespmem:s14+$0x1A250];
	v9 =	vmul.f32 v58, v57;
	v0 =	vadd.f32 v61, v0  }
0x1f7: {  	v11 =	vld [tilespmem:s14+$0x1C250]  }
0x1f8: {  	v13 =	vld [tilespmem:s14+$0x1A260];
	v12 =	vmul.f32 v60, v59;
	v0 =	vadd.f32 v9, v0  }
0x1f9: {  	v14 =	vld [tilespmem:s14+$0x1C260]  }
0x1fa: {  	v16 =	vld [tilespmem:s14+$0x1A270];
	v15 =	vmul.f32 v63, v62;
	v0 =	vadd.f32 v12, v0  }
0x1fb: {  	v17 =	vld [tilespmem:s14+$0x1C270]  }
0x1fc: {  	v18 =	vmul.f32 v11, v10;
	v0 =	vadd.f32 v15, v0;
	_ =	sdelay $0x1  }
0x1fd: {  	v19 =	vmul.f32 v14, v13;
	v0 =	vadd.f32 v18, v0;
	_ =	sdelay $0x1  }
0x1fe: {  	v20 =	vmul.f32 v17, v16;
	v0 =	vadd.f32 v19, v0;
	_ =	sdelay $0x1  }
0x1ff: {  	v0 =	vadd.f32 v20, v0;
	_ =	sdelay $0x1  }
0x200: {  	[tilespmem:s15+$0x0] =	vst v0  }
0x201: {  	v0 =	vld [tilespmem:s14+$0x1A280]  }
0x202: {  	v21 =	vld [tilespmem:s14+$0x1C280]  }
0x203: {  	v22 =	vld [tilespmem:s14+$0x1C290]  }
0x204: {  	v23 =	vld [tilespmem:s14+$0x1A290]  }
0x205: {  	v24 =	vld [tilespmem:s14+$0x1A2A0]  }
0x206: {  	v25 =	vld [tilespmem:s14+$0x1C2A0]  }
0x207: {  	v26 =	vld [tilespmem:s14+$0x1A2B0]  }
0x208: {  	v27 =	vld [tilespmem:s14+$0x1C2B0]  }
0x209: {  	v29 =	vld [tilespmem:s14+$0x1A2C0];
	v0 =	vmul.f32 v21, v0;
	v28 =	vmul.f32 v22, v23  }
0x20a: {  	v30 =	vld [tilespmem:s14+$0x1C2C0]  }
0x20b: {  	v32 =	vld [tilespmem:s14+$0x1A2D0];
	v31 =	vmul.f32 v25, v24;
	v0 =	vadd.f32 v28, v0  }
0x20c: {  	v33 =	vld [tilespmem:s14+$0x1C2D0]  }
0x20d: {  	v35 =	vld [tilespmem:s14+$0x1A2E0];
	v34 =	vmul.f32 v27, v26;
	v0 =	vadd.f32 v31, v0  }
0x20e: {  	v36 =	vld [tilespmem:s14+$0x1C2E0]  }
0x20f: {  	v38 =	vld [tilespmem:s14+$0x1A2F0];
	v37 =	vmul.f32 v30, v29;
	v0 =	vadd.f32 v34, v0  }
0x210: {  	v39 =	vld [tilespmem:s14+$0x1C2F0]  }
0x211: {  	v40 =	vmul.f32 v33, v32;
	v0 =	vadd.f32 v37, v0;
	_ =	sdelay $0x1  }
0x212: {  	v41 =	vmul.f32 v36, v35;
	v0 =	vadd.f32 v40, v0;
	_ =	sdelay $0x1  }
0x213: {  	v42 =	vmul.f32 v39, v38;
	v0 =	vadd.f32 v41, v0;
	_ =	sdelay $0x1  }
0x214: {  	v0 =	vadd.f32 v42, v0;
	_ =	sdelay $0x1  }
0x215: {  	[tilespmem:s15+$0x10] =	vst v0  }
0x216: {  	v0 =	vld [tilespmem:s14+$0x1C300]  }
0x217: {  	v43 =	vld [tilespmem:s14+$0x1C310]  }
0x218: {  	v44 =	vld [tilespmem:s14+$0x1A300]  }
0x219: {  	v45 =	vld [tilespmem:s14+$0x1A310]  }
0x21a: {  	v46 =	vld [tilespmem:s14+$0x1A320]  }
0x21b: {  	v47 =	vld [tilespmem:s14+$0x1C320]  }
0x21c: {  	v48 =	vld [tilespmem:s14+$0x1A330]  }
0x21d: {  	v49 =	vld [tilespmem:s14+$0x1C330]  }
0x21e: {  	v50 =	vld [tilespmem:s14+$0x1A340];
	v0 =	vmul.f32 v0, v44;
	v1 =	vmul.f32 v43, v45  }
0x21f: {  	v51 =	vld [tilespmem:s14+$0x1C340]  }
0x220: {  	v53 =	vld [tilespmem:s14+$0x1A350];
	v52 =	vmul.f32 v47, v46;
	v0 =	vadd.f32 v1, v0  }
0x221: {  	v54 =	vld [tilespmem:s14+$0x1C350]  }
0x222: {  	v56 =	vld [tilespmem:s14+$0x1A360];
	v55 =	vmul.f32 v49, v48;
	v0 =	vadd.f32 v52, v0  }
0x223: {  	v57 =	vld [tilespmem:s14+$0x1C360]  }
0x224: {  	v59 =	vld [tilespmem:s14+$0x1A370];
	v58 =	vmul.f32 v51, v50;
	v0 =	vadd.f32 v55, v0  }
0x225: {  	v60 =	vld [tilespmem:s14+$0x1C370]  }
0x226: {  	v61 =	vmul.f32 v54, v53;
	v0 =	vadd.f32 v58, v0;
	_ =	sdelay $0x1  }
0x227: {  	v62 =	vmul.f32 v57, v56;
	v0 =	vadd.f32 v61, v0;
	_ =	sdelay $0x1  }
0x228: {  	v63 =	vmul.f32 v60, v59;
	v0 =	vadd.f32 v62, v0;
	_ =	sdelay $0x1  }
0x229: {  	v0 =	vadd.f32 v63, v0;
	_ =	sdelay $0x1  }
0x22a: {  	s5 =	simm.s32 $0x1000;
	s3 =	simm.s32 $0x1E440;
	[tilespmem:s15+$0x20] =	vst v0  }
.LBB2_5:
0x22b: {  	p0 =	sne.s32 s5, $0x7000  }
0x22c: {  	v0 =	vld [tilespmem:s14+$0x1A3A0];
	s15 =	sadd.s32 $0x80, s15;
	s6 =	smov.u32 s5;
	s5 =	sadd.s32 $0x1000, s5  }
0x22d: {  	v1 =	vld [tilespmem:s14+$0x1C3A0]  }
0x22e: {  	v2 =	vld [tilespmem:s14+$0x1C380]  }
0x22f: {  	v3 =	vld [tilespmem:s14+$0x1C390]  }
0x230: {  	v4 =	vld [tilespmem:s14+$0x1A380]  }
0x231: {  	v5 =	vld [tilespmem:s14+$0x1A390];
	_ =	sdelay $0x1  }
0x232: {  	v6 =	vld [tilespmem:s14+$0x1C3B0]  }
0x233: {  	v7 =	vld [tilespmem:s14+$0x1A3B0]  }
0x234: {  	v0 =	vmul.f32 v1, v0;
	v2 =	vmul.f32 v2, v4;
	v1 =	vld [tilespmem:s14+$0x1C3C0]  }
0x235: {  	v3 =	vmul.f32 v3, v5;
	v4 =	vld [tilespmem:s14+$0x1A3C0]  }
0x236: {  	v5 =	vld [tilespmem:s14+$0x1C3D0]  }
0x237: {  	v2 =	vadd.f32 v3, v2;
	v3 =	vld [tilespmem:s14+$0x1A3D0]  }
0x238: {  	v6 =	vmul.f32 v6, v7;
	v7 =	vld [tilespmem:s14+$0x1C3E0]  }
0x239: {  	v0 =	vadd.f32 v0, v2;
	v2 =	vld [tilespmem:s14+$0x1A3E0]  }
0x23a: {  	v1 =	vmul.f32 v1, v4;
	v4 =	vld [tilespmem:s14+$0x1C3F0]  }
0x23b: {  	v0 =	vadd.f32 v6, v0;
	v6 =	vld [tilespmem:s14+$0x1A3F0]  }
0x23c: {  	v3 =	vmul.f32 v5, v3  }
0x23d: {  	v0 =	vadd.f32 v1, v0  }
0x23e: {  	v1 =	vmul.f32 v7, v2  }
0x23f: {  	v0 =	vadd.f32 v3, v0  }
0x240: {  	v2 =	vmul.f32 v4, v6  }
0x241: {  	v0 =	vadd.f32 v1, v0;
	_ =	sdelay $0x1  }
0x242: {  	v0 =	vadd.f32 v2, v0;
	_ =	sdelay $0x1  }
0x243: {  	s14 =	sshra.s32 s6, $0x2;
	[tilespmem:s3+$0x30] =	vst v0;
	s3 =	smov.u32 s15  }
0x244: {  	v0 =	vld [tilespmem:s14+$0x1C010]  }
0x245: {  	v1 =	vld [tilespmem:s14+$0x1A000]  }
0x246: {  	v2 =	vld [tilespmem:s14+$0x1A010]  }
0x247: {  	v3 =	vld [tilespmem:s14+$0x1C000]  }
0x248: {  	v4 =	vld [tilespmem:s14+$0x1C020]  }
0x249: {  	v5 =	vld [tilespmem:s14+$0x1A020]  }
0x24a: {  	v6 =	vld [tilespmem:s14+$0x1C030]  }
0x24b: {  	v0 =	vmul.f32 v0, v2;
	v2 =	vld [tilespmem:s14+$0x1A030]  }
0x24c: {  	v1 =	vmul.f32 v3, v1;
	v3 =	vld [tilespmem:s14+$0x1C040]  }
0x24d: {  	v7 =	vld [tilespmem:s14+$0x1A040]  }
0x24e: {  	v0 =	vadd.f32 v0, v1;
	v1 =	vmul.f32 v4, v5;
	v4 =	vld [tilespmem:s14+$0x1C050]  }
0x24f: {  	v5 =	vld [tilespmem:s14+$0x1A050]  }
0x250: {  	v0 =	vadd.f32 v1, v0;
	v1 =	vmul.f32 v6, v2;
	v2 =	vld [tilespmem:s14+$0x1C060]  }
0x251: {  	v6 =	vld [tilespmem:s14+$0x1A060]  }
0x252: {  	v0 =	vadd.f32 v1, v0;
	v1 =	vmul.f32 v3, v7;
	v3 =	vld [tilespmem:s14+$0x1C070]  }
0x253: {  	v7 =	vld [tilespmem:s14+$0x1A070]  }
0x254: {  	v0 =	vadd.f32 v1, v0;
	v1 =	vmul.f32 v4, v5;
	_ =	sdelay $0x1  }
0x255: {  	v0 =	vadd.f32 v1, v0;
	v1 =	vmul.f32 v2, v6;
	_ =	sdelay $0x1  }
0x256: {  	v0 =	vadd.f32 v1, v0;
	v1 =	vmul.f32 v3, v7;
	_ =	sdelay $0x1  }
0x257: {  	v0 =	vadd.f32 v1, v0;
	_ =	sdelay $0x1  }
0x258: {  	[tilespmem:s15+$0xFFFFFFC0] =	vst v0  }
0x259: {  	v0 =	vld [tilespmem:s14+$0x1A080]  }
0x25a: {  	v1 =	vld [tilespmem:s14+$0x1C080]  }
0x25b: {  	v2 =	vld [tilespmem:s14+$0x1A090]  }
0x25c: {  	v3 =	vld [tilespmem:s14+$0x1C090]  }
0x25d: {  	v4 =	vld [tilespmem:s14+$0x1A0A0]  }
0x25e: {  	v5 =	vld [tilespmem:s14+$0x1C0A0]  }
0x25f: {  	v0 =	vmul.f32 v1, v0;
	v1 =	vld [tilespmem:s14+$0x1A0B0]  }
0x260: {  	v6 =	vld [tilespmem:s14+$0x1C0B0]  }
0x261: {  	v2 =	vmul.f32 v3, v2;
	v3 =	vld [tilespmem:s14+$0x1A0C0]  }
0x262: {  	v7 =	vld [tilespmem:s14+$0x1C0C0]  }
0x263: {  	v0 =	vadd.f32 v2, v0;
	v2 =	vmul.f32 v5, v4;
	v4 =	vld [tilespmem:s14+$0x1C0D0]  }
0x264: {  	v5 =	vld [tilespmem:s14+$0x1A0D0]  }
0x265: {  	v0 =	vadd.f32 v2, v0;
	v1 =	vmul.f32 v6, v1;
	v2 =	vld [tilespmem:s14+$0x1C0E0]  }
0x266: {  	v6 =	vld [tilespmem:s14+$0x1A0E0]  }
0x267: {  	v0 =	vadd.f32 v1, v0;
	v1 =	vmul.f32 v7, v3;
	v3 =	vld [tilespmem:s14+$0x1C0F0]  }
0x268: {  	v7 =	vld [tilespmem:s14+$0x1A0F0]  }
0x269: {  	v0 =	vadd.f32 v1, v0;
	v1 =	vmul.f32 v4, v5;
	_ =	sdelay $0x1  }
0x26a: {  	v0 =	vadd.f32 v1, v0;
	v1 =	vmul.f32 v2, v6;
	_ =	sdelay $0x1  }
0x26b: {  	v0 =	vadd.f32 v1, v0;
	v1 =	vmul.f32 v3, v7;
	_ =	sdelay $0x1  }
0x26c: {  	v0 =	vadd.f32 v1, v0;
	_ =	sdelay $0x1  }
0x26d: {  	[tilespmem:s15+$0xFFFFFFD0] =	vst v0  }
0x26e: {  	v0 =	vld [tilespmem:s14+$0x1C110]  }
0x26f: {  	v1 =	vld [tilespmem:s14+$0x1A100]  }
0x270: {  	v2 =	vld [tilespmem:s14+$0x1C100]  }
0x271: {  	v3 =	vld [tilespmem:s14+$0x1A110]  }
0x272: {  	v4 =	vld [tilespmem:s14+$0x1A120]  }
0x273: {  	v5 =	vld [tilespmem:s14+$0x1C120]  }
0x274: {  	v6 =	vld [tilespmem:s14+$0x1A130]  }
0x275: {  	v1 =	vmul.f32 v2, v1;
	v2 =	vld [tilespmem:s14+$0x1C130]  }
0x276: {  	v0 =	vmul.f32 v0, v3;
	v3 =	vld [tilespmem:s14+$0x1C140]  }
0x277: {  	v7 =	vld [tilespmem:s14+$0x1A140]  }
0x278: {  	v0 =	vadd.f32 v0, v1;
	v1 =	vmul.f32 v5, v4;
	v4 =	vld [tilespmem:s14+$0x1C150]  }
0x279: {  	v5 =	vld [tilespmem:s14+$0x1A150]  }
0x27a: {  	v0 =	vadd.f32 v1, v0;
	v1 =	vmul.f32 v2, v6;
	v2 =	vld [tilespmem:s14+$0x1C160]  }
0x27b: {  	v6 =	vld [tilespmem:s14+$0x1A160]  }
0x27c: {  	v0 =	vadd.f32 v1, v0;
	v1 =	vmul.f32 v3, v7;
	v3 =	vld [tilespmem:s14+$0x1C170]  }
0x27d: {  	v7 =	vld [tilespmem:s14+$0x1A170]  }
0x27e: {  	v0 =	vadd.f32 v1, v0;
	v1 =	vmul.f32 v4, v5;
	_ =	sdelay $0x1  }
0x27f: {  	v0 =	vadd.f32 v1, v0;
	v1 =	vmul.f32 v2, v6;
	_ =	sdelay $0x1  }
0x280: {  	v0 =	vadd.f32 v1, v0;
	v1 =	vmul.f32 v3, v7;
	_ =	sdelay $0x1  }
0x281: {  	v0 =	vadd.f32 v1, v0;
	_ =	sdelay $0x1  }
0x282: {  	[tilespmem:s15+$0xFFFFFFE0] =	vst v0  }
0x283: {  	v0 =	vld [tilespmem:s14+$0x1C190]  }
0x284: {  	v1 =	vld [tilespmem:s14+$0x1A180]  }
0x285: {  	v2 =	vld [tilespmem:s14+$0x1C180]  }
0x286: {  	v3 =	vld [tilespmem:s14+$0x1A190]  }
0x287: {  	v4 =	vld [tilespmem:s14+$0x1C1A0]  }
0x288: {  	v5 =	vld [tilespmem:s14+$0x1A1A0]  }
0x289: {  	v6 =	vld [tilespmem:s14+$0x1C1B0]  }
0x28a: {  	v1 =	vmul.f32 v2, v1;
	v2 =	vld [tilespmem:s14+$0x1A1B0]  }
0x28b: {  	v0 =	vmul.f32 v0, v3;
	v3 =	vld [tilespmem:s14+$0x1C1C0]  }
0x28c: {  	v7 =	vld [tilespmem:s14+$0x1A1C0]  }
0x28d: {  	v0 =	vadd.f32 v0, v1;
	v1 =	vmul.f32 v4, v5;
	v4 =	vld [tilespmem:s14+$0x1C1D0]  }
0x28e: {  	v5 =	vld [tilespmem:s14+$0x1A1D0]  }
0x28f: {  	v0 =	vadd.f32 v1, v0;
	v1 =	vmul.f32 v6, v2;
	v2 =	vld [tilespmem:s14+$0x1C1E0]  }
0x290: {  	v6 =	vld [tilespmem:s14+$0x1A1E0]  }
0x291: {  	v0 =	vadd.f32 v1, v0;
	v1 =	vmul.f32 v3, v7;
	v3 =	vld [tilespmem:s14+$0x1C1F0]  }
0x292: {  	v7 =	vld [tilespmem:s14+$0x1A1F0]  }
0x293: {  	v0 =	vadd.f32 v1, v0;
	v1 =	vmul.f32 v4, v5;
	_ =	sdelay $0x1  }
0x294: {  	v0 =	vadd.f32 v1, v0;
	v1 =	vmul.f32 v2, v6;
	_ =	sdelay $0x1  }
0x295: {  	v0 =	vadd.f32 v1, v0;
	v1 =	vmul.f32 v3, v7;
	_ =	sdelay $0x1  }
0x296: {  	v0 =	vadd.f32 v1, v0;
	_ =	sdelay $0x1  }
0x297: {  	[tilespmem:s15+$0xFFFFFFF0] =	vst v0  }
0x298: {  	v0 =	vld [tilespmem:s14+$0x1C200]  }
0x299: {  	v1 =	vld [tilespmem:s14+$0x1A200]  }
0x29a: {  	v2 =	vld [tilespmem:s14+$0x1C210]  }
0x29b: {  	v3 =	vld [tilespmem:s14+$0x1A210]  }
0x29c: {  	v4 =	vld [tilespmem:s14+$0x1A220]  }
0x29d: {  	v5 =	vld [tilespmem:s14+$0x1C220]  }
0x29e: {  	v0 =	vmul.f32 v0, v1;
	v1 =	vld [tilespmem:s14+$0x1A230]  }
0x29f: {  	v6 =	vld [tilespmem:s14+$0x1C230]  }
0x2a0: {  	v2 =	vmul.f32 v2, v3;
	v3 =	vld [tilespmem:s14+$0x1A240]  }
0x2a1: {  	v7 =	vld [tilespmem:s14+$0x1C240]  }
0x2a2: {  	v0 =	vadd.f32 v2, v0;
	v2 =	vmul.f32 v5, v4;
	v4 =	vld [tilespmem:s14+$0x1A250]  }
0x2a3: {  	v5 =	vld [tilespmem:s14+$0x1C250]  }
0x2a4: {  	v0 =	vadd.f32 v2, v0;
	v1 =	vmul.f32 v6, v1;
	v2 =	vld [tilespmem:s14+$0x1A260]  }
0x2a5: {  	v6 =	vld [tilespmem:s14+$0x1C260]  }
0x2a6: {  	v0 =	vadd.f32 v1, v0;
	v1 =	vmul.f32 v7, v3;
	v3 =	vld [tilespmem:s14+$0x1A270]  }
0x2a7: {  	v7 =	vld [tilespmem:s14+$0x1C270]  }
0x2a8: {  	v0 =	vadd.f32 v1, v0;
	v1 =	vmul.f32 v5, v4;
	_ =	sdelay $0x1  }
0x2a9: {  	v0 =	vadd.f32 v1, v0;
	v1 =	vmul.f32 v6, v2;
	_ =	sdelay $0x1  }
0x2aa: {  	v0 =	vadd.f32 v1, v0;
	v1 =	vmul.f32 v7, v3;
	_ =	sdelay $0x1  }
0x2ab: {  	v0 =	vadd.f32 v1, v0;
	_ =	sdelay $0x1  }
0x2ac: {  	[tilespmem:s15+$0x0] =	vst v0  }
0x2ad: {  	v0 =	vld [tilespmem:s14+$0x1A280]  }
0x2ae: {  	v1 =	vld [tilespmem:s14+$0x1C280]  }
0x2af: {  	v2 =	vld [tilespmem:s14+$0x1C290]  }
0x2b0: {  	v3 =	vld [tilespmem:s14+$0x1A290]  }
0x2b1: {  	v4 =	vld [tilespmem:s14+$0x1A2A0]  }
0x2b2: {  	v5 =	vld [tilespmem:s14+$0x1C2A0]  }
0x2b3: {  	v0 =	vmul.f32 v1, v0;
	v1 =	vld [tilespmem:s14+$0x1A2B0]  }
0x2b4: {  	v6 =	vld [tilespmem:s14+$0x1C2B0]  }
0x2b5: {  	v2 =	vmul.f32 v2, v3;
	v3 =	vld [tilespmem:s14+$0x1A2C0]  }
0x2b6: {  	v7 =	vld [tilespmem:s14+$0x1C2C0]  }
0x2b7: {  	v0 =	vadd.f32 v2, v0;
	v2 =	vmul.f32 v5, v4;
	v4 =	vld [tilespmem:s14+$0x1A2D0]  }
0x2b8: {  	v5 =	vld [tilespmem:s14+$0x1C2D0]  }
0x2b9: {  	v0 =	vadd.f32 v2, v0;
	v1 =	vmul.f32 v6, v1;
	v2 =	vld [tilespmem:s14+$0x1A2E0]  }
0x2ba: {  	v6 =	vld [tilespmem:s14+$0x1C2E0]  }
0x2bb: {  	v0 =	vadd.f32 v1, v0;
	v1 =	vmul.f32 v7, v3;
	v3 =	vld [tilespmem:s14+$0x1A2F0]  }
0x2bc: {  	v7 =	vld [tilespmem:s14+$0x1C2F0]  }
0x2bd: {  	v0 =	vadd.f32 v1, v0;
	v1 =	vmul.f32 v5, v4;
	_ =	sdelay $0x1  }
0x2be: {  	v0 =	vadd.f32 v1, v0;
	v1 =	vmul.f32 v6, v2;
	_ =	sdelay $0x1  }
0x2bf: {  	v0 =	vadd.f32 v1, v0;
	v1 =	vmul.f32 v7, v3;
	_ =	sdelay $0x1  }
0x2c0: {  	v0 =	vadd.f32 v1, v0;
	_ =	sdelay $0x1  }
0x2c1: {  	[tilespmem:s15+$0x10] =	vst v0  }
0x2c2: {  	v0 =	vld [tilespmem:s14+$0x1C300]  }
0x2c3: {  	v1 =	vld [tilespmem:s14+$0x1C310]  }
0x2c4: {  	v2 =	vld [tilespmem:s14+$0x1A300]  }
0x2c5: {  	v3 =	vld [tilespmem:s14+$0x1A310]  }
0x2c6: {  	v4 =	vld [tilespmem:s14+$0x1A320]  }
0x2c7: {  	v5 =	vld [tilespmem:s14+$0x1C320]  }
0x2c8: {  	v6 =	vld [tilespmem:s14+$0x1A330]  }
0x2c9: {  	v0 =	vmul.f32 v0, v2;
	v2 =	vld [tilespmem:s14+$0x1C330]  }
0x2ca: {  	v1 =	vmul.f32 v1, v3;
	v3 =	vld [tilespmem:s14+$0x1A340]  }
0x2cb: {  	v7 =	vld [tilespmem:s14+$0x1C340]  }
0x2cc: {  	v0 =	vadd.f32 v1, v0;
	v1 =	vmul.f32 v5, v4;
	v4 =	vld [tilespmem:s14+$0x1A350]  }
0x2cd: {  	v5 =	vld [tilespmem:s14+$0x1C350]  }
0x2ce: {  	v0 =	vadd.f32 v1, v0;
	v1 =	vmul.f32 v2, v6;
	v2 =	vld [tilespmem:s14+$0x1A360]  }
0x2cf: {  	v6 =	vld [tilespmem:s14+$0x1C360]  }
0x2d0: {  	v0 =	vadd.f32 v1, v0;
	v1 =	vmul.f32 v7, v3;
	v3 =	vld [tilespmem:s14+$0x1A370]  }
0x2d1: {  	v7 =	vld [tilespmem:s14+$0x1C370]  }
0x2d2: {  	v0 =	vadd.f32 v1, v0;
	v1 =	vmul.f32 v5, v4;
	_ =	sdelay $0x1  }
0x2d3: {  	v0 =	vadd.f32 v1, v0;
	v1 =	vmul.f32 v6, v2;
	_ =	sdelay $0x1  }
.Ltmp1:
0x2d4: {  	v0 =	vadd.f32 v1, v0;
	v1 =	vmul.f32 v7, v3;
	(pc) =	sbr.rel @p0 .LBB2_5-.Ltmp1, $3  }
0x2d5: {  	_ = 	snop  }
0x2d6: {  	v0 =	vadd.f32 v1, v0;
	_ =	sdelay $0x1  }
0x2d7: {  	[tilespmem:s15+$0x20] =	vst v0  }
0x2d8: {  	v0 =	vld [tilespmem:s14+$0x1C380]  }
0x2d9: {  	v1 =	vld [tilespmem:s14+$0x1C390]  }
0x2da: {  	v2 =	vld [tilespmem:s14+$0x1A380]  }
0x2db: {  	v3 =	vld [tilespmem:s14+$0x1A390]  }
0x2dc: {  	v4 =	vld [tilespmem:s14+$0x1A3A0]  }
0x2dd: {  	v5 =	vld [tilespmem:s14+$0x1C3A0]  }
0x2de: {  	v6 =	vld [tilespmem:s14+$0x1C3B0]  }
0x2df: {  	v7 =	vld [tilespmem:s14+$0x1A3B0]  }
0x2e0: {  	v54 =	vld [tilespmem:s14+$0x1C3C0];
	v0 =	vmul.f32 v0, v2;
	v1 =	vmul.f32 v1, v3  }
0x2e1: {  	v55 =	vld [tilespmem:s14+$0x1A3C0]  }
0x2e2: {  	v56 =	vld [tilespmem:s14+$0x1C3D0];
	v4 =	vmul.f32 v5, v4;
	v0 =	vadd.f32 v1, v0  }
0x2e3: {  	v57 =	vld [tilespmem:s14+$0x1A3D0]  }
0x2e4: {  	v58 =	vld [tilespmem:s14+$0x1C3E0];
	v6 =	vmul.f32 v6, v7;
	v0 =	vadd.f32 v4, v0  }
0x2e5: {  	v59 =	vld [tilespmem:s14+$0x1A3E0]  }
0x2e6: {  	v60 =	vld [tilespmem:s14+$0x1C3F0];
	v2 =	vmul.f32 v54, v55;
	v0 =	vadd.f32 v6, v0  }
0x2e7: {  	v61 =	vld [tilespmem:s14+$0x1A3F0]  }
0x2e8: {  	v1 =	vmul.f32 v56, v57;
	v0 =	vadd.f32 v2, v0;
	_ =	sdelay $0x1  }
0x2e9: {  	v62 =	vmul.f32 v58, v59;
	v0 =	vadd.f32 v1, v0  }
0x2ea: {  	s0 =	sadd.s32 $0x1, s0  }
0x2eb: {  	p0 =	sne.s32 s0, $0x1A;
	v63 =	vmul.f32 v60, v61;
	v0 =	vadd.f32 v62, v0  }
.Ltmp2:
0x2ec: {  	_ = 	snop;
	(pc) =	sbr.rel @p0 .LBB2_2-.Ltmp2, $4  }
0x2ed: {  	s1 =	sadd.s32 s1, s10;
	v0 =	vadd.f32 v63, v0  }
0x2ee: {  	s1 =	sshrl.u32 s1, $0x3  }
0x2ef: {  	s1 =	sadd.s32 s4, s1;
	[tilespmem:s3+$0x30] =	vst v0  }
0x2f0: {  	[hbm4b:s1+s23] =	stream.strided.scatter [tilespmem:s29], [sflag:$0x5], $0x400, s24, s23, $0x38;
	[tilespmem:$0x1E800] =	vst v63  }
0x2f1: {  	s31 =	sadd.s32 $0x1, s31  }
0x2f2: {  	_ =	swait.ge [sflag:s30], $0x400;
	p0 =	sne.s32 s31, s11  }
.Ltmp3:
0x2f3: {  	[sflag:s30] =	ssyncset.done $0x0;
	(pc) =	sbr.rel @p0 .LBB2_1-.Ltmp3, $4  }
0x2f4: {  	[sflag:s30] =	ssyncadd.s32 $0xFFFFFC00  }
0x2f5: {  	_ =	swait.ge [sflag:s30], $0x400  }
0x2f6: {  	[sflag:s30] =	ssyncset.done $0x0  }
0x2f7: {  	[sflag:s30] =	ssyncadd.s32 $0xFFFFFC00  }
0x2f8: {  	_ =	sfence.sel $0x180000  }
0x2f9: {  	[bflag:$0x0] =	sbarrier.arrive $0xFFFF  }
0x2fa: {  	_ =	strace $0x90000050  }
0x2fb: {  	s0 =	stileid.u32;
	[bflag:$0x2] =	sbarrier.arrive $0xFFFF  }
0x2fc: {  	p0 =	sne.s32 s0, $0x0;
	s0 =	rddreg [dreg:$0x2]  }
0x2fd: {  	s0 =	sadd.s32 @!p0 $0x100000, s0  }
0x2fe: {  	[sflag:s0] =	ssyncadd.tile.s32 @!p0 $0x1;
	_ =	shalt  }
.Lfunc_end2:
_tile_overlayer_lowered:
.L_overlay_start_2:
0x2ff: {  	(tag) =	ssettag $0x2  }
0x300: {  	s0 =	rddreg [dreg:$0x0];
	s2 =	stileid.u32  }
0x301: {  	s1 =	rddreg [dreg:$0x1];
	p0 =	sne.s32 s2, $0x0  }
0x302: {  	s3 =	rddreg [dreg:$0x2];
	[bflag:$0x3] =	sbarrier.arrive $0xFFFF;
	s2 =	simm.s32 @!p0 $0x1C06  }
0x303: {  	[timem:s3], [sflag:s2] =	dma.local @!p0 [hbm:s0], s1  }
0x304: {  	s0 =	simm.s32 @!p0 $0x6  }
0x305: {  	_ =	swait.ge @!p0 [sflag:s0], s1  }
0x306: {  	s1 =	ssub.s32 @!p0 $0x0, s1;
	[sflag:s0] =	ssyncset.done @!p0 $0x0  }
0x307: {  	[sflag:s0] =	ssyncadd.s32 @!p0 s1  }
0x308: {  	[bflag:$0x3] =	sbarrier.arrive $0xFFFF  }
0x309: {  	_ =	shalt  }

</sc_bundles>
